<compile_context>
chip_gen: v7x
topology: tpu7x:2x2x1
jax: 0.10.2.dev20260603
libtpu: 0.0.44.dev20260713+nightly
codegen_flags: <defaults>
</compile_context>

<pallas_src>
import functools

import jax
import jax.numpy as jnp
from jax import lax
from jax.experimental import pallas as pl
from jax.experimental.pallas import tpu as pltpu
from jax.experimental.pallas import tpu_sc as plsc

LPA = 128
MAX_PLY = 30
NUM_LS = 30
NUM_PA = 3
NUM_PATTERNS = 46
PATTERN_SIZE = 2187
TOTAL_FEATURES = NUM_PATTERNS * PATTERN_SIZE
BATCH = 16384

NC, NS = 2, 16
NW = NC * NS
BPW = BATCH // NW
EC = 8
ROWS = EC * NUM_PATTERNS
G = 4
GR = ROWS // G
NCHUNK = BPW // EC
NVEC = LPA // 16

_mesh = plsc.VectorSubcoreMesh(core_axis_name="c", subcore_axis_name="s")


@functools.partial(
    pl.kernel,
    out_type=jax.ShapeDtypeStruct((BATCH, LPA), jnp.float32),
    mesh=_mesh,
    scratch_types=[
        pltpu.VMEM((EC, NUM_PATTERNS), jnp.int32),
        pltpu.VMEM((EC, NUM_PATTERNS), jnp.int32),
        pltpu.VMEM((ROWS, LPA), jnp.float32),
        pltpu.VMEM((ROWS, LPA), jnp.float32),
        pltpu.VMEM((EC, LPA), jnp.float32),
        pltpu.VMEM((EC, LPA), jnp.float32),
        pltpu.VMEM((BPW + 16, ), jnp.int32),
        pltpu.SemaphoreType.DMA,
        pltpu.SemaphoreType.DMA,
        pltpu.SemaphoreType.DMA,
        pltpu.SemaphoreType.DMA,
        pltpu.SemaphoreType.DMA,
        pltpu.SemaphoreType.DMA,
    ],
)
def _sc_gather_sum(idx_hbm, bkt_hbm, table_hbm, outx_hbm,
                   idx0, idx1, rows0, rows1, xbuf0, xbuf1, bkt_v,
                   sem0, sem1, semi0, semi1, semx0, semx1):
    wid = lax.axis_index("s") * NC + lax.axis_index("c")
    base = wid * BPW
    pltpu.sync_copy(bkt_hbm.at[pl.ds(base, BPW)], bkt_v.at[pl.ds(0, BPW)])

    def fetch_idx(c, idx_buf, sem):
        pltpu.async_copy(idx_hbm.at[pl.ds(base + c * EC, EC)], idx_buf, sem)

    def wait_idx(c, idx_buf, sem):
        pltpu.make_async_copy(idx_hbm.at[pl.ds(base + c * EC, EC)],
                              idx_buf, sem).wait()

    def issue(c, idx_buf, rows_buf, sem):
        bv = bkt_v[pl.ds(c * EC, 16)]
        for e in range(EC):
            b = bv[e]
            pltpu.async_copy(table_hbm.at[b].at[idx_buf.at[e]],
                             rows_buf.at[pl.ds(e * NUM_PATTERNS,
                                               NUM_PATTERNS)], sem)

    def drain(c, idx_buf, rows_buf, sem):
        pltpu.make_async_copy(table_hbm.at[0].at[pl.ds(0, ROWS)],
                              rows_buf, sem).wait()

    def xslice(c):
        return outx_hbm.at[pl.ds(base + c * EC, EC)]

    def compute(rows_buf, xbuf):
        for e in range(EC):
            def rowb(j, acc):
                r = e * NUM_PATTERNS + 2 * j
                a = tuple(acc[k] + rows_buf[r, pl.ds(k * 16, 16)]
                          for k in range(NVEC))
                return tuple(a[k] + rows_buf[r + 1, pl.ds(k * 16, 16)]
                             for k in range(NVEC))
            zero = tuple(jnp.zeros((16,), jnp.float32) for _ in range(NVEC))
            acc = lax.fori_loop(0, NUM_PATTERNS // 2, rowb, zero)
            for k in range(NVEC):
                xbuf[e, pl.ds(k * 16, 16)] = acc[k]

    fetch_idx(0, idx0, semi0)
    wait_idx(0, idx0, semi0)
    issue(0, idx0, rows0, sem0)
    fetch_idx(1, idx1, semi1)

    def body2(i, _):
        c0 = 2 * i
        c1 = c0 + 1
        wait_idx(c1, idx1, semi1)
        issue(c1, idx1, rows1, sem1)
        drain(c0, idx0, rows0, sem0)

        @pl.when(i + 1 < NCHUNK // 2)
        def _():
            fetch_idx(c0 + 2, idx0, semi0)

        @pl.when(i > 0)
        def _():
            pltpu.make_async_copy(xbuf0, xslice(c0 - 2), semx0).wait()

        compute(rows0, xbuf0)
        pltpu.async_copy(xbuf0, xslice(c0), semx0)

        @pl.when(i + 1 < NCHUNK // 2)
        def _():
            wait_idx(c0 + 2, idx0, semi0)
            issue(c0 + 2, idx0, rows0, sem0)

        drain(c1, idx1, rows1, sem1)

        @pl.when(i + 1 < NCHUNK // 2)
        def _():
            fetch_idx(c1 + 2, idx1, semi1)

        @pl.when(i > 0)
        def _():
            pltpu.make_async_copy(xbuf1, xslice(c1 - 2), semx1).wait()

        compute(rows1, xbuf1)
        pltpu.async_copy(xbuf1, xslice(c1), semx1)
        return 0

    lax.fori_loop(0, NCHUNK // 2, body2, 0)
    pltpu.make_async_copy(xbuf0, xslice(NCHUNK - 2), semx0).wait()
    pltpu.make_async_copy(xbuf1, xslice(NCHUNK - 1), semx1).wait()


TB = 4096
NB = BATCH // TB


def _tc_head_body(ply_ref, x_ref, bias_ref, w_ref, ob_ref, out_ref):
    x = x_ref[...]
    plyv = ply_ref[0, 0, :]
    bkt = lax.div(plyv, MAX_PLY // NUM_PA)
    oh_pa = jnp.asarray(
        bkt[:, None] == lax.broadcasted_iota(jnp.int32, (TB, 8), 1),
        jnp.float32)
    brow = lax.dot_general(oh_pa, bias_ref[...],
                           (((1,), (0,)), ((), ())),
                           preferred_element_type=jnp.float32)
    x_pa = jnp.clip(x + brow, 0.0, 1.0)
    p = lax.dot_general(x_pa, w_ref[...],
                        (((1,), (1,)), ((), ())),
                        preferred_element_type=jnp.float32)
    oh_ls = jnp.asarray(
        plyv[:, None] == lax.broadcasted_iota(jnp.int32, (TB, 32), 1),
        jnp.float32)
    out_ref[0, 0, :] = jnp.sum((p + ob_ref[...]) * oh_ls, axis=1)


_tc_head = pl.pallas_call(
    _tc_head_body,
    grid=(NB,),
    in_specs=[
        pl.BlockSpec((1, 1, TB), lambda i: (i, 0, 0)),
        pl.BlockSpec((TB, LPA), lambda i: (i, 0)),
        pl.BlockSpec((8, LPA), lambda i: (0, 0)),
        pl.BlockSpec((32, LPA), lambda i: (0, 0)),
        pl.BlockSpec((1, 32), lambda i: (0, 0)),
    ],
    out_specs=pl.BlockSpec((1, 1, TB), lambda i: (i, 0, 0)),
    out_shape=jax.ShapeDtypeStruct((NB, 1, TB), jnp.float32),
)


@jax.jit
def kernel(feature_indices, ply, pa_weight, pa_bias, out_weight, out_bias,
           feature_offsets):
    bkt = ply // (MAX_PLY // NUM_PA)
    idx = (feature_indices + feature_offsets[None, :]).astype(jnp.int32)
    x_sum = _sc_gather_sum(idx, bkt, pa_weight)

    ply3 = ply.reshape(NB, 1, TB)
    biasp = jnp.pad(pa_bias, ((0, 8 - NUM_PA), (0, 0)))
    wp = jnp.pad(out_weight.reshape(NUM_LS, LPA), ((0, 32 - NUM_LS), (0, 0)))
    obp = jnp.pad(out_bias.reshape(1, NUM_LS), ((0, 0), (0, 32 - NUM_LS)))
    out = _tc_head(ply3, x_sum, biasp, wp, obp)
    return out.reshape(BATCH, 1)

# --- scband reference (transcript-rebuilt; emitter-appended) ---
"""Pipeline reference for scband-reversi-small-model-78554951844377 (READ-ONLY COPY).

The authoritative reference and input builder live on the scoring server;
editing this copy changes nothing except your own understanding.
"""

import jax, jax.numpy as jnp
import numpy as np

LPA = 128
MAX_PLY = 30
NUM_LS_BUCKETS = 30
NUM_PA_BUCKETS = 3
NUM_PATTERNS = 46
PATTERN_SIZE = 2187  # 3**7 states per Reversi pattern
TOTAL_FEATURES = NUM_PATTERNS * PATTERN_SIZE  # 100602
FEATURE_CUM_OFFSETS = (np.arange(NUM_PATTERNS) * PATTERN_SIZE).astype(np.int32)
BATCH = 16384


def setup_inputs(seed: int = 0) -> dict:
    key = jax.random.key(seed)
    k1, k2, k3, k4, k5, k6 = jax.random.split(key, 6)
    feature_indices = jax.random.randint(k1, (BATCH, NUM_PATTERNS), 0, PATTERN_SIZE, dtype=jnp.int32)
    ply = jax.random.randint(k2, (BATCH,), 0, MAX_PLY, dtype=jnp.int32)
    # PhaseAdaptiveInput params: one embedding table + bias per phase bucket
    pa_weight = jax.random.normal(k3, (NUM_PA_BUCKETS, TOTAL_FEATURES, LPA), dtype=jnp.float32) * 0.01
    pa_bias = jax.random.normal(k4, (NUM_PA_BUCKETS, LPA), dtype=jnp.float32) * 0.01
    # LayerStacks: StackedLinear(LOUTPUT=128, 1, count=30); bias zeroed per __init__
    out_weight = jax.random.normal(k5, (NUM_LS_BUCKETS, 1, LPA), dtype=jnp.float32) * 0.05
    out_bias = jnp.zeros((NUM_LS_BUCKETS, 1), dtype=jnp.float32)
    feature_offsets = jnp.asarray(FEATURE_CUM_OFFSETS)
    return {
        "feature_indices": feature_indices,
        "ply": ply,
        "pa_weight": pa_weight,
        "pa_bias": pa_bias,
        "out_weight": out_weight,
        "out_bias": out_bias,
        "feature_offsets": feature_offsets,
    }


def reference(feature_indices, ply, pa_weight, pa_bias, out_weight, out_bias, feature_offsets):
    # feature_indices = feature_indices + self.feature_offsets
    idx = feature_indices + feature_offsets[None, :]  # [B, 46]
    # PhaseAdaptiveInput: select phase bucket by ply, gather-sum sparse embeddings
    pa_bucket = ply // (MAX_PLY // NUM_PA_BUCKETS)  # [B] in {0,1,2}
    emb = pa_weight[pa_bucket[:, None], idx]  # gather -> [B, 46, LPA]
    x = emb.sum(axis=1) + pa_bias[pa_bucket]  # [B, LPA]
    # clipped-ReLU activation (quantization-friendly, activation_scale clamps to [0,1])
    x_pa = jnp.clip(x, 0.0, 1.0)
    # LayerStacks: ls_indices = ply // bucket_size, bucket_size = MAX_PLY // NUM_LS_BUCKETS = 1
    ls_indices = ply // (MAX_PLY // NUM_LS_BUCKETS)  # [B]
    w = out_weight[ls_indices]  # [B, 1, LPA]
    b = out_bias[ls_indices]  # [B, 1]
    out = jnp.einsum("bod,bd->bo", w, x_pa) + b  # [B, 1]
    return out

if __name__ == "__main__":
    import jax
    _d = setup_inputs()
    print(jax.jit(kernel)(*tuple(_d.values())))

</pallas_src>

<mosaic_0001>
#map = affine_map<(d0, d1) -> (0, 0)>
#map1 = affine_map<(d0, d1) -> (0)>
#map2 = affine_map<(d0, d1) -> (0, 0, 0)>
module attributes {stable_mosaic.version = 14 : i64} {
  func.func @_sc_gather_sum(%arg0: i32, %arg1: i32, %arg2: memref<16384x46xi32, #tpu.memory_space<hbm>>, %arg3: memref<16384xi32, #tpu.memory_space<hbm>>, %arg4: memref<3x100602x128xf32, #tpu.memory_space<hbm>>, %arg5: memref<16384x128xf32, #tpu.memory_space<hbm>>, %arg6: memref<8x46xi32, #tpu.memory_space<vmem>>, %arg7: memref<8x46xi32, #tpu.memory_space<vmem>>, %arg8: memref<368x128xf32, #tpu.memory_space<vmem>>, %arg9: memref<368x128xf32, #tpu.memory_space<vmem>>, %arg10: memref<8x128xf32, #tpu.memory_space<vmem>>, %arg11: memref<8x128xf32, #tpu.memory_space<vmem>>, %arg12: memref<528xi32, #tpu.memory_space<vmem>>, %arg13: memref<!tpu.dma_semaphore, #tpu.memory_space<semaphore_mem>>, %arg14: memref<!tpu.dma_semaphore, #tpu.memory_space<semaphore_mem>>, %arg15: memref<!tpu.dma_semaphore, #tpu.memory_space<semaphore_mem>>, %arg16: memref<!tpu.dma_semaphore, #tpu.memory_space<semaphore_mem>>, %arg17: memref<!tpu.dma_semaphore, #tpu.memory_space<semaphore_mem>>, %arg18: memref<!tpu.dma_semaphore, #tpu.memory_space<semaphore_mem>>) attributes {dimension_semantics = [#tpu.dimension_semantics<core_parallel>, #tpu.dimension_semantics<subcore_parallel>], iteration_bounds = array<i64: 2, 16>, scalar_prefetch = 0 : i64, scratch_operands = 13 : i64, tpu.core_type = #tpu.core_type<sc_vector_subcore>, window_params = [{transform_indices = #map}, {transform_indices = #map1}, {transform_indices = #map2}, {transform_indices = #map}]} {
    %mul3A = arith.constant 2 : i32
    %mul3A_0 = arith.muli %arg1, %mul3A : i32
    %add3A = arith.addi %mul3A_0, %arg0 : i32
    %mul3A_1 = arith.constant 512 : i32
    %mul3A_2 = arith.muli %add3A, %mul3A_1 : i32
    "tpu.region"() ({
      %run_scoped3A = tpu.sem_alloc : memref<!tpu.dma_semaphore, #tpu.memory_space<semaphore_mem>>
      %dma_start3A_165 = arith.constant 0 : i32
      %dma_start3A_166 = tpu.memref_slice %arg12[%dma_start3A_165] : memref<528xi32, #tpu.memory_space<vmem>> -> memref<512xi32, #tpu.memory_space<vmem>>
      %dma_start3A_167 = tpu.memref_slice %arg3[%mul3A_2] : memref<16384xi32, #tpu.memory_space<hbm>> -> memref<512xi32, #tpu.memory_space<hbm>>
      %dma_start3A_168 = arith.constant 0 : i32
      %dma_start3A_169 = tpu.memref_slice %arg12[%dma_start3A_168] : memref<528xi32, #tpu.memory_space<vmem>> -> memref<512xi32, #tpu.memory_space<vmem>>
      %dma_start3A_170 = tpu.memref_slice %arg3[%mul3A_2] : memref<16384xi32, #tpu.memory_space<hbm>> -> memref<512xi32, #tpu.memory_space<hbm>>
      tpu.enqueue_dma source(%dma_start3A_170 : memref<512xi32, #tpu.memory_space<hbm>>) target(%dma_start3A_169 : memref<512xi32, #tpu.memory_space<vmem>>) target_semaphore(%run_scoped3A : memref<!tpu.dma_semaphore, #tpu.memory_space<semaphore_mem>>)
      %dma_wait3A_171 = arith.constant 0 : i32
      %dma_wait3A_172 = tpu.memref_slice %arg12[%dma_wait3A_171] : memref<528xi32, #tpu.memory_space<vmem>> -> memref<512xi32, #tpu.memory_space<vmem>>
      %dma_wait3A_173 = tpu.memref_slice %arg3[%mul3A_2] : memref<16384xi32, #tpu.memory_space<hbm>> -> memref<512xi32, #tpu.memory_space<hbm>>
      %dma_wait3A_174 = arith.constant 0 : i32
      %dma_wait3A_175 = tpu.memref_slice %arg12[%dma_wait3A_174] : memref<528xi32, #tpu.memory_space<vmem>> -> memref<512xi32, #tpu.memory_space<vmem>>
      %dma_wait3A_176 = tpu.memref_slice %arg3[%mul3A_2] : memref<16384xi32, #tpu.memory_space<hbm>> -> memref<512xi32, #tpu.memory_space<hbm>>
      tpu.wait_dma2 semaphore(%run_scoped3A : memref<!tpu.dma_semaphore, #tpu.memory_space<semaphore_mem>>) src(%dma_wait3A_176 : memref<512xi32, #tpu.memory_space<hbm>>) dst(%dma_wait3A_175 : memref<512xi32, #tpu.memory_space<vmem>>)
      tpu.yield
    }) : () -> ()
    %add3A_3 = arith.constant 0 : i32
    %add3A_4 = arith.addi %mul3A_2, %add3A_3 : i32
    %dma_start3A = arith.constant 0 : i32
    %dma_start3A_5 = tpu.memref_slice %arg2[%add3A_4, %dma_start3A] : memref<16384x46xi32, #tpu.memory_space<hbm>> -> memref<8x46xi32, #tpu.memory_space<hbm>>
    %dma_start3A_6 = arith.constant 0 : i32
    %dma_start3A_7 = tpu.memref_slice %arg2[%add3A_4, %dma_start3A_6] : memref<16384x46xi32, #tpu.memory_space<hbm>> -> memref<8x46xi32, #tpu.memory_space<hbm>>
    tpu.enqueue_dma source(%dma_start3A_7 : memref<8x46xi32, #tpu.memory_space<hbm>>) target(%arg6 : memref<8x46xi32, #tpu.memory_space<vmem>>) target_semaphore(%arg15 : memref<!tpu.dma_semaphore, #tpu.memory_space<semaphore_mem>>)
    %add3A_8 = arith.constant 0 : i32
    %add3A_9 = arith.addi %mul3A_2, %add3A_8 : i32
    %dma_wait3A = arith.constant 0 : i32
    %dma_wait3A_10 = tpu.memref_slice %arg2[%add3A_9, %dma_wait3A] : memref<16384x46xi32, #tpu.memory_space<hbm>> -> memref<8x46xi32, #tpu.memory_space<hbm>>
    %dma_wait3A_11 = arith.constant 0 : i32
    %dma_wait3A_12 = tpu.memref_slice %arg2[%add3A_9, %dma_wait3A_11] : memref<16384x46xi32, #tpu.memory_space<hbm>> -> memref<8x46xi32, #tpu.memory_space<hbm>>
    tpu.wait_dma2 semaphore(%arg15 : memref<!tpu.dma_semaphore, #tpu.memory_space<semaphore_mem>>) src(%dma_wait3A_12 : memref<8x46xi32, #tpu.memory_space<hbm>>) dst(%arg6 : memref<8x46xi32, #tpu.memory_space<vmem>>)
    %get3A = arith.constant 0 : index
    %get3A_13 = tpu.vector_load %arg12[%get3A] {strides = array<i32>} : memref<528xi32, #tpu.memory_space<vmem>>, vector<16xi32>,
    %get3A_14 = vector.shape_cast %get3A_13 : vector<16xi32> to vector<16xi32>
    %slice3A = vector.extract_strided_slice %get3A_14 {offsets = [0], sizes = [1], strides = [1]} : vector<16xi32> to vector<1xi32>
    %squeeze3A = vector.extract %slice3A[0] : i32 from vector<1xi32>
    %dma_start3A_15 = arith.constant 0 : i32
    %dma_start3A_16 = arith.constant 0 : i32
    %dma_start3A_17 = arith.constant 0 : i32
    %dma_start3A_18 = tpu.memref_slice %arg8[%dma_start3A_16, %dma_start3A_17] : memref<368x128xf32, #tpu.memory_space<vmem>> -> memref<46x128xf32, #tpu.memory_space<vmem>>
    %dma_start3A_19 = arith.constant 0 : i32
    %dma_start3A_20 = tpu.memref_slice %arg6[%dma_start3A_15, %dma_start3A_19] : memref<8x46xi32, #tpu.memory_space<vmem>> -> memref<1x46xi32, #tpu.memory_space<vmem>>
    %dma_start3A_21 = tpu.memref_squeeze %dma_start3A_20 : memref<1x46xi32, #tpu.memory_space<vmem>> -> memref<46xi32, #tpu.memory_space<vmem>>
    %dma_start3A_22 = arith.constant 0 : i32
    %dma_start3A_23 = arith.constant 0 : i32
    %dma_start3A_24 = tpu.memref_slice %arg4[%squeeze3A, %dma_start3A_22, %dma_start3A_23] : memref<3x100602x128xf32, #tpu.memory_space<hbm>> -> memref<1x100602x128xf32, #tpu.memory_space<hbm>>
    %dma_start3A_25 = tpu.memref_squeeze %dma_start3A_24 : memref<1x100602x128xf32, #tpu.memory_space<hbm>> -> memref<100602x128xf32, #tpu.memory_space<hbm>>
    %dma_start3A_26 = arith.constant 0 : i32
    %dma_start3A_27 = arith.constant 0 : i32
    %dma_start3A_28 = tpu.memref_slice %dma_start3A_25[%dma_start3A_26, %dma_start3A_27] : memref<100602x128xf32, #tpu.memory_space<hbm>> -> memref<100602x128xf32, #tpu.memory_space<hbm>>
    tpu.enqueue_indirect_dma source(%dma_start3A_28 : memref<100602x128xf32, #tpu.memory_space<hbm>>) target(%dma_start3A_18 : memref<46x128xf32, #tpu.memory_space<vmem>>) offsets(%dma_start3A_21 : memref<46xi32, #tpu.memory_space<vmem>>) semaphore(%arg13 : memref<!tpu.dma_semaphore, #tpu.memory_space<semaphore_mem>>)
    %slice3A_29 = vector.extract_strided_slice %get3A_14 {offsets = [1], sizes = [1], strides = [1]} : vector<16xi32> to vector<1xi32>
    %squeeze3A_30 = vector.extract %slice3A_29[0] : i32 from vector<1xi32>
    %dma_start3A_31 = arith.constant 1 : i32
    %dma_start3A_32 = arith.constant 46 : i32
    %dma_start3A_33 = arith.constant 0 : i32
    %dma_start3A_34 = tpu.memref_slice %arg8[%dma_start3A_32, %dma_start3A_33] : memref<368x128xf32, #tpu.memory_space<vmem>> -> memref<46x128xf32, #tpu.memory_space<vmem>>
    %dma_start3A_35 = arith.constant 0 : i32
    %dma_start3A_36 = tpu.memref_slice %arg6[%dma_start3A_31, %dma_start3A_35] : memref<8x46xi32, #tpu.memory_space<vmem>> -> memref<1x46xi32, #tpu.memory_space<vmem>>
    %dma_start3A_37 = tpu.memref_squeeze %dma_start3A_36 : memref<1x46xi32, #tpu.memory_space<vmem>> -> memref<46xi32, #tpu.memory_space<vmem>>
    %dma_start3A_38 = arith.constant 0 : i32
    %dma_start3A_39 = arith.constant 0 : i32
    %dma_start3A_40 = tpu.memref_slice %arg4[%squeeze3A_30, %dma_start3A_38, %dma_start3A_39] : memref<3x100602x128xf32, #tpu.memory_space<hbm>> -> memref<1x100602x128xf32, #tpu.memory_space<hbm>>
    %dma_start3A_41 = tpu.memref_squeeze %dma_start3A_40 : memref<1x100602x128xf32, #tpu.memory_space<hbm>> -> memref<100602x128xf32, #tpu.memory_space<hbm>>
    %dma_start3A_42 = arith.constant 0 : i32
    %dma_start3A_43 = arith.constant 0 : i32
    %dma_start3A_44 = tpu.memref_slice %dma_start3A_41[%dma_start3A_42, %dma_start3A_43] : memref<100602x128xf32, #tpu.memory_space<hbm>> -> memref<100602x128xf32, #tpu.memory_space<hbm>>
    tpu.enqueue_indirect_dma source(%dma_start3A_44 : memref<100602x128xf32, #tpu.memory_space<hbm>>) target(%dma_start3A_34 : memref<46x128xf32, #tpu.memory_space<vmem>>) offsets(%dma_start3A_37 : memref<46xi32, #tpu.memory_space<vmem>>) semaphore(%arg13 : memref<!tpu.dma_semaphore, #tpu.memory_space<semaphore_mem>>)
    %slice3A_45 = vector.extract_strided_slice %get3A_14 {offsets = [2], sizes = [1], strides = [1]} : vector<16xi32> to vector<1xi32>
    %squeeze3A_46 = vector.extract %slice3A_45[0] : i32 from vector<1xi32>
    %dma_start3A_47 = arith.constant 2 : i32
    %dma_start3A_48 = arith.constant 92 : i32
    %dma_start3A_49 = arith.constant 0 : i32
    %dma_start3A_50 = tpu.memref_slice %arg8[%dma_start3A_48, %dma_start3A_49] : memref<368x128xf32, #tpu.memory_space<vmem>> -> memref<46x128xf32, #tpu.memory_space<vmem>>
    %dma_start3A_51 = arith.constant 0 : i32
    %dma_start3A_52 = tpu.memref_slice %arg6[%dma_start3A_47, %dma_start3A_51] : memref<8x46xi32, #tpu.memory_space<vmem>> -> memref<1x46xi32, #tpu.memory_space<vmem>>
    %dma_start3A_53 = tpu.memref_squeeze %dma_start3A_52 : memref<1x46xi32, #tpu.memory_space<vmem>> -> memref<46xi32, #tpu.memory_space<vmem>>
    %dma_start3A_54 = arith.constant 0 : i32
    %dma_start3A_55 = arith.constant 0 : i32
    %dma_start3A_56 = tpu.memref_slice %arg4[%squeeze3A_46, %dma_start3A_54, %dma_start3A_55] : memref<3x100602x128xf32, #tpu.memory_space<hbm>> -> memref<1x100602x128xf32, #tpu.memory_space<hbm>>
    %dma_start3A_57 = tpu.memref_squeeze %dma_start3A_56 : memref<1x100602x128xf32, #tpu.memory_space<hbm>> -> memref<100602x128xf32, #tpu.memory_space<hbm>>
    %dma_start3A_58 = arith.constant 0 : i32
    %dma_start3A_59 = arith.constant 0 : i32
    %dma_start3A_60 = tpu.memref_slice %dma_start3A_57[%dma_start3A_58, %dma_start3A_59] : memref<100602x128xf32, #tpu.memory_space<hbm>> -> memref<100602x128xf32, #tpu.memory_space<hbm>>
    tpu.enqueue_indirect_dma source(%dma_start3A_60 : memref<100602x128xf32, #tpu.memory_space<hbm>>) target(%dma_start3A_50 : memref<46x128xf32, #tpu.memory_space<vmem>>) offsets(%dma_start3A_53 : memref<46xi32, #tpu.memory_space<vmem>>) semaphore(%arg13 : memref<!tpu.dma_semaphore, #tpu.memory_space<semaphore_mem>>)
    %slice3A_61 = vector.extract_strided_slice %get3A_14 {offsets = [3], sizes = [1], strides = [1]} : vector<16xi32> to vector<1xi32>
    %squeeze3A_62 = vector.extract %slice3A_61[0] : i32 from vector<1xi32>
    %dma_start3A_63 = arith.constant 3 : i32
    %dma_start3A_64 = arith.constant 138 : i32
    %dma_start3A_65 = arith.constant 0 : i32
    %dma_start3A_66 = tpu.memref_slice %arg8[%dma_start3A_64, %dma_start3A_65] : memref<368x128xf32, #tpu.memory_space<vmem>> -> memref<46x128xf32, #tpu.memory_space<vmem>>
    %dma_start3A_67 = arith.constant 0 : i32
    %dma_start3A_68 = tpu.memref_slice %arg6[%dma_start3A_63, %dma_start3A_67] : memref<8x46xi32, #tpu.memory_space<vmem>> -> memref<1x46xi32, #tpu.memory_space<vmem>>
    %dma_start3A_69 = tpu.memref_squeeze %dma_start3A_68 : memref<1x46xi32, #tpu.memory_space<vmem>> -> memref<46xi32, #tpu.memory_space<vmem>>
    %dma_start3A_70 = arith.constant 0 : i32
    %dma_start3A_71 = arith.constant 0 : i32
    %dma_start3A_72 = tpu.memref_slice %arg4[%squeeze3A_62, %dma_start3A_70, %dma_start3A_71] : memref<3x100602x128xf32, #tpu.memory_space<hbm>> -> memref<1x100602x128xf32, #tpu.memory_space<hbm>>
    %dma_start3A_73 = tpu.memref_squeeze %dma_start3A_72 : memref<1x100602x128xf32, #tpu.memory_space<hbm>> -> memref<100602x128xf32, #tpu.memory_space<hbm>>
    %dma_start3A_74 = arith.constant 0 : i32
    %dma_start3A_75 = arith.constant 0 : i32
    %dma_start3A_76 = tpu.memref_slice %dma_start3A_73[%dma_start3A_74, %dma_start3A_75] : memref<100602x128xf32, #tpu.memory_space<hbm>> -> memref<100602x128xf32, #tpu.memory_space<hbm>>
    tpu.enqueue_indirect_dma source(%dma_start3A_76 : memref<100602x128xf32, #tpu.memory_space<hbm>>) target(%dma_start3A_66 : memref<46x128xf32, #tpu.memory_space<vmem>>) offsets(%dma_start3A_69 : memref<46xi32, #tpu.memory_space<vmem>>) semaphore(%arg13 : memref<!tpu.dma_semaphore, #tpu.memory_space<semaphore_mem>>)
    %slice3A_77 = vector.extract_strided_slice %get3A_14 {offsets = [4], sizes = [1], strides = [1]} : vector<16xi32> to vector<1xi32>
    %squeeze3A_78 = vector.extract %slice3A_77[0] : i32 from vector<1xi32>
    %dma_start3A_79 = arith.constant 4 : i32
    %dma_start3A_80 = arith.constant 184 : i32
    %dma_start3A_81 = arith.constant 0 : i32
    %dma_start3A_82 = tpu.memref_slice %arg8[%dma_start3A_80, %dma_start3A_81] : memref<368x128xf32, #tpu.memory_space<vmem>> -> memref<46x128xf32, #tpu.memory_space<vmem>>
    %dma_start3A_83 = arith.constant 0 : i32
    %dma_start3A_84 = tpu.memref_slice %arg6[%dma_start3A_79, %dma_start3A_83] : memref<8x46xi32, #tpu.memory_space<vmem>> -> memref<1x46xi32, #tpu.memory_space<vmem>>
    %dma_start3A_85 = tpu.memref_squeeze %dma_start3A_84 : memref<1x46xi32, #tpu.memory_space<vmem>> -> memref<46xi32, #tpu.memory_space<vmem>>
    %dma_start3A_86 = arith.constant 0 : i32
    %dma_start3A_87 = arith.constant 0 : i32
    %dma_start3A_88 = tpu.memref_slice %arg4[%squeeze3A_78, %dma_start3A_86, %dma_start3A_87] : memref<3x100602x128xf32, #tpu.memory_space<hbm>> -> memref<1x100602x128xf32, #tpu.memory_space<hbm>>
    %dma_start3A_89 = tpu.memref_squeeze %dma_start3A_88 : memref<1x100602x128xf32, #tpu.memory_space<hbm>> -> memref<100602x128xf32, #tpu.memory_space<hbm>>
    %dma_start3A_90 = arith.constant 0 : i32
    %dma_start3A_91 = arith.constant 0 : i32
    %dma_start3A_92 = tpu.memref_slice %dma_start3A_89[%dma_start3A_90, %dma_start3A_91] : memref<100602x128xf32, #tpu.memory_space<hbm>> -> memref<100602x128xf32, #tpu.memory_space<hbm>>
    tpu.enqueue_indirect_dma source(%dma_start3A_92 : memref<100602x128xf32, #tpu.memory_space<hbm>>) target(%dma_start3A_82 : memref<46x128xf32, #tpu.memory_space<vmem>>) offsets(%dma_start3A_85 : memref<46xi32, #tpu.memory_space<vmem>>) semaphore(%arg13 : memref<!tpu.dma_semaphore, #tpu.memory_space<semaphore_mem>>)
    %slice3A_93 = vector.extract_strided_slice %get3A_14 {offsets = [5], sizes = [1], strides = [1]} : vector<16xi32> to vector<1xi32>
    %squeeze3A_94 = vector.extract %slice3A_93[0] : i32 from vector<1xi32>
    %dma_start3A_95 = arith.constant 5 : i32
    %dma_start3A_96 = arith.constant 230 : i32
    %dma_start3A_97 = arith.constant 0 : i32
    %dma_start3A_98 = tpu.memref_slice %arg8[%dma_start3A_96, %dma_start3A_97] : memref<368x128xf32, #tpu.memory_space<vmem>> -> memref<46x128xf32, #tpu.memory_space<vmem>>
    %dma_start3A_99 = arith.constant 0 : i32
    %dma_start3A_100 = tpu.memref_slice %arg6[%dma_start3A_95, %dma_start3A_99] : memref<8x46xi32, #tpu.memory_space<vmem>> -> memref<1x46xi32, #tpu.memory_space<vmem>>
    %dma_start3A_101 = tpu.memref_squeeze %dma_start3A_100 : memref<1x46xi32, #tpu.memory_space<vmem>> -> memref<46xi32, #tpu.memory_space<vmem>>
    %dma_start3A_102 = arith.constant 0 : i32
    %dma_start3A_103 = arith.constant 0 : i32
    %dma_start3A_104 = tpu.memref_slice %arg4[%squeeze3A_94, %dma_start3A_102, %dma_start3A_103] : memref<3x100602x128xf32, #tpu.memory_space<hbm>> -> memref<1x100602x128xf32, #tpu.memory_space<hbm>>
    %dma_start3A_105 = tpu.memref_squeeze %dma_start3A_104 : memref<1x100602x128xf32, #tpu.memory_space<hbm>> -> memref<100602x128xf32, #tpu.memory_space<hbm>>
    %dma_start3A_106 = arith.constant 0 : i32
    %dma_start3A_107 = arith.constant 0 : i32
    %dma_start3A_108 = tpu.memref_slice %dma_start3A_105[%dma_start3A_106, %dma_start3A_107] : memref<100602x128xf32, #tpu.memory_space<hbm>> -> memref<100602x128xf32, #tpu.memory_space<hbm>>
    tpu.enqueue_indirect_dma source(%dma_start3A_108 : memref<100602x128xf32, #tpu.memory_space<hbm>>) target(%dma_start3A_98 : memref<46x128xf32, #tpu.memory_space<vmem>>) offsets(%dma_start3A_101 : memref<46xi32, #tpu.memory_space<vmem>>) semaphore(%arg13 : memref<!tpu.dma_semaphore, #tpu.memory_space<semaphore_mem>>)
    %slice3A_109 = vector.extract_strided_slice %get3A_14 {offsets = [6], sizes = [1], strides = [1]} : vector<16xi32> to vector<1xi32>
    %squeeze3A_110 = vector.extract %slice3A_109[0] : i32 from vector<1xi32>
    %dma_start3A_111 = arith.constant 6 : i32
    %dma_start3A_112 = arith.constant 276 : i32
    %dma_start3A_113 = arith.constant 0 : i32
    %dma_start3A_114 = tpu.memref_slice %arg8[%dma_start3A_112, %dma_start3A_113] : memref<368x128xf32, #tpu.memory_space<vmem>> -> memref<46x128xf32, #tpu.memory_space<vmem>>
    %dma_start3A_115 = arith.constant 0 : i32
    %dma_start3A_116 = tpu.memref_slice %arg6[%dma_start3A_111, %dma_start3A_115] : memref<8x46xi32, #tpu.memory_space<vmem>> -> memref<1x46xi32, #tpu.memory_space<vmem>>
    %dma_start3A_117 = tpu.memref_squeeze %dma_start3A_116 : memref<1x46xi32, #tpu.memory_space<vmem>> -> memref<46xi32, #tpu.memory_space<vmem>>
    %dma_start3A_118 = arith.constant 0 : i32
    %dma_start3A_119 = arith.constant 0 : i32
    %dma_start3A_120 = tpu.memref_slice %arg4[%squeeze3A_110, %dma_start3A_118, %dma_start3A_119] : memref<3x100602x128xf32, #tpu.memory_space<hbm>> -> memref<1x100602x128xf32, #tpu.memory_space<hbm>>
    %dma_start3A_121 = tpu.memref_squeeze %dma_start3A_120 : memref<1x100602x128xf32, #tpu.memory_space<hbm>> -> memref<100602x128xf32, #tpu.memory_space<hbm>>
    %dma_start3A_122 = arith.constant 0 : i32
    %dma_start3A_123 = arith.constant 0 : i32
    %dma_start3A_124 = tpu.memref_slice %dma_start3A_121[%dma_start3A_122, %dma_start3A_123] : memref<100602x128xf32, #tpu.memory_space<hbm>> -> memref<100602x128xf32, #tpu.memory_space<hbm>>
    tpu.enqueue_indirect_dma source(%dma_start3A_124 : memref<100602x128xf32, #tpu.memory_space<hbm>>) target(%dma_start3A_114 : memref<46x128xf32, #tpu.memory_space<vmem>>) offsets(%dma_start3A_117 : memref<46xi32, #tpu.memory_space<vmem>>) semaphore(%arg13 : memref<!tpu.dma_semaphore, #tpu.memory_space<semaphore_mem>>)
    %slice3A_125 = vector.extract_strided_slice %get3A_14 {offsets = [7], sizes = [1], strides = [1]} : vector<16xi32> to vector<1xi32>
    %squeeze3A_126 = vector.extract %slice3A_125[0] : i32 from vector<1xi32>
    %dma_start3A_127 = arith.constant 7 : i32
    %dma_start3A_128 = arith.constant 322 : i32
    %dma_start3A_129 = arith.constant 0 : i32
    %dma_start3A_130 = tpu.memref_slice %arg8[%dma_start3A_128, %dma_start3A_129] : memref<368x128xf32, #tpu.memory_space<vmem>> -> memref<46x128xf32, #tpu.memory_space<vmem>>
    %dma_start3A_131 = arith.constant 0 : i32
    %dma_start3A_132 = tpu.memref_slice %arg6[%dma_start3A_127, %dma_start3A_131] : memref<8x46xi32, #tpu.memory_space<vmem>> -> memref<1x46xi32, #tpu.memory_space<vmem>>
    %dma_start3A_133 = tpu.memref_squeeze %dma_start3A_132 : memref<1x46xi32, #tpu.memory_space<vmem>> -> memref<46xi32, #tpu.memory_space<vmem>>
    %dma_start3A_134 = arith.constant 0 : i32
    %dma_start3A_135 = arith.constant 0 : i32
    %dma_start3A_136 = tpu.memref_slice %arg4[%squeeze3A_126, %dma_start3A_134, %dma_start3A_135] : memref<3x100602x128xf32, #tpu.memory_space<hbm>> -> memref<1x100602x128xf32, #tpu.memory_space<hbm>>
    %dma_start3A_137 = tpu.memref_squeeze %dma_start3A_136 : memref<1x100602x128xf32, #tpu.memory_space<hbm>> -> memref<100602x128xf32, #tpu.memory_space<hbm>>
    %dma_start3A_138 = arith.constant 0 : i32
    %dma_start3A_139 = arith.constant 0 : i32
    %dma_start3A_140 = tpu.memref_slice %dma_start3A_137[%dma_start3A_138, %dma_start3A_139] : memref<100602x128xf32, #tpu.memory_space<hbm>> -> memref<100602x128xf32, #tpu.memory_space<hbm>>
    tpu.enqueue_indirect_dma source(%dma_start3A_140 : memref<100602x128xf32, #tpu.memory_space<hbm>>) target(%dma_start3A_130 : memref<46x128xf32, #tpu.memory_space<vmem>>) offsets(%dma_start3A_133 : memref<46xi32, #tpu.memory_space<vmem>>) semaphore(%arg13 : memref<!tpu.dma_semaphore, #tpu.memory_space<semaphore_mem>>)
    %add3A_141 = arith.constant 8 : i32
    %add3A_142 = arith.addi %mul3A_2, %add3A_141 : i32
    %dma_start3A_143 = arith.constant 0 : i32
    %dma_start3A_144 = tpu.memref_slice %arg2[%add3A_142, %dma_start3A_143] : memref<16384x46xi32, #tpu.memory_space<hbm>> -> memref<8x46xi32, #tpu.memory_space<hbm>>
    %dma_start3A_145 = arith.constant 0 : i32
    %dma_start3A_146 = tpu.memref_slice %arg2[%add3A_142, %dma_start3A_145] : memref<16384x46xi32, #tpu.memory_space<hbm>> -> memref<8x46xi32, #tpu.memory_space<hbm>>
    tpu.enqueue_dma source(%dma_start3A_146 : memref<8x46xi32, #tpu.memory_space<hbm>>) target(%arg7 : memref<8x46xi32, #tpu.memory_space<vmem>>) target_semaphore(%arg16 : memref<!tpu.dma_semaphore, #tpu.memory_space<semaphore_mem>>)
    %scan3A = arith.constant 0 : i32
    %scan3A_147 = arith.constant 0 : i32
    %scan3A_148 = arith.constant 32 : i32
    %scan3A_149 = arith.addi %scan3A_147, %scan3A_148 : i32
    %scan3A_150 = arith.constant 1 : i32
    %scan3A_151 = scf.for %scan3A_165 = %scan3A_147 to %scan3A_149 step %scan3A_150 iter_args(%scan3A_166 = %scan3A) -> (i32)  : i32 {
      %mul3A_167 = arith.constant 2 : i32
      %mul3A_168 = arith.muli %mul3A_167, %scan3A_165 : i32
      %add3A_169 = arith.constant 1 : i32
      %add3A_170 = arith.addi %mul3A_168, %add3A_169 : i32
      %mul3A_171 = arith.constant 8 : i32
      %mul3A_172 = arith.muli %add3A_170, %mul3A_171 : i32
      %add3A_173 = arith.addi %mul3A_2, %mul3A_172 : i32
      %dma_wait3A_174 = arith.constant 0 : i32
      %dma_wait3A_175 = tpu.memref_slice %arg2[%add3A_173, %dma_wait3A_174] : memref<16384x46xi32, #tpu.memory_space<hbm>> -> memref<8x46xi32, #tpu.memory_space<hbm>>
      %dma_wait3A_176 = arith.constant 0 : i32
      %dma_wait3A_177 = tpu.memref_slice %arg2[%add3A_173, %dma_wait3A_176] : memref<16384x46xi32, #tpu.memory_space<hbm>> -> memref<8x46xi32, #tpu.memory_space<hbm>>
      tpu.wait_dma2 semaphore(%arg16 : memref<!tpu.dma_semaphore, #tpu.memory_space<semaphore_mem>>) src(%dma_wait3A_177 : memref<8x46xi32, #tpu.memory_space<hbm>>) dst(%arg7 : memref<8x46xi32, #tpu.memory_space<vmem>>)
      %mul3A_178 = arith.constant 8 : i32
      %mul3A_179 = arith.muli %add3A_170, %mul3A_178 : i32
      %get3A_180 = arith.index_cast %mul3A_179 : i32 to index
      %get3A_181 = tpu.vector_load %arg12[%get3A_180] {strides = array<i32>} : memref<528xi32, #tpu.memory_space<vmem>>, vector<16xi32>,
      %get3A_182 = vector.shape_cast %get3A_181 : vector<16xi32> to vector<16xi32>
      %slice3A_183 = vector.extract_strided_slice %get3A_182 {offsets = [0], sizes = [1], strides = [1]} : vector<16xi32> to vector<1xi32>
      %squeeze3A_184 = vector.extract %slice3A_183[0] : i32 from vector<1xi32>
      %dma_start3A_185 = arith.constant 0 : i32
      %dma_start3A_186 = arith.constant 0 : i32
      %dma_start3A_187 = arith.constant 0 : i32
      %dma_start3A_188 = tpu.memref_slice %arg9[%dma_start3A_186, %dma_start3A_187] : memref<368x128xf32, #tpu.memory_space<vmem>> -> memref<46x128xf32, #tpu.memory_space<vmem>>
      %dma_start3A_189 = arith.constant 0 : i32
      %dma_start3A_190 = tpu.memref_slice %arg7[%dma_start3A_185, %dma_start3A_189] : memref<8x46xi32, #tpu.memory_space<vmem>> -> memref<1x46xi32, #tpu.memory_space<vmem>>
      %dma_start3A_191 = tpu.memref_squeeze %dma_start3A_190 : memref<1x46xi32, #tpu.memory_space<vmem>> -> memref<46xi32, #tpu.memory_space<vmem>>
      %dma_start3A_192 = arith.constant 0 : i32
      %dma_start3A_193 = arith.constant 0 : i32
      %dma_start3A_194 = tpu.memref_slice %arg4[%squeeze3A_184, %dma_start3A_192, %dma_start3A_193] : memref<3x100602x128xf32, #tpu.memory_space<hbm>> -> memref<1x100602x128xf32, #tpu.memory_space<hbm>>
      %dma_start3A_195 = tpu.memref_squeeze %dma_start3A_194 : memref<1x100602x128xf32, #tpu.memory_space<hbm>> -> memref<100602x128xf32, #tpu.memory_space<hbm>>
      %dma_start3A_196 = arith.constant 0 : i32
      %dma_start3A_197 = arith.constant 0 : i32
      %dma_start3A_198 = tpu.memref_slice %dma_start3A_195[%dma_start3A_196, %dma_start3A_197] : memref<100602x128xf32, #tpu.memory_space<hbm>> -> memref<100602x128xf32, #tpu.memory_space<hbm>>
      tpu.enqueue_indirect_dma source(%dma_start3A_198 : memref<100602x128xf32, #tpu.memory_space<hbm>>) target(%dma_start3A_188 : memref<46x128xf32, #tpu.memory_space<vmem>>) offsets(%dma_start3A_191 : memref<46xi32, #tpu.memory_space<vmem>>) semaphore(%arg14 : memref<!tpu.dma_semaphore, #tpu.memory_space<semaphore_mem>>)
      %slice3A_199 = vector.extract_strided_slice %get3A_182 {offsets = [1], sizes = [1], strides = [1]} : vector<16xi32> to vector<1xi32>
      %squeeze3A_200 = vector.extract %slice3A_199[0] : i32 from vector<1xi32>
      %dma_start3A_201 = arith.constant 1 : i32
      %dma_start3A_202 = arith.constant 46 : i32
      %dma_start3A_203 = arith.constant 0 : i32
      %dma_start3A_204 = tpu.memref_slice %arg9[%dma_start3A_202, %dma_start3A_203] : memref<368x128xf32, #tpu.memory_space<vmem>> -> memref<46x128xf32, #tpu.memory_space<vmem>>
      %dma_start3A_205 = arith.constant 0 : i32
      %dma_start3A_206 = tpu.memref_slice %arg7[%dma_start3A_201, %dma_start3A_205] : memref<8x46xi32, #tpu.memory_space<vmem>> -> memref<1x46xi32, #tpu.memory_space<vmem>>
      %dma_start3A_207 = tpu.memref_squeeze %dma_start3A_206 : memref<1x46xi32, #tpu.memory_space<vmem>> -> memref<46xi32, #tpu.memory_space<vmem>>
      %dma_start3A_208 = arith.constant 0 : i32
      %dma_start3A_209 = arith.constant 0 : i32
      %dma_start3A_210 = tpu.memref_slice %arg4[%squeeze3A_200, %dma_start3A_208, %dma_start3A_209] : memref<3x100602x128xf32, #tpu.memory_space<hbm>> -> memref<1x100602x128xf32, #tpu.memory_space<hbm>>
      %dma_start3A_211 = tpu.memref_squeeze %dma_start3A_210 : memref<1x100602x128xf32, #tpu.memory_space<hbm>> -> memref<100602x128xf32, #tpu.memory_space<hbm>>
      %dma_start3A_212 = arith.constant 0 : i32
      %dma_start3A_213 = arith.constant 0 : i32
      %dma_start3A_214 = tpu.memref_slice %dma_start3A_211[%dma_start3A_212, %dma_start3A_213] : memref<100602x128xf32, #tpu.memory_space<hbm>> -> memref<100602x128xf32, #tpu.memory_space<hbm>>
      tpu.enqueue_indirect_dma source(%dma_start3A_214 : memref<100602x128xf32, #tpu.memory_space<hbm>>) target(%dma_start3A_204 : memref<46x128xf32, #tpu.memory_space<vmem>>) offsets(%dma_start3A_207 : memref<46xi32, #tpu.memory_space<vmem>>) semaphore(%arg14 : memref<!tpu.dma_semaphore, #tpu.memory_space<semaphore_mem>>)
      %slice3A_215 = vector.extract_strided_slice %get3A_182 {offsets = [2], sizes = [1], strides = [1]} : vector<16xi32> to vector<1xi32>
      %squeeze3A_216 = vector.extract %slice3A_215[0] : i32 from vector<1xi32>
      %dma_start3A_217 = arith.constant 2 : i32
      %dma_start3A_218 = arith.constant 92 : i32
      %dma_start3A_219 = arith.constant 0 : i32
      %dma_start3A_220 = tpu.memref_slice %arg9[%dma_start3A_218, %dma_start3A_219] : memref<368x128xf32, #tpu.memory_space<vmem>> -> memref<46x128xf32, #tpu.memory_space<vmem>>
      %dma_start3A_221 = arith.constant 0 : i32
      %dma_start3A_222 = tpu.memref_slice %arg7[%dma_start3A_217, %dma_start3A_221] : memref<8x46xi32, #tpu.memory_space<vmem>> -> memref<1x46xi32, #tpu.memory_space<vmem>>
      %dma_start3A_223 = tpu.memref_squeeze %dma_start3A_222 : memref<1x46xi32, #tpu.memory_space<vmem>> -> memref<46xi32, #tpu.memory_space<vmem>>
      %dma_start3A_224 = arith.constant 0 : i32
      %dma_start3A_225 = arith.constant 0 : i32
      %dma_start3A_226 = tpu.memref_slice %arg4[%squeeze3A_216, %dma_start3A_224, %dma_start3A_225] : memref<3x100602x128xf32, #tpu.memory_space<hbm>> -> memref<1x100602x128xf32, #tpu.memory_space<hbm>>
      %dma_start3A_227 = tpu.memref_squeeze %dma_start3A_226 : memref<1x100602x128xf32, #tpu.memory_space<hbm>> -> memref<100602x128xf32, #tpu.memory_space<hbm>>
      %dma_start3A_228 = arith.constant 0 : i32
      %dma_start3A_229 = arith.constant 0 : i32
      %dma_start3A_230 = tpu.memref_slice %dma_start3A_227[%dma_start3A_228, %dma_start3A_229] : memref<100602x128xf32, #tpu.memory_space<hbm>> -> memref<100602x128xf32, #tpu.memory_space<hbm>>
      tpu.enqueue_indirect_dma source(%dma_start3A_230 : memref<100602x128xf32, #tpu.memory_space<hbm>>) target(%dma_start3A_220 : memref<46x128xf32, #tpu.memory_space<vmem>>) offsets(%dma_start3A_223 : memref<46xi32, #tpu.memory_space<vmem>>) semaphore(%arg14 : memref<!tpu.dma_semaphore, #tpu.memory_space<semaphore_mem>>)
      %slice3A_231 = vector.extract_strided_slice %get3A_182 {offsets = [3], sizes = [1], strides = [1]} : vector<16xi32> to vector<1xi32>
      %squeeze3A_232 = vector.extract %slice3A_231[0] : i32 from vector<1xi32>
      %dma_start3A_233 = arith.constant 3 : i32
      %dma_start3A_234 = arith.constant 138 : i32
      %dma_start3A_235 = arith.constant 0 : i32
      %dma_start3A_236 = tpu.memref_slice %arg9[%dma_start3A_234, %dma_start3A_235] : memref<368x128xf32, #tpu.memory_space<vmem>> -> memref<46x128xf32, #tpu.memory_space<vmem>>
      %dma_start3A_237 = arith.constant 0 : i32
      %dma_start3A_238 = tpu.memref_slice %arg7[%dma_start3A_233, %dma_start3A_237] : memref<8x46xi32, #tpu.memory_space<vmem>> -> memref<1x46xi32, #tpu.memory_space<vmem>>
      %dma_start3A_239 = tpu.memref_squeeze %dma_start3A_238 : memref<1x46xi32, #tpu.memory_space<vmem>> -> memref<46xi32, #tpu.memory_space<vmem>>
      %dma_start3A_240 = arith.constant 0 : i32
      %dma_start3A_241 = arith.constant 0 : i32
      %dma_start3A_242 = tpu.memref_slice %arg4[%squeeze3A_232, %dma_start3A_240, %dma_start3A_241] : memref<3x100602x128xf32, #tpu.memory_space<hbm>> -> memref<1x100602x128xf32, #tpu.memory_space<hbm>>
      %dma_start3A_243 = tpu.memref_squeeze %dma_start3A_242 : memref<1x100602x128xf32, #tpu.memory_space<hbm>> -> memref<100602x128xf32, #tpu.memory_space<hbm>>
      %dma_start3A_244 = arith.constant 0 : i32
      %dma_start3A_245 = arith.constant 0 : i32
      %dma_start3A_246 = tpu.memref_slice %dma_start3A_243[%dma_start3A_244, %dma_start3A_245] : memref<100602x128xf32, #tpu.memory_space<hbm>> -> memref<100602x128xf32, #tpu.memory_space<hbm>>
      tpu.enqueue_indirect_dma source(%dma_start3A_246 : memref<100602x128xf32, #tpu.memory_space<hbm>>) target(%dma_start3A_236 : memref<46x128xf32, #tpu.memory_space<vmem>>) offsets(%dma_start3A_239 : memref<46xi32, #tpu.memory_space<vmem>>) semaphore(%arg14 : memref<!tpu.dma_semaphore, #tpu.memory_space<semaphore_mem>>)
      %slice3A_247 = vector.extract_strided_slice %get3A_182 {offsets = [4], sizes = [1], strides = [1]} : vector<16xi32> to vector<1xi32>
      %squeeze3A_248 = vector.extract %slice3A_247[0] : i32 from vector<1xi32>
      %dma_start3A_249 = arith.constant 4 : i32
      %dma_start3A_250 = arith.constant 184 : i32
      %dma_start3A_251 = arith.constant 0 : i32
      %dma_start3A_252 = tpu.memref_slice %arg9[%dma_start3A_250, %dma_start3A_251] : memref<368x128xf32, #tpu.memory_space<vmem>> -> memref<46x128xf32, #tpu.memory_space<vmem>>
      %dma_start3A_253 = arith.constant 0 : i32
      %dma_start3A_254 = tpu.memref_slice %arg7[%dma_start3A_249, %dma_start3A_253] : memref<8x46xi32, #tpu.memory_space<vmem>> -> memref<1x46xi32, #tpu.memory_space<vmem>>
      %dma_start3A_255 = tpu.memref_squeeze %dma_start3A_254 : memref<1x46xi32, #tpu.memory_space<vmem>> -> memref<46xi32, #tpu.memory_space<vmem>>
      %dma_start3A_256 = arith.constant 0 : i32
      %dma_start3A_257 = arith.constant 0 : i32
      %dma_start3A_258 = tpu.memref_slice %arg4[%squeeze3A_248, %dma_start3A_256, %dma_start3A_257] : memref<3x100602x128xf32, #tpu.memory_space<hbm>> -> memref<1x100602x128xf32, #tpu.memory_space<hbm>>
      %dma_start3A_259 = tpu.memref_squeeze %dma_start3A_258 : memref<1x100602x128xf32, #tpu.memory_space<hbm>> -> memref<100602x128xf32, #tpu.memory_space<hbm>>
      %dma_start3A_260 = arith.constant 0 : i32
      %dma_start3A_261 = arith.constant 0 : i32
      %dma_start3A_262 = tpu.memref_slice %dma_start3A_259[%dma_start3A_260, %dma_start3A_261] : memref<100602x128xf32, #tpu.memory_space<hbm>> -> memref<100602x128xf32, #tpu.memory_space<hbm>>
      tpu.enqueue_indirect_dma source(%dma_start3A_262 : memref<100602x128xf32, #tpu.memory_space<hbm>>) target(%dma_start3A_252 : memref<46x128xf32, #tpu.memory_space<vmem>>) offsets(%dma_start3A_255 : memref<46xi32, #tpu.memory_space<vmem>>) semaphore(%arg14 : memref<!tpu.dma_semaphore, #tpu.memory_space<semaphore_mem>>)
      %slice3A_263 = vector.extract_strided_slice %get3A_182 {offsets = [5], sizes = [1], strides = [1]} : vector<16xi32> to vector<1xi32>
      %squeeze3A_264 = vector.extract %slice3A_263[0] : i32 from vector<1xi32>
      %dma_start3A_265 = arith.constant 5 : i32
      %dma_start3A_266 = arith.constant 230 : i32
      %dma_start3A_267 = arith.constant 0 : i32
      %dma_start3A_268 = tpu.memref_slice %arg9[%dma_start3A_266, %dma_start3A_267] : memref<368x128xf32, #tpu.memory_space<vmem>> -> memref<46x128xf32, #tpu.memory_space<vmem>>
      %dma_start3A_269 = arith.constant 0 : i32
      %dma_start3A_270 = tpu.memref_slice %arg7[%dma_start3A_265, %dma_start3A_269] : memref<8x46xi32, #tpu.memory_space<vmem>> -> memref<1x46xi32, #tpu.memory_space<vmem>>
      %dma_start3A_271 = tpu.memref_squeeze %dma_start3A_270 : memref<1x46xi32, #tpu.memory_space<vmem>> -> memref<46xi32, #tpu.memory_space<vmem>>
      %dma_start3A_272 = arith.constant 0 : i32
      %dma_start3A_273 = arith.constant 0 : i32
      %dma_start3A_274 = tpu.memref_slice %arg4[%squeeze3A_264, %dma_start3A_272, %dma_start3A_273] : memref<3x100602x128xf32, #tpu.memory_space<hbm>> -> memref<1x100602x128xf32, #tpu.memory_space<hbm>>
      %dma_start3A_275 = tpu.memref_squeeze %dma_start3A_274 : memref<1x100602x128xf32, #tpu.memory_space<hbm>> -> memref<100602x128xf32, #tpu.memory_space<hbm>>
      %dma_start3A_276 = arith.constant 0 : i32
      %dma_start3A_277 = arith.constant 0 : i32
      %dma_start3A_278 = tpu.memref_slice %dma_start3A_275[%dma_start3A_276, %dma_start3A_277] : memref<100602x128xf32, #tpu.memory_space<hbm>> -> memref<100602x128xf32, #tpu.memory_space<hbm>>
      tpu.enqueue_indirect_dma source(%dma_start3A_278 : memref<100602x128xf32, #tpu.memory_space<hbm>>) target(%dma_start3A_268 : memref<46x128xf32, #tpu.memory_space<vmem>>) offsets(%dma_start3A_271 : memref<46xi32, #tpu.memory_space<vmem>>) semaphore(%arg14 : memref<!tpu.dma_semaphore, #tpu.memory_space<semaphore_mem>>)
      %slice3A_279 = vector.extract_strided_slice %get3A_182 {offsets = [6], sizes = [1], strides = [1]} : vector<16xi32> to vector<1xi32>
      %squeeze3A_280 = vector.extract %slice3A_279[0] : i32 from vector<1xi32>
      %dma_start3A_281 = arith.constant 6 : i32
      %dma_start3A_282 = arith.constant 276 : i32
      %dma_start3A_283 = arith.constant 0 : i32
      %dma_start3A_284 = tpu.memref_slice %arg9[%dma_start3A_282, %dma_start3A_283] : memref<368x128xf32, #tpu.memory_space<vmem>> -> memref<46x128xf32, #tpu.memory_space<vmem>>
      %dma_start3A_285 = arith.constant 0 : i32
      %dma_start3A_286 = tpu.memref_slice %arg7[%dma_start3A_281, %dma_start3A_285] : memref<8x46xi32, #tpu.memory_space<vmem>> -> memref<1x46xi32, #tpu.memory_space<vmem>>
      %dma_start3A_287 = tpu.memref_squeeze %dma_start3A_286 : memref<1x46xi32, #tpu.memory_space<vmem>> -> memref<46xi32, #tpu.memory_space<vmem>>
      %dma_start3A_288 = arith.constant 0 : i32
      %dma_start3A_289 = arith.constant 0 : i32
      %dma_start3A_290 = tpu.memref_slice %arg4[%squeeze3A_280, %dma_start3A_288, %dma_start3A_289] : memref<3x100602x128xf32, #tpu.memory_space<hbm>> -> memref<1x100602x128xf32, #tpu.memory_space<hbm>>
      %dma_start3A_291 = tpu.memref_squeeze %dma_start3A_290 : memref<1x100602x128xf32, #tpu.memory_space<hbm>> -> memref<100602x128xf32, #tpu.memory_space<hbm>>
      %dma_start3A_292 = arith.constant 0 : i32
      %dma_start3A_293 = arith.constant 0 : i32
      %dma_start3A_294 = tpu.memref_slice %dma_start3A_291[%dma_start3A_292, %dma_start3A_293] : memref<100602x128xf32, #tpu.memory_space<hbm>> -> memref<100602x128xf32, #tpu.memory_space<hbm>>
      tpu.enqueue_indirect_dma source(%dma_start3A_294 : memref<100602x128xf32, #tpu.memory_space<hbm>>) target(%dma_start3A_284 : memref<46x128xf32, #tpu.memory_space<vmem>>) offsets(%dma_start3A_287 : memref<46xi32, #tpu.memory_space<vmem>>) semaphore(%arg14 : memref<!tpu.dma_semaphore, #tpu.memory_space<semaphore_mem>>)
      %slice3A_295 = vector.extract_strided_slice %get3A_182 {offsets = [7], sizes = [1], strides = [1]} : vector<16xi32> to vector<1xi32>
      %squeeze3A_296 = vector.extract %slice3A_295[0] : i32 from vector<1xi32>
      %dma_start3A_297 = arith.constant 7 : i32
      %dma_start3A_298 = arith.constant 322 : i32
      %dma_start3A_299 = arith.constant 0 : i32
      %dma_start3A_300 = tpu.memref_slice %arg9[%dma_start3A_298, %dma_start3A_299] : memref<368x128xf32, #tpu.memory_space<vmem>> -> memref<46x128xf32, #tpu.memory_space<vmem>>
      %dma_start3A_301 = arith.constant 0 : i32
      %dma_start3A_302 = tpu.memref_slice %arg7[%dma_start3A_297, %dma_start3A_301] : memref<8x46xi32, #tpu.memory_space<vmem>> -> memref<1x46xi32, #tpu.memory_space<vmem>>
      %dma_start3A_303 = tpu.memref_squeeze %dma_start3A_302 : memref<1x46xi32, #tpu.memory_space<vmem>> -> memref<46xi32, #tpu.memory_space<vmem>>
      %dma_start3A_304 = arith.constant 0 : i32
      %dma_start3A_305 = arith.constant 0 : i32
      %dma_start3A_306 = tpu.memref_slice %arg4[%squeeze3A_296, %dma_start3A_304, %dma_start3A_305] : memref<3x100602x128xf32, #tpu.memory_space<hbm>> -> memref<1x100602x128xf32, #tpu.memory_space<hbm>>
      %dma_start3A_307 = tpu.memref_squeeze %dma_start3A_306 : memref<1x100602x128xf32, #tpu.memory_space<hbm>> -> memref<100602x128xf32, #tpu.memory_space<hbm>>
      %dma_start3A_308 = arith.constant 0 : i32
      %dma_start3A_309 = arith.constant 0 : i32
      %dma_start3A_310 = tpu.memref_slice %dma_start3A_307[%dma_start3A_308, %dma_start3A_309] : memref<100602x128xf32, #tpu.memory_space<hbm>> -> memref<100602x128xf32, #tpu.memory_space<hbm>>
      tpu.enqueue_indirect_dma source(%dma_start3A_310 : memref<100602x128xf32, #tpu.memory_space<hbm>>) target(%dma_start3A_300 : memref<46x128xf32, #tpu.memory_space<vmem>>) offsets(%dma_start3A_303 : memref<46xi32, #tpu.memory_space<vmem>>) semaphore(%arg14 : memref<!tpu.dma_semaphore, #tpu.memory_space<semaphore_mem>>)
      %dma_wait3A_311 = arith.constant 0 : i32
      %dma_wait3A_312 = arith.constant 0 : i32
      %dma_wait3A_313 = arith.constant 0 : i32
      %dma_wait3A_314 = tpu.memref_slice %arg4[%dma_wait3A_311, %dma_wait3A_312, %dma_wait3A_313] : memref<3x100602x128xf32, #tpu.memory_space<hbm>> -> memref<1x100602x128xf32, #tpu.memory_space<hbm>>
      %dma_wait3A_315 = tpu.memref_squeeze %dma_wait3A_314 : memref<1x100602x128xf32, #tpu.memory_space<hbm>> -> memref<100602x128xf32, #tpu.memory_space<hbm>>
      %dma_wait3A_316 = arith.constant 0 : i32
      %dma_wait3A_317 = arith.constant 0 : i32
      %dma_wait3A_318 = tpu.memref_slice %dma_wait3A_315[%dma_wait3A_316, %dma_wait3A_317] : memref<100602x128xf32, #tpu.memory_space<hbm>> -> memref<368x128xf32, #tpu.memory_space<hbm>>
      %dma_wait3A_319 = arith.constant 0 : i32
      %dma_wait3A_320 = arith.constant 0 : i32
      %dma_wait3A_321 = tpu.memref_slice %arg4[%dma_wait3A_311, %dma_wait3A_319, %dma_wait3A_320] : memref<3x100602x128xf32, #tpu.memory_space<hbm>> -> memref<1x100602x128xf32, #tpu.memory_space<hbm>>
      %dma_wait3A_322 = tpu.memref_squeeze %dma_wait3A_321 : memref<1x100602x128xf32, #tpu.memory_space<hbm>> -> memref<100602x128xf32, #tpu.memory_space<hbm>>
      %dma_wait3A_323 = arith.constant 0 : i32
      %dma_wait3A_324 = arith.constant 0 : i32
      %dma_wait3A_325 = tpu.memref_slice %dma_wait3A_322[%dma_wait3A_323, %dma_wait3A_324] : memref<100602x128xf32, #tpu.memory_space<hbm>> -> memref<368x128xf32, #tpu.memory_space<hbm>>
      tpu.wait_dma2 semaphore(%arg13 : memref<!tpu.dma_semaphore, #tpu.memory_space<semaphore_mem>>) src(%dma_wait3A_325 : memref<368x128xf32, #tpu.memory_space<hbm>>) dst(%arg8 : memref<368x128xf32, #tpu.memory_space<vmem>>)
      %add3A_326 = arith.constant 1 : i32
      %add3A_327 = arith.addi %scan3A_165, %add3A_326 : i32
      %lt3A = arith.constant 32 : i32
      %lt3A_328 = arith.cmpi slt, %add3A_327, %lt3A : i32
      %convert_element_type3A = arith.extui %lt3A_328 : i1 to i32
      %cond3A = arith.constant 0 : i32
      %cond3A_329 = arith.cmpi ne, %convert_element_type3A, %cond3A : i32
      scf.if %cond3A_329 {
        %add3A_1501 = arith.constant 2 : i32
        %add3A_1502 = arith.addi %mul3A_168, %add3A_1501 : i32
        %mul3A_1503 = arith.constant 8 : i32
        %mul3A_1504 = arith.muli %add3A_1502, %mul3A_1503 : i32
        %add3A_1505 = arith.addi %mul3A_2, %mul3A_1504 : i32
        %dma_start3A_1506 = arith.constant 0 : i32
        %dma_start3A_1507 = tpu.memref_slice %arg2[%add3A_1505, %dma_start3A_1506] : memref<16384x46xi32, #tpu.memory_space<hbm>> -> memref<8x46xi32, #tpu.memory_space<hbm>>
        %dma_start3A_1508 = arith.constant 0 : i32
        %dma_start3A_1509 = tpu.memref_slice %arg2[%add3A_1505, %dma_start3A_1508] : memref<16384x46xi32, #tpu.memory_space<hbm>> -> memref<8x46xi32, #tpu.memory_space<hbm>>
        tpu.enqueue_dma source(%dma_start3A_1509 : memref<8x46xi32, #tpu.memory_space<hbm>>) target(%arg6 : memref<8x46xi32, #tpu.memory_space<vmem>>) target_semaphore(%arg15 : memref<!tpu.dma_semaphore, #tpu.memory_space<semaphore_mem>>)
      } else {
      }
      %gt3A = arith.constant 0 : i32
      %gt3A_330 = arith.cmpi sgt, %scan3A_165, %gt3A : i32
      %convert_element_type3A_331 = arith.extui %gt3A_330 : i1 to i32
      %cond3A_332 = arith.constant 0 : i32
      %cond3A_333 = arith.cmpi ne, %convert_element_type3A_331, %cond3A_332 : i32
      scf.if %cond3A_333 {
        %sub3A = arith.constant 2 : i32
        %sub3A_1501 = arith.subi %mul3A_168, %sub3A : i32
        %mul3A_1502 = arith.constant 8 : i32
        %mul3A_1503 = arith.muli %sub3A_1501, %mul3A_1502 : i32
        %add3A_1504 = arith.addi %mul3A_2, %mul3A_1503 : i32
        %dma_wait3A_1505 = arith.constant 0 : i32
        %dma_wait3A_1506 = tpu.memref_slice %arg5[%add3A_1504, %dma_wait3A_1505] : memref<16384x128xf32, #tpu.memory_space<hbm>> -> memref<8x128xf32, #tpu.memory_space<hbm>>
        %dma_wait3A_1507 = arith.constant 0 : i32
        %dma_wait3A_1508 = tpu.memref_slice %arg5[%add3A_1504, %dma_wait3A_1507] : memref<16384x128xf32, #tpu.memory_space<hbm>> -> memref<8x128xf32, #tpu.memory_space<hbm>>
        tpu.wait_dma2 semaphore(%arg17 : memref<!tpu.dma_semaphore, #tpu.memory_space<semaphore_mem>>) src(%arg10 : memref<8x128xf32, #tpu.memory_space<vmem>>) dst(%dma_wait3A_1508 : memref<8x128xf32, #tpu.memory_space<hbm>>)
      } else {
      }
      %broadcast_in_dim3A = arith.constant 0.000000e+00 : f32
      %broadcast_in_dim3A_334 = vector.broadcast %broadcast_in_dim3A : f32 to vector<16xf32>
      %broadcast_in_dim3A_335 = arith.constant 0.000000e+00 : f32
      %broadcast_in_dim3A_336 = vector.broadcast %broadcast_in_dim3A_335 : f32 to vector<16xf32>
      %broadcast_in_dim3A_337 = arith.constant 0.000000e+00 : f32
      %broadcast_in_dim3A_338 = vector.broadcast %broadcast_in_dim3A_337 : f32 to vector<16xf32>
      %broadcast_in_dim3A_339 = arith.constant 0.000000e+00 : f32
      %broadcast_in_dim3A_340 = vector.broadcast %broadcast_in_dim3A_339 : f32 to vector<16xf32>
      %broadcast_in_dim3A_341 = arith.constant 0.000000e+00 : f32
      %broadcast_in_dim3A_342 = vector.broadcast %broadcast_in_dim3A_341 : f32 to vector<16xf32>
      %broadcast_in_dim3A_343 = arith.constant 0.000000e+00 : f32
      %broadcast_in_dim3A_344 = vector.broadcast %broadcast_in_dim3A_343 : f32 to vector<16xf32>
      %broadcast_in_dim3A_345 = arith.constant 0.000000e+00 : f32
      %broadcast_in_dim3A_346 = vector.broadcast %broadcast_in_dim3A_345 : f32 to vector<16xf32>
      %broadcast_in_dim3A_347 = arith.constant 0.000000e+00 : f32
      %broadcast_in_dim3A_348 = vector.broadcast %broadcast_in_dim3A_347 : f32 to vector<16xf32>
      %scan3A_349 = arith.constant 0 : i32
      %scan3A_350 = arith.constant 23 : i32
      %scan3A_351 = arith.addi %scan3A_349, %scan3A_350 : i32
      %scan3A_352 = arith.constant 1 : i32
      %scan3A_353:8 = scf.for %scan3A_1501 = %scan3A_349 to %scan3A_351 step %scan3A_352 iter_args(%scan3A_1502 = %broadcast_in_dim3A_334, %scan3A_1503 = %broadcast_in_dim3A_336, %scan3A_1504 = %broadcast_in_dim3A_338, %scan3A_1505 = %broadcast_in_dim3A_340, %scan3A_1506 = %broadcast_in_dim3A_342, %scan3A_1507 = %broadcast_in_dim3A_344, %scan3A_1508 = %broadcast_in_dim3A_346, %scan3A_1509 = %broadcast_in_dim3A_348) -> (vector<16xf32>, vector<16xf32>, vector<16xf32>, vector<16xf32>, vector<16xf32>, vector<16xf32>, vector<16xf32>, vector<16xf32>)  : i32 {
        %mul3A_1510 = arith.constant 2 : i32
        %mul3A_1511 = arith.muli %mul3A_1510, %scan3A_1501 : i32
        %add3A_1512 = arith.constant 0 : i32
        %add3A_1513 = arith.addi %add3A_1512, %mul3A_1511 : i32
        %get3A_1514 = arith.index_cast %add3A_1513 : i32 to index
        %get3A_1515 = arith.constant 0 : index
        %get3A_1516 = tpu.vector_load %arg8[%get3A_1514, %get3A_1515] {strides = array<i32>} : memref<368x128xf32, #tpu.memory_space<vmem>>, vector<1x16xf32>,
        %get3A_1517 = vector.shape_cast %get3A_1516 : vector<1x16xf32> to vector<16xf32>
        %add3A_1518 = arith.addf %scan3A_1502, %get3A_1517 : vector<16xf32>
        %get3A_1519 = arith.index_cast %add3A_1513 : i32 to index
        %get3A_1520 = arith.constant 16 : index
        %get3A_1521 = tpu.vector_load %arg8[%get3A_1519, %get3A_1520] {strides = array<i32>} : memref<368x128xf32, #tpu.memory_space<vmem>>, vector<1x16xf32>,
        %get3A_1522 = vector.shape_cast %get3A_1521 : vector<1x16xf32> to vector<16xf32>
        %add3A_1523 = arith.addf %scan3A_1503, %get3A_1522 : vector<16xf32>
        %get3A_1524 = arith.index_cast %add3A_1513 : i32 to index
        %get3A_1525 = arith.constant 32 : index
        %get3A_1526 = tpu.vector_load %arg8[%get3A_1524, %get3A_1525] {strides = array<i32>} : memref<368x128xf32, #tpu.memory_space<vmem>>, vector<1x16xf32>,
        %get3A_1527 = vector.shape_cast %get3A_1526 : vector<1x16xf32> to vector<16xf32>
        %add3A_1528 = arith.addf %scan3A_1504, %get3A_1527 : vector<16xf32>
        %get3A_1529 = arith.index_cast %add3A_1513 : i32 to index
        %get3A_1530 = arith.constant 48 : index
        %get3A_1531 = tpu.vector_load %arg8[%get3A_1529, %get3A_1530] {strides = array<i32>} : memref<368x128xf32, #tpu.memory_space<vmem>>, vector<1x16xf32>,
        %get3A_1532 = vector.shape_cast %get3A_1531 : vector<1x16xf32> to vector<16xf32>
        %add3A_1533 = arith.addf %scan3A_1505, %get3A_1532 : vector<16xf32>
        %get3A_1534 = arith.index_cast %add3A_1513 : i32 to index
        %get3A_1535 = arith.constant 64 : index
        %get3A_1536 = tpu.vector_load %arg8[%get3A_1534, %get3A_1535] {strides = array<i32>} : memref<368x128xf32, #tpu.memory_space<vmem>>, vector<1x16xf32>,
        %get3A_1537 = vector.shape_cast %get3A_1536 : vector<1x16xf32> to vector<16xf32>
        %add3A_1538 = arith.addf %scan3A_1506, %get3A_1537 : vector<16xf32>
        %get3A_1539 = arith.index_cast %add3A_1513 : i32 to index
        %get3A_1540 = arith.constant 80 : index
        %get3A_1541 = tpu.vector_load %arg8[%get3A_1539, %get3A_1540] {strides = array<i32>} : memref<368x128xf32, #tpu.memory_space<vmem>>, vector<1x16xf32>,
        %get3A_1542 = vector.shape_cast %get3A_1541 : vector<1x16xf32> to vector<16xf32>
        %add3A_1543 = arith.addf %scan3A_1507, %get3A_1542 : vector<16xf32>
        %get3A_1544 = arith.index_cast %add3A_1513 : i32 to index
        %get3A_1545 = arith.constant 96 : index
        %get3A_1546 = tpu.vector_load %arg8[%get3A_1544, %get3A_1545] {strides = array<i32>} : memref<368x128xf32, #tpu.memory_space<vmem>>, vector<1x16xf32>,
        %get3A_1547 = vector.shape_cast %get3A_1546 : vector<1x16xf32> to vector<16xf32>
        %add3A_1548 = arith.addf %scan3A_1508, %get3A_1547 : vector<16xf32>
        %get3A_1549 = arith.index_cast %add3A_1513 : i32 to index
        %get3A_1550 = arith.constant 112 : index
        %get3A_1551 = tpu.vector_load %arg8[%get3A_1549, %get3A_1550] {strides = array<i32>} : memref<368x128xf32, #tpu.memory_space<vmem>>, vector<1x16xf32>,
        %get3A_1552 = vector.shape_cast %get3A_1551 : vector<1x16xf32> to vector<16xf32>
        %add3A_1553 = arith.addf %scan3A_1509, %get3A_1552 : vector<16xf32>
        %add3A_1554 = arith.constant 1 : i32
        %add3A_1555 = arith.addi %add3A_1513, %add3A_1554 : i32
        %get3A_1556 = arith.index_cast %add3A_1555 : i32 to index
        %get3A_1557 = arith.constant 0 : index
        %get3A_1558 = tpu.vector_load %arg8[%get3A_1556, %get3A_1557] {strides = array<i32>} : memref<368x128xf32, #tpu.memory_space<vmem>>, vector<1x16xf32>,
        %get3A_1559 = vector.shape_cast %get3A_1558 : vector<1x16xf32> to vector<16xf32>
        %add3A_1560 = arith.addf %add3A_1518, %get3A_1559 : vector<16xf32>
        %add3A_1561 = arith.constant 1 : i32
        %add3A_1562 = arith.addi %add3A_1513, %add3A_1561 : i32
        %get3A_1563 = arith.index_cast %add3A_1562 : i32 to index
        %get3A_1564 = arith.constant 16 : index
        %get3A_1565 = tpu.vector_load %arg8[%get3A_1563, %get3A_1564] {strides = array<i32>} : memref<368x128xf32, #tpu.memory_space<vmem>>, vector<1x16xf32>,
        %get3A_1566 = vector.shape_cast %get3A_1565 : vector<1x16xf32> to vector<16xf32>
        %add3A_1567 = arith.addf %add3A_1523, %get3A_1566 : vector<16xf32>
        %add3A_1568 = arith.constant 1 : i32
        %add3A_1569 = arith.addi %add3A_1513, %add3A_1568 : i32
        %get3A_1570 = arith.index_cast %add3A_1569 : i32 to index
        %get3A_1571 = arith.constant 32 : index
        %get3A_1572 = tpu.vector_load %arg8[%get3A_1570, %get3A_1571] {strides = array<i32>} : memref<368x128xf32, #tpu.memory_space<vmem>>, vector<1x16xf32>,
        %get3A_1573 = vector.shape_cast %get3A_1572 : vector<1x16xf32> to vector<16xf32>
        %add3A_1574 = arith.addf %add3A_1528, %get3A_1573 : vector<16xf32>
        %add3A_1575 = arith.constant 1 : i32
        %add3A_1576 = arith.addi %add3A_1513, %add3A_1575 : i32
        %get3A_1577 = arith.index_cast %add3A_1576 : i32 to index
        %get3A_1578 = arith.constant 48 : index
        %get3A_1579 = tpu.vector_load %arg8[%get3A_1577, %get3A_1578] {strides = array<i32>} : memref<368x128xf32, #tpu.memory_space<vmem>>, vector<1x16xf32>,
        %get3A_1580 = vector.shape_cast %get3A_1579 : vector<1x16xf32> to vector<16xf32>
        %add3A_1581 = arith.addf %add3A_1533, %get3A_1580 : vector<16xf32>
        %add3A_1582 = arith.constant 1 : i32
        %add3A_1583 = arith.addi %add3A_1513, %add3A_1582 : i32
        %get3A_1584 = arith.index_cast %add3A_1583 : i32 to index
        %get3A_1585 = arith.constant 64 : index
        %get3A_1586 = tpu.vector_load %arg8[%get3A_1584, %get3A_1585] {strides = array<i32>} : memref<368x128xf32, #tpu.memory_space<vmem>>, vector<1x16xf32>,
        %get3A_1587 = vector.shape_cast %get3A_1586 : vector<1x16xf32> to vector<16xf32>
        %add3A_1588 = arith.addf %add3A_1538, %get3A_1587 : vector<16xf32>
        %add3A_1589 = arith.constant 1 : i32
        %add3A_1590 = arith.addi %add3A_1513, %add3A_1589 : i32
        %get3A_1591 = arith.index_cast %add3A_1590 : i32 to index
        %get3A_1592 = arith.constant 80 : index
        %get3A_1593 = tpu.vector_load %arg8[%get3A_1591, %get3A_1592] {strides = array<i32>} : memref<368x128xf32, #tpu.memory_space<vmem>>, vector<1x16xf32>,
        %get3A_1594 = vector.shape_cast %get3A_1593 : vector<1x16xf32> to vector<16xf32>
        %add3A_1595 = arith.addf %add3A_1543, %get3A_1594 : vector<16xf32>
        %add3A_1596 = arith.constant 1 : i32
        %add3A_1597 = arith.addi %add3A_1513, %add3A_1596 : i32
        %get3A_1598 = arith.index_cast %add3A_1597 : i32 to index
        %get3A_1599 = arith.constant 96 : index
        %get3A_1600 = tpu.vector_load %arg8[%get3A_1598, %get3A_1599] {strides = array<i32>} : memref<368x128xf32, #tpu.memory_space<vmem>>, vector<1x16xf32>,
        %get3A_1601 = vector.shape_cast %get3A_1600 : vector<1x16xf32> to vector<16xf32>
        %add3A_1602 = arith.addf %add3A_1548, %get3A_1601 : vector<16xf32>
        %add3A_1603 = arith.constant 1 : i32
        %add3A_1604 = arith.addi %add3A_1513, %add3A_1603 : i32
        %get3A_1605 = arith.index_cast %add3A_1604 : i32 to index
        %get3A_1606 = arith.constant 112 : index
        %get3A_1607 = tpu.vector_load %arg8[%get3A_1605, %get3A_1606] {strides = array<i32>} : memref<368x128xf32, #tpu.memory_space<vmem>>, vector<1x16xf32>,
        %get3A_1608 = vector.shape_cast %get3A_1607 : vector<1x16xf32> to vector<16xf32>
        %add3A_1609 = arith.addf %add3A_1553, %get3A_1608 : vector<16xf32>
        scf.yield %add3A_1560, %add3A_1567, %add3A_1574, %add3A_1581, %add3A_1588, %add3A_1595, %add3A_1602, %add3A_1609 : vector<16xf32>, vector<16xf32>, vector<16xf32>, vector<16xf32>, vector<16xf32>, vector<16xf32>, vector<16xf32>, vector<16xf32>
      }
      %scan3A_354 = arith.constant 23 : i32
      %swap3A = arith.constant 0 : i32
      %swap3A_355 = arith.index_cast %swap3A : i32 to index
      %swap3A_356 = arith.constant 0 : index
      %swap3A_357 = tpu.vector_load %arg10[%swap3A_355, %swap3A_356] {strides = array<i32>} : memref<8x128xf32, #tpu.memory_space<vmem>>, vector<1x16xf32>,
      %swap3A_358 = vector.shape_cast %swap3A_357 : vector<1x16xf32> to vector<16xf32>
      %swap3A_359 = vector.shape_cast %scan3A_353#0 : vector<16xf32> to vector<1x16xf32>
      tpu.vector_store %arg10[%swap3A_355, %swap3A_356], %swap3A_359 {strides = array<i32>} : memref<8x128xf32, #tpu.memory_space<vmem>>, vector<1x16xf32>,
      %swap3A_360 = arith.constant 0 : i32
      %swap3A_361 = arith.index_cast %swap3A_360 : i32 to index
      %swap3A_362 = arith.constant 16 : index
      %swap3A_363 = tpu.vector_load %arg10[%swap3A_361, %swap3A_362] {strides = array<i32>} : memref<8x128xf32, #tpu.memory_space<vmem>>, vector<1x16xf32>,
      %swap3A_364 = vector.shape_cast %swap3A_363 : vector<1x16xf32> to vector<16xf32>
      %swap3A_365 = vector.shape_cast %scan3A_353#1 : vector<16xf32> to vector<1x16xf32>
      tpu.vector_store %arg10[%swap3A_361, %swap3A_362], %swap3A_365 {strides = array<i32>} : memref<8x128xf32, #tpu.memory_space<vmem>>, vector<1x16xf32>,
      %swap3A_366 = arith.constant 0 : i32
      %swap3A_367 = arith.index_cast %swap3A_366 : i32 to index
      %swap3A_368 = arith.constant 32 : index
      %swap3A_369 = tpu.vector_load %arg10[%swap3A_367, %swap3A_368] {strides = array<i32>} : memref<8x128xf32, #tpu.memory_space<vmem>>, vector<1x16xf32>,
      %swap3A_370 = vector.shape_cast %swap3A_369 : vector<1x16xf32> to vector<16xf32>
      %swap3A_371 = vector.shape_cast %scan3A_353#2 : vector<16xf32> to vector<1x16xf32>
      tpu.vector_store %arg10[%swap3A_367, %swap3A_368], %swap3A_371 {strides = array<i32>} : memref<8x128xf32, #tpu.memory_space<vmem>>, vector<1x16xf32>,
      %swap3A_372 = arith.constant 0 : i32
      %swap3A_373 = arith.index_cast %swap3A_372 : i32 to index
      %swap3A_374 = arith.constant 48 : index
      %swap3A_375 = tpu.vector_load %arg10[%swap3A_373, %swap3A_374] {strides = array<i32>} : memref<8x128xf32, #tpu.memory_space<vmem>>, vector<1x16xf32>,
      %swap3A_376 = vector.shape_cast %swap3A_375 : vector<1x16xf32> to vector<16xf32>
      %swap3A_377 = vector.shape_cast %scan3A_353#3 : vector<16xf32> to vector<1x16xf32>
      tpu.vector_store %arg10[%swap3A_373, %swap3A_374], %swap3A_377 {strides = array<i32>} : memref<8x128xf32, #tpu.memory_space<vmem>>, vector<1x16xf32>,
      %swap3A_378 = arith.constant 0 : i32
      %swap3A_379 = arith.index_cast %swap3A_378 : i32 to index
      %swap3A_380 = arith.constant 64 : index
      %swap3A_381 = tpu.vector_load %arg10[%swap3A_379, %swap3A_380] {strides = array<i32>} : memref<8x128xf32, #tpu.memory_space<vmem>>, vector<1x16xf32>,
      %swap3A_382 = vector.shape_cast %swap3A_381 : vector<1x16xf32> to vector<16xf32>
      %swap3A_383 = vector.shape_cast %scan3A_353#4 : vector<16xf32> to vector<1x16xf32>
      tpu.vector_store %arg10[%swap3A_379, %swap3A_380], %swap3A_383 {strides = array<i32>} : memref<8x128xf32, #tpu.memory_space<vmem>>, vector<1x16xf32>,
      %swap3A_384 = arith.constant 0 : i32
      %swap3A_385 = arith.index_cast %swap3A_384 : i32 to index
      %swap3A_386 = arith.constant 80 : index
      %swap3A_387 = tpu.vector_load %arg10[%swap3A_385, %swap3A_386] {strides = array<i32>} : memref<8x128xf32, #tpu.memory_space<vmem>>, vector<1x16xf32>,
      %swap3A_388 = vector.shape_cast %swap3A_387 : vector<1x16xf32> to vector<16xf32>
      %swap3A_389 = vector.shape_cast %scan3A_353#5 : vector<16xf32> to vector<1x16xf32>
      tpu.vector_store %arg10[%swap3A_385, %swap3A_386], %swap3A_389 {strides = array<i32>} : memref<8x128xf32, #tpu.memory_space<vmem>>, vector<1x16xf32>,
      %swap3A_390 = arith.constant 0 : i32
      %swap3A_391 = arith.index_cast %swap3A_390 : i32 to index
      %swap3A_392 = arith.constant 96 : index
      %swap3A_393 = tpu.vector_load %arg10[%swap3A_391, %swap3A_392] {strides = array<i32>} : memref<8x128xf32, #tpu.memory_space<vmem>>, vector<1x16xf32>,
      %swap3A_394 = vector.shape_cast %swap3A_393 : vector<1x16xf32> to vector<16xf32>
      %swap3A_395 = vector.shape_cast %scan3A_353#6 : vector<16xf32> to vector<1x16xf32>
      tpu.vector_store %arg10[%swap3A_391, %swap3A_392], %swap3A_395 {strides = array<i32>} : memref<8x128xf32, #tpu.memory_space<vmem>>, vector<1x16xf32>,
      %swap3A_396 = arith.constant 0 : i32
      %swap3A_397 = arith.index_cast %swap3A_396 : i32 to index
      %swap3A_398 = arith.constant 112 : index
      %swap3A_399 = tpu.vector_load %arg10[%swap3A_397, %swap3A_398] {strides = array<i32>} : memref<8x128xf32, #tpu.memory_space<vmem>>, vector<1x16xf32>,
      %swap3A_400 = vector.shape_cast %swap3A_399 : vector<1x16xf32> to vector<16xf32>
      %swap3A_401 = vector.shape_cast %scan3A_353#7 : vector<16xf32> to vector<1x16xf32>
      tpu.vector_store %arg10[%swap3A_397, %swap3A_398], %swap3A_401 {strides = array<i32>} : memref<8x128xf32, #tpu.memory_space<vmem>>, vector<1x16xf32>,
      %broadcast_in_dim3A_402 = arith.constant 0.000000e+00 : f32
      %broadcast_in_dim3A_403 = vector.broadcast %broadcast_in_dim3A_402 : f32 to vector<16xf32>
      %broadcast_in_dim3A_404 = arith.constant 0.000000e+00 : f32
      %broadcast_in_dim3A_405 = vector.broadcast %broadcast_in_dim3A_404 : f32 to vector<16xf32>
      %broadcast_in_dim3A_406 = arith.constant 0.000000e+00 : f32
      %broadcast_in_dim3A_407 = vector.broadcast %broadcast_in_dim3A_406 : f32 to vector<16xf32>
      %broadcast_in_dim3A_408 = arith.constant 0.000000e+00 : f32
      %broadcast_in_dim3A_409 = vector.broadcast %broadcast_in_dim3A_408 : f32 to vector<16xf32>
      %broadcast_in_dim3A_410 = arith.constant 0.000000e+00 : f32
      %broadcast_in_dim3A_411 = vector.broadcast %broadcast_in_dim3A_410 : f32 to vector<16xf32>
      %broadcast_in_dim3A_412 = arith.constant 0.000000e+00 : f32
      %broadcast_in_dim3A_413 = vector.broadcast %broadcast_in_dim3A_412 : f32 to vector<16xf32>
      %broadcast_in_dim3A_414 = arith.constant 0.000000e+00 : f32
      %broadcast_in_dim3A_415 = vector.broadcast %broadcast_in_dim3A_414 : f32 to vector<16xf32>
      %broadcast_in_dim3A_416 = arith.constant 0.000000e+00 : f32
      %broadcast_in_dim3A_417 = vector.broadcast %broadcast_in_dim3A_416 : f32 to vector<16xf32>
      %scan3A_418 = arith.constant 0 : i32
      %scan3A_419 = arith.constant 23 : i32
      %scan3A_420 = arith.addi %scan3A_418, %scan3A_419 : i32
      %scan3A_421 = arith.constant 1 : i32
      %scan3A_422:8 = scf.for %scan3A_1501 = %scan3A_418 to %scan3A_420 step %scan3A_421 iter_args(%scan3A_1502 = %broadcast_in_dim3A_403, %scan3A_1503 = %broadcast_in_dim3A_405, %scan3A_1504 = %broadcast_in_dim3A_407, %scan3A_1505 = %broadcast_in_dim3A_409, %scan3A_1506 = %broadcast_in_dim3A_411, %scan3A_1507 = %broadcast_in_dim3A_413, %scan3A_1508 = %broadcast_in_dim3A_415, %scan3A_1509 = %broadcast_in_dim3A_417) -> (vector<16xf32>, vector<16xf32>, vector<16xf32>, vector<16xf32>, vector<16xf32>, vector<16xf32>, vector<16xf32>, vector<16xf32>)  : i32 {
        %mul3A_1510 = arith.constant 2 : i32
        %mul3A_1511 = arith.muli %mul3A_1510, %scan3A_1501 : i32
        %add3A_1512 = arith.constant 46 : i32
        %add3A_1513 = arith.addi %add3A_1512, %mul3A_1511 : i32
        %get3A_1514 = arith.index_cast %add3A_1513 : i32 to index
        %get3A_1515 = arith.constant 0 : index
        %get3A_1516 = tpu.vector_load %arg8[%get3A_1514, %get3A_1515] {strides = array<i32>} : memref<368x128xf32, #tpu.memory_space<vmem>>, vector<1x16xf32>,
        %get3A_1517 = vector.shape_cast %get3A_1516 : vector<1x16xf32> to vector<16xf32>
        %add3A_1518 = arith.addf %scan3A_1502, %get3A_1517 : vector<16xf32>
        %get3A_1519 = arith.index_cast %add3A_1513 : i32 to index
        %get3A_1520 = arith.constant 16 : index
        %get3A_1521 = tpu.vector_load %arg8[%get3A_1519, %get3A_1520] {strides = array<i32>} : memref<368x128xf32, #tpu.memory_space<vmem>>, vector<1x16xf32>,
        %get3A_1522 = vector.shape_cast %get3A_1521 : vector<1x16xf32> to vector<16xf32>
        %add3A_1523 = arith.addf %scan3A_1503, %get3A_1522 : vector<16xf32>
        %get3A_1524 = arith.index_cast %add3A_1513 : i32 to index
        %get3A_1525 = arith.constant 32 : index
        %get3A_1526 = tpu.vector_load %arg8[%get3A_1524, %get3A_1525] {strides = array<i32>} : memref<368x128xf32, #tpu.memory_space<vmem>>, vector<1x16xf32>,
        %get3A_1527 = vector.shape_cast %get3A_1526 : vector<1x16xf32> to vector<16xf32>
        %add3A_1528 = arith.addf %scan3A_1504, %get3A_1527 : vector<16xf32>
        %get3A_1529 = arith.index_cast %add3A_1513 : i32 to index
        %get3A_1530 = arith.constant 48 : index
        %get3A_1531 = tpu.vector_load %arg8[%get3A_1529, %get3A_1530] {strides = array<i32>} : memref<368x128xf32, #tpu.memory_space<vmem>>, vector<1x16xf32>,
        %get3A_1532 = vector.shape_cast %get3A_1531 : vector<1x16xf32> to vector<16xf32>
        %add3A_1533 = arith.addf %scan3A_1505, %get3A_1532 : vector<16xf32>
        %get3A_1534 = arith.index_cast %add3A_1513 : i32 to index
        %get3A_1535 = arith.constant 64 : index
        %get3A_1536 = tpu.vector_load %arg8[%get3A_1534, %get3A_1535] {strides = array<i32>} : memref<368x128xf32, #tpu.memory_space<vmem>>, vector<1x16xf32>,
        %get3A_1537 = vector.shape_cast %get3A_1536 : vector<1x16xf32> to vector<16xf32>
        %add3A_1538 = arith.addf %scan3A_1506, %get3A_1537 : vector<16xf32>
        %get3A_1539 = arith.index_cast %add3A_1513 : i32 to index
        %get3A_1540 = arith.constant 80 : index
        %get3A_1541 = tpu.vector_load %arg8[%get3A_1539, %get3A_1540] {strides = array<i32>} : memref<368x128xf32, #tpu.memory_space<vmem>>, vector<1x16xf32>,
        %get3A_1542 = vector.shape_cast %get3A_1541 : vector<1x16xf32> to vector<16xf32>
        %add3A_1543 = arith.addf %scan3A_1507, %get3A_1542 : vector<16xf32>
        %get3A_1544 = arith.index_cast %add3A_1513 : i32 to index
        %get3A_1545 = arith.constant 96 : index
        %get3A_1546 = tpu.vector_load %arg8[%get3A_1544, %get3A_1545] {strides = array<i32>} : memref<368x128xf32, #tpu.memory_space<vmem>>, vector<1x16xf32>,
        %get3A_1547 = vector.shape_cast %get3A_1546 : vector<1x16xf32> to vector<16xf32>
        %add3A_1548 = arith.addf %scan3A_1508, %get3A_1547 : vector<16xf32>
        %get3A_1549 = arith.index_cast %add3A_1513 : i32 to index
        %get3A_1550 = arith.constant 112 : index
        %get3A_1551 = tpu.vector_load %arg8[%get3A_1549, %get3A_1550] {strides = array<i32>} : memref<368x128xf32, #tpu.memory_space<vmem>>, vector<1x16xf32>,
        %get3A_1552 = vector.shape_cast %get3A_1551 : vector<1x16xf32> to vector<16xf32>
        %add3A_1553 = arith.addf %scan3A_1509, %get3A_1552 : vector<16xf32>
        %add3A_1554 = arith.constant 1 : i32
        %add3A_1555 = arith.addi %add3A_1513, %add3A_1554 : i32
        %get3A_1556 = arith.index_cast %add3A_1555 : i32 to index
        %get3A_1557 = arith.constant 0 : index
        %get3A_1558 = tpu.vector_load %arg8[%get3A_1556, %get3A_1557] {strides = array<i32>} : memref<368x128xf32, #tpu.memory_space<vmem>>, vector<1x16xf32>,
        %get3A_1559 = vector.shape_cast %get3A_1558 : vector<1x16xf32> to vector<16xf32>
        %add3A_1560 = arith.addf %add3A_1518, %get3A_1559 : vector<16xf32>
        %add3A_1561 = arith.constant 1 : i32
        %add3A_1562 = arith.addi %add3A_1513, %add3A_1561 : i32
        %get3A_1563 = arith.index_cast %add3A_1562 : i32 to index
        %get3A_1564 = arith.constant 16 : index
        %get3A_1565 = tpu.vector_load %arg8[%get3A_1563, %get3A_1564] {strides = array<i32>} : memref<368x128xf32, #tpu.memory_space<vmem>>, vector<1x16xf32>,
        %get3A_1566 = vector.shape_cast %get3A_1565 : vector<1x16xf32> to vector<16xf32>
        %add3A_1567 = arith.addf %add3A_1523, %get3A_1566 : vector<16xf32>
        %add3A_1568 = arith.constant 1 : i32
        %add3A_1569 = arith.addi %add3A_1513, %add3A_1568 : i32
        %get3A_1570 = arith.index_cast %add3A_1569 : i32 to index
        %get3A_1571 = arith.constant 32 : index
        %get3A_1572 = tpu.vector_load %arg8[%get3A_1570, %get3A_1571] {strides = array<i32>} : memref<368x128xf32, #tpu.memory_space<vmem>>, vector<1x16xf32>,
        %get3A_1573 = vector.shape_cast %get3A_1572 : vector<1x16xf32> to vector<16xf32>
        %add3A_1574 = arith.addf %add3A_1528, %get3A_1573 : vector<16xf32>
        %add3A_1575 = arith.constant 1 : i32
        %add3A_1576 = arith.addi %add3A_1513, %add3A_1575 : i32
        %get3A_1577 = arith.index_cast %add3A_1576 : i32 to index
        %get3A_1578 = arith.constant 48 : index
        %get3A_1579 = tpu.vector_load %arg8[%get3A_1577, %get3A_1578] {strides = array<i32>} : memref<368x128xf32, #tpu.memory_space<vmem>>, vector<1x16xf32>,
        %get3A_1580 = vector.shape_cast %get3A_1579 : vector<1x16xf32> to vector<16xf32>
        %add3A_1581 = arith.addf %add3A_1533, %get3A_1580 : vector<16xf32>
        %add3A_1582 = arith.constant 1 : i32
        %add3A_1583 = arith.addi %add3A_1513, %add3A_1582 : i32
        %get3A_1584 = arith.index_cast %add3A_1583 : i32 to index
        %get3A_1585 = arith.constant 64 : index
        %get3A_1586 = tpu.vector_load %arg8[%get3A_1584, %get3A_1585] {strides = array<i32>} : memref<368x128xf32, #tpu.memory_space<vmem>>, vector<1x16xf32>,
        %get3A_1587 = vector.shape_cast %get3A_1586 : vector<1x16xf32> to vector<16xf32>
        %add3A_1588 = arith.addf %add3A_1538, %get3A_1587 : vector<16xf32>
        %add3A_1589 = arith.constant 1 : i32
        %add3A_1590 = arith.addi %add3A_1513, %add3A_1589 : i32
        %get3A_1591 = arith.index_cast %add3A_1590 : i32 to index
        %get3A_1592 = arith.constant 80 : index
        %get3A_1593 = tpu.vector_load %arg8[%get3A_1591, %get3A_1592] {strides = array<i32>} : memref<368x128xf32, #tpu.memory_space<vmem>>, vector<1x16xf32>,
        %get3A_1594 = vector.shape_cast %get3A_1593 : vector<1x16xf32> to vector<16xf32>
        %add3A_1595 = arith.addf %add3A_1543, %get3A_1594 : vector<16xf32>
        %add3A_1596 = arith.constant 1 : i32
        %add3A_1597 = arith.addi %add3A_1513, %add3A_1596 : i32
        %get3A_1598 = arith.index_cast %add3A_1597 : i32 to index
        %get3A_1599 = arith.constant 96 : index
        %get3A_1600 = tpu.vector_load %arg8[%get3A_1598, %get3A_1599] {strides = array<i32>} : memref<368x128xf32, #tpu.memory_space<vmem>>, vector<1x16xf32>,
        %get3A_1601 = vector.shape_cast %get3A_1600 : vector<1x16xf32> to vector<16xf32>
        %add3A_1602 = arith.addf %add3A_1548, %get3A_1601 : vector<16xf32>
        %add3A_1603 = arith.constant 1 : i32
        %add3A_1604 = arith.addi %add3A_1513, %add3A_1603 : i32
        %get3A_1605 = arith.index_cast %add3A_1604 : i32 to index
        %get3A_1606 = arith.constant 112 : index
        %get3A_1607 = tpu.vector_load %arg8[%get3A_1605, %get3A_1606] {strides = array<i32>} : memref<368x128xf32, #tpu.memory_space<vmem>>, vector<1x16xf32>,
        %get3A_1608 = vector.shape_cast %get3A_1607 : vector<1x16xf32> to vector<16xf32>
        %add3A_1609 = arith.addf %add3A_1553, %get3A_1608 : vector<16xf32>
        scf.yield %add3A_1560, %add3A_1567, %add3A_1574, %add3A_1581, %add3A_1588, %add3A_1595, %add3A_1602, %add3A_1609 : vector<16xf32>, vector<16xf32>, vector<16xf32>, vector<16xf32>, vector<16xf32>, vector<16xf32>, vector<16xf32>, vector<16xf32>
      }
      %scan3A_423 = arith.constant 23 : i32
      %swap3A_424 = arith.constant 1 : i32
      %swap3A_425 = arith.index_cast %swap3A_424 : i32 to index
      %swap3A_426 = arith.constant 0 : index
      %swap3A_427 = tpu.vector_load %arg10[%swap3A_425, %swap3A_426] {strides = array<i32>} : memref<8x128xf32, #tpu.memory_space<vmem>>, vector<1x16xf32>,
      %swap3A_428 = vector.shape_cast %swap3A_427 : vector<1x16xf32> to vector<16xf32>
      %swap3A_429 = vector.shape_cast %scan3A_422#0 : vector<16xf32> to vector<1x16xf32>
      tpu.vector_store %arg10[%swap3A_425, %swap3A_426], %swap3A_429 {strides = array<i32>} : memref<8x128xf32, #tpu.memory_space<vmem>>, vector<1x16xf32>,
      %swap3A_430 = arith.constant 1 : i32
      %swap3A_431 = arith.index_cast %swap3A_430 : i32 to index
      %swap3A_432 = arith.constant 16 : index
      %swap3A_433 = tpu.vector_load %arg10[%swap3A_431, %swap3A_432] {strides = array<i32>} : memref<8x128xf32, #tpu.memory_space<vmem>>, vector<1x16xf32>,
      %swap3A_434 = vector.shape_cast %swap3A_433 : vector<1x16xf32> to vector<16xf32>
      %swap3A_435 = vector.shape_cast %scan3A_422#1 : vector<16xf32> to vector<1x16xf32>
      tpu.vector_store %arg10[%swap3A_431, %swap3A_432], %swap3A_435 {strides = array<i32>} : memref<8x128xf32, #tpu.memory_space<vmem>>, vector<1x16xf32>,
      %swap3A_436 = arith.constant 1 : i32
      %swap3A_437 = arith.index_cast %swap3A_436 : i32 to index
      %swap3A_438 = arith.constant 32 : index
      %swap3A_439 = tpu.vector_load %arg10[%swap3A_437, %swap3A_438] {strides = array<i32>} : memref<8x128xf32, #tpu.memory_space<vmem>>, vector<1x16xf32>,
      %swap3A_440 = vector.shape_cast %swap3A_439 : vector<1x16xf32> to vector<16xf32>
      %swap3A_441 = vector.shape_cast %scan3A_422#2 : vector<16xf32> to vector<1x16xf32>
      tpu.vector_store %arg10[%swap3A_437, %swap3A_438], %swap3A_441 {strides = array<i32>} : memref<8x128xf32, #tpu.memory_space<vmem>>, vector<1x16xf32>,
      %swap3A_442 = arith.constant 1 : i32
      %swap3A_443 = arith.index_cast %swap3A_442 : i32 to index
      %swap3A_444 = arith.constant 48 : index
      %swap3A_445 = tpu.vector_load %arg10[%swap3A_443, %swap3A_444] {strides = array<i32>} : memref<8x128xf32, #tpu.memory_space<vmem>>, vector<1x16xf32>,
      %swap3A_446 = vector.shape_cast %swap3A_445 : vector<1x16xf32> to vector<16xf32>
      %swap3A_447 = vector.shape_cast %scan3A_422#3 : vector<16xf32> to vector<1x16xf32>
      tpu.vector_store %arg10[%swap3A_443, %swap3A_444], %swap3A_447 {strides = array<i32>} : memref<8x128xf32, #tpu.memory_space<vmem>>, vector<1x16xf32>,
      %swap3A_448 = arith.constant 1 : i32
      %swap3A_449 = arith.index_cast %swap3A_448 : i32 to index
      %swap3A_450 = arith.constant 64 : index
      %swap3A_451 = tpu.vector_load %arg10[%swap3A_449, %swap3A_450] {strides = array<i32>} : memref<8x128xf32, #tpu.memory_space<vmem>>, vector<1x16xf32>,
      %swap3A_452 = vector.shape_cast %swap3A_451 : vector<1x16xf32> to vector<16xf32>
      %swap3A_453 = vector.shape_cast %scan3A_422#4 : vector<16xf32> to vector<1x16xf32>
      tpu.vector_store %arg10[%swap3A_449, %swap3A_450], %swap3A_453 {strides = array<i32>} : memref<8x128xf32, #tpu.memory_space<vmem>>, vector<1x16xf32>,
      %swap3A_454 = arith.constant 1 : i32
      %swap3A_455 = arith.index_cast %swap3A_454 : i32 to index
      %swap3A_456 = arith.constant 80 : index
      %swap3A_457 = tpu.vector_load %arg10[%swap3A_455, %swap3A_456] {strides = array<i32>} : memref<8x128xf32, #tpu.memory_space<vmem>>, vector<1x16xf32>,
      %swap3A_458 = vector.shape_cast %swap3A_457 : vector<1x16xf32> to vector<16xf32>
      %swap3A_459 = vector.shape_cast %scan3A_422#5 : vector<16xf32> to vector<1x16xf32>
      tpu.vector_store %arg10[%swap3A_455, %swap3A_456], %swap3A_459 {strides = array<i32>} : memref<8x128xf32, #tpu.memory_space<vmem>>, vector<1x16xf32>,
      %swap3A_460 = arith.constant 1 : i32
      %swap3A_461 = arith.index_cast %swap3A_460 : i32 to index
      %swap3A_462 = arith.constant 96 : index
      %swap3A_463 = tpu.vector_load %arg10[%swap3A_461, %swap3A_462] {strides = array<i32>} : memref<8x128xf32, #tpu.memory_space<vmem>>, vector<1x16xf32>,
      %swap3A_464 = vector.shape_cast %swap3A_463 : vector<1x16xf32> to vector<16xf32>
      %swap3A_465 = vector.shape_cast %scan3A_422#6 : vector<16xf32> to vector<1x16xf32>
      tpu.vector_store %arg10[%swap3A_461, %swap3A_462], %swap3A_465 {strides = array<i32>} : memref<8x128xf32, #tpu.memory_space<vmem>>, vector<1x16xf32>,
      %swap3A_466 = arith.constant 1 : i32
      %swap3A_467 = arith.index_cast %swap3A_466 : i32 to index
      %swap3A_468 = arith.constant 112 : index
      %swap3A_469 = tpu.vector_load %arg10[%swap3A_467, %swap3A_468] {strides = array<i32>} : memref<8x128xf32, #tpu.memory_space<vmem>>, vector<1x16xf32>,
      %swap3A_470 = vector.shape_cast %swap3A_469 : vector<1x16xf32> to vector<16xf32>
      %swap3A_471 = vector.shape_cast %scan3A_422#7 : vector<16xf32> to vector<1x16xf32>
      tpu.vector_store %arg10[%swap3A_467, %swap3A_468], %swap3A_471 {strides = array<i32>} : memref<8x128xf32, #tpu.memory_space<vmem>>, vector<1x16xf32>,
      %broadcast_in_dim3A_472 = arith.constant 0.000000e+00 : f32
      %broadcast_in_dim3A_473 = vector.broadcast %broadcast_in_dim3A_472 : f32 to vector<16xf32>
      %broadcast_in_dim3A_474 = arith.constant 0.000000e+00 : f32
      %broadcast_in_dim3A_475 = vector.broadcast %broadcast_in_dim3A_474 : f32 to vector<16xf32>
      %broadcast_in_dim3A_476 = arith.constant 0.000000e+00 : f32
      %broadcast_in_dim3A_477 = vector.broadcast %broadcast_in_dim3A_476 : f32 to vector<16xf32>
      %broadcast_in_dim3A_478 = arith.constant 0.000000e+00 : f32
      %broadcast_in_dim3A_479 = vector.broadcast %broadcast_in_dim3A_478 : f32 to vector<16xf32>
      %broadcast_in_dim3A_480 = arith.constant 0.000000e+00 : f32
      %broadcast_in_dim3A_481 = vector.broadcast %broadcast_in_dim3A_480 : f32 to vector<16xf32>
      %broadcast_in_dim3A_482 = arith.constant 0.000000e+00 : f32
      %broadcast_in_dim3A_483 = vector.broadcast %broadcast_in_dim3A_482 : f32 to vector<16xf32>
      %broadcast_in_dim3A_484 = arith.constant 0.000000e+00 : f32
      %broadcast_in_dim3A_485 = vector.broadcast %broadcast_in_dim3A_484 : f32 to vector<16xf32>
      %broadcast_in_dim3A_486 = arith.constant 0.000000e+00 : f32
      %broadcast_in_dim3A_487 = vector.broadcast %broadcast_in_dim3A_486 : f32 to vector<16xf32>
      %scan3A_488 = arith.constant 0 : i32
      %scan3A_489 = arith.constant 23 : i32
      %scan3A_490 = arith.addi %scan3A_488, %scan3A_489 : i32
      %scan3A_491 = arith.constant 1 : i32
      %scan3A_492:8 = scf.for %scan3A_1501 = %scan3A_488 to %scan3A_490 step %scan3A_491 iter_args(%scan3A_1502 = %broadcast_in_dim3A_473, %scan3A_1503 = %broadcast_in_dim3A_475, %scan3A_1504 = %broadcast_in_dim3A_477, %scan3A_1505 = %broadcast_in_dim3A_479, %scan3A_1506 = %broadcast_in_dim3A_481, %scan3A_1507 = %broadcast_in_dim3A_483, %scan3A_1508 = %broadcast_in_dim3A_485, %scan3A_1509 = %broadcast_in_dim3A_487) -> (vector<16xf32>, vector<16xf32>, vector<16xf32>, vector<16xf32>, vector<16xf32>, vector<16xf32>, vector<16xf32>, vector<16xf32>)  : i32 {
        %mul3A_1510 = arith.constant 2 : i32
        %mul3A_1511 = arith.muli %mul3A_1510, %scan3A_1501 : i32
        %add3A_1512 = arith.constant 92 : i32
        %add3A_1513 = arith.addi %add3A_1512, %mul3A_1511 : i32
        %get3A_1514 = arith.index_cast %add3A_1513 : i32 to index
        %get3A_1515 = arith.constant 0 : index
        %get3A_1516 = tpu.vector_load %arg8[%get3A_1514, %get3A_1515] {strides = array<i32>} : memref<368x128xf32, #tpu.memory_space<vmem>>, vector<1x16xf32>,
        %get3A_1517 = vector.shape_cast %get3A_1516 : vector<1x16xf32> to vector<16xf32>
        %add3A_1518 = arith.addf %scan3A_1502, %get3A_1517 : vector<16xf32>
        %get3A_1519 = arith.index_cast %add3A_1513 : i32 to index
        %get3A_1520 = arith.constant 16 : index
        %get3A_1521 = tpu.vector_load %arg8[%get3A_1519, %get3A_1520] {strides = array<i32>} : memref<368x128xf32, #tpu.memory_space<vmem>>, vector<1x16xf32>,
        %get3A_1522 = vector.shape_cast %get3A_1521 : vector<1x16xf32> to vector<16xf32>
        %add3A_1523 = arith.addf %scan3A_1503, %get3A_1522 : vector<16xf32>
        %get3A_1524 = arith.index_cast %add3A_1513 : i32 to index
        %get3A_1525 = arith.constant 32 : index
        %get3A_1526 = tpu.vector_load %arg8[%get3A_1524, %get3A_1525] {strides = array<i32>} : memref<368x128xf32, #tpu.memory_space<vmem>>, vector<1x16xf32>,
        %get3A_1527 = vector.shape_cast %get3A_1526 : vector<1x16xf32> to vector<16xf32>
        %add3A_1528 = arith.addf %scan3A_1504, %get3A_1527 : vector<16xf32>
        %get3A_1529 = arith.index_cast %add3A_1513 : i32 to index
        %get3A_1530 = arith.constant 48 : index
        %get3A_1531 = tpu.vector_load %arg8[%get3A_1529, %get3A_1530] {strides = array<i32>} : memref<368x128xf32, #tpu.memory_space<vmem>>, vector<1x16xf32>,
        %get3A_1532 = vector.shape_cast %get3A_1531 : vector<1x16xf32> to vector<16xf32>
        %add3A_1533 = arith.addf %scan3A_1505, %get3A_1532 : vector<16xf32>
        %get3A_1534 = arith.index_cast %add3A_1513 : i32 to index
        %get3A_1535 = arith.constant 64 : index
        %get3A_1536 = tpu.vector_load %arg8[%get3A_1534, %get3A_1535] {strides = array<i32>} : memref<368x128xf32, #tpu.memory_space<vmem>>, vector<1x16xf32>,
        %get3A_1537 = vector.shape_cast %get3A_1536 : vector<1x16xf32> to vector<16xf32>
        %add3A_1538 = arith.addf %scan3A_1506, %get3A_1537 : vector<16xf32>
        %get3A_1539 = arith.index_cast %add3A_1513 : i32 to index
        %get3A_1540 = arith.constant 80 : index
        %get3A_1541 = tpu.vector_load %arg8[%get3A_1539, %get3A_1540] {strides = array<i32>} : memref<368x128xf32, #tpu.memory_space<vmem>>, vector<1x16xf32>,
        %get3A_1542 = vector.shape_cast %get3A_1541 : vector<1x16xf32> to vector<16xf32>
        %add3A_1543 = arith.addf %scan3A_1507, %get3A_1542 : vector<16xf32>
        %get3A_1544 = arith.index_cast %add3A_1513 : i32 to index
        %get3A_1545 = arith.constant 96 : index
        %get3A_1546 = tpu.vector_load %arg8[%get3A_1544, %get3A_1545] {strides = array<i32>} : memref<368x128xf32, #tpu.memory_space<vmem>>, vector<1x16xf32>,
        %get3A_1547 = vector.shape_cast %get3A_1546 : vector<1x16xf32> to vector<16xf32>
        %add3A_1548 = arith.addf %scan3A_1508, %get3A_1547 : vector<16xf32>
        %get3A_1549 = arith.index_cast %add3A_1513 : i32 to index
        %get3A_1550 = arith.constant 112 : index
        %get3A_1551 = tpu.vector_load %arg8[%get3A_1549, %get3A_1550] {strides = array<i32>} : memref<368x128xf32, #tpu.memory_space<vmem>>, vector<1x16xf32>,
        %get3A_1552 = vector.shape_cast %get3A_1551 : vector<1x16xf32> to vector<16xf32>
        %add3A_1553 = arith.addf %scan3A_1509, %get3A_1552 : vector<16xf32>
        %add3A_1554 = arith.constant 1 : i32
        %add3A_1555 = arith.addi %add3A_1513, %add3A_1554 : i32
        %get3A_1556 = arith.index_cast %add3A_1555 : i32 to index
        %get3A_1557 = arith.constant 0 : index
        %get3A_1558 = tpu.vector_load %arg8[%get3A_1556, %get3A_1557] {strides = array<i32>} : memref<368x128xf32, #tpu.memory_space<vmem>>, vector<1x16xf32>,
        %get3A_1559 = vector.shape_cast %get3A_1558 : vector<1x16xf32> to vector<16xf32>
        %add3A_1560 = arith.addf %add3A_1518, %get3A_1559 : vector<16xf32>
        %add3A_1561 = arith.constant 1 : i32
        %add3A_1562 = arith.addi %add3A_1513, %add3A_1561 : i32
        %get3A_1563 = arith.index_cast %add3A_1562 : i32 to index
        %get3A_1564 = arith.constant 16 : index
        %get3A_1565 = tpu.vector_load %arg8[%get3A_1563, %get3A_1564] {strides = array<i32>} : memref<368x128xf32, #tpu.memory_space<vmem>>, vector<1x16xf32>,
        %get3A_1566 = vector.shape_cast %get3A_1565 : vector<1x16xf32> to vector<16xf32>
        %add3A_1567 = arith.addf %add3A_1523, %get3A_1566 : vector<16xf32>
        %add3A_1568 = arith.constant 1 : i32
        %add3A_1569 = arith.addi %add3A_1513, %add3A_1568 : i32
        %get3A_1570 = arith.index_cast %add3A_1569 : i32 to index
        %get3A_1571 = arith.constant 32 : index
        %get3A_1572 = tpu.vector_load %arg8[%get3A_1570, %get3A_1571] {strides = array<i32>} : memref<368x128xf32, #tpu.memory_space<vmem>>, vector<1x16xf32>,
        %get3A_1573 = vector.shape_cast %get3A_1572 : vector<1x16xf32> to vector<16xf32>
        %add3A_1574 = arith.addf %add3A_1528, %get3A_1573 : vector<16xf32>
        %add3A_1575 = arith.constant 1 : i32
        %add3A_1576 = arith.addi %add3A_1513, %add3A_1575 : i32
        %get3A_1577 = arith.index_cast %add3A_1576 : i32 to index
        %get3A_1578 = arith.constant 48 : index
        %get3A_1579 = tpu.vector_load %arg8[%get3A_1577, %get3A_1578] {strides = array<i32>} : memref<368x128xf32, #tpu.memory_space<vmem>>, vector<1x16xf32>,
        %get3A_1580 = vector.shape_cast %get3A_1579 : vector<1x16xf32> to vector<16xf32>
        %add3A_1581 = arith.addf %add3A_1533, %get3A_1580 : vector<16xf32>
        %add3A_1582 = arith.constant 1 : i32
        %add3A_1583 = arith.addi %add3A_1513, %add3A_1582 : i32
        %get3A_1584 = arith.index_cast %add3A_1583 : i32 to index
        %get3A_1585 = arith.constant 64 : index
        %get3A_1586 = tpu.vector_load %arg8[%get3A_1584, %get3A_1585] {strides = array<i32>} : memref<368x128xf32, #tpu.memory_space<vmem>>, vector<1x16xf32>,
        %get3A_1587 = vector.shape_cast %get3A_1586 : vector<1x16xf32> to vector<16xf32>
        %add3A_1588 = arith.addf %add3A_1538, %get3A_1587 : vector<16xf32>
        %add3A_1589 = arith.constant 1 : i32
        %add3A_1590 = arith.addi %add3A_1513, %add3A_1589 : i32
        %get3A_1591 = arith.index_cast %add3A_1590 : i32 to index
        %get3A_1592 = arith.constant 80 : index
        %get3A_1593 = tpu.vector_load %arg8[%get3A_1591, %get3A_1592] {strides = array<i32>} : memref<368x128xf32, #tpu.memory_space<vmem>>, vector<1x16xf32>,
        %get3A_1594 = vector.shape_cast %get3A_1593 : vector<1x16xf32> to vector<16xf32>
        %add3A_1595 = arith.addf %add3A_1543, %get3A_1594 : vector<16xf32>
        %add3A_1596 = arith.constant 1 : i32
        %add3A_1597 = arith.addi %add3A_1513, %add3A_1596 : i32
        %get3A_1598 = arith.index_cast %add3A_1597 : i32 to index
        %get3A_1599 = arith.constant 96 : index
        %get3A_1600 = tpu.vector_load %arg8[%get3A_1598, %get3A_1599] {strides = array<i32>} : memref<368x128xf32, #tpu.memory_space<vmem>>, vector<1x16xf32>,
        %get3A_1601 = vector.shape_cast %get3A_1600 : vector<1x16xf32> to vector<16xf32>
        %add3A_1602 = arith.addf %add3A_1548, %get3A_1601 : vector<16xf32>
        %add3A_1603 = arith.constant 1 : i32
        %add3A_1604 = arith.addi %add3A_1513, %add3A_1603 : i32
        %get3A_1605 = arith.index_cast %add3A_1604 : i32 to index
        %get3A_1606 = arith.constant 112 : index
        %get3A_1607 = tpu.vector_load %arg8[%get3A_1605, %get3A_1606] {strides = array<i32>} : memref<368x128xf32, #tpu.memory_space<vmem>>, vector<1x16xf32>,
        %get3A_1608 = vector.shape_cast %get3A_1607 : vector<1x16xf32> to vector<16xf32>
        %add3A_1609 = arith.addf %add3A_1553, %get3A_1608 : vector<16xf32>
        scf.yield %add3A_1560, %add3A_1567, %add3A_1574, %add3A_1581, %add3A_1588, %add3A_1595, %add3A_1602, %add3A_1609 : vector<16xf32>, vector<16xf32>, vector<16xf32>, vector<16xf32>, vector<16xf32>, vector<16xf32>, vector<16xf32>, vector<16xf32>
      }
      %scan3A_493 = arith.constant 23 : i32
      %swap3A_494 = arith.constant 2 : i32
      %swap3A_495 = arith.index_cast %swap3A_494 : i32 to index
      %swap3A_496 = arith.constant 0 : index
      %swap3A_497 = tpu.vector_load %arg10[%swap3A_495, %swap3A_496] {strides = array<i32>} : memref<8x128xf32, #tpu.memory_space<vmem>>, vector<1x16xf32>,
      %swap3A_498 = vector.shape_cast %swap3A_497 : vector<1x16xf32> to vector<16xf32>
      %swap3A_499 = vector.shape_cast %scan3A_492#0 : vector<16xf32> to vector<1x16xf32>
      tpu.vector_store %arg10[%swap3A_495, %swap3A_496], %swap3A_499 {strides = array<i32>} : memref<8x128xf32, #tpu.memory_space<vmem>>, vector<1x16xf32>,
      %swap3A_500 = arith.constant 2 : i32
      %swap3A_501 = arith.index_cast %swap3A_500 : i32 to index
      %swap3A_502 = arith.constant 16 : index
      %swap3A_503 = tpu.vector_load %arg10[%swap3A_501, %swap3A_502] {strides = array<i32>} : memref<8x128xf32, #tpu.memory_space<vmem>>, vector<1x16xf32>,
      %swap3A_504 = vector.shape_cast %swap3A_503 : vector<1x16xf32> to vector<16xf32>
      %swap3A_505 = vector.shape_cast %scan3A_492#1 : vector<16xf32> to vector<1x16xf32>
      tpu.vector_store %arg10[%swap3A_501, %swap3A_502], %swap3A_505 {strides = array<i32>} : memref<8x128xf32, #tpu.memory_space<vmem>>, vector<1x16xf32>,
      %swap3A_506 = arith.constant 2 : i32
      %swap3A_507 = arith.index_cast %swap3A_506 : i32 to index
      %swap3A_508 = arith.constant 32 : index
      %swap3A_509 = tpu.vector_load %arg10[%swap3A_507, %swap3A_508] {strides = array<i32>} : memref<8x128xf32, #tpu.memory_space<vmem>>, vector<1x16xf32>,
      %swap3A_510 = vector.shape_cast %swap3A_509 : vector<1x16xf32> to vector<16xf32>
      %swap3A_511 = vector.shape_cast %scan3A_492#2 : vector<16xf32> to vector<1x16xf32>
      tpu.vector_store %arg10[%swap3A_507, %swap3A_508], %swap3A_511 {strides = array<i32>} : memref<8x128xf32, #tpu.memory_space<vmem>>, vector<1x16xf32>,
      %swap3A_512 = arith.constant 2 : i32
      %swap3A_513 = arith.index_cast %swap3A_512 : i32 to index
      %swap3A_514 = arith.constant 48 : index
      %swap3A_515 = tpu.vector_load %arg10[%swap3A_513, %swap3A_514] {strides = array<i32>} : memref<8x128xf32, #tpu.memory_space<vmem>>, vector<1x16xf32>,
      %swap3A_516 = vector.shape_cast %swap3A_515 : vector<1x16xf32> to vector<16xf32>
      %swap3A_517 = vector.shape_cast %scan3A_492#3 : vector<16xf32> to vector<1x16xf32>
      tpu.vector_store %arg10[%swap3A_513, %swap3A_514], %swap3A_517 {strides = array<i32>} : memref<8x128xf32, #tpu.memory_space<vmem>>, vector<1x16xf32>,
      %swap3A_518 = arith.constant 2 : i32
      %swap3A_519 = arith.index_cast %swap3A_518 : i32 to index
      %swap3A_520 = arith.constant 64 : index
      %swap3A_521 = tpu.vector_load %arg10[%swap3A_519, %swap3A_520] {strides = array<i32>} : memref<8x128xf32, #tpu.memory_space<vmem>>, vector<1x16xf32>,
      %swap3A_522 = vector.shape_cast %swap3A_521 : vector<1x16xf32> to vector<16xf32>
      %swap3A_523 = vector.shape_cast %scan3A_492#4 : vector<16xf32> to vector<1x16xf32>
      tpu.vector_store %arg10[%swap3A_519, %swap3A_520], %swap3A_523 {strides = array<i32>} : memref<8x128xf32, #tpu.memory_space<vmem>>, vector<1x16xf32>,
      %swap3A_524 = arith.constant 2 : i32
      %swap3A_525 = arith.index_cast %swap3A_524 : i32 to index
      %swap3A_526 = arith.constant 80 : index
      %swap3A_527 = tpu.vector_load %arg10[%swap3A_525, %swap3A_526] {strides = array<i32>} : memref<8x128xf32, #tpu.memory_space<vmem>>, vector<1x16xf32>,
      %swap3A_528 = vector.shape_cast %swap3A_527 : vector<1x16xf32> to vector<16xf32>
      %swap3A_529 = vector.shape_cast %scan3A_492#5 : vector<16xf32> to vector<1x16xf32>
      tpu.vector_store %arg10[%swap3A_525, %swap3A_526], %swap3A_529 {strides = array<i32>} : memref<8x128xf32, #tpu.memory_space<vmem>>, vector<1x16xf32>,
      %swap3A_530 = arith.constant 2 : i32
      %swap3A_531 = arith.index_cast %swap3A_530 : i32 to index
      %swap3A_532 = arith.constant 96 : index
      %swap3A_533 = tpu.vector_load %arg10[%swap3A_531, %swap3A_532] {strides = array<i32>} : memref<8x128xf32, #tpu.memory_space<vmem>>, vector<1x16xf32>,
      %swap3A_534 = vector.shape_cast %swap3A_533 : vector<1x16xf32> to vector<16xf32>
      %swap3A_535 = vector.shape_cast %scan3A_492#6 : vector<16xf32> to vector<1x16xf32>
      tpu.vector_store %arg10[%swap3A_531, %swap3A_532], %swap3A_535 {strides = array<i32>} : memref<8x128xf32, #tpu.memory_space<vmem>>, vector<1x16xf32>,
      %swap3A_536 = arith.constant 2 : i32
      %swap3A_537 = arith.index_cast %swap3A_536 : i32 to index
      %swap3A_538 = arith.constant 112 : index
      %swap3A_539 = tpu.vector_load %arg10[%swap3A_537, %swap3A_538] {strides = array<i32>} : memref<8x128xf32, #tpu.memory_space<vmem>>, vector<1x16xf32>,
      %swap3A_540 = vector.shape_cast %swap3A_539 : vector<1x16xf32> to vector<16xf32>
      %swap3A_541 = vector.shape_cast %scan3A_492#7 : vector<16xf32> to vector<1x16xf32>
      tpu.vector_store %arg10[%swap3A_537, %swap3A_538], %swap3A_541 {strides = array<i32>} : memref<8x128xf32, #tpu.memory_space<vmem>>, vector<1x16xf32>,
      %broadcast_in_dim3A_542 = arith.constant 0.000000e+00 : f32
      %broadcast_in_dim3A_543 = vector.broadcast %broadcast_in_dim3A_542 : f32 to vector<16xf32>
      %broadcast_in_dim3A_544 = arith.constant 0.000000e+00 : f32
      %broadcast_in_dim3A_545 = vector.broadcast %broadcast_in_dim3A_544 : f32 to vector<16xf32>
      %broadcast_in_dim3A_546 = arith.constant 0.000000e+00 : f32
      %broadcast_in_dim3A_547 = vector.broadcast %broadcast_in_dim3A_546 : f32 to vector<16xf32>
      %broadcast_in_dim3A_548 = arith.constant 0.000000e+00 : f32
      %broadcast_in_dim3A_549 = vector.broadcast %broadcast_in_dim3A_548 : f32 to vector<16xf32>
      %broadcast_in_dim3A_550 = arith.constant 0.000000e+00 : f32
      %broadcast_in_dim3A_551 = vector.broadcast %broadcast_in_dim3A_550 : f32 to vector<16xf32>
      %broadcast_in_dim3A_552 = arith.constant 0.000000e+00 : f32
      %broadcast_in_dim3A_553 = vector.broadcast %broadcast_in_dim3A_552 : f32 to vector<16xf32>
      %broadcast_in_dim3A_554 = arith.constant 0.000000e+00 : f32
      %broadcast_in_dim3A_555 = vector.broadcast %broadcast_in_dim3A_554 : f32 to vector<16xf32>
      %broadcast_in_dim3A_556 = arith.constant 0.000000e+00 : f32
      %broadcast_in_dim3A_557 = vector.broadcast %broadcast_in_dim3A_556 : f32 to vector<16xf32>
      %scan3A_558 = arith.constant 0 : i32
      %scan3A_559 = arith.constant 23 : i32
      %scan3A_560 = arith.addi %scan3A_558, %scan3A_559 : i32
      %scan3A_561 = arith.constant 1 : i32
      %scan3A_562:8 = scf.for %scan3A_1501 = %scan3A_558 to %scan3A_560 step %scan3A_561 iter_args(%scan3A_1502 = %broadcast_in_dim3A_543, %scan3A_1503 = %broadcast_in_dim3A_545, %scan3A_1504 = %broadcast_in_dim3A_547, %scan3A_1505 = %broadcast_in_dim3A_549, %scan3A_1506 = %broadcast_in_dim3A_551, %scan3A_1507 = %broadcast_in_dim3A_553, %scan3A_1508 = %broadcast_in_dim3A_555, %scan3A_1509 = %broadcast_in_dim3A_557) -> (vector<16xf32>, vector<16xf32>, vector<16xf32>, vector<16xf32>, vector<16xf32>, vector<16xf32>, vector<16xf32>, vector<16xf32>)  : i32 {
        %mul3A_1510 = arith.constant 2 : i32
        %mul3A_1511 = arith.muli %mul3A_1510, %scan3A_1501 : i32
        %add3A_1512 = arith.constant 138 : i32
        %add3A_1513 = arith.addi %add3A_1512, %mul3A_1511 : i32
        %get3A_1514 = arith.index_cast %add3A_1513 : i32 to index
        %get3A_1515 = arith.constant 0 : index
        %get3A_1516 = tpu.vector_load %arg8[%get3A_1514, %get3A_1515] {strides = array<i32>} : memref<368x128xf32, #tpu.memory_space<vmem>>, vector<1x16xf32>,
        %get3A_1517 = vector.shape_cast %get3A_1516 : vector<1x16xf32> to vector<16xf32>
        %add3A_1518 = arith.addf %scan3A_1502, %get3A_1517 : vector<16xf32>
        %get3A_1519 = arith.index_cast %add3A_1513 : i32 to index
        %get3A_1520 = arith.constant 16 : index
        %get3A_1521 = tpu.vector_load %arg8[%get3A_1519, %get3A_1520] {strides = array<i32>} : memref<368x128xf32, #tpu.memory_space<vmem>>, vector<1x16xf32>,
        %get3A_1522 = vector.shape_cast %get3A_1521 : vector<1x16xf32> to vector<16xf32>
        %add3A_1523 = arith.addf %scan3A_1503, %get3A_1522 : vector<16xf32>
        %get3A_1524 = arith.index_cast %add3A_1513 : i32 to index
        %get3A_1525 = arith.constant 32 : index
        %get3A_1526 = tpu.vector_load %arg8[%get3A_1524, %get3A_1525] {strides = array<i32>} : memref<368x128xf32, #tpu.memory_space<vmem>>, vector<1x16xf32>,
        %get3A_1527 = vector.shape_cast %get3A_1526 : vector<1x16xf32> to vector<16xf32>
        %add3A_1528 = arith.addf %scan3A_1504, %get3A_1527 : vector<16xf32>
        %get3A_1529 = arith.index_cast %add3A_1513 : i32 to index
        %get3A_1530 = arith.constant 48 : index
        %get3A_1531 = tpu.vector_load %arg8[%get3A_1529, %get3A_1530] {strides = array<i32>} : memref<368x128xf32, #tpu.memory_space<vmem>>, vector<1x16xf32>,
        %get3A_1532 = vector.shape_cast %get3A_1531 : vector<1x16xf32> to vector<16xf32>
        %add3A_1533 = arith.addf %scan3A_1505, %get3A_1532 : vector<16xf32>
        %get3A_1534 = arith.index_cast %add3A_1513 : i32 to index
        %get3A_1535 = arith.constant 64 : index
        %get3A_1536 = tpu.vector_load %arg8[%get3A_1534, %get3A_1535] {strides = array<i32>} : memref<368x128xf32, #tpu.memory_space<vmem>>, vector<1x16xf32>,
        %get3A_1537 = vector.shape_cast %get3A_1536 : vector<1x16xf32> to vector<16xf32>
        %add3A_1538 = arith.addf %scan3A_1506, %get3A_1537 : vector<16xf32>
        %get3A_1539 = arith.index_cast %add3A_1513 : i32 to index
        %get3A_1540 = arith.constant 80 : index
        %get3A_1541 = tpu.vector_load %arg8[%get3A_1539, %get3A_1540] {strides = array<i32>} : memref<368x128xf32, #tpu.memory_space<vmem>>, vector<1x16xf32>,
        %get3A_1542 = vector.shape_cast %get3A_1541 : vector<1x16xf32> to vector<16xf32>
        %add3A_1543 = arith.addf %scan3A_1507, %get3A_1542 : vector<16xf32>
        %get3A_1544 = arith.index_cast %add3A_1513 : i32 to index
        %get3A_1545 = arith.constant 96 : index
        %get3A_1546 = tpu.vector_load %arg8[%get3A_1544, %get3A_1545] {strides = array<i32>} : memref<368x128xf32, #tpu.memory_space<vmem>>, vector<1x16xf32>,
        %get3A_1547 = vector.shape_cast %get3A_1546 : vector<1x16xf32> to vector<16xf32>
        %add3A_1548 = arith.addf %scan3A_1508, %get3A_1547 : vector<16xf32>
        %get3A_1549 = arith.index_cast %add3A_1513 : i32 to index
        %get3A_1550 = arith.constant 112 : index
        %get3A_1551 = tpu.vector_load %arg8[%get3A_1549, %get3A_1550] {strides = array<i32>} : memref<368x128xf32, #tpu.memory_space<vmem>>, vector<1x16xf32>,
        %get3A_1552 = vector.shape_cast %get3A_1551 : vector<1x16xf32> to vector<16xf32>
        %add3A_1553 = arith.addf %scan3A_1509, %get3A_1552 : vector<16xf32>
        %add3A_1554 = arith.constant 1 : i32
        %add3A_1555 = arith.addi %add3A_1513, %add3A_1554 : i32
        %get3A_1556 = arith.index_cast %add3A_1555 : i32 to index
        %get3A_1557 = arith.constant 0 : index
        %get3A_1558 = tpu.vector_load %arg8[%get3A_1556, %get3A_1557] {strides = array<i32>} : memref<368x128xf32, #tpu.memory_space<vmem>>, vector<1x16xf32>,
        %get3A_1559 = vector.shape_cast %get3A_1558 : vector<1x16xf32> to vector<16xf32>
        %add3A_1560 = arith.addf %add3A_1518, %get3A_1559 : vector<16xf32>
        %add3A_1561 = arith.constant 1 : i32
        %add3A_1562 = arith.addi %add3A_1513, %add3A_1561 : i32
        %get3A_1563 = arith.index_cast %add3A_1562 : i32 to index
        %get3A_1564 = arith.constant 16 : index
        %get3A_1565 = tpu.vector_load %arg8[%get3A_1563, %get3A_1564] {strides = array<i32>} : memref<368x128xf32, #tpu.memory_space<vmem>>, vector<1x16xf32>,
        %get3A_1566 = vector.shape_cast %get3A_1565 : vector<1x16xf32> to vector<16xf32>
        %add3A_1567 = arith.addf %add3A_1523, %get3A_1566 : vector<16xf32>
        %add3A_1568 = arith.constant 1 : i32
        %add3A_1569 = arith.addi %add3A_1513, %add3A_1568 : i32
        %get3A_1570 = arith.index_cast %add3A_1569 : i32 to index
        %get3A_1571 = arith.constant 32 : index
        %get3A_1572 = tpu.vector_load %arg8[%get3A_1570, %get3A_1571] {strides = array<i32>} : memref<368x128xf32, #tpu.memory_space<vmem>>, vector<1x16xf32>,
        %get3A_1573 = vector.shape_cast %get3A_1572 : vector<1x16xf32> to vector<16xf32>
        %add3A_1574 = arith.addf %add3A_1528, %get3A_1573 : vector<16xf32>
        %add3A_1575 = arith.constant 1 : i32
        %add3A_1576 = arith.addi %add3A_1513, %add3A_1575 : i32
        %get3A_1577 = arith.index_cast %add3A_1576 : i32 to index
        %get3A_1578 = arith.constant 48 : index
        %get3A_1579 = tpu.vector_load %arg8[%get3A_1577, %get3A_1578] {strides = array<i32>} : memref<368x128xf32, #tpu.memory_space<vmem>>, vector<1x16xf32>,
        %get3A_1580 = vector.shape_cast %get3A_1579 : vector<1x16xf32> to vector<16xf32>
        %add3A_1581 = arith.addf %add3A_1533, %get3A_1580 : vector<16xf32>
        %add3A_1582 = arith.constant 1 : i32
        %add3A_1583 = arith.addi %add3A_1513, %add3A_1582 : i32
        %get3A_1584 = arith.index_cast %add3A_1583 : i32 to index
        %get3A_1585 = arith.constant 64 : index
        %get3A_1586 = tpu.vector_load %arg8[%get3A_1584, %get3A_1585] {strides = array<i32>} : memref<368x128xf32, #tpu.memory_space<vmem>>, vector<1x16xf32>,
        %get3A_1587 = vector.shape_cast %get3A_1586 : vector<1x16xf32> to vector<16xf32>
        %add3A_1588 = arith.addf %add3A_1538, %get3A_1587 : vector<16xf32>
        %add3A_1589 = arith.constant 1 : i32
        %add3A_1590 = arith.addi %add3A_1513, %add3A_1589 : i32
        %get3A_1591 = arith.index_cast %add3A_1590 : i32 to index
        %get3A_1592 = arith.constant 80 : index
        %get3A_1593 = tpu.vector_load %arg8[%get3A_1591, %get3A_1592] {strides = array<i32>} : memref<368x128xf32, #tpu.memory_space<vmem>>, vector<1x16xf32>,
        %get3A_1594 = vector.shape_cast %get3A_1593 : vector<1x16xf32> to vector<16xf32>
        %add3A_1595 = arith.addf %add3A_1543, %get3A_1594 : vector<16xf32>
        %add3A_1596 = arith.constant 1 : i32
        %add3A_1597 = arith.addi %add3A_1513, %add3A_1596 : i32
        %get3A_1598 = arith.index_cast %add3A_1597 : i32 to index
        %get3A_1599 = arith.constant 96 : index
        %get3A_1600 = tpu.vector_load %arg8[%get3A_1598, %get3A_1599] {strides = array<i32>} : memref<368x128xf32, #tpu.memory_space<vmem>>, vector<1x16xf32>,
        %get3A_1601 = vector.shape_cast %get3A_1600 : vector<1x16xf32> to vector<16xf32>
        %add3A_1602 = arith.addf %add3A_1548, %get3A_1601 : vector<16xf32>
        %add3A_1603 = arith.constant 1 : i32
        %add3A_1604 = arith.addi %add3A_1513, %add3A_1603 : i32
        %get3A_1605 = arith.index_cast %add3A_1604 : i32 to index
        %get3A_1606 = arith.constant 112 : index
        %get3A_1607 = tpu.vector_load %arg8[%get3A_1605, %get3A_1606] {strides = array<i32>} : memref<368x128xf32, #tpu.memory_space<vmem>>, vector<1x16xf32>,
        %get3A_1608 = vector.shape_cast %get3A_1607 : vector<1x16xf32> to vector<16xf32>
        %add3A_1609 = arith.addf %add3A_1553, %get3A_1608 : vector<16xf32>
        scf.yield %add3A_1560, %add3A_1567, %add3A_1574, %add3A_1581, %add3A_1588, %add3A_1595, %add3A_1602, %add3A_1609 : vector<16xf32>, vector<16xf32>, vector<16xf32>, vector<16xf32>, vector<16xf32>, vector<16xf32>, vector<16xf32>, vector<16xf32>
      }
      %scan3A_563 = arith.constant 23 : i32
      %swap3A_564 = arith.constant 3 : i32
      %swap3A_565 = arith.index_cast %swap3A_564 : i32 to index
      %swap3A_566 = arith.constant 0 : index
      %swap3A_567 = tpu.vector_load %arg10[%swap3A_565, %swap3A_566] {strides = array<i32>} : memref<8x128xf32, #tpu.memory_space<vmem>>, vector<1x16xf32>,
      %swap3A_568 = vector.shape_cast %swap3A_567 : vector<1x16xf32> to vector<16xf32>
      %swap3A_569 = vector.shape_cast %scan3A_562#0 : vector<16xf32> to vector<1x16xf32>
      tpu.vector_store %arg10[%swap3A_565, %swap3A_566], %swap3A_569 {strides = array<i32>} : memref<8x128xf32, #tpu.memory_space<vmem>>, vector<1x16xf32>,
      %swap3A_570 = arith.constant 3 : i32
      %swap3A_571 = arith.index_cast %swap3A_570 : i32 to index
      %swap3A_572 = arith.constant 16 : index
      %swap3A_573 = tpu.vector_load %arg10[%swap3A_571, %swap3A_572] {strides = array<i32>} : memref<8x128xf32, #tpu.memory_space<vmem>>, vector<1x16xf32>,
      %swap3A_574 = vector.shape_cast %swap3A_573 : vector<1x16xf32> to vector<16xf32>
      %swap3A_575 = vector.shape_cast %scan3A_562#1 : vector<16xf32> to vector<1x16xf32>
      tpu.vector_store %arg10[%swap3A_571, %swap3A_572], %swap3A_575 {strides = array<i32>} : memref<8x128xf32, #tpu.memory_space<vmem>>, vector<1x16xf32>,
      %swap3A_576 = arith.constant 3 : i32
      %swap3A_577 = arith.index_cast %swap3A_576 : i32 to index
      %swap3A_578 = arith.constant 32 : index
      %swap3A_579 = tpu.vector_load %arg10[%swap3A_577, %swap3A_578] {strides = array<i32>} : memref<8x128xf32, #tpu.memory_space<vmem>>, vector<1x16xf32>,
      %swap3A_580 = vector.shape_cast %swap3A_579 : vector<1x16xf32> to vector<16xf32>
      %swap3A_581 = vector.shape_cast %scan3A_562#2 : vector<16xf32> to vector<1x16xf32>
      tpu.vector_store %arg10[%swap3A_577, %swap3A_578], %swap3A_581 {strides = array<i32>} : memref<8x128xf32, #tpu.memory_space<vmem>>, vector<1x16xf32>,
      %swap3A_582 = arith.constant 3 : i32
      %swap3A_583 = arith.index_cast %swap3A_582 : i32 to index
      %swap3A_584 = arith.constant 48 : index
      %swap3A_585 = tpu.vector_load %arg10[%swap3A_583, %swap3A_584] {strides = array<i32>} : memref<8x128xf32, #tpu.memory_space<vmem>>, vector<1x16xf32>,
      %swap3A_586 = vector.shape_cast %swap3A_585 : vector<1x16xf32> to vector<16xf32>
      %swap3A_587 = vector.shape_cast %scan3A_562#3 : vector<16xf32> to vector<1x16xf32>
      tpu.vector_store %arg10[%swap3A_583, %swap3A_584], %swap3A_587 {strides = array<i32>} : memref<8x128xf32, #tpu.memory_space<vmem>>, vector<1x16xf32>,
      %swap3A_588 = arith.constant 3 : i32
      %swap3A_589 = arith.index_cast %swap3A_588 : i32 to index
      %swap3A_590 = arith.constant 64 : index
      %swap3A_591 = tpu.vector_load %arg10[%swap3A_589, %swap3A_590] {strides = array<i32>} : memref<8x128xf32, #tpu.memory_space<vmem>>, vector<1x16xf32>,
      %swap3A_592 = vector.shape_cast %swap3A_591 : vector<1x16xf32> to vector<16xf32>
      %swap3A_593 = vector.shape_cast %scan3A_562#4 : vector<16xf32> to vector<1x16xf32>
      tpu.vector_store %arg10[%swap3A_589, %swap3A_590], %swap3A_593 {strides = array<i32>} : memref<8x128xf32, #tpu.memory_space<vmem>>, vector<1x16xf32>,
      %swap3A_594 = arith.constant 3 : i32
      %swap3A_595 = arith.index_cast %swap3A_594 : i32 to index
      %swap3A_596 = arith.constant 80 : index
      %swap3A_597 = tpu.vector_load %arg10[%swap3A_595, %swap3A_596] {strides = array<i32>} : memref<8x128xf32, #tpu.memory_space<vmem>>, vector<1x16xf32>,
      %swap3A_598 = vector.shape_cast %swap3A_597 : vector<1x16xf32> to vector<16xf32>
      %swap3A_599 = vector.shape_cast %scan3A_562#5 : vector<16xf32> to vector<1x16xf32>
      tpu.vector_store %arg10[%swap3A_595, %swap3A_596], %swap3A_599 {strides = array<i32>} : memref<8x128xf32, #tpu.memory_space<vmem>>, vector<1x16xf32>,
      %swap3A_600 = arith.constant 3 : i32
      %swap3A_601 = arith.index_cast %swap3A_600 : i32 to index
      %swap3A_602 = arith.constant 96 : index
      %swap3A_603 = tpu.vector_load %arg10[%swap3A_601, %swap3A_602] {strides = array<i32>} : memref<8x128xf32, #tpu.memory_space<vmem>>, vector<1x16xf32>,
      %swap3A_604 = vector.shape_cast %swap3A_603 : vector<1x16xf32> to vector<16xf32>
      %swap3A_605 = vector.shape_cast %scan3A_562#6 : vector<16xf32> to vector<1x16xf32>
      tpu.vector_store %arg10[%swap3A_601, %swap3A_602], %swap3A_605 {strides = array<i32>} : memref<8x128xf32, #tpu.memory_space<vmem>>, vector<1x16xf32>,
      %swap3A_606 = arith.constant 3 : i32
      %swap3A_607 = arith.index_cast %swap3A_606 : i32 to index
      %swap3A_608 = arith.constant 112 : index
      %swap3A_609 = tpu.vector_load %arg10[%swap3A_607, %swap3A_608] {strides = array<i32>} : memref<8x128xf32, #tpu.memory_space<vmem>>, vector<1x16xf32>,
      %swap3A_610 = vector.shape_cast %swap3A_609 : vector<1x16xf32> to vector<16xf32>
      %swap3A_611 = vector.shape_cast %scan3A_562#7 : vector<16xf32> to vector<1x16xf32>
      tpu.vector_store %arg10[%swap3A_607, %swap3A_608], %swap3A_611 {strides = array<i32>} : memref<8x128xf32, #tpu.memory_space<vmem>>, vector<1x16xf32>,
      %broadcast_in_dim3A_612 = arith.constant 0.000000e+00 : f32
      %broadcast_in_dim3A_613 = vector.broadcast %broadcast_in_dim3A_612 : f32 to vector<16xf32>
      %broadcast_in_dim3A_614 = arith.constant 0.000000e+00 : f32
      %broadcast_in_dim3A_615 = vector.broadcast %broadcast_in_dim3A_614 : f32 to vector<16xf32>
      %broadcast_in_dim3A_616 = arith.constant 0.000000e+00 : f32
      %broadcast_in_dim3A_617 = vector.broadcast %broadcast_in_dim3A_616 : f32 to vector<16xf32>
      %broadcast_in_dim3A_618 = arith.constant 0.000000e+00 : f32
      %broadcast_in_dim3A_619 = vector.broadcast %broadcast_in_dim3A_618 : f32 to vector<16xf32>
      %broadcast_in_dim3A_620 = arith.constant 0.000000e+00 : f32
      %broadcast_in_dim3A_621 = vector.broadcast %broadcast_in_dim3A_620 : f32 to vector<16xf32>
      %broadcast_in_dim3A_622 = arith.constant 0.000000e+00 : f32
      %broadcast_in_dim3A_623 = vector.broadcast %broadcast_in_dim3A_622 : f32 to vector<16xf32>
      %broadcast_in_dim3A_624 = arith.constant 0.000000e+00 : f32
      %broadcast_in_dim3A_625 = vector.broadcast %broadcast_in_dim3A_624 : f32 to vector<16xf32>
      %broadcast_in_dim3A_626 = arith.constant 0.000000e+00 : f32
      %broadcast_in_dim3A_627 = vector.broadcast %broadcast_in_dim3A_626 : f32 to vector<16xf32>
      %scan3A_628 = arith.constant 0 : i32
      %scan3A_629 = arith.constant 23 : i32
      %scan3A_630 = arith.addi %scan3A_628, %scan3A_629 : i32
      %scan3A_631 = arith.constant 1 : i32
      %scan3A_632:8 = scf.for %scan3A_1501 = %scan3A_628 to %scan3A_630 step %scan3A_631 iter_args(%scan3A_1502 = %broadcast_in_dim3A_613, %scan3A_1503 = %broadcast_in_dim3A_615, %scan3A_1504 = %broadcast_in_dim3A_617, %scan3A_1505 = %broadcast_in_dim3A_619, %scan3A_1506 = %broadcast_in_dim3A_621, %scan3A_1507 = %broadcast_in_dim3A_623, %scan3A_1508 = %broadcast_in_dim3A_625, %scan3A_1509 = %broadcast_in_dim3A_627) -> (vector<16xf32>, vector<16xf32>, vector<16xf32>, vector<16xf32>, vector<16xf32>, vector<16xf32>, vector<16xf32>, vector<16xf32>)  : i32 {
        %mul3A_1510 = arith.constant 2 : i32
        %mul3A_1511 = arith.muli %mul3A_1510, %scan3A_1501 : i32
        %add3A_1512 = arith.constant 184 : i32
        %add3A_1513 = arith.addi %add3A_1512, %mul3A_1511 : i32
        %get3A_1514 = arith.index_cast %add3A_1513 : i32 to index
        %get3A_1515 = arith.constant 0 : index
        %get3A_1516 = tpu.vector_load %arg8[%get3A_1514, %get3A_1515] {strides = array<i32>} : memref<368x128xf32, #tpu.memory_space<vmem>>, vector<1x16xf32>,
        %get3A_1517 = vector.shape_cast %get3A_1516 : vector<1x16xf32> to vector<16xf32>
        %add3A_1518 = arith.addf %scan3A_1502, %get3A_1517 : vector<16xf32>
        %get3A_1519 = arith.index_cast %add3A_1513 : i32 to index
        %get3A_1520 = arith.constant 16 : index
        %get3A_1521 = tpu.vector_load %arg8[%get3A_1519, %get3A_1520] {strides = array<i32>} : memref<368x128xf32, #tpu.memory_space<vmem>>, vector<1x16xf32>,
        %get3A_1522 = vector.shape_cast %get3A_1521 : vector<1x16xf32> to vector<16xf32>
        %add3A_1523 = arith.addf %scan3A_1503, %get3A_1522 : vector<16xf32>
        %get3A_1524 = arith.index_cast %add3A_1513 : i32 to index
        %get3A_1525 = arith.constant 32 : index
        %get3A_1526 = tpu.vector_load %arg8[%get3A_1524, %get3A_1525] {strides = array<i32>} : memref<368x128xf32, #tpu.memory_space<vmem>>, vector<1x16xf32>,
        %get3A_1527 = vector.shape_cast %get3A_1526 : vector<1x16xf32> to vector<16xf32>
        %add3A_1528 = arith.addf %scan3A_1504, %get3A_1527 : vector<16xf32>
        %get3A_1529 = arith.index_cast %add3A_1513 : i32 to index
        %get3A_1530 = arith.constant 48 : index
        %get3A_1531 = tpu.vector_load %arg8[%get3A_1529, %get3A_1530] {strides = array<i32>} : memref<368x128xf32, #tpu.memory_space<vmem>>, vector<1x16xf32>,
        %get3A_1532 = vector.shape_cast %get3A_1531 : vector<1x16xf32> to vector<16xf32>
        %add3A_1533 = arith.addf %scan3A_1505, %get3A_1532 : vector<16xf32>
        %get3A_1534 = arith.index_cast %add3A_1513 : i32 to index
        %get3A_1535 = arith.constant 64 : index
        %get3A_1536 = tpu.vector_load %arg8[%get3A_1534, %get3A_1535] {strides = array<i32>} : memref<368x128xf32, #tpu.memory_space<vmem>>, vector<1x16xf32>,
        %get3A_1537 = vector.shape_cast %get3A_1536 : vector<1x16xf32> to vector<16xf32>
        %add3A_1538 = arith.addf %scan3A_1506, %get3A_1537 : vector<16xf32>
        %get3A_1539 = arith.index_cast %add3A_1513 : i32 to index
        %get3A_1540 = arith.constant 80 : index
        %get3A_1541 = tpu.vector_load %arg8[%get3A_1539, %get3A_1540] {strides = array<i32>} : memref<368x128xf32, #tpu.memory_space<vmem>>, vector<1x16xf32>,
        %get3A_1542 = vector.shape_cast %get3A_1541 : vector<1x16xf32> to vector<16xf32>
        %add3A_1543 = arith.addf %scan3A_1507, %get3A_1542 : vector<16xf32>
        %get3A_1544 = arith.index_cast %add3A_1513 : i32 to index
        %get3A_1545 = arith.constant 96 : index
        %get3A_1546 = tpu.vector_load %arg8[%get3A_1544, %get3A_1545] {strides = array<i32>} : memref<368x128xf32, #tpu.memory_space<vmem>>, vector<1x16xf32>,
        %get3A_1547 = vector.shape_cast %get3A_1546 : vector<1x16xf32> to vector<16xf32>
        %add3A_1548 = arith.addf %scan3A_1508, %get3A_1547 : vector<16xf32>
        %get3A_1549 = arith.index_cast %add3A_1513 : i32 to index
        %get3A_1550 = arith.constant 112 : index
        %get3A_1551 = tpu.vector_load %arg8[%get3A_1549, %get3A_1550] {strides = array<i32>} : memref<368x128xf32, #tpu.memory_space<vmem>>, vector<1x16xf32>,
        %get3A_1552 = vector.shape_cast %get3A_1551 : vector<1x16xf32> to vector<16xf32>
        %add3A_1553 = arith.addf %scan3A_1509, %get3A_1552 : vector<16xf32>
        %add3A_1554 = arith.constant 1 : i32
        %add3A_1555 = arith.addi %add3A_1513, %add3A_1554 : i32
        %get3A_1556 = arith.index_cast %add3A_1555 : i32 to index
        %get3A_1557 = arith.constant 0 : index
        %get3A_1558 = tpu.vector_load %arg8[%get3A_1556, %get3A_1557] {strides = array<i32>} : memref<368x128xf32, #tpu.memory_space<vmem>>, vector<1x16xf32>,
        %get3A_1559 = vector.shape_cast %get3A_1558 : vector<1x16xf32> to vector<16xf32>
        %add3A_1560 = arith.addf %add3A_1518, %get3A_1559 : vector<16xf32>
        %add3A_1561 = arith.constant 1 : i32
        %add3A_1562 = arith.addi %add3A_1513, %add3A_1561 : i32
        %get3A_1563 = arith.index_cast %add3A_1562 : i32 to index
        %get3A_1564 = arith.constant 16 : index
        %get3A_1565 = tpu.vector_load %arg8[%get3A_1563, %get3A_1564] {strides = array<i32>} : memref<368x128xf32, #tpu.memory_space<vmem>>, vector<1x16xf32>,
        %get3A_1566 = vector.shape_cast %get3A_1565 : vector<1x16xf32> to vector<16xf32>
        %add3A_1567 = arith.addf %add3A_1523, %get3A_1566 : vector<16xf32>
        %add3A_1568 = arith.constant 1 : i32
        %add3A_1569 = arith.addi %add3A_1513, %add3A_1568 : i32
        %get3A_1570 = arith.index_cast %add3A_1569 : i32 to index
        %get3A_1571 = arith.constant 32 : index
        %get3A_1572 = tpu.vector_load %arg8[%get3A_1570, %get3A_1571] {strides = array<i32>} : memref<368x128xf32, #tpu.memory_space<vmem>>, vector<1x16xf32>,
        %get3A_1573 = vector.shape_cast %get3A_1572 : vector<1x16xf32> to vector<16xf32>
        %add3A_1574 = arith.addf %add3A_1528, %get3A_1573 : vector<16xf32>
        %add3A_1575 = arith.constant 1 : i32
        %add3A_1576 = arith.addi %add3A_1513, %add3A_1575 : i32
        %get3A_1577 = arith.index_cast %add3A_1576 : i32 to index
        %get3A_1578 = arith.constant 48 : index
        %get3A_1579 = tpu.vector_load %arg8[%get3A_1577, %get3A_1578] {strides = array<i32>} : memref<368x128xf32, #tpu.memory_space<vmem>>, vector<1x16xf32>,
        %get3A_1580 = vector.shape_cast %get3A_1579 : vector<1x16xf32> to vector<16xf32>
        %add3A_1581 = arith.addf %add3A_1533, %get3A_1580 : vector<16xf32>
        %add3A_1582 = arith.constant 1 : i32
        %add3A_1583 = arith.addi %add3A_1513, %add3A_1582 : i32
        %get3A_1584 = arith.index_cast %add3A_1583 : i32 to index
        %get3A_1585 = arith.constant 64 : index
        %get3A_1586 = tpu.vector_load %arg8[%get3A_1584, %get3A_1585] {strides = array<i32>} : memref<368x128xf32, #tpu.memory_space<vmem>>, vector<1x16xf32>,
        %get3A_1587 = vector.shape_cast %get3A_1586 : vector<1x16xf32> to vector<16xf32>
        %add3A_1588 = arith.addf %add3A_1538, %get3A_1587 : vector<16xf32>
        %add3A_1589 = arith.constant 1 : i32
        %add3A_1590 = arith.addi %add3A_1513, %add3A_1589 : i32
        %get3A_1591 = arith.index_cast %add3A_1590 : i32 to index
        %get3A_1592 = arith.constant 80 : index
        %get3A_1593 = tpu.vector_load %arg8[%get3A_1591, %get3A_1592] {strides = array<i32>} : memref<368x128xf32, #tpu.memory_space<vmem>>, vector<1x16xf32>,
        %get3A_1594 = vector.shape_cast %get3A_1593 : vector<1x16xf32> to vector<16xf32>
        %add3A_1595 = arith.addf %add3A_1543, %get3A_1594 : vector<16xf32>
        %add3A_1596 = arith.constant 1 : i32
        %add3A_1597 = arith.addi %add3A_1513, %add3A_1596 : i32
        %get3A_1598 = arith.index_cast %add3A_1597 : i32 to index
        %get3A_1599 = arith.constant 96 : index
        %get3A_1600 = tpu.vector_load %arg8[%get3A_1598, %get3A_1599] {strides = array<i32>} : memref<368x128xf32, #tpu.memory_space<vmem>>, vector<1x16xf32>,
        %get3A_1601 = vector.shape_cast %get3A_1600 : vector<1x16xf32> to vector<16xf32>
        %add3A_1602 = arith.addf %add3A_1548, %get3A_1601 : vector<16xf32>
        %add3A_1603 = arith.constant 1 : i32
        %add3A_1604 = arith.addi %add3A_1513, %add3A_1603 : i32
        %get3A_1605 = arith.index_cast %add3A_1604 : i32 to index
        %get3A_1606 = arith.constant 112 : index
        %get3A_1607 = tpu.vector_load %arg8[%get3A_1605, %get3A_1606] {strides = array<i32>} : memref<368x128xf32, #tpu.memory_space<vmem>>, vector<1x16xf32>,
        %get3A_1608 = vector.shape_cast %get3A_1607 : vector<1x16xf32> to vector<16xf32>
        %add3A_1609 = arith.addf %add3A_1553, %get3A_1608 : vector<16xf32>
        scf.yield %add3A_1560, %add3A_1567, %add3A_1574, %add3A_1581, %add3A_1588, %add3A_1595, %add3A_1602, %add3A_1609 : vector<16xf32>, vector<16xf32>, vector<16xf32>, vector<16xf32>, vector<16xf32>, vector<16xf32>, vector<16xf32>, vector<16xf32>
      }
      %scan3A_633 = arith.constant 23 : i32
      %swap3A_634 = arith.constant 4 : i32
      %swap3A_635 = arith.index_cast %swap3A_634 : i32 to index
      %swap3A_636 = arith.constant 0 : index
      %swap3A_637 = tpu.vector_load %arg10[%swap3A_635, %swap3A_636] {strides = array<i32>} : memref<8x128xf32, #tpu.memory_space<vmem>>, vector<1x16xf32>,
      %swap3A_638 = vector.shape_cast %swap3A_637 : vector<1x16xf32> to vector<16xf32>
      %swap3A_639 = vector.shape_cast %scan3A_632#0 : vector<16xf32> to vector<1x16xf32>
      tpu.vector_store %arg10[%swap3A_635, %swap3A_636], %swap3A_639 {strides = array<i32>} : memref<8x128xf32, #tpu.memory_space<vmem>>, vector<1x16xf32>,
      %swap3A_640 = arith.constant 4 : i32
      %swap3A_641 = arith.index_cast %swap3A_640 : i32 to index
      %swap3A_642 = arith.constant 16 : index
      %swap3A_643 = tpu.vector_load %arg10[%swap3A_641, %swap3A_642] {strides = array<i32>} : memref<8x128xf32, #tpu.memory_space<vmem>>, vector<1x16xf32>,
      %swap3A_644 = vector.shape_cast %swap3A_643 : vector<1x16xf32> to vector<16xf32>
      %swap3A_645 = vector.shape_cast %scan3A_632#1 : vector<16xf32> to vector<1x16xf32>
      tpu.vector_store %arg10[%swap3A_641, %swap3A_642], %swap3A_645 {strides = array<i32>} : memref<8x128xf32, #tpu.memory_space<vmem>>, vector<1x16xf32>,
      %swap3A_646 = arith.constant 4 : i32
      %swap3A_647 = arith.index_cast %swap3A_646 : i32 to index
      %swap3A_648 = arith.constant 32 : index
      %swap3A_649 = tpu.vector_load %arg10[%swap3A_647, %swap3A_648] {strides = array<i32>} : memref<8x128xf32, #tpu.memory_space<vmem>>, vector<1x16xf32>,
      %swap3A_650 = vector.shape_cast %swap3A_649 : vector<1x16xf32> to vector<16xf32>
      %swap3A_651 = vector.shape_cast %scan3A_632#2 : vector<16xf32> to vector<1x16xf32>
      tpu.vector_store %arg10[%swap3A_647, %swap3A_648], %swap3A_651 {strides = array<i32>} : memref<8x128xf32, #tpu.memory_space<vmem>>, vector<1x16xf32>,
      %swap3A_652 = arith.constant 4 : i32
      %swap3A_653 = arith.index_cast %swap3A_652 : i32 to index
      %swap3A_654 = arith.constant 48 : index
      %swap3A_655 = tpu.vector_load %arg10[%swap3A_653, %swap3A_654] {strides = array<i32>} : memref<8x128xf32, #tpu.memory_space<vmem>>, vector<1x16xf32>,
      %swap3A_656 = vector.shape_cast %swap3A_655 : vector<1x16xf32> to vector<16xf32>
      %swap3A_657 = vector.shape_cast %scan3A_632#3 : vector<16xf32> to vector<1x16xf32>
      tpu.vector_store %arg10[%swap3A_653, %swap3A_654], %swap3A_657 {strides = array<i32>} : memref<8x128xf32, #tpu.memory_space<vmem>>, vector<1x16xf32>,
      %swap3A_658 = arith.constant 4 : i32
      %swap3A_659 = arith.index_cast %swap3A_658 : i32 to index
      %swap3A_660 = arith.constant 64 : index
      %swap3A_661 = tpu.vector_load %arg10[%swap3A_659, %swap3A_660] {strides = array<i32>} : memref<8x128xf32, #tpu.memory_space<vmem>>, vector<1x16xf32>,
      %swap3A_662 = vector.shape_cast %swap3A_661 : vector<1x16xf32> to vector<16xf32>
      %swap3A_663 = vector.shape_cast %scan3A_632#4 : vector<16xf32> to vector<1x16xf32>
      tpu.vector_store %arg10[%swap3A_659, %swap3A_660], %swap3A_663 {strides = array<i32>} : memref<8x128xf32, #tpu.memory_space<vmem>>, vector<1x16xf32>,
      %swap3A_664 = arith.constant 4 : i32
      %swap3A_665 = arith.index_cast %swap3A_664 : i32 to index
      %swap3A_666 = arith.constant 80 : index
      %swap3A_667 = tpu.vector_load %arg10[%swap3A_665, %swap3A_666] {strides = array<i32>} : memref<8x128xf32, #tpu.memory_space<vmem>>, vector<1x16xf32>,
      %swap3A_668 = vector.shape_cast %swap3A_667 : vector<1x16xf32> to vector<16xf32>
      %swap3A_669 = vector.shape_cast %scan3A_632#5 : vector<16xf32> to vector<1x16xf32>
      tpu.vector_store %arg10[%swap3A_665, %swap3A_666], %swap3A_669 {strides = array<i32>} : memref<8x128xf32, #tpu.memory_space<vmem>>, vector<1x16xf32>,
      %swap3A_670 = arith.constant 4 : i32
      %swap3A_671 = arith.index_cast %swap3A_670 : i32 to index
      %swap3A_672 = arith.constant 96 : index
      %swap3A_673 = tpu.vector_load %arg10[%swap3A_671, %swap3A_672] {strides = array<i32>} : memref<8x128xf32, #tpu.memory_space<vmem>>, vector<1x16xf32>,
      %swap3A_674 = vector.shape_cast %swap3A_673 : vector<1x16xf32> to vector<16xf32>
      %swap3A_675 = vector.shape_cast %scan3A_632#6 : vector<16xf32> to vector<1x16xf32>
      tpu.vector_store %arg10[%swap3A_671, %swap3A_672], %swap3A_675 {strides = array<i32>} : memref<8x128xf32, #tpu.memory_space<vmem>>, vector<1x16xf32>,
      %swap3A_676 = arith.constant 4 : i32
      %swap3A_677 = arith.index_cast %swap3A_676 : i32 to index
      %swap3A_678 = arith.constant 112 : index
      %swap3A_679 = tpu.vector_load %arg10[%swap3A_677, %swap3A_678] {strides = array<i32>} : memref<8x128xf32, #tpu.memory_space<vmem>>, vector<1x16xf32>,
      %swap3A_680 = vector.shape_cast %swap3A_679 : vector<1x16xf32> to vector<16xf32>
      %swap3A_681 = vector.shape_cast %scan3A_632#7 : vector<16xf32> to vector<1x16xf32>
      tpu.vector_store %arg10[%swap3A_677, %swap3A_678], %swap3A_681 {strides = array<i32>} : memref<8x128xf32, #tpu.memory_space<vmem>>, vector<1x16xf32>,
      %broadcast_in_dim3A_682 = arith.constant 0.000000e+00 : f32
      %broadcast_in_dim3A_683 = vector.broadcast %broadcast_in_dim3A_682 : f32 to vector<16xf32>
      %broadcast_in_dim3A_684 = arith.constant 0.000000e+00 : f32
      %broadcast_in_dim3A_685 = vector.broadcast %broadcast_in_dim3A_684 : f32 to vector<16xf32>
      %broadcast_in_dim3A_686 = arith.constant 0.000000e+00 : f32
      %broadcast_in_dim3A_687 = vector.broadcast %broadcast_in_dim3A_686 : f32 to vector<16xf32>
      %broadcast_in_dim3A_688 = arith.constant 0.000000e+00 : f32
      %broadcast_in_dim3A_689 = vector.broadcast %broadcast_in_dim3A_688 : f32 to vector<16xf32>
      %broadcast_in_dim3A_690 = arith.constant 0.000000e+00 : f32
      %broadcast_in_dim3A_691 = vector.broadcast %broadcast_in_dim3A_690 : f32 to vector<16xf32>
      %broadcast_in_dim3A_692 = arith.constant 0.000000e+00 : f32
      %broadcast_in_dim3A_693 = vector.broadcast %broadcast_in_dim3A_692 : f32 to vector<16xf32>
      %broadcast_in_dim3A_694 = arith.constant 0.000000e+00 : f32
      %broadcast_in_dim3A_695 = vector.broadcast %broadcast_in_dim3A_694 : f32 to vector<16xf32>
      %broadcast_in_dim3A_696 = arith.constant 0.000000e+00 : f32
      %broadcast_in_dim3A_697 = vector.broadcast %broadcast_in_dim3A_696 : f32 to vector<16xf32>
      %scan3A_698 = arith.constant 0 : i32
      %scan3A_699 = arith.constant 23 : i32
      %scan3A_700 = arith.addi %scan3A_698, %scan3A_699 : i32
      %scan3A_701 = arith.constant 1 : i32
      %scan3A_702:8 = scf.for %scan3A_1501 = %scan3A_698 to %scan3A_700 step %scan3A_701 iter_args(%scan3A_1502 = %broadcast_in_dim3A_683, %scan3A_1503 = %broadcast_in_dim3A_685, %scan3A_1504 = %broadcast_in_dim3A_687, %scan3A_1505 = %broadcast_in_dim3A_689, %scan3A_1506 = %broadcast_in_dim3A_691, %scan3A_1507 = %broadcast_in_dim3A_693, %scan3A_1508 = %broadcast_in_dim3A_695, %scan3A_1509 = %broadcast_in_dim3A_697) -> (vector<16xf32>, vector<16xf32>, vector<16xf32>, vector<16xf32>, vector<16xf32>, vector<16xf32>, vector<16xf32>, vector<16xf32>)  : i32 {
        %mul3A_1510 = arith.constant 2 : i32
        %mul3A_1511 = arith.muli %mul3A_1510, %scan3A_1501 : i32
        %add3A_1512 = arith.constant 230 : i32
        %add3A_1513 = arith.addi %add3A_1512, %mul3A_1511 : i32
        %get3A_1514 = arith.index_cast %add3A_1513 : i32 to index
        %get3A_1515 = arith.constant 0 : index
        %get3A_1516 = tpu.vector_load %arg8[%get3A_1514, %get3A_1515] {strides = array<i32>} : memref<368x128xf32, #tpu.memory_space<vmem>>, vector<1x16xf32>,
        %get3A_1517 = vector.shape_cast %get3A_1516 : vector<1x16xf32> to vector<16xf32>
        %add3A_1518 = arith.addf %scan3A_1502, %get3A_1517 : vector<16xf32>
        %get3A_1519 = arith.index_cast %add3A_1513 : i32 to index
        %get3A_1520 = arith.constant 16 : index
        %get3A_1521 = tpu.vector_load %arg8[%get3A_1519, %get3A_1520] {strides = array<i32>} : memref<368x128xf32, #tpu.memory_space<vmem>>, vector<1x16xf32>,
        %get3A_1522 = vector.shape_cast %get3A_1521 : vector<1x16xf32> to vector<16xf32>
        %add3A_1523 = arith.addf %scan3A_1503, %get3A_1522 : vector<16xf32>
        %get3A_1524 = arith.index_cast %add3A_1513 : i32 to index
        %get3A_1525 = arith.constant 32 : index
        %get3A_1526 = tpu.vector_load %arg8[%get3A_1524, %get3A_1525] {strides = array<i32>} : memref<368x128xf32, #tpu.memory_space<vmem>>, vector<1x16xf32>,
        %get3A_1527 = vector.shape_cast %get3A_1526 : vector<1x16xf32> to vector<16xf32>
        %add3A_1528 = arith.addf %scan3A_1504, %get3A_1527 : vector<16xf32>
        %get3A_1529 = arith.index_cast %add3A_1513 : i32 to index
        %get3A_1530 = arith.constant 48 : index
        %get3A_1531 = tpu.vector_load %arg8[%get3A_1529, %get3A_1530] {strides = array<i32>} : memref<368x128xf32, #tpu.memory_space<vmem>>, vector<1x16xf32>,
        %get3A_1532 = vector.shape_cast %get3A_1531 : vector<1x16xf32> to vector<16xf32>
        %add3A_1533 = arith.addf %scan3A_1505, %get3A_1532 : vector<16xf32>
        %get3A_1534 = arith.index_cast %add3A_1513 : i32 to index
        %get3A_1535 = arith.constant 64 : index
        %get3A_1536 = tpu.vector_load %arg8[%get3A_1534, %get3A_1535] {strides = array<i32>} : memref<368x128xf32, #tpu.memory_space<vmem>>, vector<1x16xf32>,
        %get3A_1537 = vector.shape_cast %get3A_1536 : vector<1x16xf32> to vector<16xf32>
        %add3A_1538 = arith.addf %scan3A_1506, %get3A_1537 : vector<16xf32>
        %get3A_1539 = arith.index_cast %add3A_1513 : i32 to index
        %get3A_1540 = arith.constant 80 : index
        %get3A_1541 = tpu.vector_load %arg8[%get3A_1539, %get3A_1540] {strides = array<i32>} : memref<368x128xf32, #tpu.memory_space<vmem>>, vector<1x16xf32>,
        %get3A_1542 = vector.shape_cast %get3A_1541 : vector<1x16xf32> to vector<16xf32>
        %add3A_1543 = arith.addf %scan3A_1507, %get3A_1542 : vector<16xf32>
        %get3A_1544 = arith.index_cast %add3A_1513 : i32 to index
        %get3A_1545 = arith.constant 96 : index
        %get3A_1546 = tpu.vector_load %arg8[%get3A_1544, %get3A_1545] {strides = array<i32>} : memref<368x128xf32, #tpu.memory_space<vmem>>, vector<1x16xf32>,
        %get3A_1547 = vector.shape_cast %get3A_1546 : vector<1x16xf32> to vector<16xf32>
        %add3A_1548 = arith.addf %scan3A_1508, %get3A_1547 : vector<16xf32>
        %get3A_1549 = arith.index_cast %add3A_1513 : i32 to index
        %get3A_1550 = arith.constant 112 : index
        %get3A_1551 = tpu.vector_load %arg8[%get3A_1549, %get3A_1550] {strides = array<i32>} : memref<368x128xf32, #tpu.memory_space<vmem>>, vector<1x16xf32>,
        %get3A_1552 = vector.shape_cast %get3A_1551 : vector<1x16xf32> to vector<16xf32>
        %add3A_1553 = arith.addf %scan3A_1509, %get3A_1552 : vector<16xf32>
        %add3A_1554 = arith.constant 1 : i32
        %add3A_1555 = arith.addi %add3A_1513, %add3A_1554 : i32
        %get3A_1556 = arith.index_cast %add3A_1555 : i32 to index
        %get3A_1557 = arith.constant 0 : index
        %get3A_1558 = tpu.vector_load %arg8[%get3A_1556, %get3A_1557] {strides = array<i32>} : memref<368x128xf32, #tpu.memory_space<vmem>>, vector<1x16xf32>,
        %get3A_1559 = vector.shape_cast %get3A_1558 : vector<1x16xf32> to vector<16xf32>
        %add3A_1560 = arith.addf %add3A_1518, %get3A_1559 : vector<16xf32>
        %add3A_1561 = arith.constant 1 : i32
        %add3A_1562 = arith.addi %add3A_1513, %add3A_1561 : i32
        %get3A_1563 = arith.index_cast %add3A_1562 : i32 to index
        %get3A_1564 = arith.constant 16 : index
        %get3A_1565 = tpu.vector_load %arg8[%get3A_1563, %get3A_1564] {strides = array<i32>} : memref<368x128xf32, #tpu.memory_space<vmem>>, vector<1x16xf32>,
        %get3A_1566 = vector.shape_cast %get3A_1565 : vector<1x16xf32> to vector<16xf32>
        %add3A_1567 = arith.addf %add3A_1523, %get3A_1566 : vector<16xf32>
        %add3A_1568 = arith.constant 1 : i32
        %add3A_1569 = arith.addi %add3A_1513, %add3A_1568 : i32
        %get3A_1570 = arith.index_cast %add3A_1569 : i32 to index
        %get3A_1571 = arith.constant 32 : index
        %get3A_1572 = tpu.vector_load %arg8[%get3A_1570, %get3A_1571] {strides = array<i32>} : memref<368x128xf32, #tpu.memory_space<vmem>>, vector<1x16xf32>,
        %get3A_1573 = vector.shape_cast %get3A_1572 : vector<1x16xf32> to vector<16xf32>
        %add3A_1574 = arith.addf %add3A_1528, %get3A_1573 : vector<16xf32>
        %add3A_1575 = arith.constant 1 : i32
        %add3A_1576 = arith.addi %add3A_1513, %add3A_1575 : i32
        %get3A_1577 = arith.index_cast %add3A_1576 : i32 to index
        %get3A_1578 = arith.constant 48 : index
        %get3A_1579 = tpu.vector_load %arg8[%get3A_1577, %get3A_1578] {strides = array<i32>} : memref<368x128xf32, #tpu.memory_space<vmem>>, vector<1x16xf32>,
        %get3A_1580 = vector.shape_cast %get3A_1579 : vector<1x16xf32> to vector<16xf32>
        %add3A_1581 = arith.addf %add3A_1533, %get3A_1580 : vector<16xf32>
        %add3A_1582 = arith.constant 1 : i32
        %add3A_1583 = arith.addi %add3A_1513, %add3A_1582 : i32
        %get3A_1584 = arith.index_cast %add3A_1583 : i32 to index
        %get3A_1585 = arith.constant 64 : index
        %get3A_1586 = tpu.vector_load %arg8[%get3A_1584, %get3A_1585] {strides = array<i32>} : memref<368x128xf32, #tpu.memory_space<vmem>>, vector<1x16xf32>,
        %get3A_1587 = vector.shape_cast %get3A_1586 : vector<1x16xf32> to vector<16xf32>
        %add3A_1588 = arith.addf %add3A_1538, %get3A_1587 : vector<16xf32>
        %add3A_1589 = arith.constant 1 : i32
        %add3A_1590 = arith.addi %add3A_1513, %add3A_1589 : i32
        %get3A_1591 = arith.index_cast %add3A_1590 : i32 to index
        %get3A_1592 = arith.constant 80 : index
        %get3A_1593 = tpu.vector_load %arg8[%get3A_1591, %get3A_1592] {strides = array<i32>} : memref<368x128xf32, #tpu.memory_space<vmem>>, vector<1x16xf32>,
        %get3A_1594 = vector.shape_cast %get3A_1593 : vector<1x16xf32> to vector<16xf32>
        %add3A_1595 = arith.addf %add3A_1543, %get3A_1594 : vector<16xf32>
        %add3A_1596 = arith.constant 1 : i32
        %add3A_1597 = arith.addi %add3A_1513, %add3A_1596 : i32
        %get3A_1598 = arith.index_cast %add3A_1597 : i32 to index
        %get3A_1599 = arith.constant 96 : index
        %get3A_1600 = tpu.vector_load %arg8[%get3A_1598, %get3A_1599] {strides = array<i32>} : memref<368x128xf32, #tpu.memory_space<vmem>>, vector<1x16xf32>,
        %get3A_1601 = vector.shape_cast %get3A_1600 : vector<1x16xf32> to vector<16xf32>
        %add3A_1602 = arith.addf %add3A_1548, %get3A_1601 : vector<16xf32>
        %add3A_1603 = arith.constant 1 : i32
        %add3A_1604 = arith.addi %add3A_1513, %add3A_1603 : i32
        %get3A_1605 = arith.index_cast %add3A_1604 : i32 to index
        %get3A_1606 = arith.constant 112 : index
        %get3A_1607 = tpu.vector_load %arg8[%get3A_1605, %get3A_1606] {strides = array<i32>} : memref<368x128xf32, #tpu.memory_space<vmem>>, vector<1x16xf32>,
        %get3A_1608 = vector.shape_cast %get3A_1607 : vector<1x16xf32> to vector<16xf32>
        %add3A_1609 = arith.addf %add3A_1553, %get3A_1608 : vector<16xf32>
        scf.yield %add3A_1560, %add3A_1567, %add3A_1574, %add3A_1581, %add3A_1588, %add3A_1595, %add3A_1602, %add3A_1609 : vector<16xf32>, vector<16xf32>, vector<16xf32>, vector<16xf32>, vector<16xf32>, vector<16xf32>, vector<16xf32>, vector<16xf32>
      }
      %scan3A_703 = arith.constant 23 : i32
      %swap3A_704 = arith.constant 5 : i32
      %swap3A_705 = arith.index_cast %swap3A_704 : i32 to index
      %swap3A_706 = arith.constant 0 : index
      %swap3A_707 = tpu.vector_load %arg10[%swap3A_705, %swap3A_706] {strides = array<i32>} : memref<8x128xf32, #tpu.memory_space<vmem>>, vector<1x16xf32>,
      %swap3A_708 = vector.shape_cast %swap3A_707 : vector<1x16xf32> to vector<16xf32>
      %swap3A_709 = vector.shape_cast %scan3A_702#0 : vector<16xf32> to vector<1x16xf32>
      tpu.vector_store %arg10[%swap3A_705, %swap3A_706], %swap3A_709 {strides = array<i32>} : memref<8x128xf32, #tpu.memory_space<vmem>>, vector<1x16xf32>,
      %swap3A_710 = arith.constant 5 : i32
      %swap3A_711 = arith.index_cast %swap3A_710 : i32 to index
      %swap3A_712 = arith.constant 16 : index
      %swap3A_713 = tpu.vector_load %arg10[%swap3A_711, %swap3A_712] {strides = array<i32>} : memref<8x128xf32, #tpu.memory_space<vmem>>, vector<1x16xf32>,
      %swap3A_714 = vector.shape_cast %swap3A_713 : vector<1x16xf32> to vector<16xf32>
      %swap3A_715 = vector.shape_cast %scan3A_702#1 : vector<16xf32> to vector<1x16xf32>
      tpu.vector_store %arg10[%swap3A_711, %swap3A_712], %swap3A_715 {strides = array<i32>} : memref<8x128xf32, #tpu.memory_space<vmem>>, vector<1x16xf32>,
      %swap3A_716 = arith.constant 5 : i32
      %swap3A_717 = arith.index_cast %swap3A_716 : i32 to index
      %swap3A_718 = arith.constant 32 : index
      %swap3A_719 = tpu.vector_load %arg10[%swap3A_717, %swap3A_718] {strides = array<i32>} : memref<8x128xf32, #tpu.memory_space<vmem>>, vector<1x16xf32>,
      %swap3A_720 = vector.shape_cast %swap3A_719 : vector<1x16xf32> to vector<16xf32>
      %swap3A_721 = vector.shape_cast %scan3A_702#2 : vector<16xf32> to vector<1x16xf32>
      tpu.vector_store %arg10[%swap3A_717, %swap3A_718], %swap3A_721 {strides = array<i32>} : memref<8x128xf32, #tpu.memory_space<vmem>>, vector<1x16xf32>,
      %swap3A_722 = arith.constant 5 : i32
      %swap3A_723 = arith.index_cast %swap3A_722 : i32 to index
      %swap3A_724 = arith.constant 48 : index
      %swap3A_725 = tpu.vector_load %arg10[%swap3A_723, %swap3A_724] {strides = array<i32>} : memref<8x128xf32, #tpu.memory_space<vmem>>, vector<1x16xf32>,
      %swap3A_726 = vector.shape_cast %swap3A_725 : vector<1x16xf32> to vector<16xf32>
      %swap3A_727 = vector.shape_cast %scan3A_702#3 : vector<16xf32> to vector<1x16xf32>
      tpu.vector_store %arg10[%swap3A_723, %swap3A_724], %swap3A_727 {strides = array<i32>} : memref<8x128xf32, #tpu.memory_space<vmem>>, vector<1x16xf32>,
      %swap3A_728 = arith.constant 5 : i32
      %swap3A_729 = arith.index_cast %swap3A_728 : i32 to index
      %swap3A_730 = arith.constant 64 : index
      %swap3A_731 = tpu.vector_load %arg10[%swap3A_729, %swap3A_730] {strides = array<i32>} : memref<8x128xf32, #tpu.memory_space<vmem>>, vector<1x16xf32>,
      %swap3A_732 = vector.shape_cast %swap3A_731 : vector<1x16xf32> to vector<16xf32>
      %swap3A_733 = vector.shape_cast %scan3A_702#4 : vector<16xf32> to vector<1x16xf32>
      tpu.vector_store %arg10[%swap3A_729, %swap3A_730], %swap3A_733 {strides = array<i32>} : memref<8x128xf32, #tpu.memory_space<vmem>>, vector<1x16xf32>,
      %swap3A_734 = arith.constant 5 : i32
      %swap3A_735 = arith.index_cast %swap3A_734 : i32 to index
      %swap3A_736 = arith.constant 80 : index
      %swap3A_737 = tpu.vector_load %arg10[%swap3A_735, %swap3A_736] {strides = array<i32>} : memref<8x128xf32, #tpu.memory_space<vmem>>, vector<1x16xf32>,
      %swap3A_738 = vector.shape_cast %swap3A_737 : vector<1x16xf32> to vector<16xf32>
      %swap3A_739 = vector.shape_cast %scan3A_702#5 : vector<16xf32> to vector<1x16xf32>
      tpu.vector_store %arg10[%swap3A_735, %swap3A_736], %swap3A_739 {strides = array<i32>} : memref<8x128xf32, #tpu.memory_space<vmem>>, vector<1x16xf32>,
      %swap3A_740 = arith.constant 5 : i32
      %swap3A_741 = arith.index_cast %swap3A_740 : i32 to index
      %swap3A_742 = arith.constant 96 : index
      %swap3A_743 = tpu.vector_load %arg10[%swap3A_741, %swap3A_742] {strides = array<i32>} : memref<8x128xf32, #tpu.memory_space<vmem>>, vector<1x16xf32>,
      %swap3A_744 = vector.shape_cast %swap3A_743 : vector<1x16xf32> to vector<16xf32>
      %swap3A_745 = vector.shape_cast %scan3A_702#6 : vector<16xf32> to vector<1x16xf32>
      tpu.vector_store %arg10[%swap3A_741, %swap3A_742], %swap3A_745 {strides = array<i32>} : memref<8x128xf32, #tpu.memory_space<vmem>>, vector<1x16xf32>,
      %swap3A_746 = arith.constant 5 : i32
      %swap3A_747 = arith.index_cast %swap3A_746 : i32 to index
      %swap3A_748 = arith.constant 112 : index
      %swap3A_749 = tpu.vector_load %arg10[%swap3A_747, %swap3A_748] {strides = array<i32>} : memref<8x128xf32, #tpu.memory_space<vmem>>, vector<1x16xf32>,
      %swap3A_750 = vector.shape_cast %swap3A_749 : vector<1x16xf32> to vector<16xf32>
      %swap3A_751 = vector.shape_cast %scan3A_702#7 : vector<16xf32> to vector<1x16xf32>
      tpu.vector_store %arg10[%swap3A_747, %swap3A_748], %swap3A_751 {strides = array<i32>} : memref<8x128xf32, #tpu.memory_space<vmem>>, vector<1x16xf32>,
      %broadcast_in_dim3A_752 = arith.constant 0.000000e+00 : f32
      %broadcast_in_dim3A_753 = vector.broadcast %broadcast_in_dim3A_752 : f32 to vector<16xf32>
      %broadcast_in_dim3A_754 = arith.constant 0.000000e+00 : f32
      %broadcast_in_dim3A_755 = vector.broadcast %broadcast_in_dim3A_754 : f32 to vector<16xf32>
      %broadcast_in_dim3A_756 = arith.constant 0.000000e+00 : f32
      %broadcast_in_dim3A_757 = vector.broadcast %broadcast_in_dim3A_756 : f32 to vector<16xf32>
      %broadcast_in_dim3A_758 = arith.constant 0.000000e+00 : f32
      %broadcast_in_dim3A_759 = vector.broadcast %broadcast_in_dim3A_758 : f32 to vector<16xf32>
      %broadcast_in_dim3A_760 = arith.constant 0.000000e+00 : f32
      %broadcast_in_dim3A_761 = vector.broadcast %broadcast_in_dim3A_760 : f32 to vector<16xf32>
      %broadcast_in_dim3A_762 = arith.constant 0.000000e+00 : f32
      %broadcast_in_dim3A_763 = vector.broadcast %broadcast_in_dim3A_762 : f32 to vector<16xf32>
      %broadcast_in_dim3A_764 = arith.constant 0.000000e+00 : f32
      %broadcast_in_dim3A_765 = vector.broadcast %broadcast_in_dim3A_764 : f32 to vector<16xf32>
      %broadcast_in_dim3A_766 = arith.constant 0.000000e+00 : f32
      %broadcast_in_dim3A_767 = vector.broadcast %broadcast_in_dim3A_766 : f32 to vector<16xf32>
      %scan3A_768 = arith.constant 0 : i32
      %scan3A_769 = arith.constant 23 : i32
      %scan3A_770 = arith.addi %scan3A_768, %scan3A_769 : i32
      %scan3A_771 = arith.constant 1 : i32
      %scan3A_772:8 = scf.for %scan3A_1501 = %scan3A_768 to %scan3A_770 step %scan3A_771 iter_args(%scan3A_1502 = %broadcast_in_dim3A_753, %scan3A_1503 = %broadcast_in_dim3A_755, %scan3A_1504 = %broadcast_in_dim3A_757, %scan3A_1505 = %broadcast_in_dim3A_759, %scan3A_1506 = %broadcast_in_dim3A_761, %scan3A_1507 = %broadcast_in_dim3A_763, %scan3A_1508 = %broadcast_in_dim3A_765, %scan3A_1509 = %broadcast_in_dim3A_767) -> (vector<16xf32>, vector<16xf32>, vector<16xf32>, vector<16xf32>, vector<16xf32>, vector<16xf32>, vector<16xf32>, vector<16xf32>)  : i32 {
        %mul3A_1510 = arith.constant 2 : i32
        %mul3A_1511 = arith.muli %mul3A_1510, %scan3A_1501 : i32
        %add3A_1512 = arith.constant 276 : i32
        %add3A_1513 = arith.addi %add3A_1512, %mul3A_1511 : i32
        %get3A_1514 = arith.index_cast %add3A_1513 : i32 to index
        %get3A_1515 = arith.constant 0 : index
        %get3A_1516 = tpu.vector_load %arg8[%get3A_1514, %get3A_1515] {strides = array<i32>} : memref<368x128xf32, #tpu.memory_space<vmem>>, vector<1x16xf32>,
        %get3A_1517 = vector.shape_cast %get3A_1516 : vector<1x16xf32> to vector<16xf32>
        %add3A_1518 = arith.addf %scan3A_1502, %get3A_1517 : vector<16xf32>
        %get3A_1519 = arith.index_cast %add3A_1513 : i32 to index
        %get3A_1520 = arith.constant 16 : index
        %get3A_1521 = tpu.vector_load %arg8[%get3A_1519, %get3A_1520] {strides = array<i32>} : memref<368x128xf32, #tpu.memory_space<vmem>>, vector<1x16xf32>,
        %get3A_1522 = vector.shape_cast %get3A_1521 : vector<1x16xf32> to vector<16xf32>
        %add3A_1523 = arith.addf %scan3A_1503, %get3A_1522 : vector<16xf32>
        %get3A_1524 = arith.index_cast %add3A_1513 : i32 to index
        %get3A_1525 = arith.constant 32 : index
        %get3A_1526 = tpu.vector_load %arg8[%get3A_1524, %get3A_1525] {strides = array<i32>} : memref<368x128xf32, #tpu.memory_space<vmem>>, vector<1x16xf32>,
        %get3A_1527 = vector.shape_cast %get3A_1526 : vector<1x16xf32> to vector<16xf32>
        %add3A_1528 = arith.addf %scan3A_1504, %get3A_1527 : vector<16xf32>
        %get3A_1529 = arith.index_cast %add3A_1513 : i32 to index
        %get3A_1530 = arith.constant 48 : index
        %get3A_1531 = tpu.vector_load %arg8[%get3A_1529, %get3A_1530] {strides = array<i32>} : memref<368x128xf32, #tpu.memory_space<vmem>>, vector<1x16xf32>,
        %get3A_1532 = vector.shape_cast %get3A_1531 : vector<1x16xf32> to vector<16xf32>
        %add3A_1533 = arith.addf %scan3A_1505, %get3A_1532 : vector<16xf32>
        %get3A_1534 = arith.index_cast %add3A_1513 : i32 to index
        %get3A_1535 = arith.constant 64 : index
        %get3A_1536 = tpu.vector_load %arg8[%get3A_1534, %get3A_1535] {strides = array<i32>} : memref<368x128xf32, #tpu.memory_space<vmem>>, vector<1x16xf32>,
        %get3A_1537 = vector.shape_cast %get3A_1536 : vector<1x16xf32> to vector<16xf32>
        %add3A_1538 = arith.addf %scan3A_1506, %get3A_1537 : vector<16xf32>
        %get3A_1539 = arith.index_cast %add3A_1513 : i32 to index
        %get3A_1540 = arith.constant 80 : index
        %get3A_1541 = tpu.vector_load %arg8[%get3A_1539, %get3A_1540] {strides = array<i32>} : memref<368x128xf32, #tpu.memory_space<vmem>>, vector<1x16xf32>,
        %get3A_1542 = vector.shape_cast %get3A_1541 : vector<1x16xf32> to vector<16xf32>
        %add3A_1543 = arith.addf %scan3A_1507, %get3A_1542 : vector<16xf32>
        %get3A_1544 = arith.index_cast %add3A_1513 : i32 to index
        %get3A_1545 = arith.constant 96 : index
        %get3A_1546 = tpu.vector_load %arg8[%get3A_1544, %get3A_1545] {strides = array<i32>} : memref<368x128xf32, #tpu.memory_space<vmem>>, vector<1x16xf32>,
        %get3A_1547 = vector.shape_cast %get3A_1546 : vector<1x16xf32> to vector<16xf32>
        %add3A_1548 = arith.addf %scan3A_1508, %get3A_1547 : vector<16xf32>
        %get3A_1549 = arith.index_cast %add3A_1513 : i32 to index
        %get3A_1550 = arith.constant 112 : index
        %get3A_1551 = tpu.vector_load %arg8[%get3A_1549, %get3A_1550] {strides = array<i32>} : memref<368x128xf32, #tpu.memory_space<vmem>>, vector<1x16xf32>,
        %get3A_1552 = vector.shape_cast %get3A_1551 : vector<1x16xf32> to vector<16xf32>
        %add3A_1553 = arith.addf %scan3A_1509, %get3A_1552 : vector<16xf32>
        %add3A_1554 = arith.constant 1 : i32
        %add3A_1555 = arith.addi %add3A_1513, %add3A_1554 : i32
        %get3A_1556 = arith.index_cast %add3A_1555 : i32 to index
        %get3A_1557 = arith.constant 0 : index
        %get3A_1558 = tpu.vector_load %arg8[%get3A_1556, %get3A_1557] {strides = array<i32>} : memref<368x128xf32, #tpu.memory_space<vmem>>, vector<1x16xf32>,
        %get3A_1559 = vector.shape_cast %get3A_1558 : vector<1x16xf32> to vector<16xf32>
        %add3A_1560 = arith.addf %add3A_1518, %get3A_1559 : vector<16xf32>
        %add3A_1561 = arith.constant 1 : i32
        %add3A_1562 = arith.addi %add3A_1513, %add3A_1561 : i32
        %get3A_1563 = arith.index_cast %add3A_1562 : i32 to index
        %get3A_1564 = arith.constant 16 : index
        %get3A_1565 = tpu.vector_load %arg8[%get3A_1563, %get3A_1564] {strides = array<i32>} : memref<368x128xf32, #tpu.memory_space<vmem>>, vector<1x16xf32>,
        %get3A_1566 = vector.shape_cast %get3A_1565 : vector<1x16xf32> to vector<16xf32>
        %add3A_1567 = arith.addf %add3A_1523, %get3A_1566 : vector<16xf32>
        %add3A_1568 = arith.constant 1 : i32
        %add3A_1569 = arith.addi %add3A_1513, %add3A_1568 : i32
        %get3A_1570 = arith.index_cast %add3A_1569 : i32 to index
        %get3A_1571 = arith.constant 32 : index
        %get3A_1572 = tpu.vector_load %arg8[%get3A_1570, %get3A_1571] {strides = array<i32>} : memref<368x128xf32, #tpu.memory_space<vmem>>, vector<1x16xf32>,
        %get3A_1573 = vector.shape_cast %get3A_1572 : vector<1x16xf32> to vector<16xf32>
        %add3A_1574 = arith.addf %add3A_1528, %get3A_1573 : vector<16xf32>
        %add3A_1575 = arith.constant 1 : i32
        %add3A_1576 = arith.addi %add3A_1513, %add3A_1575 : i32
        %get3A_1577 = arith.index_cast %add3A_1576 : i32 to index
        %get3A_1578 = arith.constant 48 : index
        %get3A_1579 = tpu.vector_load %arg8[%get3A_1577, %get3A_1578] {strides = array<i32>} : memref<368x128xf32, #tpu.memory_space<vmem>>, vector<1x16xf32>,
        %get3A_1580 = vector.shape_cast %get3A_1579 : vector<1x16xf32> to vector<16xf32>
        %add3A_1581 = arith.addf %add3A_1533, %get3A_1580 : vector<16xf32>
        %add3A_1582 = arith.constant 1 : i32
        %add3A_1583 = arith.addi %add3A_1513, %add3A_1582 : i32
        %get3A_1584 = arith.index_cast %add3A_1583 : i32 to index
        %get3A_1585 = arith.constant 64 : index
        %get3A_1586 = tpu.vector_load %arg8[%get3A_1584, %get3A_1585] {strides = array<i32>} : memref<368x128xf32, #tpu.memory_space<vmem>>, vector<1x16xf32>,
        %get3A_1587 = vector.shape_cast %get3A_1586 : vector<1x16xf32> to vector<16xf32>
        %add3A_1588 = arith.addf %add3A_1538, %get3A_1587 : vector<16xf32>
        %add3A_1589 = arith.constant 1 : i32
        %add3A_1590 = arith.addi %add3A_1513, %add3A_1589 : i32
        %get3A_1591 = arith.index_cast %add3A_1590 : i32 to index
        %get3A_1592 = arith.constant 80 : index
        %get3A_1593 = tpu.vector_load %arg8[%get3A_1591, %get3A_1592] {strides = array<i32>} : memref<368x128xf32, #tpu.memory_space<vmem>>, vector<1x16xf32>,
        %get3A_1594 = vector.shape_cast %get3A_1593 : vector<1x16xf32> to vector<16xf32>
        %add3A_1595 = arith.addf %add3A_1543, %get3A_1594 : vector<16xf32>
        %add3A_1596 = arith.constant 1 : i32
        %add3A_1597 = arith.addi %add3A_1513, %add3A_1596 : i32
        %get3A_1598 = arith.index_cast %add3A_1597 : i32 to index
        %get3A_1599 = arith.constant 96 : index
        %get3A_1600 = tpu.vector_load %arg8[%get3A_1598, %get3A_1599] {strides = array<i32>} : memref<368x128xf32, #tpu.memory_space<vmem>>, vector<1x16xf32>,
        %get3A_1601 = vector.shape_cast %get3A_1600 : vector<1x16xf32> to vector<16xf32>
        %add3A_1602 = arith.addf %add3A_1548, %get3A_1601 : vector<16xf32>
        %add3A_1603 = arith.constant 1 : i32
        %add3A_1604 = arith.addi %add3A_1513, %add3A_1603 : i32
        %get3A_1605 = arith.index_cast %add3A_1604 : i32 to index
        %get3A_1606 = arith.constant 112 : index
        %get3A_1607 = tpu.vector_load %arg8[%get3A_1605, %get3A_1606] {strides = array<i32>} : memref<368x128xf32, #tpu.memory_space<vmem>>, vector<1x16xf32>,
        %get3A_1608 = vector.shape_cast %get3A_1607 : vector<1x16xf32> to vector<16xf32>
        %add3A_1609 = arith.addf %add3A_1553, %get3A_1608 : vector<16xf32>
        scf.yield %add3A_1560, %add3A_1567, %add3A_1574, %add3A_1581, %add3A_1588, %add3A_1595, %add3A_1602, %add3A_1609 : vector<16xf32>, vector<16xf32>, vector<16xf32>, vector<16xf32>, vector<16xf32>, vector<16xf32>, vector<16xf32>, vector<16xf32>
      }
      %scan3A_773 = arith.constant 23 : i32
      %swap3A_774 = arith.constant 6 : i32
      %swap3A_775 = arith.index_cast %swap3A_774 : i32 to index
      %swap3A_776 = arith.constant 0 : index
      %swap3A_777 = tpu.vector_load %arg10[%swap3A_775, %swap3A_776] {strides = array<i32>} : memref<8x128xf32, #tpu.memory_space<vmem>>, vector<1x16xf32>,
      %swap3A_778 = vector.shape_cast %swap3A_777 : vector<1x16xf32> to vector<16xf32>
      %swap3A_779 = vector.shape_cast %scan3A_772#0 : vector<16xf32> to vector<1x16xf32>
      tpu.vector_store %arg10[%swap3A_775, %swap3A_776], %swap3A_779 {strides = array<i32>} : memref<8x128xf32, #tpu.memory_space<vmem>>, vector<1x16xf32>,
      %swap3A_780 = arith.constant 6 : i32
      %swap3A_781 = arith.index_cast %swap3A_780 : i32 to index
      %swap3A_782 = arith.constant 16 : index
      %swap3A_783 = tpu.vector_load %arg10[%swap3A_781, %swap3A_782] {strides = array<i32>} : memref<8x128xf32, #tpu.memory_space<vmem>>, vector<1x16xf32>,
      %swap3A_784 = vector.shape_cast %swap3A_783 : vector<1x16xf32> to vector<16xf32>
      %swap3A_785 = vector.shape_cast %scan3A_772#1 : vector<16xf32> to vector<1x16xf32>
      tpu.vector_store %arg10[%swap3A_781, %swap3A_782], %swap3A_785 {strides = array<i32>} : memref<8x128xf32, #tpu.memory_space<vmem>>, vector<1x16xf32>,
      %swap3A_786 = arith.constant 6 : i32
      %swap3A_787 = arith.index_cast %swap3A_786 : i32 to index
      %swap3A_788 = arith.constant 32 : index
      %swap3A_789 = tpu.vector_load %arg10[%swap3A_787, %swap3A_788] {strides = array<i32>} : memref<8x128xf32, #tpu.memory_space<vmem>>, vector<1x16xf32>,
      %swap3A_790 = vector.shape_cast %swap3A_789 : vector<1x16xf32> to vector<16xf32>
      %swap3A_791 = vector.shape_cast %scan3A_772#2 : vector<16xf32> to vector<1x16xf32>
      tpu.vector_store %arg10[%swap3A_787, %swap3A_788], %swap3A_791 {strides = array<i32>} : memref<8x128xf32, #tpu.memory_space<vmem>>, vector<1x16xf32>,
      %swap3A_792 = arith.constant 6 : i32
      %swap3A_793 = arith.index_cast %swap3A_792 : i32 to index
      %swap3A_794 = arith.constant 48 : index
      %swap3A_795 = tpu.vector_load %arg10[%swap3A_793, %swap3A_794] {strides = array<i32>} : memref<8x128xf32, #tpu.memory_space<vmem>>, vector<1x16xf32>,
      %swap3A_796 = vector.shape_cast %swap3A_795 : vector<1x16xf32> to vector<16xf32>
      %swap3A_797 = vector.shape_cast %scan3A_772#3 : vector<16xf32> to vector<1x16xf32>
      tpu.vector_store %arg10[%swap3A_793, %swap3A_794], %swap3A_797 {strides = array<i32>} : memref<8x128xf32, #tpu.memory_space<vmem>>, vector<1x16xf32>,
      %swap3A_798 = arith.constant 6 : i32
      %swap3A_799 = arith.index_cast %swap3A_798 : i32 to index
      %swap3A_800 = arith.constant 64 : index
      %swap3A_801 = tpu.vector_load %arg10[%swap3A_799, %swap3A_800] {strides = array<i32>} : memref<8x128xf32, #tpu.memory_space<vmem>>, vector<1x16xf32>,
      %swap3A_802 = vector.shape_cast %swap3A_801 : vector<1x16xf32> to vector<16xf32>
      %swap3A_803 = vector.shape_cast %scan3A_772#4 : vector<16xf32> to vector<1x16xf32>
      tpu.vector_store %arg10[%swap3A_799, %swap3A_800], %swap3A_803 {strides = array<i32>} : memref<8x128xf32, #tpu.memory_space<vmem>>, vector<1x16xf32>,
      %swap3A_804 = arith.constant 6 : i32
      %swap3A_805 = arith.index_cast %swap3A_804 : i32 to index
      %swap3A_806 = arith.constant 80 : index
      %swap3A_807 = tpu.vector_load %arg10[%swap3A_805, %swap3A_806] {strides = array<i32>} : memref<8x128xf32, #tpu.memory_space<vmem>>, vector<1x16xf32>,
      %swap3A_808 = vector.shape_cast %swap3A_807 : vector<1x16xf32> to vector<16xf32>
      %swap3A_809 = vector.shape_cast %scan3A_772#5 : vector<16xf32> to vector<1x16xf32>
      tpu.vector_store %arg10[%swap3A_805, %swap3A_806], %swap3A_809 {strides = array<i32>} : memref<8x128xf32, #tpu.memory_space<vmem>>, vector<1x16xf32>,
      %swap3A_810 = arith.constant 6 : i32
      %swap3A_811 = arith.index_cast %swap3A_810 : i32 to index
      %swap3A_812 = arith.constant 96 : index
      %swap3A_813 = tpu.vector_load %arg10[%swap3A_811, %swap3A_812] {strides = array<i32>} : memref<8x128xf32, #tpu.memory_space<vmem>>, vector<1x16xf32>,
      %swap3A_814 = vector.shape_cast %swap3A_813 : vector<1x16xf32> to vector<16xf32>
      %swap3A_815 = vector.shape_cast %scan3A_772#6 : vector<16xf32> to vector<1x16xf32>
      tpu.vector_store %arg10[%swap3A_811, %swap3A_812], %swap3A_815 {strides = array<i32>} : memref<8x128xf32, #tpu.memory_space<vmem>>, vector<1x16xf32>,
      %swap3A_816 = arith.constant 6 : i32
      %swap3A_817 = arith.index_cast %swap3A_816 : i32 to index
      %swap3A_818 = arith.constant 112 : index
      %swap3A_819 = tpu.vector_load %arg10[%swap3A_817, %swap3A_818] {strides = array<i32>} : memref<8x128xf32, #tpu.memory_space<vmem>>, vector<1x16xf32>,
      %swap3A_820 = vector.shape_cast %swap3A_819 : vector<1x16xf32> to vector<16xf32>
      %swap3A_821 = vector.shape_cast %scan3A_772#7 : vector<16xf32> to vector<1x16xf32>
      tpu.vector_store %arg10[%swap3A_817, %swap3A_818], %swap3A_821 {strides = array<i32>} : memref<8x128xf32, #tpu.memory_space<vmem>>, vector<1x16xf32>,
      %broadcast_in_dim3A_822 = arith.constant 0.000000e+00 : f32
      %broadcast_in_dim3A_823 = vector.broadcast %broadcast_in_dim3A_822 : f32 to vector<16xf32>
      %broadcast_in_dim3A_824 = arith.constant 0.000000e+00 : f32
      %broadcast_in_dim3A_825 = vector.broadcast %broadcast_in_dim3A_824 : f32 to vector<16xf32>
      %broadcast_in_dim3A_826 = arith.constant 0.000000e+00 : f32
      %broadcast_in_dim3A_827 = vector.broadcast %broadcast_in_dim3A_826 : f32 to vector<16xf32>
      %broadcast_in_dim3A_828 = arith.constant 0.000000e+00 : f32
      %broadcast_in_dim3A_829 = vector.broadcast %broadcast_in_dim3A_828 : f32 to vector<16xf32>
      %broadcast_in_dim3A_830 = arith.constant 0.000000e+00 : f32
      %broadcast_in_dim3A_831 = vector.broadcast %broadcast_in_dim3A_830 : f32 to vector<16xf32>
      %broadcast_in_dim3A_832 = arith.constant 0.000000e+00 : f32
      %broadcast_in_dim3A_833 = vector.broadcast %broadcast_in_dim3A_832 : f32 to vector<16xf32>
      %broadcast_in_dim3A_834 = arith.constant 0.000000e+00 : f32
      %broadcast_in_dim3A_835 = vector.broadcast %broadcast_in_dim3A_834 : f32 to vector<16xf32>
      %broadcast_in_dim3A_836 = arith.constant 0.000000e+00 : f32
      %broadcast_in_dim3A_837 = vector.broadcast %broadcast_in_dim3A_836 : f32 to vector<16xf32>
      %scan3A_838 = arith.constant 0 : i32
      %scan3A_839 = arith.constant 23 : i32
      %scan3A_840 = arith.addi %scan3A_838, %scan3A_839 : i32
      %scan3A_841 = arith.constant 1 : i32
      %scan3A_842:8 = scf.for %scan3A_1501 = %scan3A_838 to %scan3A_840 step %scan3A_841 iter_args(%scan3A_1502 = %broadcast_in_dim3A_823, %scan3A_1503 = %broadcast_in_dim3A_825, %scan3A_1504 = %broadcast_in_dim3A_827, %scan3A_1505 = %broadcast_in_dim3A_829, %scan3A_1506 = %broadcast_in_dim3A_831, %scan3A_1507 = %broadcast_in_dim3A_833, %scan3A_1508 = %broadcast_in_dim3A_835, %scan3A_1509 = %broadcast_in_dim3A_837) -> (vector<16xf32>, vector<16xf32>, vector<16xf32>, vector<16xf32>, vector<16xf32>, vector<16xf32>, vector<16xf32>, vector<16xf32>)  : i32 {
        %mul3A_1510 = arith.constant 2 : i32
        %mul3A_1511 = arith.muli %mul3A_1510, %scan3A_1501 : i32
        %add3A_1512 = arith.constant 322 : i32
        %add3A_1513 = arith.addi %add3A_1512, %mul3A_1511 : i32
        %get3A_1514 = arith.index_cast %add3A_1513 : i32 to index
        %get3A_1515 = arith.constant 0 : index
        %get3A_1516 = tpu.vector_load %arg8[%get3A_1514, %get3A_1515] {strides = array<i32>} : memref<368x128xf32, #tpu.memory_space<vmem>>, vector<1x16xf32>,
        %get3A_1517 = vector.shape_cast %get3A_1516 : vector<1x16xf32> to vector<16xf32>
        %add3A_1518 = arith.addf %scan3A_1502, %get3A_1517 : vector<16xf32>
        %get3A_1519 = arith.index_cast %add3A_1513 : i32 to index
        %get3A_1520 = arith.constant 16 : index
        %get3A_1521 = tpu.vector_load %arg8[%get3A_1519, %get3A_1520] {strides = array<i32>} : memref<368x128xf32, #tpu.memory_space<vmem>>, vector<1x16xf32>,
        %get3A_1522 = vector.shape_cast %get3A_1521 : vector<1x16xf32> to vector<16xf32>
        %add3A_1523 = arith.addf %scan3A_1503, %get3A_1522 : vector<16xf32>
        %get3A_1524 = arith.index_cast %add3A_1513 : i32 to index
        %get3A_1525 = arith.constant 32 : index
        %get3A_1526 = tpu.vector_load %arg8[%get3A_1524, %get3A_1525] {strides = array<i32>} : memref<368x128xf32, #tpu.memory_space<vmem>>, vector<1x16xf32>,
        %get3A_1527 = vector.shape_cast %get3A_1526 : vector<1x16xf32> to vector<16xf32>
        %add3A_1528 = arith.addf %scan3A_1504, %get3A_1527 : vector<16xf32>
        %get3A_1529 = arith.index_cast %add3A_1513 : i32 to index
        %get3A_1530 = arith.constant 48 : index
        %get3A_1531 = tpu.vector_load %arg8[%get3A_1529, %get3A_1530] {strides = array<i32>} : memref<368x128xf32, #tpu.memory_space<vmem>>, vector<1x16xf32>,
        %get3A_1532 = vector.shape_cast %get3A_1531 : vector<1x16xf32> to vector<16xf32>
        %add3A_1533 = arith.addf %scan3A_1505, %get3A_1532 : vector<16xf32>
        %get3A_1534 = arith.index_cast %add3A_1513 : i32 to index
        %get3A_1535 = arith.constant 64 : index
        %get3A_1536 = tpu.vector_load %arg8[%get3A_1534, %get3A_1535] {strides = array<i32>} : memref<368x128xf32, #tpu.memory_space<vmem>>, vector<1x16xf32>,
        %get3A_1537 = vector.shape_cast %get3A_1536 : vector<1x16xf32> to vector<16xf32>
        %add3A_1538 = arith.addf %scan3A_1506, %get3A_1537 : vector<16xf32>
        %get3A_1539 = arith.index_cast %add3A_1513 : i32 to index
        %get3A_1540 = arith.constant 80 : index
        %get3A_1541 = tpu.vector_load %arg8[%get3A_1539, %get3A_1540] {strides = array<i32>} : memref<368x128xf32, #tpu.memory_space<vmem>>, vector<1x16xf32>,
        %get3A_1542 = vector.shape_cast %get3A_1541 : vector<1x16xf32> to vector<16xf32>
        %add3A_1543 = arith.addf %scan3A_1507, %get3A_1542 : vector<16xf32>
        %get3A_1544 = arith.index_cast %add3A_1513 : i32 to index
        %get3A_1545 = arith.constant 96 : index
        %get3A_1546 = tpu.vector_load %arg8[%get3A_1544, %get3A_1545] {strides = array<i32>} : memref<368x128xf32, #tpu.memory_space<vmem>>, vector<1x16xf32>,
        %get3A_1547 = vector.shape_cast %get3A_1546 : vector<1x16xf32> to vector<16xf32>
        %add3A_1548 = arith.addf %scan3A_1508, %get3A_1547 : vector<16xf32>
        %get3A_1549 = arith.index_cast %add3A_1513 : i32 to index
        %get3A_1550 = arith.constant 112 : index
        %get3A_1551 = tpu.vector_load %arg8[%get3A_1549, %get3A_1550] {strides = array<i32>} : memref<368x128xf32, #tpu.memory_space<vmem>>, vector<1x16xf32>,
        %get3A_1552 = vector.shape_cast %get3A_1551 : vector<1x16xf32> to vector<16xf32>
        %add3A_1553 = arith.addf %scan3A_1509, %get3A_1552 : vector<16xf32>
        %add3A_1554 = arith.constant 1 : i32
        %add3A_1555 = arith.addi %add3A_1513, %add3A_1554 : i32
        %get3A_1556 = arith.index_cast %add3A_1555 : i32 to index
        %get3A_1557 = arith.constant 0 : index
        %get3A_1558 = tpu.vector_load %arg8[%get3A_1556, %get3A_1557] {strides = array<i32>} : memref<368x128xf32, #tpu.memory_space<vmem>>, vector<1x16xf32>,
        %get3A_1559 = vector.shape_cast %get3A_1558 : vector<1x16xf32> to vector<16xf32>
        %add3A_1560 = arith.addf %add3A_1518, %get3A_1559 : vector<16xf32>
        %add3A_1561 = arith.constant 1 : i32
        %add3A_1562 = arith.addi %add3A_1513, %add3A_1561 : i32
        %get3A_1563 = arith.index_cast %add3A_1562 : i32 to index
        %get3A_1564 = arith.constant 16 : index
        %get3A_1565 = tpu.vector_load %arg8[%get3A_1563, %get3A_1564] {strides = array<i32>} : memref<368x128xf32, #tpu.memory_space<vmem>>, vector<1x16xf32>,
        %get3A_1566 = vector.shape_cast %get3A_1565 : vector<1x16xf32> to vector<16xf32>
        %add3A_1567 = arith.addf %add3A_1523, %get3A_1566 : vector<16xf32>
        %add3A_1568 = arith.constant 1 : i32
        %add3A_1569 = arith.addi %add3A_1513, %add3A_1568 : i32
        %get3A_1570 = arith.index_cast %add3A_1569 : i32 to index
        %get3A_1571 = arith.constant 32 : index
        %get3A_1572 = tpu.vector_load %arg8[%get3A_1570, %get3A_1571] {strides = array<i32>} : memref<368x128xf32, #tpu.memory_space<vmem>>, vector<1x16xf32>,
        %get3A_1573 = vector.shape_cast %get3A_1572 : vector<1x16xf32> to vector<16xf32>
        %add3A_1574 = arith.addf %add3A_1528, %get3A_1573 : vector<16xf32>
        %add3A_1575 = arith.constant 1 : i32
        %add3A_1576 = arith.addi %add3A_1513, %add3A_1575 : i32
        %get3A_1577 = arith.index_cast %add3A_1576 : i32 to index
        %get3A_1578 = arith.constant 48 : index
        %get3A_1579 = tpu.vector_load %arg8[%get3A_1577, %get3A_1578] {strides = array<i32>} : memref<368x128xf32, #tpu.memory_space<vmem>>, vector<1x16xf32>,
        %get3A_1580 = vector.shape_cast %get3A_1579 : vector<1x16xf32> to vector<16xf32>
        %add3A_1581 = arith.addf %add3A_1533, %get3A_1580 : vector<16xf32>
        %add3A_1582 = arith.constant 1 : i32
        %add3A_1583 = arith.addi %add3A_1513, %add3A_1582 : i32
        %get3A_1584 = arith.index_cast %add3A_1583 : i32 to index
        %get3A_1585 = arith.constant 64 : index
        %get3A_1586 = tpu.vector_load %arg8[%get3A_1584, %get3A_1585] {strides = array<i32>} : memref<368x128xf32, #tpu.memory_space<vmem>>, vector<1x16xf32>,
        %get3A_1587 = vector.shape_cast %get3A_1586 : vector<1x16xf32> to vector<16xf32>
        %add3A_1588 = arith.addf %add3A_1538, %get3A_1587 : vector<16xf32>
        %add3A_1589 = arith.constant 1 : i32
        %add3A_1590 = arith.addi %add3A_1513, %add3A_1589 : i32
        %get3A_1591 = arith.index_cast %add3A_1590 : i32 to index
        %get3A_1592 = arith.constant 80 : index
        %get3A_1593 = tpu.vector_load %arg8[%get3A_1591, %get3A_1592] {strides = array<i32>} : memref<368x128xf32, #tpu.memory_space<vmem>>, vector<1x16xf32>,
        %get3A_1594 = vector.shape_cast %get3A_1593 : vector<1x16xf32> to vector<16xf32>
        %add3A_1595 = arith.addf %add3A_1543, %get3A_1594 : vector<16xf32>
        %add3A_1596 = arith.constant 1 : i32
        %add3A_1597 = arith.addi %add3A_1513, %add3A_1596 : i32
        %get3A_1598 = arith.index_cast %add3A_1597 : i32 to index
        %get3A_1599 = arith.constant 96 : index
        %get3A_1600 = tpu.vector_load %arg8[%get3A_1598, %get3A_1599] {strides = array<i32>} : memref<368x128xf32, #tpu.memory_space<vmem>>, vector<1x16xf32>,
        %get3A_1601 = vector.shape_cast %get3A_1600 : vector<1x16xf32> to vector<16xf32>
        %add3A_1602 = arith.addf %add3A_1548, %get3A_1601 : vector<16xf32>
        %add3A_1603 = arith.constant 1 : i32
        %add3A_1604 = arith.addi %add3A_1513, %add3A_1603 : i32
        %get3A_1605 = arith.index_cast %add3A_1604 : i32 to index
        %get3A_1606 = arith.constant 112 : index
        %get3A_1607 = tpu.vector_load %arg8[%get3A_1605, %get3A_1606] {strides = array<i32>} : memref<368x128xf32, #tpu.memory_space<vmem>>, vector<1x16xf32>,
        %get3A_1608 = vector.shape_cast %get3A_1607 : vector<1x16xf32> to vector<16xf32>
        %add3A_1609 = arith.addf %add3A_1553, %get3A_1608 : vector<16xf32>
        scf.yield %add3A_1560, %add3A_1567, %add3A_1574, %add3A_1581, %add3A_1588, %add3A_1595, %add3A_1602, %add3A_1609 : vector<16xf32>, vector<16xf32>, vector<16xf32>, vector<16xf32>, vector<16xf32>, vector<16xf32>, vector<16xf32>, vector<16xf32>
      }
      %scan3A_843 = arith.constant 23 : i32
      %swap3A_844 = arith.constant 7 : i32
      %swap3A_845 = arith.index_cast %swap3A_844 : i32 to index
      %swap3A_846 = arith.constant 0 : index
      %swap3A_847 = tpu.vector_load %arg10[%swap3A_845, %swap3A_846] {strides = array<i32>} : memref<8x128xf32, #tpu.memory_space<vmem>>, vector<1x16xf32>,
      %swap3A_848 = vector.shape_cast %swap3A_847 : vector<1x16xf32> to vector<16xf32>
      %swap3A_849 = vector.shape_cast %scan3A_842#0 : vector<16xf32> to vector<1x16xf32>
      tpu.vector_store %arg10[%swap3A_845, %swap3A_846], %swap3A_849 {strides = array<i32>} : memref<8x128xf32, #tpu.memory_space<vmem>>, vector<1x16xf32>,
      %swap3A_850 = arith.constant 7 : i32
      %swap3A_851 = arith.index_cast %swap3A_850 : i32 to index
      %swap3A_852 = arith.constant 16 : index
      %swap3A_853 = tpu.vector_load %arg10[%swap3A_851, %swap3A_852] {strides = array<i32>} : memref<8x128xf32, #tpu.memory_space<vmem>>, vector<1x16xf32>,
      %swap3A_854 = vector.shape_cast %swap3A_853 : vector<1x16xf32> to vector<16xf32>
      %swap3A_855 = vector.shape_cast %scan3A_842#1 : vector<16xf32> to vector<1x16xf32>
      tpu.vector_store %arg10[%swap3A_851, %swap3A_852], %swap3A_855 {strides = array<i32>} : memref<8x128xf32, #tpu.memory_space<vmem>>, vector<1x16xf32>,
      %swap3A_856 = arith.constant 7 : i32
      %swap3A_857 = arith.index_cast %swap3A_856 : i32 to index
      %swap3A_858 = arith.constant 32 : index
      %swap3A_859 = tpu.vector_load %arg10[%swap3A_857, %swap3A_858] {strides = array<i32>} : memref<8x128xf32, #tpu.memory_space<vmem>>, vector<1x16xf32>,
      %swap3A_860 = vector.shape_cast %swap3A_859 : vector<1x16xf32> to vector<16xf32>
      %swap3A_861 = vector.shape_cast %scan3A_842#2 : vector<16xf32> to vector<1x16xf32>
      tpu.vector_store %arg10[%swap3A_857, %swap3A_858], %swap3A_861 {strides = array<i32>} : memref<8x128xf32, #tpu.memory_space<vmem>>, vector<1x16xf32>,
      %swap3A_862 = arith.constant 7 : i32
      %swap3A_863 = arith.index_cast %swap3A_862 : i32 to index
      %swap3A_864 = arith.constant 48 : index
      %swap3A_865 = tpu.vector_load %arg10[%swap3A_863, %swap3A_864] {strides = array<i32>} : memref<8x128xf32, #tpu.memory_space<vmem>>, vector<1x16xf32>,
      %swap3A_866 = vector.shape_cast %swap3A_865 : vector<1x16xf32> to vector<16xf32>
      %swap3A_867 = vector.shape_cast %scan3A_842#3 : vector<16xf32> to vector<1x16xf32>
      tpu.vector_store %arg10[%swap3A_863, %swap3A_864], %swap3A_867 {strides = array<i32>} : memref<8x128xf32, #tpu.memory_space<vmem>>, vector<1x16xf32>,
      %swap3A_868 = arith.constant 7 : i32
      %swap3A_869 = arith.index_cast %swap3A_868 : i32 to index
      %swap3A_870 = arith.constant 64 : index
      %swap3A_871 = tpu.vector_load %arg10[%swap3A_869, %swap3A_870] {strides = array<i32>} : memref<8x128xf32, #tpu.memory_space<vmem>>, vector<1x16xf32>,
      %swap3A_872 = vector.shape_cast %swap3A_871 : vector<1x16xf32> to vector<16xf32>
      %swap3A_873 = vector.shape_cast %scan3A_842#4 : vector<16xf32> to vector<1x16xf32>
      tpu.vector_store %arg10[%swap3A_869, %swap3A_870], %swap3A_873 {strides = array<i32>} : memref<8x128xf32, #tpu.memory_space<vmem>>, vector<1x16xf32>,
      %swap3A_874 = arith.constant 7 : i32
      %swap3A_875 = arith.index_cast %swap3A_874 : i32 to index
      %swap3A_876 = arith.constant 80 : index
      %swap3A_877 = tpu.vector_load %arg10[%swap3A_875, %swap3A_876] {strides = array<i32>} : memref<8x128xf32, #tpu.memory_space<vmem>>, vector<1x16xf32>,
      %swap3A_878 = vector.shape_cast %swap3A_877 : vector<1x16xf32> to vector<16xf32>
      %swap3A_879 = vector.shape_cast %scan3A_842#5 : vector<16xf32> to vector<1x16xf32>
      tpu.vector_store %arg10[%swap3A_875, %swap3A_876], %swap3A_879 {strides = array<i32>} : memref<8x128xf32, #tpu.memory_space<vmem>>, vector<1x16xf32>,
      %swap3A_880 = arith.constant 7 : i32
      %swap3A_881 = arith.index_cast %swap3A_880 : i32 to index
      %swap3A_882 = arith.constant 96 : index
      %swap3A_883 = tpu.vector_load %arg10[%swap3A_881, %swap3A_882] {strides = array<i32>} : memref<8x128xf32, #tpu.memory_space<vmem>>, vector<1x16xf32>,
      %swap3A_884 = vector.shape_cast %swap3A_883 : vector<1x16xf32> to vector<16xf32>
      %swap3A_885 = vector.shape_cast %scan3A_842#6 : vector<16xf32> to vector<1x16xf32>
      tpu.vector_store %arg10[%swap3A_881, %swap3A_882], %swap3A_885 {strides = array<i32>} : memref<8x128xf32, #tpu.memory_space<vmem>>, vector<1x16xf32>,
      %swap3A_886 = arith.constant 7 : i32
      %swap3A_887 = arith.index_cast %swap3A_886 : i32 to index
      %swap3A_888 = arith.constant 112 : index
      %swap3A_889 = tpu.vector_load %arg10[%swap3A_887, %swap3A_888] {strides = array<i32>} : memref<8x128xf32, #tpu.memory_space<vmem>>, vector<1x16xf32>,
      %swap3A_890 = vector.shape_cast %swap3A_889 : vector<1x16xf32> to vector<16xf32>
      %swap3A_891 = vector.shape_cast %scan3A_842#7 : vector<16xf32> to vector<1x16xf32>
      tpu.vector_store %arg10[%swap3A_887, %swap3A_888], %swap3A_891 {strides = array<i32>} : memref<8x128xf32, #tpu.memory_space<vmem>>, vector<1x16xf32>,
      %mul3A_892 = arith.constant 8 : i32
      %mul3A_893 = arith.muli %mul3A_168, %mul3A_892 : i32
      %add3A_894 = arith.addi %mul3A_2, %mul3A_893 : i32
      %dma_start3A_895 = arith.constant 0 : i32
      %dma_start3A_896 = tpu.memref_slice %arg5[%add3A_894, %dma_start3A_895] : memref<16384x128xf32, #tpu.memory_space<hbm>> -> memref<8x128xf32, #tpu.memory_space<hbm>>
      %dma_start3A_897 = arith.constant 0 : i32
      %dma_start3A_898 = tpu.memref_slice %arg5[%add3A_894, %dma_start3A_897] : memref<16384x128xf32, #tpu.memory_space<hbm>> -> memref<8x128xf32, #tpu.memory_space<hbm>>
      tpu.enqueue_dma source(%arg10 : memref<8x128xf32, #tpu.memory_space<vmem>>) target(%dma_start3A_898 : memref<8x128xf32, #tpu.memory_space<hbm>>) target_semaphore(%arg17 : memref<!tpu.dma_semaphore, #tpu.memory_space<semaphore_mem>>)
      %add3A_899 = arith.constant 1 : i32
      %add3A_900 = arith.addi %scan3A_165, %add3A_899 : i32
      %lt3A_901 = arith.constant 32 : i32
      %lt3A_902 = arith.cmpi slt, %add3A_900, %lt3A_901 : i32
      %convert_element_type3A_903 = arith.extui %lt3A_902 : i1 to i32
      %cond3A_904 = arith.constant 0 : i32
      %cond3A_905 = arith.cmpi ne, %convert_element_type3A_903, %cond3A_904 : i32
      scf.if %cond3A_905 {
        %add3A_1501 = arith.constant 2 : i32
        %add3A_1502 = arith.addi %mul3A_168, %add3A_1501 : i32
        %mul3A_1503 = arith.constant 8 : i32
        %mul3A_1504 = arith.muli %add3A_1502, %mul3A_1503 : i32
        %add3A_1505 = arith.addi %mul3A_2, %mul3A_1504 : i32
        %dma_wait3A_1506 = arith.constant 0 : i32
        %dma_wait3A_1507 = tpu.memref_slice %arg2[%add3A_1505, %dma_wait3A_1506] : memref<16384x46xi32, #tpu.memory_space<hbm>> -> memref<8x46xi32, #tpu.memory_space<hbm>>
        %dma_wait3A_1508 = arith.constant 0 : i32
        %dma_wait3A_1509 = tpu.memref_slice %arg2[%add3A_1505, %dma_wait3A_1508] : memref<16384x46xi32, #tpu.memory_space<hbm>> -> memref<8x46xi32, #tpu.memory_space<hbm>>
        tpu.wait_dma2 semaphore(%arg15 : memref<!tpu.dma_semaphore, #tpu.memory_space<semaphore_mem>>) src(%dma_wait3A_1509 : memref<8x46xi32, #tpu.memory_space<hbm>>) dst(%arg6 : memref<8x46xi32, #tpu.memory_space<vmem>>)
        %add3A_1510 = arith.constant 2 : i32
        %add3A_1511 = arith.addi %mul3A_168, %add3A_1510 : i32
        %mul3A_1512 = arith.constant 8 : i32
        %mul3A_1513 = arith.muli %add3A_1511, %mul3A_1512 : i32
        %get3A_1514 = arith.index_cast %mul3A_1513 : i32 to index
        %get3A_1515 = tpu.vector_load %arg12[%get3A_1514] {strides = array<i32>} : memref<528xi32, #tpu.memory_space<vmem>>, vector<16xi32>,
        %get3A_1516 = vector.shape_cast %get3A_1515 : vector<16xi32> to vector<16xi32>
        %slice3A_1517 = vector.extract_strided_slice %get3A_1516 {offsets = [0], sizes = [1], strides = [1]} : vector<16xi32> to vector<1xi32>
        %squeeze3A_1518 = vector.extract %slice3A_1517[0] : i32 from vector<1xi32>
        %dma_start3A_1519 = arith.constant 0 : i32
        %dma_start3A_1520 = arith.constant 0 : i32
        %dma_start3A_1521 = arith.constant 0 : i32
        %dma_start3A_1522 = tpu.memref_slice %arg8[%dma_start3A_1520, %dma_start3A_1521] : memref<368x128xf32, #tpu.memory_space<vmem>> -> memref<46x128xf32, #tpu.memory_space<vmem>>
        %dma_start3A_1523 = arith.constant 0 : i32
        %dma_start3A_1524 = tpu.memref_slice %arg6[%dma_start3A_1519, %dma_start3A_1523] : memref<8x46xi32, #tpu.memory_space<vmem>> -> memref<1x46xi32, #tpu.memory_space<vmem>>
        %dma_start3A_1525 = tpu.memref_squeeze %dma_start3A_1524 : memref<1x46xi32, #tpu.memory_space<vmem>> -> memref<46xi32, #tpu.memory_space<vmem>>
        %dma_start3A_1526 = arith.constant 0 : i32
        %dma_start3A_1527 = arith.constant 0 : i32
        %dma_start3A_1528 = tpu.memref_slice %arg4[%squeeze3A_1518, %dma_start3A_1526, %dma_start3A_1527] : memref<3x100602x128xf32, #tpu.memory_space<hbm>> -> memref<1x100602x128xf32, #tpu.memory_space<hbm>>
        %dma_start3A_1529 = tpu.memref_squeeze %dma_start3A_1528 : memref<1x100602x128xf32, #tpu.memory_space<hbm>> -> memref<100602x128xf32, #tpu.memory_space<hbm>>
        %dma_start3A_1530 = arith.constant 0 : i32
        %dma_start3A_1531 = arith.constant 0 : i32
        %dma_start3A_1532 = tpu.memref_slice %dma_start3A_1529[%dma_start3A_1530, %dma_start3A_1531] : memref<100602x128xf32, #tpu.memory_space<hbm>> -> memref<100602x128xf32, #tpu.memory_space<hbm>>
        tpu.enqueue_indirect_dma source(%dma_start3A_1532 : memref<100602x128xf32, #tpu.memory_space<hbm>>) target(%dma_start3A_1522 : memref<46x128xf32, #tpu.memory_space<vmem>>) offsets(%dma_start3A_1525 : memref<46xi32, #tpu.memory_space<vmem>>) semaphore(%arg13 : memref<!tpu.dma_semaphore, #tpu.memory_space<semaphore_mem>>)
        %slice3A_1533 = vector.extract_strided_slice %get3A_1516 {offsets = [1], sizes = [1], strides = [1]} : vector<16xi32> to vector<1xi32>
        %squeeze3A_1534 = vector.extract %slice3A_1533[0] : i32 from vector<1xi32>
        %dma_start3A_1535 = arith.constant 1 : i32
        %dma_start3A_1536 = arith.constant 46 : i32
        %dma_start3A_1537 = arith.constant 0 : i32
        %dma_start3A_1538 = tpu.memref_slice %arg8[%dma_start3A_1536, %dma_start3A_1537] : memref<368x128xf32, #tpu.memory_space<vmem>> -> memref<46x128xf32, #tpu.memory_space<vmem>>
        %dma_start3A_1539 = arith.constant 0 : i32
        %dma_start3A_1540 = tpu.memref_slice %arg6[%dma_start3A_1535, %dma_start3A_1539] : memref<8x46xi32, #tpu.memory_space<vmem>> -> memref<1x46xi32, #tpu.memory_space<vmem>>
        %dma_start3A_1541 = tpu.memref_squeeze %dma_start3A_1540 : memref<1x46xi32, #tpu.memory_space<vmem>> -> memref<46xi32, #tpu.memory_space<vmem>>
        %dma_start3A_1542 = arith.constant 0 : i32
        %dma_start3A_1543 = arith.constant 0 : i32
        %dma_start3A_1544 = tpu.memref_slice %arg4[%squeeze3A_1534, %dma_start3A_1542, %dma_start3A_1543] : memref<3x100602x128xf32, #tpu.memory_space<hbm>> -> memref<1x100602x128xf32, #tpu.memory_space<hbm>>
        %dma_start3A_1545 = tpu.memref_squeeze %dma_start3A_1544 : memref<1x100602x128xf32, #tpu.memory_space<hbm>> -> memref<100602x128xf32, #tpu.memory_space<hbm>>
        %dma_start3A_1546 = arith.constant 0 : i32
        %dma_start3A_1547 = arith.constant 0 : i32
        %dma_start3A_1548 = tpu.memref_slice %dma_start3A_1545[%dma_start3A_1546, %dma_start3A_1547] : memref<100602x128xf32, #tpu.memory_space<hbm>> -> memref<100602x128xf32, #tpu.memory_space<hbm>>
        tpu.enqueue_indirect_dma source(%dma_start3A_1548 : memref<100602x128xf32, #tpu.memory_space<hbm>>) target(%dma_start3A_1538 : memref<46x128xf32, #tpu.memory_space<vmem>>) offsets(%dma_start3A_1541 : memref<46xi32, #tpu.memory_space<vmem>>) semaphore(%arg13 : memref<!tpu.dma_semaphore, #tpu.memory_space<semaphore_mem>>)
        %slice3A_1549 = vector.extract_strided_slice %get3A_1516 {offsets = [2], sizes = [1], strides = [1]} : vector<16xi32> to vector<1xi32>
        %squeeze3A_1550 = vector.extract %slice3A_1549[0] : i32 from vector<1xi32>
        %dma_start3A_1551 = arith.constant 2 : i32
        %dma_start3A_1552 = arith.constant 92 : i32
        %dma_start3A_1553 = arith.constant 0 : i32
        %dma_start3A_1554 = tpu.memref_slice %arg8[%dma_start3A_1552, %dma_start3A_1553] : memref<368x128xf32, #tpu.memory_space<vmem>> -> memref<46x128xf32, #tpu.memory_space<vmem>>
        %dma_start3A_1555 = arith.constant 0 : i32
        %dma_start3A_1556 = tpu.memref_slice %arg6[%dma_start3A_1551, %dma_start3A_1555] : memref<8x46xi32, #tpu.memory_space<vmem>> -> memref<1x46xi32, #tpu.memory_space<vmem>>
        %dma_start3A_1557 = tpu.memref_squeeze %dma_start3A_1556 : memref<1x46xi32, #tpu.memory_space<vmem>> -> memref<46xi32, #tpu.memory_space<vmem>>
        %dma_start3A_1558 = arith.constant 0 : i32
        %dma_start3A_1559 = arith.constant 0 : i32
        %dma_start3A_1560 = tpu.memref_slice %arg4[%squeeze3A_1550, %dma_start3A_1558, %dma_start3A_1559] : memref<3x100602x128xf32, #tpu.memory_space<hbm>> -> memref<1x100602x128xf32, #tpu.memory_space<hbm>>
        %dma_start3A_1561 = tpu.memref_squeeze %dma_start3A_1560 : memref<1x100602x128xf32, #tpu.memory_space<hbm>> -> memref<100602x128xf32, #tpu.memory_space<hbm>>
        %dma_start3A_1562 = arith.constant 0 : i32
        %dma_start3A_1563 = arith.constant 0 : i32
        %dma_start3A_1564 = tpu.memref_slice %dma_start3A_1561[%dma_start3A_1562, %dma_start3A_1563] : memref<100602x128xf32, #tpu.memory_space<hbm>> -> memref<100602x128xf32, #tpu.memory_space<hbm>>
        tpu.enqueue_indirect_dma source(%dma_start3A_1564 : memref<100602x128xf32, #tpu.memory_space<hbm>>) target(%dma_start3A_1554 : memref<46x128xf32, #tpu.memory_space<vmem>>) offsets(%dma_start3A_1557 : memref<46xi32, #tpu.memory_space<vmem>>) semaphore(%arg13 : memref<!tpu.dma_semaphore, #tpu.memory_space<semaphore_mem>>)
        %slice3A_1565 = vector.extract_strided_slice %get3A_1516 {offsets = [3], sizes = [1], strides = [1]} : vector<16xi32> to vector<1xi32>
        %squeeze3A_1566 = vector.extract %slice3A_1565[0] : i32 from vector<1xi32>
        %dma_start3A_1567 = arith.constant 3 : i32
        %dma_start3A_1568 = arith.constant 138 : i32
        %dma_start3A_1569 = arith.constant 0 : i32
        %dma_start3A_1570 = tpu.memref_slice %arg8[%dma_start3A_1568, %dma_start3A_1569] : memref<368x128xf32, #tpu.memory_space<vmem>> -> memref<46x128xf32, #tpu.memory_space<vmem>>
        %dma_start3A_1571 = arith.constant 0 : i32
        %dma_start3A_1572 = tpu.memref_slice %arg6[%dma_start3A_1567, %dma_start3A_1571] : memref<8x46xi32, #tpu.memory_space<vmem>> -> memref<1x46xi32, #tpu.memory_space<vmem>>
        %dma_start3A_1573 = tpu.memref_squeeze %dma_start3A_1572 : memref<1x46xi32, #tpu.memory_space<vmem>> -> memref<46xi32, #tpu.memory_space<vmem>>
        %dma_start3A_1574 = arith.constant 0 : i32
        %dma_start3A_1575 = arith.constant 0 : i32
        %dma_start3A_1576 = tpu.memref_slice %arg4[%squeeze3A_1566, %dma_start3A_1574, %dma_start3A_1575] : memref<3x100602x128xf32, #tpu.memory_space<hbm>> -> memref<1x100602x128xf32, #tpu.memory_space<hbm>>
        %dma_start3A_1577 = tpu.memref_squeeze %dma_start3A_1576 : memref<1x100602x128xf32, #tpu.memory_space<hbm>> -> memref<100602x128xf32, #tpu.memory_space<hbm>>
        %dma_start3A_1578 = arith.constant 0 : i32
        %dma_start3A_1579 = arith.constant 0 : i32
        %dma_start3A_1580 = tpu.memref_slice %dma_start3A_1577[%dma_start3A_1578, %dma_start3A_1579] : memref<100602x128xf32, #tpu.memory_space<hbm>> -> memref<100602x128xf32, #tpu.memory_space<hbm>>
        tpu.enqueue_indirect_dma source(%dma_start3A_1580 : memref<100602x128xf32, #tpu.memory_space<hbm>>) target(%dma_start3A_1570 : memref<46x128xf32, #tpu.memory_space<vmem>>) offsets(%dma_start3A_1573 : memref<46xi32, #tpu.memory_space<vmem>>) semaphore(%arg13 : memref<!tpu.dma_semaphore, #tpu.memory_space<semaphore_mem>>)
        %slice3A_1581 = vector.extract_strided_slice %get3A_1516 {offsets = [4], sizes = [1], strides = [1]} : vector<16xi32> to vector<1xi32>
        %squeeze3A_1582 = vector.extract %slice3A_1581[0] : i32 from vector<1xi32>
        %dma_start3A_1583 = arith.constant 4 : i32
        %dma_start3A_1584 = arith.constant 184 : i32
        %dma_start3A_1585 = arith.constant 0 : i32
        %dma_start3A_1586 = tpu.memref_slice %arg8[%dma_start3A_1584, %dma_start3A_1585] : memref<368x128xf32, #tpu.memory_space<vmem>> -> memref<46x128xf32, #tpu.memory_space<vmem>>
        %dma_start3A_1587 = arith.constant 0 : i32
        %dma_start3A_1588 = tpu.memref_slice %arg6[%dma_start3A_1583, %dma_start3A_1587] : memref<8x46xi32, #tpu.memory_space<vmem>> -> memref<1x46xi32, #tpu.memory_space<vmem>>
        %dma_start3A_1589 = tpu.memref_squeeze %dma_start3A_1588 : memref<1x46xi32, #tpu.memory_space<vmem>> -> memref<46xi32, #tpu.memory_space<vmem>>
        %dma_start3A_1590 = arith.constant 0 : i32
        %dma_start3A_1591 = arith.constant 0 : i32
        %dma_start3A_1592 = tpu.memref_slice %arg4[%squeeze3A_1582, %dma_start3A_1590, %dma_start3A_1591] : memref<3x100602x128xf32, #tpu.memory_space<hbm>> -> memref<1x100602x128xf32, #tpu.memory_space<hbm>>
        %dma_start3A_1593 = tpu.memref_squeeze %dma_start3A_1592 : memref<1x100602x128xf32, #tpu.memory_space<hbm>> -> memref<100602x128xf32, #tpu.memory_space<hbm>>
        %dma_start3A_1594 = arith.constant 0 : i32
        %dma_start3A_1595 = arith.constant 0 : i32
        %dma_start3A_1596 = tpu.memref_slice %dma_start3A_1593[%dma_start3A_1594, %dma_start3A_1595] : memref<100602x128xf32, #tpu.memory_space<hbm>> -> memref<100602x128xf32, #tpu.memory_space<hbm>>
        tpu.enqueue_indirect_dma source(%dma_start3A_1596 : memref<100602x128xf32, #tpu.memory_space<hbm>>) target(%dma_start3A_1586 : memref<46x128xf32, #tpu.memory_space<vmem>>) offsets(%dma_start3A_1589 : memref<46xi32, #tpu.memory_space<vmem>>) semaphore(%arg13 : memref<!tpu.dma_semaphore, #tpu.memory_space<semaphore_mem>>)
        %slice3A_1597 = vector.extract_strided_slice %get3A_1516 {offsets = [5], sizes = [1], strides = [1]} : vector<16xi32> to vector<1xi32>
        %squeeze3A_1598 = vector.extract %slice3A_1597[0] : i32 from vector<1xi32>
        %dma_start3A_1599 = arith.constant 5 : i32
        %dma_start3A_1600 = arith.constant 230 : i32
        %dma_start3A_1601 = arith.constant 0 : i32
        %dma_start3A_1602 = tpu.memref_slice %arg8[%dma_start3A_1600, %dma_start3A_1601] : memref<368x128xf32, #tpu.memory_space<vmem>> -> memref<46x128xf32, #tpu.memory_space<vmem>>
        %dma_start3A_1603 = arith.constant 0 : i32
        %dma_start3A_1604 = tpu.memref_slice %arg6[%dma_start3A_1599, %dma_start3A_1603] : memref<8x46xi32, #tpu.memory_space<vmem>> -> memref<1x46xi32, #tpu.memory_space<vmem>>
        %dma_start3A_1605 = tpu.memref_squeeze %dma_start3A_1604 : memref<1x46xi32, #tpu.memory_space<vmem>> -> memref<46xi32, #tpu.memory_space<vmem>>
        %dma_start3A_1606 = arith.constant 0 : i32
        %dma_start3A_1607 = arith.constant 0 : i32
        %dma_start3A_1608 = tpu.memref_slice %arg4[%squeeze3A_1598, %dma_start3A_1606, %dma_start3A_1607] : memref<3x100602x128xf32, #tpu.memory_space<hbm>> -> memref<1x100602x128xf32, #tpu.memory_space<hbm>>
        %dma_start3A_1609 = tpu.memref_squeeze %dma_start3A_1608 : memref<1x100602x128xf32, #tpu.memory_space<hbm>> -> memref<100602x128xf32, #tpu.memory_space<hbm>>
        %dma_start3A_1610 = arith.constant 0 : i32
        %dma_start3A_1611 = arith.constant 0 : i32
        %dma_start3A_1612 = tpu.memref_slice %dma_start3A_1609[%dma_start3A_1610, %dma_start3A_1611] : memref<100602x128xf32, #tpu.memory_space<hbm>> -> memref<100602x128xf32, #tpu.memory_space<hbm>>
        tpu.enqueue_indirect_dma source(%dma_start3A_1612 : memref<100602x128xf32, #tpu.memory_space<hbm>>) target(%dma_start3A_1602 : memref<46x128xf32, #tpu.memory_space<vmem>>) offsets(%dma_start3A_1605 : memref<46xi32, #tpu.memory_space<vmem>>) semaphore(%arg13 : memref<!tpu.dma_semaphore, #tpu.memory_space<semaphore_mem>>)
        %slice3A_1613 = vector.extract_strided_slice %get3A_1516 {offsets = [6], sizes = [1], strides = [1]} : vector<16xi32> to vector<1xi32>
        %squeeze3A_1614 = vector.extract %slice3A_1613[0] : i32 from vector<1xi32>
        %dma_start3A_1615 = arith.constant 6 : i32
        %dma_start3A_1616 = arith.constant 276 : i32
        %dma_start3A_1617 = arith.constant 0 : i32
        %dma_start3A_1618 = tpu.memref_slice %arg8[%dma_start3A_1616, %dma_start3A_1617] : memref<368x128xf32, #tpu.memory_space<vmem>> -> memref<46x128xf32, #tpu.memory_space<vmem>>
        %dma_start3A_1619 = arith.constant 0 : i32
        %dma_start3A_1620 = tpu.memref_slice %arg6[%dma_start3A_1615, %dma_start3A_1619] : memref<8x46xi32, #tpu.memory_space<vmem>> -> memref<1x46xi32, #tpu.memory_space<vmem>>
        %dma_start3A_1621 = tpu.memref_squeeze %dma_start3A_1620 : memref<1x46xi32, #tpu.memory_space<vmem>> -> memref<46xi32, #tpu.memory_space<vmem>>
        %dma_start3A_1622 = arith.constant 0 : i32
        %dma_start3A_1623 = arith.constant 0 : i32
        %dma_start3A_1624 = tpu.memref_slice %arg4[%squeeze3A_1614, %dma_start3A_1622, %dma_start3A_1623] : memref<3x100602x128xf32, #tpu.memory_space<hbm>> -> memref<1x100602x128xf32, #tpu.memory_space<hbm>>
        %dma_start3A_1625 = tpu.memref_squeeze %dma_start3A_1624 : memref<1x100602x128xf32, #tpu.memory_space<hbm>> -> memref<100602x128xf32, #tpu.memory_space<hbm>>
        %dma_start3A_1626 = arith.constant 0 : i32
        %dma_start3A_1627 = arith.constant 0 : i32
        %dma_start3A_1628 = tpu.memref_slice %dma_start3A_1625[%dma_start3A_1626, %dma_start3A_1627] : memref<100602x128xf32, #tpu.memory_space<hbm>> -> memref<100602x128xf32, #tpu.memory_space<hbm>>
        tpu.enqueue_indirect_dma source(%dma_start3A_1628 : memref<100602x128xf32, #tpu.memory_space<hbm>>) target(%dma_start3A_1618 : memref<46x128xf32, #tpu.memory_space<vmem>>) offsets(%dma_start3A_1621 : memref<46xi32, #tpu.memory_space<vmem>>) semaphore(%arg13 : memref<!tpu.dma_semaphore, #tpu.memory_space<semaphore_mem>>)
        %slice3A_1629 = vector.extract_strided_slice %get3A_1516 {offsets = [7], sizes = [1], strides = [1]} : vector<16xi32> to vector<1xi32>
        %squeeze3A_1630 = vector.extract %slice3A_1629[0] : i32 from vector<1xi32>
        %dma_start3A_1631 = arith.constant 7 : i32
        %dma_start3A_1632 = arith.constant 322 : i32
        %dma_start3A_1633 = arith.constant 0 : i32
        %dma_start3A_1634 = tpu.memref_slice %arg8[%dma_start3A_1632, %dma_start3A_1633] : memref<368x128xf32, #tpu.memory_space<vmem>> -> memref<46x128xf32, #tpu.memory_space<vmem>>
        %dma_start3A_1635 = arith.constant 0 : i32
        %dma_start3A_1636 = tpu.memref_slice %arg6[%dma_start3A_1631, %dma_start3A_1635] : memref<8x46xi32, #tpu.memory_space<vmem>> -> memref<1x46xi32, #tpu.memory_space<vmem>>
        %dma_start3A_1637 = tpu.memref_squeeze %dma_start3A_1636 : memref<1x46xi32, #tpu.memory_space<vmem>> -> memref<46xi32, #tpu.memory_space<vmem>>
        %dma_start3A_1638 = arith.constant 0 : i32
        %dma_start3A_1639 = arith.constant 0 : i32
        %dma_start3A_1640 = tpu.memref_slice %arg4[%squeeze3A_1630, %dma_start3A_1638, %dma_start3A_1639] : memref<3x100602x128xf32, #tpu.memory_space<hbm>> -> memref<1x100602x128xf32, #tpu.memory_space<hbm>>
        %dma_start3A_1641 = tpu.memref_squeeze %dma_start3A_1640 : memref<1x100602x128xf32, #tpu.memory_space<hbm>> -> memref<100602x128xf32, #tpu.memory_space<hbm>>
        %dma_start3A_1642 = arith.constant 0 : i32
        %dma_start3A_1643 = arith.constant 0 : i32
        %dma_start3A_1644 = tpu.memref_slice %dma_start3A_1641[%dma_start3A_1642, %dma_start3A_1643] : memref<100602x128xf32, #tpu.memory_space<hbm>> -> memref<100602x128xf32, #tpu.memory_space<hbm>>
        tpu.enqueue_indirect_dma source(%dma_start3A_1644 : memref<100602x128xf32, #tpu.memory_space<hbm>>) target(%dma_start3A_1634 : memref<46x128xf32, #tpu.memory_space<vmem>>) offsets(%dma_start3A_1637 : memref<46xi32, #tpu.memory_space<vmem>>) semaphore(%arg13 : memref<!tpu.dma_semaphore, #tpu.memory_space<semaphore_mem>>)
      } else {
      }
      %dma_wait3A_906 = arith.constant 0 : i32
      %dma_wait3A_907 = arith.constant 0 : i32
      %dma_wait3A_908 = arith.constant 0 : i32
      %dma_wait3A_909 = tpu.memref_slice %arg4[%dma_wait3A_906, %dma_wait3A_907, %dma_wait3A_908] : memref<3x100602x128xf32, #tpu.memory_space<hbm>> -> memref<1x100602x128xf32, #tpu.memory_space<hbm>>
      %dma_wait3A_910 = tpu.memref_squeeze %dma_wait3A_909 : memref<1x100602x128xf32, #tpu.memory_space<hbm>> -> memref<100602x128xf32, #tpu.memory_space<hbm>>
      %dma_wait3A_911 = arith.constant 0 : i32
      %dma_wait3A_912 = arith.constant 0 : i32
      %dma_wait3A_913 = tpu.memref_slice %dma_wait3A_910[%dma_wait3A_911, %dma_wait3A_912] : memref<100602x128xf32, #tpu.memory_space<hbm>> -> memref<368x128xf32, #tpu.memory_space<hbm>>
      %dma_wait3A_914 = arith.constant 0 : i32
      %dma_wait3A_915 = arith.constant 0 : i32
      %dma_wait3A_916 = tpu.memref_slice %arg4[%dma_wait3A_906, %dma_wait3A_914, %dma_wait3A_915] : memref<3x100602x128xf32, #tpu.memory_space<hbm>> -> memref<1x100602x128xf32, #tpu.memory_space<hbm>>
      %dma_wait3A_917 = tpu.memref_squeeze %dma_wait3A_916 : memref<1x100602x128xf32, #tpu.memory_space<hbm>> -> memref<100602x128xf32, #tpu.memory_space<hbm>>
      %dma_wait3A_918 = arith.constant 0 : i32
      %dma_wait3A_919 = arith.constant 0 : i32
      %dma_wait3A_920 = tpu.memref_slice %dma_wait3A_917[%dma_wait3A_918, %dma_wait3A_919] : memref<100602x128xf32, #tpu.memory_space<hbm>> -> memref<368x128xf32, #tpu.memory_space<hbm>>
      tpu.wait_dma2 semaphore(%arg14 : memref<!tpu.dma_semaphore, #tpu.memory_space<semaphore_mem>>) src(%dma_wait3A_920 : memref<368x128xf32, #tpu.memory_space<hbm>>) dst(%arg9 : memref<368x128xf32, #tpu.memory_space<vmem>>)
      %add3A_921 = arith.constant 1 : i32
      %add3A_922 = arith.addi %scan3A_165, %add3A_921 : i32
      %lt3A_923 = arith.constant 32 : i32
      %lt3A_924 = arith.cmpi slt, %add3A_922, %lt3A_923 : i32
      %convert_element_type3A_925 = arith.extui %lt3A_924 : i1 to i32
      %cond3A_926 = arith.constant 0 : i32
      %cond3A_927 = arith.cmpi ne, %convert_element_type3A_925, %cond3A_926 : i32
      scf.if %cond3A_927 {
        %add3A_1501 = arith.constant 2 : i32
        %add3A_1502 = arith.addi %add3A_170, %add3A_1501 : i32
        %mul3A_1503 = arith.constant 8 : i32
        %mul3A_1504 = arith.muli %add3A_1502, %mul3A_1503 : i32
        %add3A_1505 = arith.addi %mul3A_2, %mul3A_1504 : i32
        %dma_start3A_1506 = arith.constant 0 : i32
        %dma_start3A_1507 = tpu.memref_slice %arg2[%add3A_1505, %dma_start3A_1506] : memref<16384x46xi32, #tpu.memory_space<hbm>> -> memref<8x46xi32, #tpu.memory_space<hbm>>
        %dma_start3A_1508 = arith.constant 0 : i32
        %dma_start3A_1509 = tpu.memref_slice %arg2[%add3A_1505, %dma_start3A_1508] : memref<16384x46xi32, #tpu.memory_space<hbm>> -> memref<8x46xi32, #tpu.memory_space<hbm>>
        tpu.enqueue_dma source(%dma_start3A_1509 : memref<8x46xi32, #tpu.memory_space<hbm>>) target(%arg7 : memref<8x46xi32, #tpu.memory_space<vmem>>) target_semaphore(%arg16 : memref<!tpu.dma_semaphore, #tpu.memory_space<semaphore_mem>>)
      } else {
      }
      %gt3A_928 = arith.constant 0 : i32
      %gt3A_929 = arith.cmpi sgt, %scan3A_165, %gt3A_928 : i32
      %convert_element_type3A_930 = arith.extui %gt3A_929 : i1 to i32
      %cond3A_931 = arith.constant 0 : i32
      %cond3A_932 = arith.cmpi ne, %convert_element_type3A_930, %cond3A_931 : i32
      scf.if %cond3A_932 {
        %sub3A = arith.constant 2 : i32
        %sub3A_1501 = arith.subi %add3A_170, %sub3A : i32
        %mul3A_1502 = arith.constant 8 : i32
        %mul3A_1503 = arith.muli %sub3A_1501, %mul3A_1502 : i32
        %add3A_1504 = arith.addi %mul3A_2, %mul3A_1503 : i32
        %dma_wait3A_1505 = arith.constant 0 : i32
        %dma_wait3A_1506 = tpu.memref_slice %arg5[%add3A_1504, %dma_wait3A_1505] : memref<16384x128xf32, #tpu.memory_space<hbm>> -> memref<8x128xf32, #tpu.memory_space<hbm>>
        %dma_wait3A_1507 = arith.constant 0 : i32
        %dma_wait3A_1508 = tpu.memref_slice %arg5[%add3A_1504, %dma_wait3A_1507] : memref<16384x128xf32, #tpu.memory_space<hbm>> -> memref<8x128xf32, #tpu.memory_space<hbm>>
        tpu.wait_dma2 semaphore(%arg18 : memref<!tpu.dma_semaphore, #tpu.memory_space<semaphore_mem>>) src(%arg11 : memref<8x128xf32, #tpu.memory_space<vmem>>) dst(%dma_wait3A_1508 : memref<8x128xf32, #tpu.memory_space<hbm>>)
      } else {
      }
      %broadcast_in_dim3A_933 = arith.constant 0.000000e+00 : f32
      %broadcast_in_dim3A_934 = vector.broadcast %broadcast_in_dim3A_933 : f32 to vector<16xf32>
      %broadcast_in_dim3A_935 = arith.constant 0.000000e+00 : f32
      %broadcast_in_dim3A_936 = vector.broadcast %broadcast_in_dim3A_935 : f32 to vector<16xf32>
      %broadcast_in_dim3A_937 = arith.constant 0.000000e+00 : f32
      %broadcast_in_dim3A_938 = vector.broadcast %broadcast_in_dim3A_937 : f32 to vector<16xf32>
      %broadcast_in_dim3A_939 = arith.constant 0.000000e+00 : f32
      %broadcast_in_dim3A_940 = vector.broadcast %broadcast_in_dim3A_939 : f32 to vector<16xf32>
      %broadcast_in_dim3A_941 = arith.constant 0.000000e+00 : f32
      %broadcast_in_dim3A_942 = vector.broadcast %broadcast_in_dim3A_941 : f32 to vector<16xf32>
      %broadcast_in_dim3A_943 = arith.constant 0.000000e+00 : f32
      %broadcast_in_dim3A_944 = vector.broadcast %broadcast_in_dim3A_943 : f32 to vector<16xf32>
      %broadcast_in_dim3A_945 = arith.constant 0.000000e+00 : f32
      %broadcast_in_dim3A_946 = vector.broadcast %broadcast_in_dim3A_945 : f32 to vector<16xf32>
      %broadcast_in_dim3A_947 = arith.constant 0.000000e+00 : f32
      %broadcast_in_dim3A_948 = vector.broadcast %broadcast_in_dim3A_947 : f32 to vector<16xf32>
      %scan3A_949 = arith.constant 0 : i32
      %scan3A_950 = arith.constant 23 : i32
      %scan3A_951 = arith.addi %scan3A_949, %scan3A_950 : i32
      %scan3A_952 = arith.constant 1 : i32
      %scan3A_953:8 = scf.for %scan3A_1501 = %scan3A_949 to %scan3A_951 step %scan3A_952 iter_args(%scan3A_1502 = %broadcast_in_dim3A_934, %scan3A_1503 = %broadcast_in_dim3A_936, %scan3A_1504 = %broadcast_in_dim3A_938, %scan3A_1505 = %broadcast_in_dim3A_940, %scan3A_1506 = %broadcast_in_dim3A_942, %scan3A_1507 = %broadcast_in_dim3A_944, %scan3A_1508 = %broadcast_in_dim3A_946, %scan3A_1509 = %broadcast_in_dim3A_948) -> (vector<16xf32>, vector<16xf32>, vector<16xf32>, vector<16xf32>, vector<16xf32>, vector<16xf32>, vector<16xf32>, vector<16xf32>)  : i32 {
        %mul3A_1510 = arith.constant 2 : i32
        %mul3A_1511 = arith.muli %mul3A_1510, %scan3A_1501 : i32
        %add3A_1512 = arith.constant 0 : i32
        %add3A_1513 = arith.addi %add3A_1512, %mul3A_1511 : i32
        %get3A_1514 = arith.index_cast %add3A_1513 : i32 to index
        %get3A_1515 = arith.constant 0 : index
        %get3A_1516 = tpu.vector_load %arg9[%get3A_1514, %get3A_1515] {strides = array<i32>} : memref<368x128xf32, #tpu.memory_space<vmem>>, vector<1x16xf32>,
        %get3A_1517 = vector.shape_cast %get3A_1516 : vector<1x16xf32> to vector<16xf32>
        %add3A_1518 = arith.addf %scan3A_1502, %get3A_1517 : vector<16xf32>
        %get3A_1519 = arith.index_cast %add3A_1513 : i32 to index
        %get3A_1520 = arith.constant 16 : index
        %get3A_1521 = tpu.vector_load %arg9[%get3A_1519, %get3A_1520] {strides = array<i32>} : memref<368x128xf32, #tpu.memory_space<vmem>>, vector<1x16xf32>,
        %get3A_1522 = vector.shape_cast %get3A_1521 : vector<1x16xf32> to vector<16xf32>
        %add3A_1523 = arith.addf %scan3A_1503, %get3A_1522 : vector<16xf32>
        %get3A_1524 = arith.index_cast %add3A_1513 : i32 to index
        %get3A_1525 = arith.constant 32 : index
        %get3A_1526 = tpu.vector_load %arg9[%get3A_1524, %get3A_1525] {strides = array<i32>} : memref<368x128xf32, #tpu.memory_space<vmem>>, vector<1x16xf32>,
        %get3A_1527 = vector.shape_cast %get3A_1526 : vector<1x16xf32> to vector<16xf32>
        %add3A_1528 = arith.addf %scan3A_1504, %get3A_1527 : vector<16xf32>
        %get3A_1529 = arith.index_cast %add3A_1513 : i32 to index
        %get3A_1530 = arith.constant 48 : index
        %get3A_1531 = tpu.vector_load %arg9[%get3A_1529, %get3A_1530] {strides = array<i32>} : memref<368x128xf32, #tpu.memory_space<vmem>>, vector<1x16xf32>,
        %get3A_1532 = vector.shape_cast %get3A_1531 : vector<1x16xf32> to vector<16xf32>
        %add3A_1533 = arith.addf %scan3A_1505, %get3A_1532 : vector<16xf32>
        %get3A_1534 = arith.index_cast %add3A_1513 : i32 to index
        %get3A_1535 = arith.constant 64 : index
        %get3A_1536 = tpu.vector_load %arg9[%get3A_1534, %get3A_1535] {strides = array<i32>} : memref<368x128xf32, #tpu.memory_space<vmem>>, vector<1x16xf32>,
        %get3A_1537 = vector.shape_cast %get3A_1536 : vector<1x16xf32> to vector<16xf32>
        %add3A_1538 = arith.addf %scan3A_1506, %get3A_1537 : vector<16xf32>
        %get3A_1539 = arith.index_cast %add3A_1513 : i32 to index
        %get3A_1540 = arith.constant 80 : index
        %get3A_1541 = tpu.vector_load %arg9[%get3A_1539, %get3A_1540] {strides = array<i32>} : memref<368x128xf32, #tpu.memory_space<vmem>>, vector<1x16xf32>,
        %get3A_1542 = vector.shape_cast %get3A_1541 : vector<1x16xf32> to vector<16xf32>
        %add3A_1543 = arith.addf %scan3A_1507, %get3A_1542 : vector<16xf32>
        %get3A_1544 = arith.index_cast %add3A_1513 : i32 to index
        %get3A_1545 = arith.constant 96 : index
        %get3A_1546 = tpu.vector_load %arg9[%get3A_1544, %get3A_1545] {strides = array<i32>} : memref<368x128xf32, #tpu.memory_space<vmem>>, vector<1x16xf32>,
        %get3A_1547 = vector.shape_cast %get3A_1546 : vector<1x16xf32> to vector<16xf32>
        %add3A_1548 = arith.addf %scan3A_1508, %get3A_1547 : vector<16xf32>
        %get3A_1549 = arith.index_cast %add3A_1513 : i32 to index
        %get3A_1550 = arith.constant 112 : index
        %get3A_1551 = tpu.vector_load %arg9[%get3A_1549, %get3A_1550] {strides = array<i32>} : memref<368x128xf32, #tpu.memory_space<vmem>>, vector<1x16xf32>,
        %get3A_1552 = vector.shape_cast %get3A_1551 : vector<1x16xf32> to vector<16xf32>
        %add3A_1553 = arith.addf %scan3A_1509, %get3A_1552 : vector<16xf32>
        %add3A_1554 = arith.constant 1 : i32
        %add3A_1555 = arith.addi %add3A_1513, %add3A_1554 : i32
        %get3A_1556 = arith.index_cast %add3A_1555 : i32 to index
        %get3A_1557 = arith.constant 0 : index
        %get3A_1558 = tpu.vector_load %arg9[%get3A_1556, %get3A_1557] {strides = array<i32>} : memref<368x128xf32, #tpu.memory_space<vmem>>, vector<1x16xf32>,
        %get3A_1559 = vector.shape_cast %get3A_1558 : vector<1x16xf32> to vector<16xf32>
        %add3A_1560 = arith.addf %add3A_1518, %get3A_1559 : vector<16xf32>
        %add3A_1561 = arith.constant 1 : i32
        %add3A_1562 = arith.addi %add3A_1513, %add3A_1561 : i32
        %get3A_1563 = arith.index_cast %add3A_1562 : i32 to index
        %get3A_1564 = arith.constant 16 : index
        %get3A_1565 = tpu.vector_load %arg9[%get3A_1563, %get3A_1564] {strides = array<i32>} : memref<368x128xf32, #tpu.memory_space<vmem>>, vector<1x16xf32>,
        %get3A_1566 = vector.shape_cast %get3A_1565 : vector<1x16xf32> to vector<16xf32>
        %add3A_1567 = arith.addf %add3A_1523, %get3A_1566 : vector<16xf32>
        %add3A_1568 = arith.constant 1 : i32
        %add3A_1569 = arith.addi %add3A_1513, %add3A_1568 : i32
        %get3A_1570 = arith.index_cast %add3A_1569 : i32 to index
        %get3A_1571 = arith.constant 32 : index
        %get3A_1572 = tpu.vector_load %arg9[%get3A_1570, %get3A_1571] {strides = array<i32>} : memref<368x128xf32, #tpu.memory_space<vmem>>, vector<1x16xf32>,
        %get3A_1573 = vector.shape_cast %get3A_1572 : vector<1x16xf32> to vector<16xf32>
        %add3A_1574 = arith.addf %add3A_1528, %get3A_1573 : vector<16xf32>
        %add3A_1575 = arith.constant 1 : i32
        %add3A_1576 = arith.addi %add3A_1513, %add3A_1575 : i32
        %get3A_1577 = arith.index_cast %add3A_1576 : i32 to index
        %get3A_1578 = arith.constant 48 : index
        %get3A_1579 = tpu.vector_load %arg9[%get3A_1577, %get3A_1578] {strides = array<i32>} : memref<368x128xf32, #tpu.memory_space<vmem>>, vector<1x16xf32>,
        %get3A_1580 = vector.shape_cast %get3A_1579 : vector<1x16xf32> to vector<16xf32>
        %add3A_1581 = arith.addf %add3A_1533, %get3A_1580 : vector<16xf32>
        %add3A_1582 = arith.constant 1 : i32
        %add3A_1583 = arith.addi %add3A_1513, %add3A_1582 : i32
        %get3A_1584 = arith.index_cast %add3A_1583 : i32 to index
        %get3A_1585 = arith.constant 64 : index
        %get3A_1586 = tpu.vector_load %arg9[%get3A_1584, %get3A_1585] {strides = array<i32>} : memref<368x128xf32, #tpu.memory_space<vmem>>, vector<1x16xf32>,
        %get3A_1587 = vector.shape_cast %get3A_1586 : vector<1x16xf32> to vector<16xf32>
        %add3A_1588 = arith.addf %add3A_1538, %get3A_1587 : vector<16xf32>
        %add3A_1589 = arith.constant 1 : i32
        %add3A_1590 = arith.addi %add3A_1513, %add3A_1589 : i32
        %get3A_1591 = arith.index_cast %add3A_1590 : i32 to index
        %get3A_1592 = arith.constant 80 : index
        %get3A_1593 = tpu.vector_load %arg9[%get3A_1591, %get3A_1592] {strides = array<i32>} : memref<368x128xf32, #tpu.memory_space<vmem>>, vector<1x16xf32>,
        %get3A_1594 = vector.shape_cast %get3A_1593 : vector<1x16xf32> to vector<16xf32>
        %add3A_1595 = arith.addf %add3A_1543, %get3A_1594 : vector<16xf32>
        %add3A_1596 = arith.constant 1 : i32
        %add3A_1597 = arith.addi %add3A_1513, %add3A_1596 : i32
        %get3A_1598 = arith.index_cast %add3A_1597 : i32 to index
        %get3A_1599 = arith.constant 96 : index
        %get3A_1600 = tpu.vector_load %arg9[%get3A_1598, %get3A_1599] {strides = array<i32>} : memref<368x128xf32, #tpu.memory_space<vmem>>, vector<1x16xf32>,
        %get3A_1601 = vector.shape_cast %get3A_1600 : vector<1x16xf32> to vector<16xf32>
        %add3A_1602 = arith.addf %add3A_1548, %get3A_1601 : vector<16xf32>
        %add3A_1603 = arith.constant 1 : i32
        %add3A_1604 = arith.addi %add3A_1513, %add3A_1603 : i32
        %get3A_1605 = arith.index_cast %add3A_1604 : i32 to index
        %get3A_1606 = arith.constant 112 : index
        %get3A_1607 = tpu.vector_load %arg9[%get3A_1605, %get3A_1606] {strides = array<i32>} : memref<368x128xf32, #tpu.memory_space<vmem>>, vector<1x16xf32>,
        %get3A_1608 = vector.shape_cast %get3A_1607 : vector<1x16xf32> to vector<16xf32>
        %add3A_1609 = arith.addf %add3A_1553, %get3A_1608 : vector<16xf32>
        scf.yield %add3A_1560, %add3A_1567, %add3A_1574, %add3A_1581, %add3A_1588, %add3A_1595, %add3A_1602, %add3A_1609 : vector<16xf32>, vector<16xf32>, vector<16xf32>, vector<16xf32>, vector<16xf32>, vector<16xf32>, vector<16xf32>, vector<16xf32>
      }
      %scan3A_954 = arith.constant 23 : i32
      %swap3A_955 = arith.constant 0 : i32
      %swap3A_956 = arith.index_cast %swap3A_955 : i32 to index
      %swap3A_957 = arith.constant 0 : index
      %swap3A_958 = tpu.vector_load %arg11[%swap3A_956, %swap3A_957] {strides = array<i32>} : memref<8x128xf32, #tpu.memory_space<vmem>>, vector<1x16xf32>,
      %swap3A_959 = vector.shape_cast %swap3A_958 : vector<1x16xf32> to vector<16xf32>
      %swap3A_960 = vector.shape_cast %scan3A_953#0 : vector<16xf32> to vector<1x16xf32>
      tpu.vector_store %arg11[%swap3A_956, %swap3A_957], %swap3A_960 {strides = array<i32>} : memref<8x128xf32, #tpu.memory_space<vmem>>, vector<1x16xf32>,
      %swap3A_961 = arith.constant 0 : i32
      %swap3A_962 = arith.index_cast %swap3A_961 : i32 to index
      %swap3A_963 = arith.constant 16 : index
      %swap3A_964 = tpu.vector_load %arg11[%swap3A_962, %swap3A_963] {strides = array<i32>} : memref<8x128xf32, #tpu.memory_space<vmem>>, vector<1x16xf32>,
      %swap3A_965 = vector.shape_cast %swap3A_964 : vector<1x16xf32> to vector<16xf32>
      %swap3A_966 = vector.shape_cast %scan3A_953#1 : vector<16xf32> to vector<1x16xf32>
      tpu.vector_store %arg11[%swap3A_962, %swap3A_963], %swap3A_966 {strides = array<i32>} : memref<8x128xf32, #tpu.memory_space<vmem>>, vector<1x16xf32>,
      %swap3A_967 = arith.constant 0 : i32
      %swap3A_968 = arith.index_cast %swap3A_967 : i32 to index
      %swap3A_969 = arith.constant 32 : index
      %swap3A_970 = tpu.vector_load %arg11[%swap3A_968, %swap3A_969] {strides = array<i32>} : memref<8x128xf32, #tpu.memory_space<vmem>>, vector<1x16xf32>,
      %swap3A_971 = vector.shape_cast %swap3A_970 : vector<1x16xf32> to vector<16xf32>
      %swap3A_972 = vector.shape_cast %scan3A_953#2 : vector<16xf32> to vector<1x16xf32>
      tpu.vector_store %arg11[%swap3A_968, %swap3A_969], %swap3A_972 {strides = array<i32>} : memref<8x128xf32, #tpu.memory_space<vmem>>, vector<1x16xf32>,
      %swap3A_973 = arith.constant 0 : i32
      %swap3A_974 = arith.index_cast %swap3A_973 : i32 to index
      %swap3A_975 = arith.constant 48 : index
      %swap3A_976 = tpu.vector_load %arg11[%swap3A_974, %swap3A_975] {strides = array<i32>} : memref<8x128xf32, #tpu.memory_space<vmem>>, vector<1x16xf32>,
      %swap3A_977 = vector.shape_cast %swap3A_976 : vector<1x16xf32> to vector<16xf32>
      %swap3A_978 = vector.shape_cast %scan3A_953#3 : vector<16xf32> to vector<1x16xf32>
      tpu.vector_store %arg11[%swap3A_974, %swap3A_975], %swap3A_978 {strides = array<i32>} : memref<8x128xf32, #tpu.memory_space<vmem>>, vector<1x16xf32>,
      %swap3A_979 = arith.constant 0 : i32
      %swap3A_980 = arith.index_cast %swap3A_979 : i32 to index
      %swap3A_981 = arith.constant 64 : index
      %swap3A_982 = tpu.vector_load %arg11[%swap3A_980, %swap3A_981] {strides = array<i32>} : memref<8x128xf32, #tpu.memory_space<vmem>>, vector<1x16xf32>,
      %swap3A_983 = vector.shape_cast %swap3A_982 : vector<1x16xf32> to vector<16xf32>
      %swap3A_984 = vector.shape_cast %scan3A_953#4 : vector<16xf32> to vector<1x16xf32>
      tpu.vector_store %arg11[%swap3A_980, %swap3A_981], %swap3A_984 {strides = array<i32>} : memref<8x128xf32, #tpu.memory_space<vmem>>, vector<1x16xf32>,
      %swap3A_985 = arith.constant 0 : i32
      %swap3A_986 = arith.index_cast %swap3A_985 : i32 to index
      %swap3A_987 = arith.constant 80 : index
      %swap3A_988 = tpu.vector_load %arg11[%swap3A_986, %swap3A_987] {strides = array<i32>} : memref<8x128xf32, #tpu.memory_space<vmem>>, vector<1x16xf32>,
      %swap3A_989 = vector.shape_cast %swap3A_988 : vector<1x16xf32> to vector<16xf32>
      %swap3A_990 = vector.shape_cast %scan3A_953#5 : vector<16xf32> to vector<1x16xf32>
      tpu.vector_store %arg11[%swap3A_986, %swap3A_987], %swap3A_990 {strides = array<i32>} : memref<8x128xf32, #tpu.memory_space<vmem>>, vector<1x16xf32>,
      %swap3A_991 = arith.constant 0 : i32
      %swap3A_992 = arith.index_cast %swap3A_991 : i32 to index
      %swap3A_993 = arith.constant 96 : index
      %swap3A_994 = tpu.vector_load %arg11[%swap3A_992, %swap3A_993] {strides = array<i32>} : memref<8x128xf32, #tpu.memory_space<vmem>>, vector<1x16xf32>,
      %swap3A_995 = vector.shape_cast %swap3A_994 : vector<1x16xf32> to vector<16xf32>
      %swap3A_996 = vector.shape_cast %scan3A_953#6 : vector<16xf32> to vector<1x16xf32>
      tpu.vector_store %arg11[%swap3A_992, %swap3A_993], %swap3A_996 {strides = array<i32>} : memref<8x128xf32, #tpu.memory_space<vmem>>, vector<1x16xf32>,
      %swap3A_997 = arith.constant 0 : i32
      %swap3A_998 = arith.index_cast %swap3A_997 : i32 to index
      %swap3A_999 = arith.constant 112 : index
      %swap3A_1000 = tpu.vector_load %arg11[%swap3A_998, %swap3A_999] {strides = array<i32>} : memref<8x128xf32, #tpu.memory_space<vmem>>, vector<1x16xf32>,
      %swap3A_1001 = vector.shape_cast %swap3A_1000 : vector<1x16xf32> to vector<16xf32>
      %swap3A_1002 = vector.shape_cast %scan3A_953#7 : vector<16xf32> to vector<1x16xf32>
      tpu.vector_store %arg11[%swap3A_998, %swap3A_999], %swap3A_1002 {strides = array<i32>} : memref<8x128xf32, #tpu.memory_space<vmem>>, vector<1x16xf32>,
      %broadcast_in_dim3A_1003 = arith.constant 0.000000e+00 : f32
      %broadcast_in_dim3A_1004 = vector.broadcast %broadcast_in_dim3A_1003 : f32 to vector<16xf32>
      %broadcast_in_dim3A_1005 = arith.constant 0.000000e+00 : f32
      %broadcast_in_dim3A_1006 = vector.broadcast %broadcast_in_dim3A_1005 : f32 to vector<16xf32>
      %broadcast_in_dim3A_1007 = arith.constant 0.000000e+00 : f32
      %broadcast_in_dim3A_1008 = vector.broadcast %broadcast_in_dim3A_1007 : f32 to vector<16xf32>
      %broadcast_in_dim3A_1009 = arith.constant 0.000000e+00 : f32
      %broadcast_in_dim3A_1010 = vector.broadcast %broadcast_in_dim3A_1009 : f32 to vector<16xf32>
      %broadcast_in_dim3A_1011 = arith.constant 0.000000e+00 : f32
      %broadcast_in_dim3A_1012 = vector.broadcast %broadcast_in_dim3A_1011 : f32 to vector<16xf32>
      %broadcast_in_dim3A_1013 = arith.constant 0.000000e+00 : f32
      %broadcast_in_dim3A_1014 = vector.broadcast %broadcast_in_dim3A_1013 : f32 to vector<16xf32>
      %broadcast_in_dim3A_1015 = arith.constant 0.000000e+00 : f32
      %broadcast_in_dim3A_1016 = vector.broadcast %broadcast_in_dim3A_1015 : f32 to vector<16xf32>
      %broadcast_in_dim3A_1017 = arith.constant 0.000000e+00 : f32
      %broadcast_in_dim3A_1018 = vector.broadcast %broadcast_in_dim3A_1017 : f32 to vector<16xf32>
      %scan3A_1019 = arith.constant 0 : i32
      %scan3A_1020 = arith.constant 23 : i32
      %scan3A_1021 = arith.addi %scan3A_1019, %scan3A_1020 : i32
      %scan3A_1022 = arith.constant 1 : i32
      %scan3A_1023:8 = scf.for %scan3A_1501 = %scan3A_1019 to %scan3A_1021 step %scan3A_1022 iter_args(%scan3A_1502 = %broadcast_in_dim3A_1004, %scan3A_1503 = %broadcast_in_dim3A_1006, %scan3A_1504 = %broadcast_in_dim3A_1008, %scan3A_1505 = %broadcast_in_dim3A_1010, %scan3A_1506 = %broadcast_in_dim3A_1012, %scan3A_1507 = %broadcast_in_dim3A_1014, %scan3A_1508 = %broadcast_in_dim3A_1016, %scan3A_1509 = %broadcast_in_dim3A_1018) -> (vector<16xf32>, vector<16xf32>, vector<16xf32>, vector<16xf32>, vector<16xf32>, vector<16xf32>, vector<16xf32>, vector<16xf32>)  : i32 {
        %mul3A_1510 = arith.constant 2 : i32
        %mul3A_1511 = arith.muli %mul3A_1510, %scan3A_1501 : i32
        %add3A_1512 = arith.constant 46 : i32
        %add3A_1513 = arith.addi %add3A_1512, %mul3A_1511 : i32
        %get3A_1514 = arith.index_cast %add3A_1513 : i32 to index
        %get3A_1515 = arith.constant 0 : index
        %get3A_1516 = tpu.vector_load %arg9[%get3A_1514, %get3A_1515] {strides = array<i32>} : memref<368x128xf32, #tpu.memory_space<vmem>>, vector<1x16xf32>,
        %get3A_1517 = vector.shape_cast %get3A_1516 : vector<1x16xf32> to vector<16xf32>
        %add3A_1518 = arith.addf %scan3A_1502, %get3A_1517 : vector<16xf32>
        %get3A_1519 = arith.index_cast %add3A_1513 : i32 to index
        %get3A_1520 = arith.constant 16 : index
        %get3A_1521 = tpu.vector_load %arg9[%get3A_1519, %get3A_1520] {strides = array<i32>} : memref<368x128xf32, #tpu.memory_space<vmem>>, vector<1x16xf32>,
        %get3A_1522 = vector.shape_cast %get3A_1521 : vector<1x16xf32> to vector<16xf32>
        %add3A_1523 = arith.addf %scan3A_1503, %get3A_1522 : vector<16xf32>
        %get3A_1524 = arith.index_cast %add3A_1513 : i32 to index
        %get3A_1525 = arith.constant 32 : index
        %get3A_1526 = tpu.vector_load %arg9[%get3A_1524, %get3A_1525] {strides = array<i32>} : memref<368x128xf32, #tpu.memory_space<vmem>>, vector<1x16xf32>,
        %get3A_1527 = vector.shape_cast %get3A_1526 : vector<1x16xf32> to vector<16xf32>
        %add3A_1528 = arith.addf %scan3A_1504, %get3A_1527 : vector<16xf32>
        %get3A_1529 = arith.index_cast %add3A_1513 : i32 to index
        %get3A_1530 = arith.constant 48 : index
        %get3A_1531 = tpu.vector_load %arg9[%get3A_1529, %get3A_1530] {strides = array<i32>} : memref<368x128xf32, #tpu.memory_space<vmem>>, vector<1x16xf32>,
        %get3A_1532 = vector.shape_cast %get3A_1531 : vector<1x16xf32> to vector<16xf32>
        %add3A_1533 = arith.addf %scan3A_1505, %get3A_1532 : vector<16xf32>
        %get3A_1534 = arith.index_cast %add3A_1513 : i32 to index
        %get3A_1535 = arith.constant 64 : index
        %get3A_1536 = tpu.vector_load %arg9[%get3A_1534, %get3A_1535] {strides = array<i32>} : memref<368x128xf32, #tpu.memory_space<vmem>>, vector<1x16xf32>,
        %get3A_1537 = vector.shape_cast %get3A_1536 : vector<1x16xf32> to vector<16xf32>
        %add3A_1538 = arith.addf %scan3A_1506, %get3A_1537 : vector<16xf32>
        %get3A_1539 = arith.index_cast %add3A_1513 : i32 to index
        %get3A_1540 = arith.constant 80 : index
        %get3A_1541 = tpu.vector_load %arg9[%get3A_1539, %get3A_1540] {strides = array<i32>} : memref<368x128xf32, #tpu.memory_space<vmem>>, vector<1x16xf32>,
        %get3A_1542 = vector.shape_cast %get3A_1541 : vector<1x16xf32> to vector<16xf32>
        %add3A_1543 = arith.addf %scan3A_1507, %get3A_1542 : vector<16xf32>
        %get3A_1544 = arith.index_cast %add3A_1513 : i32 to index
        %get3A_1545 = arith.constant 96 : index
        %get3A_1546 = tpu.vector_load %arg9[%get3A_1544, %get3A_1545] {strides = array<i32>} : memref<368x128xf32, #tpu.memory_space<vmem>>, vector<1x16xf32>,
        %get3A_1547 = vector.shape_cast %get3A_1546 : vector<1x16xf32> to vector<16xf32>
        %add3A_1548 = arith.addf %scan3A_1508, %get3A_1547 : vector<16xf32>
        %get3A_1549 = arith.index_cast %add3A_1513 : i32 to index
        %get3A_1550 = arith.constant 112 : index
        %get3A_1551 = tpu.vector_load %arg9[%get3A_1549, %get3A_1550] {strides = array<i32>} : memref<368x128xf32, #tpu.memory_space<vmem>>, vector<1x16xf32>,
        %get3A_1552 = vector.shape_cast %get3A_1551 : vector<1x16xf32> to vector<16xf32>
        %add3A_1553 = arith.addf %scan3A_1509, %get3A_1552 : vector<16xf32>
        %add3A_1554 = arith.constant 1 : i32
        %add3A_1555 = arith.addi %add3A_1513, %add3A_1554 : i32
        %get3A_1556 = arith.index_cast %add3A_1555 : i32 to index
        %get3A_1557 = arith.constant 0 : index
        %get3A_1558 = tpu.vector_load %arg9[%get3A_1556, %get3A_1557] {strides = array<i32>} : memref<368x128xf32, #tpu.memory_space<vmem>>, vector<1x16xf32>,
        %get3A_1559 = vector.shape_cast %get3A_1558 : vector<1x16xf32> to vector<16xf32>
        %add3A_1560 = arith.addf %add3A_1518, %get3A_1559 : vector<16xf32>
        %add3A_1561 = arith.constant 1 : i32
        %add3A_1562 = arith.addi %add3A_1513, %add3A_1561 : i32
        %get3A_1563 = arith.index_cast %add3A_1562 : i32 to index
        %get3A_1564 = arith.constant 16 : index
        %get3A_1565 = tpu.vector_load %arg9[%get3A_1563, %get3A_1564] {strides = array<i32>} : memref<368x128xf32, #tpu.memory_space<vmem>>, vector<1x16xf32>,
        %get3A_1566 = vector.shape_cast %get3A_1565 : vector<1x16xf32> to vector<16xf32>
        %add3A_1567 = arith.addf %add3A_1523, %get3A_1566 : vector<16xf32>
        %add3A_1568 = arith.constant 1 : i32
        %add3A_1569 = arith.addi %add3A_1513, %add3A_1568 : i32
        %get3A_1570 = arith.index_cast %add3A_1569 : i32 to index
        %get3A_1571 = arith.constant 32 : index
        %get3A_1572 = tpu.vector_load %arg9[%get3A_1570, %get3A_1571] {strides = array<i32>} : memref<368x128xf32, #tpu.memory_space<vmem>>, vector<1x16xf32>,
        %get3A_1573 = vector.shape_cast %get3A_1572 : vector<1x16xf32> to vector<16xf32>
        %add3A_1574 = arith.addf %add3A_1528, %get3A_1573 : vector<16xf32>
        %add3A_1575 = arith.constant 1 : i32
        %add3A_1576 = arith.addi %add3A_1513, %add3A_1575 : i32
        %get3A_1577 = arith.index_cast %add3A_1576 : i32 to index
        %get3A_1578 = arith.constant 48 : index
        %get3A_1579 = tpu.vector_load %arg9[%get3A_1577, %get3A_1578] {strides = array<i32>} : memref<368x128xf32, #tpu.memory_space<vmem>>, vector<1x16xf32>,
        %get3A_1580 = vector.shape_cast %get3A_1579 : vector<1x16xf32> to vector<16xf32>
        %add3A_1581 = arith.addf %add3A_1533, %get3A_1580 : vector<16xf32>
        %add3A_1582 = arith.constant 1 : i32
        %add3A_1583 = arith.addi %add3A_1513, %add3A_1582 : i32
        %get3A_1584 = arith.index_cast %add3A_1583 : i32 to index
        %get3A_1585 = arith.constant 64 : index
        %get3A_1586 = tpu.vector_load %arg9[%get3A_1584, %get3A_1585] {strides = array<i32>} : memref<368x128xf32, #tpu.memory_space<vmem>>, vector<1x16xf32>,
        %get3A_1587 = vector.shape_cast %get3A_1586 : vector<1x16xf32> to vector<16xf32>
        %add3A_1588 = arith.addf %add3A_1538, %get3A_1587 : vector<16xf32>
        %add3A_1589 = arith.constant 1 : i32
        %add3A_1590 = arith.addi %add3A_1513, %add3A_1589 : i32
        %get3A_1591 = arith.index_cast %add3A_1590 : i32 to index
        %get3A_1592 = arith.constant 80 : index
        %get3A_1593 = tpu.vector_load %arg9[%get3A_1591, %get3A_1592] {strides = array<i32>} : memref<368x128xf32, #tpu.memory_space<vmem>>, vector<1x16xf32>,
        %get3A_1594 = vector.shape_cast %get3A_1593 : vector<1x16xf32> to vector<16xf32>
        %add3A_1595 = arith.addf %add3A_1543, %get3A_1594 : vector<16xf32>
        %add3A_1596 = arith.constant 1 : i32
        %add3A_1597 = arith.addi %add3A_1513, %add3A_1596 : i32
        %get3A_1598 = arith.index_cast %add3A_1597 : i32 to index
        %get3A_1599 = arith.constant 96 : index
        %get3A_1600 = tpu.vector_load %arg9[%get3A_1598, %get3A_1599] {strides = array<i32>} : memref<368x128xf32, #tpu.memory_space<vmem>>, vector<1x16xf32>,
        %get3A_1601 = vector.shape_cast %get3A_1600 : vector<1x16xf32> to vector<16xf32>
        %add3A_1602 = arith.addf %add3A_1548, %get3A_1601 : vector<16xf32>
        %add3A_1603 = arith.constant 1 : i32
        %add3A_1604 = arith.addi %add3A_1513, %add3A_1603 : i32
        %get3A_1605 = arith.index_cast %add3A_1604 : i32 to index
        %get3A_1606 = arith.constant 112 : index
        %get3A_1607 = tpu.vector_load %arg9[%get3A_1605, %get3A_1606] {strides = array<i32>} : memref<368x128xf32, #tpu.memory_space<vmem>>, vector<1x16xf32>,
        %get3A_1608 = vector.shape_cast %get3A_1607 : vector<1x16xf32> to vector<16xf32>
        %add3A_1609 = arith.addf %add3A_1553, %get3A_1608 : vector<16xf32>
        scf.yield %add3A_1560, %add3A_1567, %add3A_1574, %add3A_1581, %add3A_1588, %add3A_1595, %add3A_1602, %add3A_1609 : vector<16xf32>, vector<16xf32>, vector<16xf32>, vector<16xf32>, vector<16xf32>, vector<16xf32>, vector<16xf32>, vector<16xf32>
      }
      %scan3A_1024 = arith.constant 23 : i32
      %swap3A_1025 = arith.constant 1 : i32
      %swap3A_1026 = arith.index_cast %swap3A_1025 : i32 to index
      %swap3A_1027 = arith.constant 0 : index
      %swap3A_1028 = tpu.vector_load %arg11[%swap3A_1026, %swap3A_1027] {strides = array<i32>} : memref<8x128xf32, #tpu.memory_space<vmem>>, vector<1x16xf32>,
      %swap3A_1029 = vector.shape_cast %swap3A_1028 : vector<1x16xf32> to vector<16xf32>
      %swap3A_1030 = vector.shape_cast %scan3A_1023#0 : vector<16xf32> to vector<1x16xf32>
      tpu.vector_store %arg11[%swap3A_1026, %swap3A_1027], %swap3A_1030 {strides = array<i32>} : memref<8x128xf32, #tpu.memory_space<vmem>>, vector<1x16xf32>,
      %swap3A_1031 = arith.constant 1 : i32
      %swap3A_1032 = arith.index_cast %swap3A_1031 : i32 to index
      %swap3A_1033 = arith.constant 16 : index
      %swap3A_1034 = tpu.vector_load %arg11[%swap3A_1032, %swap3A_1033] {strides = array<i32>} : memref<8x128xf32, #tpu.memory_space<vmem>>, vector<1x16xf32>,
      %swap3A_1035 = vector.shape_cast %swap3A_1034 : vector<1x16xf32> to vector<16xf32>
      %swap3A_1036 = vector.shape_cast %scan3A_1023#1 : vector<16xf32> to vector<1x16xf32>
      tpu.vector_store %arg11[%swap3A_1032, %swap3A_1033], %swap3A_1036 {strides = array<i32>} : memref<8x128xf32, #tpu.memory_space<vmem>>, vector<1x16xf32>,
      %swap3A_1037 = arith.constant 1 : i32
      %swap3A_1038 = arith.index_cast %swap3A_1037 : i32 to index
      %swap3A_1039 = arith.constant 32 : index
      %swap3A_1040 = tpu.vector_load %arg11[%swap3A_1038, %swap3A_1039] {strides = array<i32>} : memref<8x128xf32, #tpu.memory_space<vmem>>, vector<1x16xf32>,
      %swap3A_1041 = vector.shape_cast %swap3A_1040 : vector<1x16xf32> to vector<16xf32>
      %swap3A_1042 = vector.shape_cast %scan3A_1023#2 : vector<16xf32> to vector<1x16xf32>
      tpu.vector_store %arg11[%swap3A_1038, %swap3A_1039], %swap3A_1042 {strides = array<i32>} : memref<8x128xf32, #tpu.memory_space<vmem>>, vector<1x16xf32>,
      %swap3A_1043 = arith.constant 1 : i32
      %swap3A_1044 = arith.index_cast %swap3A_1043 : i32 to index
      %swap3A_1045 = arith.constant 48 : index
      %swap3A_1046 = tpu.vector_load %arg11[%swap3A_1044, %swap3A_1045] {strides = array<i32>} : memref<8x128xf32, #tpu.memory_space<vmem>>, vector<1x16xf32>,
      %swap3A_1047 = vector.shape_cast %swap3A_1046 : vector<1x16xf32> to vector<16xf32>
      %swap3A_1048 = vector.shape_cast %scan3A_1023#3 : vector<16xf32> to vector<1x16xf32>
      tpu.vector_store %arg11[%swap3A_1044, %swap3A_1045], %swap3A_1048 {strides = array<i32>} : memref<8x128xf32, #tpu.memory_space<vmem>>, vector<1x16xf32>,
      %swap3A_1049 = arith.constant 1 : i32
      %swap3A_1050 = arith.index_cast %swap3A_1049 : i32 to index
      %swap3A_1051 = arith.constant 64 : index
      %swap3A_1052 = tpu.vector_load %arg11[%swap3A_1050, %swap3A_1051] {strides = array<i32>} : memref<8x128xf32, #tpu.memory_space<vmem>>, vector<1x16xf32>,
      %swap3A_1053 = vector.shape_cast %swap3A_1052 : vector<1x16xf32> to vector<16xf32>
      %swap3A_1054 = vector.shape_cast %scan3A_1023#4 : vector<16xf32> to vector<1x16xf32>
      tpu.vector_store %arg11[%swap3A_1050, %swap3A_1051], %swap3A_1054 {strides = array<i32>} : memref<8x128xf32, #tpu.memory_space<vmem>>, vector<1x16xf32>,
      %swap3A_1055 = arith.constant 1 : i32
      %swap3A_1056 = arith.index_cast %swap3A_1055 : i32 to index
      %swap3A_1057 = arith.constant 80 : index
      %swap3A_1058 = tpu.vector_load %arg11[%swap3A_1056, %swap3A_1057] {strides = array<i32>} : memref<8x128xf32, #tpu.memory_space<vmem>>, vector<1x16xf32>,
      %swap3A_1059 = vector.shape_cast %swap3A_1058 : vector<1x16xf32> to vector<16xf32>
      %swap3A_1060 = vector.shape_cast %scan3A_1023#5 : vector<16xf32> to vector<1x16xf32>
      tpu.vector_store %arg11[%swap3A_1056, %swap3A_1057], %swap3A_1060 {strides = array<i32>} : memref<8x128xf32, #tpu.memory_space<vmem>>, vector<1x16xf32>,
      %swap3A_1061 = arith.constant 1 : i32
      %swap3A_1062 = arith.index_cast %swap3A_1061 : i32 to index
      %swap3A_1063 = arith.constant 96 : index
      %swap3A_1064 = tpu.vector_load %arg11[%swap3A_1062, %swap3A_1063] {strides = array<i32>} : memref<8x128xf32, #tpu.memory_space<vmem>>, vector<1x16xf32>,
      %swap3A_1065 = vector.shape_cast %swap3A_1064 : vector<1x16xf32> to vector<16xf32>
      %swap3A_1066 = vector.shape_cast %scan3A_1023#6 : vector<16xf32> to vector<1x16xf32>
      tpu.vector_store %arg11[%swap3A_1062, %swap3A_1063], %swap3A_1066 {strides = array<i32>} : memref<8x128xf32, #tpu.memory_space<vmem>>, vector<1x16xf32>,
      %swap3A_1067 = arith.constant 1 : i32
      %swap3A_1068 = arith.index_cast %swap3A_1067 : i32 to index
      %swap3A_1069 = arith.constant 112 : index
      %swap3A_1070 = tpu.vector_load %arg11[%swap3A_1068, %swap3A_1069] {strides = array<i32>} : memref<8x128xf32, #tpu.memory_space<vmem>>, vector<1x16xf32>,
      %swap3A_1071 = vector.shape_cast %swap3A_1070 : vector<1x16xf32> to vector<16xf32>
      %swap3A_1072 = vector.shape_cast %scan3A_1023#7 : vector<16xf32> to vector<1x16xf32>
      tpu.vector_store %arg11[%swap3A_1068, %swap3A_1069], %swap3A_1072 {strides = array<i32>} : memref<8x128xf32, #tpu.memory_space<vmem>>, vector<1x16xf32>,
      %broadcast_in_dim3A_1073 = arith.constant 0.000000e+00 : f32
      %broadcast_in_dim3A_1074 = vector.broadcast %broadcast_in_dim3A_1073 : f32 to vector<16xf32>
      %broadcast_in_dim3A_1075 = arith.constant 0.000000e+00 : f32
      %broadcast_in_dim3A_1076 = vector.broadcast %broadcast_in_dim3A_1075 : f32 to vector<16xf32>
      %broadcast_in_dim3A_1077 = arith.constant 0.000000e+00 : f32
      %broadcast_in_dim3A_1078 = vector.broadcast %broadcast_in_dim3A_1077 : f32 to vector<16xf32>
      %broadcast_in_dim3A_1079 = arith.constant 0.000000e+00 : f32
      %broadcast_in_dim3A_1080 = vector.broadcast %broadcast_in_dim3A_1079 : f32 to vector<16xf32>
      %broadcast_in_dim3A_1081 = arith.constant 0.000000e+00 : f32
      %broadcast_in_dim3A_1082 = vector.broadcast %broadcast_in_dim3A_1081 : f32 to vector<16xf32>
      %broadcast_in_dim3A_1083 = arith.constant 0.000000e+00 : f32
      %broadcast_in_dim3A_1084 = vector.broadcast %broadcast_in_dim3A_1083 : f32 to vector<16xf32>
      %broadcast_in_dim3A_1085 = arith.constant 0.000000e+00 : f32
      %broadcast_in_dim3A_1086 = vector.broadcast %broadcast_in_dim3A_1085 : f32 to vector<16xf32>
      %broadcast_in_dim3A_1087 = arith.constant 0.000000e+00 : f32
      %broadcast_in_dim3A_1088 = vector.broadcast %broadcast_in_dim3A_1087 : f32 to vector<16xf32>
      %scan3A_1089 = arith.constant 0 : i32
      %scan3A_1090 = arith.constant 23 : i32
      %scan3A_1091 = arith.addi %scan3A_1089, %scan3A_1090 : i32
      %scan3A_1092 = arith.constant 1 : i32
      %scan3A_1093:8 = scf.for %scan3A_1501 = %scan3A_1089 to %scan3A_1091 step %scan3A_1092 iter_args(%scan3A_1502 = %broadcast_in_dim3A_1074, %scan3A_1503 = %broadcast_in_dim3A_1076, %scan3A_1504 = %broadcast_in_dim3A_1078, %scan3A_1505 = %broadcast_in_dim3A_1080, %scan3A_1506 = %broadcast_in_dim3A_1082, %scan3A_1507 = %broadcast_in_dim3A_1084, %scan3A_1508 = %broadcast_in_dim3A_1086, %scan3A_1509 = %broadcast_in_dim3A_1088) -> (vector<16xf32>, vector<16xf32>, vector<16xf32>, vector<16xf32>, vector<16xf32>, vector<16xf32>, vector<16xf32>, vector<16xf32>)  : i32 {
        %mul3A_1510 = arith.constant 2 : i32
        %mul3A_1511 = arith.muli %mul3A_1510, %scan3A_1501 : i32
        %add3A_1512 = arith.constant 92 : i32
        %add3A_1513 = arith.addi %add3A_1512, %mul3A_1511 : i32
        %get3A_1514 = arith.index_cast %add3A_1513 : i32 to index
        %get3A_1515 = arith.constant 0 : index
        %get3A_1516 = tpu.vector_load %arg9[%get3A_1514, %get3A_1515] {strides = array<i32>} : memref<368x128xf32, #tpu.memory_space<vmem>>, vector<1x16xf32>,
        %get3A_1517 = vector.shape_cast %get3A_1516 : vector<1x16xf32> to vector<16xf32>
        %add3A_1518 = arith.addf %scan3A_1502, %get3A_1517 : vector<16xf32>
        %get3A_1519 = arith.index_cast %add3A_1513 : i32 to index
        %get3A_1520 = arith.constant 16 : index
        %get3A_1521 = tpu.vector_load %arg9[%get3A_1519, %get3A_1520] {strides = array<i32>} : memref<368x128xf32, #tpu.memory_space<vmem>>, vector<1x16xf32>,
        %get3A_1522 = vector.shape_cast %get3A_1521 : vector<1x16xf32> to vector<16xf32>
        %add3A_1523 = arith.addf %scan3A_1503, %get3A_1522 : vector<16xf32>
        %get3A_1524 = arith.index_cast %add3A_1513 : i32 to index
        %get3A_1525 = arith.constant 32 : index
        %get3A_1526 = tpu.vector_load %arg9[%get3A_1524, %get3A_1525] {strides = array<i32>} : memref<368x128xf32, #tpu.memory_space<vmem>>, vector<1x16xf32>,
        %get3A_1527 = vector.shape_cast %get3A_1526 : vector<1x16xf32> to vector<16xf32>
        %add3A_1528 = arith.addf %scan3A_1504, %get3A_1527 : vector<16xf32>
        %get3A_1529 = arith.index_cast %add3A_1513 : i32 to index
        %get3A_1530 = arith.constant 48 : index
        %get3A_1531 = tpu.vector_load %arg9[%get3A_1529, %get3A_1530] {strides = array<i32>} : memref<368x128xf32, #tpu.memory_space<vmem>>, vector<1x16xf32>,
        %get3A_1532 = vector.shape_cast %get3A_1531 : vector<1x16xf32> to vector<16xf32>
        %add3A_1533 = arith.addf %scan3A_1505, %get3A_1532 : vector<16xf32>
        %get3A_1534 = arith.index_cast %add3A_1513 : i32 to index
        %get3A_1535 = arith.constant 64 : index
        %get3A_1536 = tpu.vector_load %arg9[%get3A_1534, %get3A_1535] {strides = array<i32>} : memref<368x128xf32, #tpu.memory_space<vmem>>, vector<1x16xf32>,
        %get3A_1537 = vector.shape_cast %get3A_1536 : vector<1x16xf32> to vector<16xf32>
        %add3A_1538 = arith.addf %scan3A_1506, %get3A_1537 : vector<16xf32>
        %get3A_1539 = arith.index_cast %add3A_1513 : i32 to index
        %get3A_1540 = arith.constant 80 : index
        %get3A_1541 = tpu.vector_load %arg9[%get3A_1539, %get3A_1540] {strides = array<i32>} : memref<368x128xf32, #tpu.memory_space<vmem>>, vector<1x16xf32>,
        %get3A_1542 = vector.shape_cast %get3A_1541 : vector<1x16xf32> to vector<16xf32>
        %add3A_1543 = arith.addf %scan3A_1507, %get3A_1542 : vector<16xf32>
        %get3A_1544 = arith.index_cast %add3A_1513 : i32 to index
        %get3A_1545 = arith.constant 96 : index
        %get3A_1546 = tpu.vector_load %arg9[%get3A_1544, %get3A_1545] {strides = array<i32>} : memref<368x128xf32, #tpu.memory_space<vmem>>, vector<1x16xf32>,
        %get3A_1547 = vector.shape_cast %get3A_1546 : vector<1x16xf32> to vector<16xf32>
        %add3A_1548 = arith.addf %scan3A_1508, %get3A_1547 : vector<16xf32>
        %get3A_1549 = arith.index_cast %add3A_1513 : i32 to index
        %get3A_1550 = arith.constant 112 : index
        %get3A_1551 = tpu.vector_load %arg9[%get3A_1549, %get3A_1550] {strides = array<i32>} : memref<368x128xf32, #tpu.memory_space<vmem>>, vector<1x16xf32>,
        %get3A_1552 = vector.shape_cast %get3A_1551 : vector<1x16xf32> to vector<16xf32>
        %add3A_1553 = arith.addf %scan3A_1509, %get3A_1552 : vector<16xf32>
        %add3A_1554 = arith.constant 1 : i32
        %add3A_1555 = arith.addi %add3A_1513, %add3A_1554 : i32
        %get3A_1556 = arith.index_cast %add3A_1555 : i32 to index
        %get3A_1557 = arith.constant 0 : index
        %get3A_1558 = tpu.vector_load %arg9[%get3A_1556, %get3A_1557] {strides = array<i32>} : memref<368x128xf32, #tpu.memory_space<vmem>>, vector<1x16xf32>,
        %get3A_1559 = vector.shape_cast %get3A_1558 : vector<1x16xf32> to vector<16xf32>
        %add3A_1560 = arith.addf %add3A_1518, %get3A_1559 : vector<16xf32>
        %add3A_1561 = arith.constant 1 : i32
        %add3A_1562 = arith.addi %add3A_1513, %add3A_1561 : i32
        %get3A_1563 = arith.index_cast %add3A_1562 : i32 to index
        %get3A_1564 = arith.constant 16 : index
        %get3A_1565 = tpu.vector_load %arg9[%get3A_1563, %get3A_1564] {strides = array<i32>} : memref<368x128xf32, #tpu.memory_space<vmem>>, vector<1x16xf32>,
        %get3A_1566 = vector.shape_cast %get3A_1565 : vector<1x16xf32> to vector<16xf32>
        %add3A_1567 = arith.addf %add3A_1523, %get3A_1566 : vector<16xf32>
        %add3A_1568 = arith.constant 1 : i32
        %add3A_1569 = arith.addi %add3A_1513, %add3A_1568 : i32
        %get3A_1570 = arith.index_cast %add3A_1569 : i32 to index
        %get3A_1571 = arith.constant 32 : index
        %get3A_1572 = tpu.vector_load %arg9[%get3A_1570, %get3A_1571] {strides = array<i32>} : memref<368x128xf32, #tpu.memory_space<vmem>>, vector<1x16xf32>,
        %get3A_1573 = vector.shape_cast %get3A_1572 : vector<1x16xf32> to vector<16xf32>
        %add3A_1574 = arith.addf %add3A_1528, %get3A_1573 : vector<16xf32>
        %add3A_1575 = arith.constant 1 : i32
        %add3A_1576 = arith.addi %add3A_1513, %add3A_1575 : i32
        %get3A_1577 = arith.index_cast %add3A_1576 : i32 to index
        %get3A_1578 = arith.constant 48 : index
        %get3A_1579 = tpu.vector_load %arg9[%get3A_1577, %get3A_1578] {strides = array<i32>} : memref<368x128xf32, #tpu.memory_space<vmem>>, vector<1x16xf32>,
        %get3A_1580 = vector.shape_cast %get3A_1579 : vector<1x16xf32> to vector<16xf32>
        %add3A_1581 = arith.addf %add3A_1533, %get3A_1580 : vector<16xf32>
        %add3A_1582 = arith.constant 1 : i32
        %add3A_1583 = arith.addi %add3A_1513, %add3A_1582 : i32
        %get3A_1584 = arith.index_cast %add3A_1583 : i32 to index
        %get3A_1585 = arith.constant 64 : index
        %get3A_1586 = tpu.vector_load %arg9[%get3A_1584, %get3A_1585] {strides = array<i32>} : memref<368x128xf32, #tpu.memory_space<vmem>>, vector<1x16xf32>,
        %get3A_1587 = vector.shape_cast %get3A_1586 : vector<1x16xf32> to vector<16xf32>
        %add3A_1588 = arith.addf %add3A_1538, %get3A_1587 : vector<16xf32>
        %add3A_1589 = arith.constant 1 : i32
        %add3A_1590 = arith.addi %add3A_1513, %add3A_1589 : i32
        %get3A_1591 = arith.index_cast %add3A_1590 : i32 to index
        %get3A_1592 = arith.constant 80 : index
        %get3A_1593 = tpu.vector_load %arg9[%get3A_1591, %get3A_1592] {strides = array<i32>} : memref<368x128xf32, #tpu.memory_space<vmem>>, vector<1x16xf32>,
        %get3A_1594 = vector.shape_cast %get3A_1593 : vector<1x16xf32> to vector<16xf32>
        %add3A_1595 = arith.addf %add3A_1543, %get3A_1594 : vector<16xf32>
        %add3A_1596 = arith.constant 1 : i32
        %add3A_1597 = arith.addi %add3A_1513, %add3A_1596 : i32
        %get3A_1598 = arith.index_cast %add3A_1597 : i32 to index
        %get3A_1599 = arith.constant 96 : index
        %get3A_1600 = tpu.vector_load %arg9[%get3A_1598, %get3A_1599] {strides = array<i32>} : memref<368x128xf32, #tpu.memory_space<vmem>>, vector<1x16xf32>,
        %get3A_1601 = vector.shape_cast %get3A_1600 : vector<1x16xf32> to vector<16xf32>
        %add3A_1602 = arith.addf %add3A_1548, %get3A_1601 : vector<16xf32>
        %add3A_1603 = arith.constant 1 : i32
        %add3A_1604 = arith.addi %add3A_1513, %add3A_1603 : i32
        %get3A_1605 = arith.index_cast %add3A_1604 : i32 to index
        %get3A_1606 = arith.constant 112 : index
        %get3A_1607 = tpu.vector_load %arg9[%get3A_1605, %get3A_1606] {strides = array<i32>} : memref<368x128xf32, #tpu.memory_space<vmem>>, vector<1x16xf32>,
        %get3A_1608 = vector.shape_cast %get3A_1607 : vector<1x16xf32> to vector<16xf32>
        %add3A_1609 = arith.addf %add3A_1553, %get3A_1608 : vector<16xf32>
        scf.yield %add3A_1560, %add3A_1567, %add3A_1574, %add3A_1581, %add3A_1588, %add3A_1595, %add3A_1602, %add3A_1609 : vector<16xf32>, vector<16xf32>, vector<16xf32>, vector<16xf32>, vector<16xf32>, vector<16xf32>, vector<16xf32>, vector<16xf32>
      }
      %scan3A_1094 = arith.constant 23 : i32
      %swap3A_1095 = arith.constant 2 : i32
      %swap3A_1096 = arith.index_cast %swap3A_1095 : i32 to index
      %swap3A_1097 = arith.constant 0 : index
      %swap3A_1098 = tpu.vector_load %arg11[%swap3A_1096, %swap3A_1097] {strides = array<i32>} : memref<8x128xf32, #tpu.memory_space<vmem>>, vector<1x16xf32>,
      %swap3A_1099 = vector.shape_cast %swap3A_1098 : vector<1x16xf32> to vector<16xf32>
      %swap3A_1100 = vector.shape_cast %scan3A_1093#0 : vector<16xf32> to vector<1x16xf32>
      tpu.vector_store %arg11[%swap3A_1096, %swap3A_1097], %swap3A_1100 {strides = array<i32>} : memref<8x128xf32, #tpu.memory_space<vmem>>, vector<1x16xf32>,
      %swap3A_1101 = arith.constant 2 : i32
      %swap3A_1102 = arith.index_cast %swap3A_1101 : i32 to index
      %swap3A_1103 = arith.constant 16 : index
      %swap3A_1104 = tpu.vector_load %arg11[%swap3A_1102, %swap3A_1103] {strides = array<i32>} : memref<8x128xf32, #tpu.memory_space<vmem>>, vector<1x16xf32>,
      %swap3A_1105 = vector.shape_cast %swap3A_1104 : vector<1x16xf32> to vector<16xf32>
      %swap3A_1106 = vector.shape_cast %scan3A_1093#1 : vector<16xf32> to vector<1x16xf32>
      tpu.vector_store %arg11[%swap3A_1102, %swap3A_1103], %swap3A_1106 {strides = array<i32>} : memref<8x128xf32, #tpu.memory_space<vmem>>, vector<1x16xf32>,
      %swap3A_1107 = arith.constant 2 : i32
      %swap3A_1108 = arith.index_cast %swap3A_1107 : i32 to index
      %swap3A_1109 = arith.constant 32 : index
      %swap3A_1110 = tpu.vector_load %arg11[%swap3A_1108, %swap3A_1109] {strides = array<i32>} : memref<8x128xf32, #tpu.memory_space<vmem>>, vector<1x16xf32>,
      %swap3A_1111 = vector.shape_cast %swap3A_1110 : vector<1x16xf32> to vector<16xf32>
      %swap3A_1112 = vector.shape_cast %scan3A_1093#2 : vector<16xf32> to vector<1x16xf32>
      tpu.vector_store %arg11[%swap3A_1108, %swap3A_1109], %swap3A_1112 {strides = array<i32>} : memref<8x128xf32, #tpu.memory_space<vmem>>, vector<1x16xf32>,
      %swap3A_1113 = arith.constant 2 : i32
      %swap3A_1114 = arith.index_cast %swap3A_1113 : i32 to index
      %swap3A_1115 = arith.constant 48 : index
      %swap3A_1116 = tpu.vector_load %arg11[%swap3A_1114, %swap3A_1115] {strides = array<i32>} : memref<8x128xf32, #tpu.memory_space<vmem>>, vector<1x16xf32>,
      %swap3A_1117 = vector.shape_cast %swap3A_1116 : vector<1x16xf32> to vector<16xf32>
      %swap3A_1118 = vector.shape_cast %scan3A_1093#3 : vector<16xf32> to vector<1x16xf32>
      tpu.vector_store %arg11[%swap3A_1114, %swap3A_1115], %swap3A_1118 {strides = array<i32>} : memref<8x128xf32, #tpu.memory_space<vmem>>, vector<1x16xf32>,
      %swap3A_1119 = arith.constant 2 : i32
      %swap3A_1120 = arith.index_cast %swap3A_1119 : i32 to index
      %swap3A_1121 = arith.constant 64 : index
      %swap3A_1122 = tpu.vector_load %arg11[%swap3A_1120, %swap3A_1121] {strides = array<i32>} : memref<8x128xf32, #tpu.memory_space<vmem>>, vector<1x16xf32>,
      %swap3A_1123 = vector.shape_cast %swap3A_1122 : vector<1x16xf32> to vector<16xf32>
      %swap3A_1124 = vector.shape_cast %scan3A_1093#4 : vector<16xf32> to vector<1x16xf32>
      tpu.vector_store %arg11[%swap3A_1120, %swap3A_1121], %swap3A_1124 {strides = array<i32>} : memref<8x128xf32, #tpu.memory_space<vmem>>, vector<1x16xf32>,
      %swap3A_1125 = arith.constant 2 : i32
      %swap3A_1126 = arith.index_cast %swap3A_1125 : i32 to index
      %swap3A_1127 = arith.constant 80 : index
      %swap3A_1128 = tpu.vector_load %arg11[%swap3A_1126, %swap3A_1127] {strides = array<i32>} : memref<8x128xf32, #tpu.memory_space<vmem>>, vector<1x16xf32>,
      %swap3A_1129 = vector.shape_cast %swap3A_1128 : vector<1x16xf32> to vector<16xf32>
      %swap3A_1130 = vector.shape_cast %scan3A_1093#5 : vector<16xf32> to vector<1x16xf32>
      tpu.vector_store %arg11[%swap3A_1126, %swap3A_1127], %swap3A_1130 {strides = array<i32>} : memref<8x128xf32, #tpu.memory_space<vmem>>, vector<1x16xf32>,
      %swap3A_1131 = arith.constant 2 : i32
      %swap3A_1132 = arith.index_cast %swap3A_1131 : i32 to index
      %swap3A_1133 = arith.constant 96 : index
      %swap3A_1134 = tpu.vector_load %arg11[%swap3A_1132, %swap3A_1133] {strides = array<i32>} : memref<8x128xf32, #tpu.memory_space<vmem>>, vector<1x16xf32>,
      %swap3A_1135 = vector.shape_cast %swap3A_1134 : vector<1x16xf32> to vector<16xf32>
      %swap3A_1136 = vector.shape_cast %scan3A_1093#6 : vector<16xf32> to vector<1x16xf32>
      tpu.vector_store %arg11[%swap3A_1132, %swap3A_1133], %swap3A_1136 {strides = array<i32>} : memref<8x128xf32, #tpu.memory_space<vmem>>, vector<1x16xf32>,
      %swap3A_1137 = arith.constant 2 : i32
      %swap3A_1138 = arith.index_cast %swap3A_1137 : i32 to index
      %swap3A_1139 = arith.constant 112 : index
      %swap3A_1140 = tpu.vector_load %arg11[%swap3A_1138, %swap3A_1139] {strides = array<i32>} : memref<8x128xf32, #tpu.memory_space<vmem>>, vector<1x16xf32>,
      %swap3A_1141 = vector.shape_cast %swap3A_1140 : vector<1x16xf32> to vector<16xf32>
      %swap3A_1142 = vector.shape_cast %scan3A_1093#7 : vector<16xf32> to vector<1x16xf32>
      tpu.vector_store %arg11[%swap3A_1138, %swap3A_1139], %swap3A_1142 {strides = array<i32>} : memref<8x128xf32, #tpu.memory_space<vmem>>, vector<1x16xf32>,
      %broadcast_in_dim3A_1143 = arith.constant 0.000000e+00 : f32
      %broadcast_in_dim3A_1144 = vector.broadcast %broadcast_in_dim3A_1143 : f32 to vector<16xf32>
      %broadcast_in_dim3A_1145 = arith.constant 0.000000e+00 : f32
      %broadcast_in_dim3A_1146 = vector.broadcast %broadcast_in_dim3A_1145 : f32 to vector<16xf32>
      %broadcast_in_dim3A_1147 = arith.constant 0.000000e+00 : f32
      %broadcast_in_dim3A_1148 = vector.broadcast %broadcast_in_dim3A_1147 : f32 to vector<16xf32>
      %broadcast_in_dim3A_1149 = arith.constant 0.000000e+00 : f32
      %broadcast_in_dim3A_1150 = vector.broadcast %broadcast_in_dim3A_1149 : f32 to vector<16xf32>
      %broadcast_in_dim3A_1151 = arith.constant 0.000000e+00 : f32
      %broadcast_in_dim3A_1152 = vector.broadcast %broadcast_in_dim3A_1151 : f32 to vector<16xf32>
      %broadcast_in_dim3A_1153 = arith.constant 0.000000e+00 : f32
      %broadcast_in_dim3A_1154 = vector.broadcast %broadcast_in_dim3A_1153 : f32 to vector<16xf32>
      %broadcast_in_dim3A_1155 = arith.constant 0.000000e+00 : f32
      %broadcast_in_dim3A_1156 = vector.broadcast %broadcast_in_dim3A_1155 : f32 to vector<16xf32>
      %broadcast_in_dim3A_1157 = arith.constant 0.000000e+00 : f32
      %broadcast_in_dim3A_1158 = vector.broadcast %broadcast_in_dim3A_1157 : f32 to vector<16xf32>
      %scan3A_1159 = arith.constant 0 : i32
      %scan3A_1160 = arith.constant 23 : i32
      %scan3A_1161 = arith.addi %scan3A_1159, %scan3A_1160 : i32
      %scan3A_1162 = arith.constant 1 : i32
      %scan3A_1163:8 = scf.for %scan3A_1501 = %scan3A_1159 to %scan3A_1161 step %scan3A_1162 iter_args(%scan3A_1502 = %broadcast_in_dim3A_1144, %scan3A_1503 = %broadcast_in_dim3A_1146, %scan3A_1504 = %broadcast_in_dim3A_1148, %scan3A_1505 = %broadcast_in_dim3A_1150, %scan3A_1506 = %broadcast_in_dim3A_1152, %scan3A_1507 = %broadcast_in_dim3A_1154, %scan3A_1508 = %broadcast_in_dim3A_1156, %scan3A_1509 = %broadcast_in_dim3A_1158) -> (vector<16xf32>, vector<16xf32>, vector<16xf32>, vector<16xf32>, vector<16xf32>, vector<16xf32>, vector<16xf32>, vector<16xf32>)  : i32 {
        %mul3A_1510 = arith.constant 2 : i32
        %mul3A_1511 = arith.muli %mul3A_1510, %scan3A_1501 : i32
        %add3A_1512 = arith.constant 138 : i32
        %add3A_1513 = arith.addi %add3A_1512, %mul3A_1511 : i32
        %get3A_1514 = arith.index_cast %add3A_1513 : i32 to index
        %get3A_1515 = arith.constant 0 : index
        %get3A_1516 = tpu.vector_load %arg9[%get3A_1514, %get3A_1515] {strides = array<i32>} : memref<368x128xf32, #tpu.memory_space<vmem>>, vector<1x16xf32>,
        %get3A_1517 = vector.shape_cast %get3A_1516 : vector<1x16xf32> to vector<16xf32>
        %add3A_1518 = arith.addf %scan3A_1502, %get3A_1517 : vector<16xf32>
        %get3A_1519 = arith.index_cast %add3A_1513 : i32 to index
        %get3A_1520 = arith.constant 16 : index
        %get3A_1521 = tpu.vector_load %arg9[%get3A_1519, %get3A_1520] {strides = array<i32>} : memref<368x128xf32, #tpu.memory_space<vmem>>, vector<1x16xf32>,
        %get3A_1522 = vector.shape_cast %get3A_1521 : vector<1x16xf32> to vector<16xf32>
        %add3A_1523 = arith.addf %scan3A_1503, %get3A_1522 : vector<16xf32>
        %get3A_1524 = arith.index_cast %add3A_1513 : i32 to index
        %get3A_1525 = arith.constant 32 : index
        %get3A_1526 = tpu.vector_load %arg9[%get3A_1524, %get3A_1525] {strides = array<i32>} : memref<368x128xf32, #tpu.memory_space<vmem>>, vector<1x16xf32>,
        %get3A_1527 = vector.shape_cast %get3A_1526 : vector<1x16xf32> to vector<16xf32>
        %add3A_1528 = arith.addf %scan3A_1504, %get3A_1527 : vector<16xf32>
        %get3A_1529 = arith.index_cast %add3A_1513 : i32 to index
        %get3A_1530 = arith.constant 48 : index
        %get3A_1531 = tpu.vector_load %arg9[%get3A_1529, %get3A_1530] {strides = array<i32>} : memref<368x128xf32, #tpu.memory_space<vmem>>, vector<1x16xf32>,
        %get3A_1532 = vector.shape_cast %get3A_1531 : vector<1x16xf32> to vector<16xf32>
        %add3A_1533 = arith.addf %scan3A_1505, %get3A_1532 : vector<16xf32>
        %get3A_1534 = arith.index_cast %add3A_1513 : i32 to index
        %get3A_1535 = arith.constant 64 : index
        %get3A_1536 = tpu.vector_load %arg9[%get3A_1534, %get3A_1535] {strides = array<i32>} : memref<368x128xf32, #tpu.memory_space<vmem>>, vector<1x16xf32>,
        %get3A_1537 = vector.shape_cast %get3A_1536 : vector<1x16xf32> to vector<16xf32>
        %add3A_1538 = arith.addf %scan3A_1506, %get3A_1537 : vector<16xf32>
        %get3A_1539 = arith.index_cast %add3A_1513 : i32 to index
        %get3A_1540 = arith.constant 80 : index
        %get3A_1541 = tpu.vector_load %arg9[%get3A_1539, %get3A_1540] {strides = array<i32>} : memref<368x128xf32, #tpu.memory_space<vmem>>, vector<1x16xf32>,
        %get3A_1542 = vector.shape_cast %get3A_1541 : vector<1x16xf32> to vector<16xf32>
        %add3A_1543 = arith.addf %scan3A_1507, %get3A_1542 : vector<16xf32>
        %get3A_1544 = arith.index_cast %add3A_1513 : i32 to index
        %get3A_1545 = arith.constant 96 : index
        %get3A_1546 = tpu.vector_load %arg9[%get3A_1544, %get3A_1545] {strides = array<i32>} : memref<368x128xf32, #tpu.memory_space<vmem>>, vector<1x16xf32>,
        %get3A_1547 = vector.shape_cast %get3A_1546 : vector<1x16xf32> to vector<16xf32>
        %add3A_1548 = arith.addf %scan3A_1508, %get3A_1547 : vector<16xf32>
        %get3A_1549 = arith.index_cast %add3A_1513 : i32 to index
        %get3A_1550 = arith.constant 112 : index
        %get3A_1551 = tpu.vector_load %arg9[%get3A_1549, %get3A_1550] {strides = array<i32>} : memref<368x128xf32, #tpu.memory_space<vmem>>, vector<1x16xf32>,
        %get3A_1552 = vector.shape_cast %get3A_1551 : vector<1x16xf32> to vector<16xf32>
        %add3A_1553 = arith.addf %scan3A_1509, %get3A_1552 : vector<16xf32>
        %add3A_1554 = arith.constant 1 : i32
        %add3A_1555 = arith.addi %add3A_1513, %add3A_1554 : i32
        %get3A_1556 = arith.index_cast %add3A_1555 : i32 to index
        %get3A_1557 = arith.constant 0 : index
        %get3A_1558 = tpu.vector_load %arg9[%get3A_1556, %get3A_1557] {strides = array<i32>} : memref<368x128xf32, #tpu.memory_space<vmem>>, vector<1x16xf32>,
        %get3A_1559 = vector.shape_cast %get3A_1558 : vector<1x16xf32> to vector<16xf32>
        %add3A_1560 = arith.addf %add3A_1518, %get3A_1559 : vector<16xf32>
        %add3A_1561 = arith.constant 1 : i32
        %add3A_1562 = arith.addi %add3A_1513, %add3A_1561 : i32
        %get3A_1563 = arith.index_cast %add3A_1562 : i32 to index
        %get3A_1564 = arith.constant 16 : index
        %get3A_1565 = tpu.vector_load %arg9[%get3A_1563, %get3A_1564] {strides = array<i32>} : memref<368x128xf32, #tpu.memory_space<vmem>>, vector<1x16xf32>,
        %get3A_1566 = vector.shape_cast %get3A_1565 : vector<1x16xf32> to vector<16xf32>
        %add3A_1567 = arith.addf %add3A_1523, %get3A_1566 : vector<16xf32>
        %add3A_1568 = arith.constant 1 : i32
        %add3A_1569 = arith.addi %add3A_1513, %add3A_1568 : i32
        %get3A_1570 = arith.index_cast %add3A_1569 : i32 to index
        %get3A_1571 = arith.constant 32 : index
        %get3A_1572 = tpu.vector_load %arg9[%get3A_1570, %get3A_1571] {strides = array<i32>} : memref<368x128xf32, #tpu.memory_space<vmem>>, vector<1x16xf32>,
        %get3A_1573 = vector.shape_cast %get3A_1572 : vector<1x16xf32> to vector<16xf32>
        %add3A_1574 = arith.addf %add3A_1528, %get3A_1573 : vector<16xf32>
        %add3A_1575 = arith.constant 1 : i32
        %add3A_1576 = arith.addi %add3A_1513, %add3A_1575 : i32
        %get3A_1577 = arith.index_cast %add3A_1576 : i32 to index
        %get3A_1578 = arith.constant 48 : index
        %get3A_1579 = tpu.vector_load %arg9[%get3A_1577, %get3A_1578] {strides = array<i32>} : memref<368x128xf32, #tpu.memory_space<vmem>>, vector<1x16xf32>,
        %get3A_1580 = vector.shape_cast %get3A_1579 : vector<1x16xf32> to vector<16xf32>
        %add3A_1581 = arith.addf %add3A_1533, %get3A_1580 : vector<16xf32>
        %add3A_1582 = arith.constant 1 : i32
        %add3A_1583 = arith.addi %add3A_1513, %add3A_1582 : i32
        %get3A_1584 = arith.index_cast %add3A_1583 : i32 to index
        %get3A_1585 = arith.constant 64 : index
        %get3A_1586 = tpu.vector_load %arg9[%get3A_1584, %get3A_1585] {strides = array<i32>} : memref<368x128xf32, #tpu.memory_space<vmem>>, vector<1x16xf32>,
        %get3A_1587 = vector.shape_cast %get3A_1586 : vector<1x16xf32> to vector<16xf32>
        %add3A_1588 = arith.addf %add3A_1538, %get3A_1587 : vector<16xf32>
        %add3A_1589 = arith.constant 1 : i32
        %add3A_1590 = arith.addi %add3A_1513, %add3A_1589 : i32
        %get3A_1591 = arith.index_cast %add3A_1590 : i32 to index
        %get3A_1592 = arith.constant 80 : index
        %get3A_1593 = tpu.vector_load %arg9[%get3A_1591, %get3A_1592] {strides = array<i32>} : memref<368x128xf32, #tpu.memory_space<vmem>>, vector<1x16xf32>,
        %get3A_1594 = vector.shape_cast %get3A_1593 : vector<1x16xf32> to vector<16xf32>
        %add3A_1595 = arith.addf %add3A_1543, %get3A_1594 : vector<16xf32>
        %add3A_1596 = arith.constant 1 : i32
        %add3A_1597 = arith.addi %add3A_1513, %add3A_1596 : i32
        %get3A_1598 = arith.index_cast %add3A_1597 : i32 to index
        %get3A_1599 = arith.constant 96 : index
        %get3A_1600 = tpu.vector_load %arg9[%get3A_1598, %get3A_1599] {strides = array<i32>} : memref<368x128xf32, #tpu.memory_space<vmem>>, vector<1x16xf32>,
        %get3A_1601 = vector.shape_cast %get3A_1600 : vector<1x16xf32> to vector<16xf32>
        %add3A_1602 = arith.addf %add3A_1548, %get3A_1601 : vector<16xf32>
        %add3A_1603 = arith.constant 1 : i32
        %add3A_1604 = arith.addi %add3A_1513, %add3A_1603 : i32
        %get3A_1605 = arith.index_cast %add3A_1604 : i32 to index
        %get3A_1606 = arith.constant 112 : index
        %get3A_1607 = tpu.vector_load %arg9[%get3A_1605, %get3A_1606] {strides = array<i32>} : memref<368x128xf32, #tpu.memory_space<vmem>>, vector<1x16xf32>,
        %get3A_1608 = vector.shape_cast %get3A_1607 : vector<1x16xf32> to vector<16xf32>
        %add3A_1609 = arith.addf %add3A_1553, %get3A_1608 : vector<16xf32>
        scf.yield %add3A_1560, %add3A_1567, %add3A_1574, %add3A_1581, %add3A_1588, %add3A_1595, %add3A_1602, %add3A_1609 : vector<16xf32>, vector<16xf32>, vector<16xf32>, vector<16xf32>, vector<16xf32>, vector<16xf32>, vector<16xf32>, vector<16xf32>
      }
      %scan3A_1164 = arith.constant 23 : i32
      %swap3A_1165 = arith.constant 3 : i32
      %swap3A_1166 = arith.index_cast %swap3A_1165 : i32 to index
      %swap3A_1167 = arith.constant 0 : index
      %swap3A_1168 = tpu.vector_load %arg11[%swap3A_1166, %swap3A_1167] {strides = array<i32>} : memref<8x128xf32, #tpu.memory_space<vmem>>, vector<1x16xf32>,
      %swap3A_1169 = vector.shape_cast %swap3A_1168 : vector<1x16xf32> to vector<16xf32>
      %swap3A_1170 = vector.shape_cast %scan3A_1163#0 : vector<16xf32> to vector<1x16xf32>
      tpu.vector_store %arg11[%swap3A_1166, %swap3A_1167], %swap3A_1170 {strides = array<i32>} : memref<8x128xf32, #tpu.memory_space<vmem>>, vector<1x16xf32>,
      %swap3A_1171 = arith.constant 3 : i32
      %swap3A_1172 = arith.index_cast %swap3A_1171 : i32 to index
      %swap3A_1173 = arith.constant 16 : index
      %swap3A_1174 = tpu.vector_load %arg11[%swap3A_1172, %swap3A_1173] {strides = array<i32>} : memref<8x128xf32, #tpu.memory_space<vmem>>, vector<1x16xf32>,
      %swap3A_1175 = vector.shape_cast %swap3A_1174 : vector<1x16xf32> to vector<16xf32>
      %swap3A_1176 = vector.shape_cast %scan3A_1163#1 : vector<16xf32> to vector<1x16xf32>
      tpu.vector_store %arg11[%swap3A_1172, %swap3A_1173], %swap3A_1176 {strides = array<i32>} : memref<8x128xf32, #tpu.memory_space<vmem>>, vector<1x16xf32>,
      %swap3A_1177 = arith.constant 3 : i32
      %swap3A_1178 = arith.index_cast %swap3A_1177 : i32 to index
      %swap3A_1179 = arith.constant 32 : index
      %swap3A_1180 = tpu.vector_load %arg11[%swap3A_1178, %swap3A_1179] {strides = array<i32>} : memref<8x128xf32, #tpu.memory_space<vmem>>, vector<1x16xf32>,
      %swap3A_1181 = vector.shape_cast %swap3A_1180 : vector<1x16xf32> to vector<16xf32>
      %swap3A_1182 = vector.shape_cast %scan3A_1163#2 : vector<16xf32> to vector<1x16xf32>
      tpu.vector_store %arg11[%swap3A_1178, %swap3A_1179], %swap3A_1182 {strides = array<i32>} : memref<8x128xf32, #tpu.memory_space<vmem>>, vector<1x16xf32>,
      %swap3A_1183 = arith.constant 3 : i32
      %swap3A_1184 = arith.index_cast %swap3A_1183 : i32 to index
      %swap3A_1185 = arith.constant 48 : index
      %swap3A_1186 = tpu.vector_load %arg11[%swap3A_1184, %swap3A_1185] {strides = array<i32>} : memref<8x128xf32, #tpu.memory_space<vmem>>, vector<1x16xf32>,
      %swap3A_1187 = vector.shape_cast %swap3A_1186 : vector<1x16xf32> to vector<16xf32>
      %swap3A_1188 = vector.shape_cast %scan3A_1163#3 : vector<16xf32> to vector<1x16xf32>
      tpu.vector_store %arg11[%swap3A_1184, %swap3A_1185], %swap3A_1188 {strides = array<i32>} : memref<8x128xf32, #tpu.memory_space<vmem>>, vector<1x16xf32>,
      %swap3A_1189 = arith.constant 3 : i32
      %swap3A_1190 = arith.index_cast %swap3A_1189 : i32 to index
      %swap3A_1191 = arith.constant 64 : index
      %swap3A_1192 = tpu.vector_load %arg11[%swap3A_1190, %swap3A_1191] {strides = array<i32>} : memref<8x128xf32, #tpu.memory_space<vmem>>, vector<1x16xf32>,
      %swap3A_1193 = vector.shape_cast %swap3A_1192 : vector<1x16xf32> to vector<16xf32>
      %swap3A_1194 = vector.shape_cast %scan3A_1163#4 : vector<16xf32> to vector<1x16xf32>
      tpu.vector_store %arg11[%swap3A_1190, %swap3A_1191], %swap3A_1194 {strides = array<i32>} : memref<8x128xf32, #tpu.memory_space<vmem>>, vector<1x16xf32>,
      %swap3A_1195 = arith.constant 3 : i32
      %swap3A_1196 = arith.index_cast %swap3A_1195 : i32 to index
      %swap3A_1197 = arith.constant 80 : index
      %swap3A_1198 = tpu.vector_load %arg11[%swap3A_1196, %swap3A_1197] {strides = array<i32>} : memref<8x128xf32, #tpu.memory_space<vmem>>, vector<1x16xf32>,
      %swap3A_1199 = vector.shape_cast %swap3A_1198 : vector<1x16xf32> to vector<16xf32>
      %swap3A_1200 = vector.shape_cast %scan3A_1163#5 : vector<16xf32> to vector<1x16xf32>
      tpu.vector_store %arg11[%swap3A_1196, %swap3A_1197], %swap3A_1200 {strides = array<i32>} : memref<8x128xf32, #tpu.memory_space<vmem>>, vector<1x16xf32>,
      %swap3A_1201 = arith.constant 3 : i32
      %swap3A_1202 = arith.index_cast %swap3A_1201 : i32 to index
      %swap3A_1203 = arith.constant 96 : index
      %swap3A_1204 = tpu.vector_load %arg11[%swap3A_1202, %swap3A_1203] {strides = array<i32>} : memref<8x128xf32, #tpu.memory_space<vmem>>, vector<1x16xf32>,
      %swap3A_1205 = vector.shape_cast %swap3A_1204 : vector<1x16xf32> to vector<16xf32>
      %swap3A_1206 = vector.shape_cast %scan3A_1163#6 : vector<16xf32> to vector<1x16xf32>
      tpu.vector_store %arg11[%swap3A_1202, %swap3A_1203], %swap3A_1206 {strides = array<i32>} : memref<8x128xf32, #tpu.memory_space<vmem>>, vector<1x16xf32>,
      %swap3A_1207 = arith.constant 3 : i32
      %swap3A_1208 = arith.index_cast %swap3A_1207 : i32 to index
      %swap3A_1209 = arith.constant 112 : index
      %swap3A_1210 = tpu.vector_load %arg11[%swap3A_1208, %swap3A_1209] {strides = array<i32>} : memref<8x128xf32, #tpu.memory_space<vmem>>, vector<1x16xf32>,
      %swap3A_1211 = vector.shape_cast %swap3A_1210 : vector<1x16xf32> to vector<16xf32>
      %swap3A_1212 = vector.shape_cast %scan3A_1163#7 : vector<16xf32> to vector<1x16xf32>
      tpu.vector_store %arg11[%swap3A_1208, %swap3A_1209], %swap3A_1212 {strides = array<i32>} : memref<8x128xf32, #tpu.memory_space<vmem>>, vector<1x16xf32>,
      %broadcast_in_dim3A_1213 = arith.constant 0.000000e+00 : f32
      %broadcast_in_dim3A_1214 = vector.broadcast %broadcast_in_dim3A_1213 : f32 to vector<16xf32>
      %broadcast_in_dim3A_1215 = arith.constant 0.000000e+00 : f32
      %broadcast_in_dim3A_1216 = vector.broadcast %broadcast_in_dim3A_1215 : f32 to vector<16xf32>
      %broadcast_in_dim3A_1217 = arith.constant 0.000000e+00 : f32
      %broadcast_in_dim3A_1218 = vector.broadcast %broadcast_in_dim3A_1217 : f32 to vector<16xf32>
      %broadcast_in_dim3A_1219 = arith.constant 0.000000e+00 : f32
      %broadcast_in_dim3A_1220 = vector.broadcast %broadcast_in_dim3A_1219 : f32 to vector<16xf32>
      %broadcast_in_dim3A_1221 = arith.constant 0.000000e+00 : f32
      %broadcast_in_dim3A_1222 = vector.broadcast %broadcast_in_dim3A_1221 : f32 to vector<16xf32>
      %broadcast_in_dim3A_1223 = arith.constant 0.000000e+00 : f32
      %broadcast_in_dim3A_1224 = vector.broadcast %broadcast_in_dim3A_1223 : f32 to vector<16xf32>
      %broadcast_in_dim3A_1225 = arith.constant 0.000000e+00 : f32
      %broadcast_in_dim3A_1226 = vector.broadcast %broadcast_in_dim3A_1225 : f32 to vector<16xf32>
      %broadcast_in_dim3A_1227 = arith.constant 0.000000e+00 : f32
      %broadcast_in_dim3A_1228 = vector.broadcast %broadcast_in_dim3A_1227 : f32 to vector<16xf32>
      %scan3A_1229 = arith.constant 0 : i32
      %scan3A_1230 = arith.constant 23 : i32
      %scan3A_1231 = arith.addi %scan3A_1229, %scan3A_1230 : i32
      %scan3A_1232 = arith.constant 1 : i32
      %scan3A_1233:8 = scf.for %scan3A_1501 = %scan3A_1229 to %scan3A_1231 step %scan3A_1232 iter_args(%scan3A_1502 = %broadcast_in_dim3A_1214, %scan3A_1503 = %broadcast_in_dim3A_1216, %scan3A_1504 = %broadcast_in_dim3A_1218, %scan3A_1505 = %broadcast_in_dim3A_1220, %scan3A_1506 = %broadcast_in_dim3A_1222, %scan3A_1507 = %broadcast_in_dim3A_1224, %scan3A_1508 = %broadcast_in_dim3A_1226, %scan3A_1509 = %broadcast_in_dim3A_1228) -> (vector<16xf32>, vector<16xf32>, vector<16xf32>, vector<16xf32>, vector<16xf32>, vector<16xf32>, vector<16xf32>, vector<16xf32>)  : i32 {
        %mul3A_1510 = arith.constant 2 : i32
        %mul3A_1511 = arith.muli %mul3A_1510, %scan3A_1501 : i32
        %add3A_1512 = arith.constant 184 : i32
        %add3A_1513 = arith.addi %add3A_1512, %mul3A_1511 : i32
        %get3A_1514 = arith.index_cast %add3A_1513 : i32 to index
        %get3A_1515 = arith.constant 0 : index
        %get3A_1516 = tpu.vector_load %arg9[%get3A_1514, %get3A_1515] {strides = array<i32>} : memref<368x128xf32, #tpu.memory_space<vmem>>, vector<1x16xf32>,
        %get3A_1517 = vector.shape_cast %get3A_1516 : vector<1x16xf32> to vector<16xf32>
        %add3A_1518 = arith.addf %scan3A_1502, %get3A_1517 : vector<16xf32>
        %get3A_1519 = arith.index_cast %add3A_1513 : i32 to index
        %get3A_1520 = arith.constant 16 : index
        %get3A_1521 = tpu.vector_load %arg9[%get3A_1519, %get3A_1520] {strides = array<i32>} : memref<368x128xf32, #tpu.memory_space<vmem>>, vector<1x16xf32>,
        %get3A_1522 = vector.shape_cast %get3A_1521 : vector<1x16xf32> to vector<16xf32>
        %add3A_1523 = arith.addf %scan3A_1503, %get3A_1522 : vector<16xf32>
        %get3A_1524 = arith.index_cast %add3A_1513 : i32 to index
        %get3A_1525 = arith.constant 32 : index
        %get3A_1526 = tpu.vector_load %arg9[%get3A_1524, %get3A_1525] {strides = array<i32>} : memref<368x128xf32, #tpu.memory_space<vmem>>, vector<1x16xf32>,
        %get3A_1527 = vector.shape_cast %get3A_1526 : vector<1x16xf32> to vector<16xf32>
        %add3A_1528 = arith.addf %scan3A_1504, %get3A_1527 : vector<16xf32>
        %get3A_1529 = arith.index_cast %add3A_1513 : i32 to index
        %get3A_1530 = arith.constant 48 : index
        %get3A_1531 = tpu.vector_load %arg9[%get3A_1529, %get3A_1530] {strides = array<i32>} : memref<368x128xf32, #tpu.memory_space<vmem>>, vector<1x16xf32>,
        %get3A_1532 = vector.shape_cast %get3A_1531 : vector<1x16xf32> to vector<16xf32>
        %add3A_1533 = arith.addf %scan3A_1505, %get3A_1532 : vector<16xf32>
        %get3A_1534 = arith.index_cast %add3A_1513 : i32 to index
        %get3A_1535 = arith.constant 64 : index
        %get3A_1536 = tpu.vector_load %arg9[%get3A_1534, %get3A_1535] {strides = array<i32>} : memref<368x128xf32, #tpu.memory_space<vmem>>, vector<1x16xf32>,
        %get3A_1537 = vector.shape_cast %get3A_1536 : vector<1x16xf32> to vector<16xf32>
        %add3A_1538 = arith.addf %scan3A_1506, %get3A_1537 : vector<16xf32>
        %get3A_1539 = arith.index_cast %add3A_1513 : i32 to index
        %get3A_1540 = arith.constant 80 : index
        %get3A_1541 = tpu.vector_load %arg9[%get3A_1539, %get3A_1540] {strides = array<i32>} : memref<368x128xf32, #tpu.memory_space<vmem>>, vector<1x16xf32>,
        %get3A_1542 = vector.shape_cast %get3A_1541 : vector<1x16xf32> to vector<16xf32>
        %add3A_1543 = arith.addf %scan3A_1507, %get3A_1542 : vector<16xf32>
        %get3A_1544 = arith.index_cast %add3A_1513 : i32 to index
        %get3A_1545 = arith.constant 96 : index
        %get3A_1546 = tpu.vector_load %arg9[%get3A_1544, %get3A_1545] {strides = array<i32>} : memref<368x128xf32, #tpu.memory_space<vmem>>, vector<1x16xf32>,
        %get3A_1547 = vector.shape_cast %get3A_1546 : vector<1x16xf32> to vector<16xf32>
        %add3A_1548 = arith.addf %scan3A_1508, %get3A_1547 : vector<16xf32>
        %get3A_1549 = arith.index_cast %add3A_1513 : i32 to index
        %get3A_1550 = arith.constant 112 : index
        %get3A_1551 = tpu.vector_load %arg9[%get3A_1549, %get3A_1550] {strides = array<i32>} : memref<368x128xf32, #tpu.memory_space<vmem>>, vector<1x16xf32>,
        %get3A_1552 = vector.shape_cast %get3A_1551 : vector<1x16xf32> to vector<16xf32>
        %add3A_1553 = arith.addf %scan3A_1509, %get3A_1552 : vector<16xf32>
        %add3A_1554 = arith.constant 1 : i32
        %add3A_1555 = arith.addi %add3A_1513, %add3A_1554 : i32
        %get3A_1556 = arith.index_cast %add3A_1555 : i32 to index
        %get3A_1557 = arith.constant 0 : index
        %get3A_1558 = tpu.vector_load %arg9[%get3A_1556, %get3A_1557] {strides = array<i32>} : memref<368x128xf32, #tpu.memory_space<vmem>>, vector<1x16xf32>,
        %get3A_1559 = vector.shape_cast %get3A_1558 : vector<1x16xf32> to vector<16xf32>
        %add3A_1560 = arith.addf %add3A_1518, %get3A_1559 : vector<16xf32>
        %add3A_1561 = arith.constant 1 : i32
        %add3A_1562 = arith.addi %add3A_1513, %add3A_1561 : i32
        %get3A_1563 = arith.index_cast %add3A_1562 : i32 to index
        %get3A_1564 = arith.constant 16 : index
        %get3A_1565 = tpu.vector_load %arg9[%get3A_1563, %get3A_1564] {strides = array<i32>} : memref<368x128xf32, #tpu.memory_space<vmem>>, vector<1x16xf32>,
        %get3A_1566 = vector.shape_cast %get3A_1565 : vector<1x16xf32> to vector<16xf32>
        %add3A_1567 = arith.addf %add3A_1523, %get3A_1566 : vector<16xf32>
        %add3A_1568 = arith.constant 1 : i32
        %add3A_1569 = arith.addi %add3A_1513, %add3A_1568 : i32
        %get3A_1570 = arith.index_cast %add3A_1569 : i32 to index
        %get3A_1571 = arith.constant 32 : index
        %get3A_1572 = tpu.vector_load %arg9[%get3A_1570, %get3A_1571] {strides = array<i32>} : memref<368x128xf32, #tpu.memory_space<vmem>>, vector<1x16xf32>,
        %get3A_1573 = vector.shape_cast %get3A_1572 : vector<1x16xf32> to vector<16xf32>
        %add3A_1574 = arith.addf %add3A_1528, %get3A_1573 : vector<16xf32>
        %add3A_1575 = arith.constant 1 : i32
        %add3A_1576 = arith.addi %add3A_1513, %add3A_1575 : i32
        %get3A_1577 = arith.index_cast %add3A_1576 : i32 to index
        %get3A_1578 = arith.constant 48 : index
        %get3A_1579 = tpu.vector_load %arg9[%get3A_1577, %get3A_1578] {strides = array<i32>} : memref<368x128xf32, #tpu.memory_space<vmem>>, vector<1x16xf32>,
        %get3A_1580 = vector.shape_cast %get3A_1579 : vector<1x16xf32> to vector<16xf32>
        %add3A_1581 = arith.addf %add3A_1533, %get3A_1580 : vector<16xf32>
        %add3A_1582 = arith.constant 1 : i32
        %add3A_1583 = arith.addi %add3A_1513, %add3A_1582 : i32
        %get3A_1584 = arith.index_cast %add3A_1583 : i32 to index
        %get3A_1585 = arith.constant 64 : index
        %get3A_1586 = tpu.vector_load %arg9[%get3A_1584, %get3A_1585] {strides = array<i32>} : memref<368x128xf32, #tpu.memory_space<vmem>>, vector<1x16xf32>,
        %get3A_1587 = vector.shape_cast %get3A_1586 : vector<1x16xf32> to vector<16xf32>
        %add3A_1588 = arith.addf %add3A_1538, %get3A_1587 : vector<16xf32>
        %add3A_1589 = arith.constant 1 : i32
        %add3A_1590 = arith.addi %add3A_1513, %add3A_1589 : i32
        %get3A_1591 = arith.index_cast %add3A_1590 : i32 to index
        %get3A_1592 = arith.constant 80 : index
        %get3A_1593 = tpu.vector_load %arg9[%get3A_1591, %get3A_1592] {strides = array<i32>} : memref<368x128xf32, #tpu.memory_space<vmem>>, vector<1x16xf32>,
        %get3A_1594 = vector.shape_cast %get3A_1593 : vector<1x16xf32> to vector<16xf32>
        %add3A_1595 = arith.addf %add3A_1543, %get3A_1594 : vector<16xf32>
        %add3A_1596 = arith.constant 1 : i32
        %add3A_1597 = arith.addi %add3A_1513, %add3A_1596 : i32
        %get3A_1598 = arith.index_cast %add3A_1597 : i32 to index
        %get3A_1599 = arith.constant 96 : index
        %get3A_1600 = tpu.vector_load %arg9[%get3A_1598, %get3A_1599] {strides = array<i32>} : memref<368x128xf32, #tpu.memory_space<vmem>>, vector<1x16xf32>,
        %get3A_1601 = vector.shape_cast %get3A_1600 : vector<1x16xf32> to vector<16xf32>
        %add3A_1602 = arith.addf %add3A_1548, %get3A_1601 : vector<16xf32>
        %add3A_1603 = arith.constant 1 : i32
        %add3A_1604 = arith.addi %add3A_1513, %add3A_1603 : i32
        %get3A_1605 = arith.index_cast %add3A_1604 : i32 to index
        %get3A_1606 = arith.constant 112 : index
        %get3A_1607 = tpu.vector_load %arg9[%get3A_1605, %get3A_1606] {strides = array<i32>} : memref<368x128xf32, #tpu.memory_space<vmem>>, vector<1x16xf32>,
        %get3A_1608 = vector.shape_cast %get3A_1607 : vector<1x16xf32> to vector<16xf32>
        %add3A_1609 = arith.addf %add3A_1553, %get3A_1608 : vector<16xf32>
        scf.yield %add3A_1560, %add3A_1567, %add3A_1574, %add3A_1581, %add3A_1588, %add3A_1595, %add3A_1602, %add3A_1609 : vector<16xf32>, vector<16xf32>, vector<16xf32>, vector<16xf32>, vector<16xf32>, vector<16xf32>, vector<16xf32>, vector<16xf32>
      }
      %scan3A_1234 = arith.constant 23 : i32
      %swap3A_1235 = arith.constant 4 : i32
      %swap3A_1236 = arith.index_cast %swap3A_1235 : i32 to index
      %swap3A_1237 = arith.constant 0 : index
      %swap3A_1238 = tpu.vector_load %arg11[%swap3A_1236, %swap3A_1237] {strides = array<i32>} : memref<8x128xf32, #tpu.memory_space<vmem>>, vector<1x16xf32>,
      %swap3A_1239 = vector.shape_cast %swap3A_1238 : vector<1x16xf32> to vector<16xf32>
      %swap3A_1240 = vector.shape_cast %scan3A_1233#0 : vector<16xf32> to vector<1x16xf32>
      tpu.vector_store %arg11[%swap3A_1236, %swap3A_1237], %swap3A_1240 {strides = array<i32>} : memref<8x128xf32, #tpu.memory_space<vmem>>, vector<1x16xf32>,
      %swap3A_1241 = arith.constant 4 : i32
      %swap3A_1242 = arith.index_cast %swap3A_1241 : i32 to index
      %swap3A_1243 = arith.constant 16 : index
      %swap3A_1244 = tpu.vector_load %arg11[%swap3A_1242, %swap3A_1243] {strides = array<i32>} : memref<8x128xf32, #tpu.memory_space<vmem>>, vector<1x16xf32>,
      %swap3A_1245 = vector.shape_cast %swap3A_1244 : vector<1x16xf32> to vector<16xf32>
      %swap3A_1246 = vector.shape_cast %scan3A_1233#1 : vector<16xf32> to vector<1x16xf32>
      tpu.vector_store %arg11[%swap3A_1242, %swap3A_1243], %swap3A_1246 {strides = array<i32>} : memref<8x128xf32, #tpu.memory_space<vmem>>, vector<1x16xf32>,
      %swap3A_1247 = arith.constant 4 : i32
      %swap3A_1248 = arith.index_cast %swap3A_1247 : i32 to index
      %swap3A_1249 = arith.constant 32 : index
      %swap3A_1250 = tpu.vector_load %arg11[%swap3A_1248, %swap3A_1249] {strides = array<i32>} : memref<8x128xf32, #tpu.memory_space<vmem>>, vector<1x16xf32>,
      %swap3A_1251 = vector.shape_cast %swap3A_1250 : vector<1x16xf32> to vector<16xf32>
      %swap3A_1252 = vector.shape_cast %scan3A_1233#2 : vector<16xf32> to vector<1x16xf32>
      tpu.vector_store %arg11[%swap3A_1248, %swap3A_1249], %swap3A_1252 {strides = array<i32>} : memref<8x128xf32, #tpu.memory_space<vmem>>, vector<1x16xf32>,
      %swap3A_1253 = arith.constant 4 : i32
      %swap3A_1254 = arith.index_cast %swap3A_1253 : i32 to index
      %swap3A_1255 = arith.constant 48 : index
      %swap3A_1256 = tpu.vector_load %arg11[%swap3A_1254, %swap3A_1255] {strides = array<i32>} : memref<8x128xf32, #tpu.memory_space<vmem>>, vector<1x16xf32>,
      %swap3A_1257 = vector.shape_cast %swap3A_1256 : vector<1x16xf32> to vector<16xf32>
      %swap3A_1258 = vector.shape_cast %scan3A_1233#3 : vector<16xf32> to vector<1x16xf32>
      tpu.vector_store %arg11[%swap3A_1254, %swap3A_1255], %swap3A_1258 {strides = array<i32>} : memref<8x128xf32, #tpu.memory_space<vmem>>, vector<1x16xf32>,
      %swap3A_1259 = arith.constant 4 : i32
      %swap3A_1260 = arith.index_cast %swap3A_1259 : i32 to index
      %swap3A_1261 = arith.constant 64 : index
      %swap3A_1262 = tpu.vector_load %arg11[%swap3A_1260, %swap3A_1261] {strides = array<i32>} : memref<8x128xf32, #tpu.memory_space<vmem>>, vector<1x16xf32>,
      %swap3A_1263 = vector.shape_cast %swap3A_1262 : vector<1x16xf32> to vector<16xf32>
      %swap3A_1264 = vector.shape_cast %scan3A_1233#4 : vector<16xf32> to vector<1x16xf32>
      tpu.vector_store %arg11[%swap3A_1260, %swap3A_1261], %swap3A_1264 {strides = array<i32>} : memref<8x128xf32, #tpu.memory_space<vmem>>, vector<1x16xf32>,
      %swap3A_1265 = arith.constant 4 : i32
      %swap3A_1266 = arith.index_cast %swap3A_1265 : i32 to index
      %swap3A_1267 = arith.constant 80 : index
      %swap3A_1268 = tpu.vector_load %arg11[%swap3A_1266, %swap3A_1267] {strides = array<i32>} : memref<8x128xf32, #tpu.memory_space<vmem>>, vector<1x16xf32>,
      %swap3A_1269 = vector.shape_cast %swap3A_1268 : vector<1x16xf32> to vector<16xf32>
      %swap3A_1270 = vector.shape_cast %scan3A_1233#5 : vector<16xf32> to vector<1x16xf32>
      tpu.vector_store %arg11[%swap3A_1266, %swap3A_1267], %swap3A_1270 {strides = array<i32>} : memref<8x128xf32, #tpu.memory_space<vmem>>, vector<1x16xf32>,
      %swap3A_1271 = arith.constant 4 : i32
      %swap3A_1272 = arith.index_cast %swap3A_1271 : i32 to index
      %swap3A_1273 = arith.constant 96 : index
      %swap3A_1274 = tpu.vector_load %arg11[%swap3A_1272, %swap3A_1273] {strides = array<i32>} : memref<8x128xf32, #tpu.memory_space<vmem>>, vector<1x16xf32>,
      %swap3A_1275 = vector.shape_cast %swap3A_1274 : vector<1x16xf32> to vector<16xf32>
      %swap3A_1276 = vector.shape_cast %scan3A_1233#6 : vector<16xf32> to vector<1x16xf32>
      tpu.vector_store %arg11[%swap3A_1272, %swap3A_1273], %swap3A_1276 {strides = array<i32>} : memref<8x128xf32, #tpu.memory_space<vmem>>, vector<1x16xf32>,
      %swap3A_1277 = arith.constant 4 : i32
      %swap3A_1278 = arith.index_cast %swap3A_1277 : i32 to index
      %swap3A_1279 = arith.constant 112 : index
      %swap3A_1280 = tpu.vector_load %arg11[%swap3A_1278, %swap3A_1279] {strides = array<i32>} : memref<8x128xf32, #tpu.memory_space<vmem>>, vector<1x16xf32>,
      %swap3A_1281 = vector.shape_cast %swap3A_1280 : vector<1x16xf32> to vector<16xf32>
      %swap3A_1282 = vector.shape_cast %scan3A_1233#7 : vector<16xf32> to vector<1x16xf32>
      tpu.vector_store %arg11[%swap3A_1278, %swap3A_1279], %swap3A_1282 {strides = array<i32>} : memref<8x128xf32, #tpu.memory_space<vmem>>, vector<1x16xf32>,
      %broadcast_in_dim3A_1283 = arith.constant 0.000000e+00 : f32
      %broadcast_in_dim3A_1284 = vector.broadcast %broadcast_in_dim3A_1283 : f32 to vector<16xf32>
      %broadcast_in_dim3A_1285 = arith.constant 0.000000e+00 : f32
      %broadcast_in_dim3A_1286 = vector.broadcast %broadcast_in_dim3A_1285 : f32 to vector<16xf32>
      %broadcast_in_dim3A_1287 = arith.constant 0.000000e+00 : f32
      %broadcast_in_dim3A_1288 = vector.broadcast %broadcast_in_dim3A_1287 : f32 to vector<16xf32>
      %broadcast_in_dim3A_1289 = arith.constant 0.000000e+00 : f32
      %broadcast_in_dim3A_1290 = vector.broadcast %broadcast_in_dim3A_1289 : f32 to vector<16xf32>
      %broadcast_in_dim3A_1291 = arith.constant 0.000000e+00 : f32
      %broadcast_in_dim3A_1292 = vector.broadcast %broadcast_in_dim3A_1291 : f32 to vector<16xf32>
      %broadcast_in_dim3A_1293 = arith.constant 0.000000e+00 : f32
      %broadcast_in_dim3A_1294 = vector.broadcast %broadcast_in_dim3A_1293 : f32 to vector<16xf32>
      %broadcast_in_dim3A_1295 = arith.constant 0.000000e+00 : f32
      %broadcast_in_dim3A_1296 = vector.broadcast %broadcast_in_dim3A_1295 : f32 to vector<16xf32>
      %broadcast_in_dim3A_1297 = arith.constant 0.000000e+00 : f32
      %broadcast_in_dim3A_1298 = vector.broadcast %broadcast_in_dim3A_1297 : f32 to vector<16xf32>
      %scan3A_1299 = arith.constant 0 : i32
      %scan3A_1300 = arith.constant 23 : i32
      %scan3A_1301 = arith.addi %scan3A_1299, %scan3A_1300 : i32
      %scan3A_1302 = arith.constant 1 : i32
      %scan3A_1303:8 = scf.for %scan3A_1501 = %scan3A_1299 to %scan3A_1301 step %scan3A_1302 iter_args(%scan3A_1502 = %broadcast_in_dim3A_1284, %scan3A_1503 = %broadcast_in_dim3A_1286, %scan3A_1504 = %broadcast_in_dim3A_1288, %scan3A_1505 = %broadcast_in_dim3A_1290, %scan3A_1506 = %broadcast_in_dim3A_1292, %scan3A_1507 = %broadcast_in_dim3A_1294, %scan3A_1508 = %broadcast_in_dim3A_1296, %scan3A_1509 = %broadcast_in_dim3A_1298) -> (vector<16xf32>, vector<16xf32>, vector<16xf32>, vector<16xf32>, vector<16xf32>, vector<16xf32>, vector<16xf32>, vector<16xf32>)  : i32 {
        %mul3A_1510 = arith.constant 2 : i32
        %mul3A_1511 = arith.muli %mul3A_1510, %scan3A_1501 : i32
        %add3A_1512 = arith.constant 230 : i32
        %add3A_1513 = arith.addi %add3A_1512, %mul3A_1511 : i32
        %get3A_1514 = arith.index_cast %add3A_1513 : i32 to index
        %get3A_1515 = arith.constant 0 : index
        %get3A_1516 = tpu.vector_load %arg9[%get3A_1514, %get3A_1515] {strides = array<i32>} : memref<368x128xf32, #tpu.memory_space<vmem>>, vector<1x16xf32>,
        %get3A_1517 = vector.shape_cast %get3A_1516 : vector<1x16xf32> to vector<16xf32>
        %add3A_1518 = arith.addf %scan3A_1502, %get3A_1517 : vector<16xf32>
        %get3A_1519 = arith.index_cast %add3A_1513 : i32 to index
        %get3A_1520 = arith.constant 16 : index
        %get3A_1521 = tpu.vector_load %arg9[%get3A_1519, %get3A_1520] {strides = array<i32>} : memref<368x128xf32, #tpu.memory_space<vmem>>, vector<1x16xf32>,
        %get3A_1522 = vector.shape_cast %get3A_1521 : vector<1x16xf32> to vector<16xf32>
        %add3A_1523 = arith.addf %scan3A_1503, %get3A_1522 : vector<16xf32>
        %get3A_1524 = arith.index_cast %add3A_1513 : i32 to index
        %get3A_1525 = arith.constant 32 : index
        %get3A_1526 = tpu.vector_load %arg9[%get3A_1524, %get3A_1525] {strides = array<i32>} : memref<368x128xf32, #tpu.memory_space<vmem>>, vector<1x16xf32>,
        %get3A_1527 = vector.shape_cast %get3A_1526 : vector<1x16xf32> to vector<16xf32>
        %add3A_1528 = arith.addf %scan3A_1504, %get3A_1527 : vector<16xf32>
        %get3A_1529 = arith.index_cast %add3A_1513 : i32 to index
        %get3A_1530 = arith.constant 48 : index
        %get3A_1531 = tpu.vector_load %arg9[%get3A_1529, %get3A_1530] {strides = array<i32>} : memref<368x128xf32, #tpu.memory_space<vmem>>, vector<1x16xf32>,
        %get3A_1532 = vector.shape_cast %get3A_1531 : vector<1x16xf32> to vector<16xf32>
        %add3A_1533 = arith.addf %scan3A_1505, %get3A_1532 : vector<16xf32>
        %get3A_1534 = arith.index_cast %add3A_1513 : i32 to index
        %get3A_1535 = arith.constant 64 : index
        %get3A_1536 = tpu.vector_load %arg9[%get3A_1534, %get3A_1535] {strides = array<i32>} : memref<368x128xf32, #tpu.memory_space<vmem>>, vector<1x16xf32>,
        %get3A_1537 = vector.shape_cast %get3A_1536 : vector<1x16xf32> to vector<16xf32>
        %add3A_1538 = arith.addf %scan3A_1506, %get3A_1537 : vector<16xf32>
        %get3A_1539 = arith.index_cast %add3A_1513 : i32 to index
        %get3A_1540 = arith.constant 80 : index
        %get3A_1541 = tpu.vector_load %arg9[%get3A_1539, %get3A_1540] {strides = array<i32>} : memref<368x128xf32, #tpu.memory_space<vmem>>, vector<1x16xf32>,
        %get3A_1542 = vector.shape_cast %get3A_1541 : vector<1x16xf32> to vector<16xf32>
        %add3A_1543 = arith.addf %scan3A_1507, %get3A_1542 : vector<16xf32>
        %get3A_1544 = arith.index_cast %add3A_1513 : i32 to index
        %get3A_1545 = arith.constant 96 : index
        %get3A_1546 = tpu.vector_load %arg9[%get3A_1544, %get3A_1545] {strides = array<i32>} : memref<368x128xf32, #tpu.memory_space<vmem>>, vector<1x16xf32>,
        %get3A_1547 = vector.shape_cast %get3A_1546 : vector<1x16xf32> to vector<16xf32>
        %add3A_1548 = arith.addf %scan3A_1508, %get3A_1547 : vector<16xf32>
        %get3A_1549 = arith.index_cast %add3A_1513 : i32 to index
        %get3A_1550 = arith.constant 112 : index
        %get3A_1551 = tpu.vector_load %arg9[%get3A_1549, %get3A_1550] {strides = array<i32>} : memref<368x128xf32, #tpu.memory_space<vmem>>, vector<1x16xf32>,
        %get3A_1552 = vector.shape_cast %get3A_1551 : vector<1x16xf32> to vector<16xf32>
        %add3A_1553 = arith.addf %scan3A_1509, %get3A_1552 : vector<16xf32>
        %add3A_1554 = arith.constant 1 : i32
        %add3A_1555 = arith.addi %add3A_1513, %add3A_1554 : i32
        %get3A_1556 = arith.index_cast %add3A_1555 : i32 to index
        %get3A_1557 = arith.constant 0 : index
        %get3A_1558 = tpu.vector_load %arg9[%get3A_1556, %get3A_1557] {strides = array<i32>} : memref<368x128xf32, #tpu.memory_space<vmem>>, vector<1x16xf32>,
        %get3A_1559 = vector.shape_cast %get3A_1558 : vector<1x16xf32> to vector<16xf32>
        %add3A_1560 = arith.addf %add3A_1518, %get3A_1559 : vector<16xf32>
        %add3A_1561 = arith.constant 1 : i32
        %add3A_1562 = arith.addi %add3A_1513, %add3A_1561 : i32
        %get3A_1563 = arith.index_cast %add3A_1562 : i32 to index
        %get3A_1564 = arith.constant 16 : index
        %get3A_1565 = tpu.vector_load %arg9[%get3A_1563, %get3A_1564] {strides = array<i32>} : memref<368x128xf32, #tpu.memory_space<vmem>>, vector<1x16xf32>,
        %get3A_1566 = vector.shape_cast %get3A_1565 : vector<1x16xf32> to vector<16xf32>
        %add3A_1567 = arith.addf %add3A_1523, %get3A_1566 : vector<16xf32>
        %add3A_1568 = arith.constant 1 : i32
        %add3A_1569 = arith.addi %add3A_1513, %add3A_1568 : i32
        %get3A_1570 = arith.index_cast %add3A_1569 : i32 to index
        %get3A_1571 = arith.constant 32 : index
        %get3A_1572 = tpu.vector_load %arg9[%get3A_1570, %get3A_1571] {strides = array<i32>} : memref<368x128xf32, #tpu.memory_space<vmem>>, vector<1x16xf32>,
        %get3A_1573 = vector.shape_cast %get3A_1572 : vector<1x16xf32> to vector<16xf32>
        %add3A_1574 = arith.addf %add3A_1528, %get3A_1573 : vector<16xf32>
        %add3A_1575 = arith.constant 1 : i32
        %add3A_1576 = arith.addi %add3A_1513, %add3A_1575 : i32
        %get3A_1577 = arith.index_cast %add3A_1576 : i32 to index
        %get3A_1578 = arith.constant 48 : index
        %get3A_1579 = tpu.vector_load %arg9[%get3A_1577, %get3A_1578] {strides = array<i32>} : memref<368x128xf32, #tpu.memory_space<vmem>>, vector<1x16xf32>,
        %get3A_1580 = vector.shape_cast %get3A_1579 : vector<1x16xf32> to vector<16xf32>
        %add3A_1581 = arith.addf %add3A_1533, %get3A_1580 : vector<16xf32>
        %add3A_1582 = arith.constant 1 : i32
        %add3A_1583 = arith.addi %add3A_1513, %add3A_1582 : i32
        %get3A_1584 = arith.index_cast %add3A_1583 : i32 to index
        %get3A_1585 = arith.constant 64 : index
        %get3A_1586 = tpu.vector_load %arg9[%get3A_1584, %get3A_1585] {strides = array<i32>} : memref<368x128xf32, #tpu.memory_space<vmem>>, vector<1x16xf32>,
        %get3A_1587 = vector.shape_cast %get3A_1586 : vector<1x16xf32> to vector<16xf32>
        %add3A_1588 = arith.addf %add3A_1538, %get3A_1587 : vector<16xf32>
        %add3A_1589 = arith.constant 1 : i32
        %add3A_1590 = arith.addi %add3A_1513, %add3A_1589 : i32
        %get3A_1591 = arith.index_cast %add3A_1590 : i32 to index
        %get3A_1592 = arith.constant 80 : index
        %get3A_1593 = tpu.vector_load %arg9[%get3A_1591, %get3A_1592] {strides = array<i32>} : memref<368x128xf32, #tpu.memory_space<vmem>>, vector<1x16xf32>,
        %get3A_1594 = vector.shape_cast %get3A_1593 : vector<1x16xf32> to vector<16xf32>
        %add3A_1595 = arith.addf %add3A_1543, %get3A_1594 : vector<16xf32>
        %add3A_1596 = arith.constant 1 : i32
        %add3A_1597 = arith.addi %add3A_1513, %add3A_1596 : i32
        %get3A_1598 = arith.index_cast %add3A_1597 : i32 to index
        %get3A_1599 = arith.constant 96 : index
        %get3A_1600 = tpu.vector_load %arg9[%get3A_1598, %get3A_1599] {strides = array<i32>} : memref<368x128xf32, #tpu.memory_space<vmem>>, vector<1x16xf32>,
        %get3A_1601 = vector.shape_cast %get3A_1600 : vector<1x16xf32> to vector<16xf32>
        %add3A_1602 = arith.addf %add3A_1548, %get3A_1601 : vector<16xf32>
        %add3A_1603 = arith.constant 1 : i32
        %add3A_1604 = arith.addi %add3A_1513, %add3A_1603 : i32
        %get3A_1605 = arith.index_cast %add3A_1604 : i32 to index
        %get3A_1606 = arith.constant 112 : index
        %get3A_1607 = tpu.vector_load %arg9[%get3A_1605, %get3A_1606] {strides = array<i32>} : memref<368x128xf32, #tpu.memory_space<vmem>>, vector<1x16xf32>,
        %get3A_1608 = vector.shape_cast %get3A_1607 : vector<1x16xf32> to vector<16xf32>
        %add3A_1609 = arith.addf %add3A_1553, %get3A_1608 : vector<16xf32>
        scf.yield %add3A_1560, %add3A_1567, %add3A_1574, %add3A_1581, %add3A_1588, %add3A_1595, %add3A_1602, %add3A_1609 : vector<16xf32>, vector<16xf32>, vector<16xf32>, vector<16xf32>, vector<16xf32>, vector<16xf32>, vector<16xf32>, vector<16xf32>
      }
      %scan3A_1304 = arith.constant 23 : i32
      %swap3A_1305 = arith.constant 5 : i32
      %swap3A_1306 = arith.index_cast %swap3A_1305 : i32 to index
      %swap3A_1307 = arith.constant 0 : index
      %swap3A_1308 = tpu.vector_load %arg11[%swap3A_1306, %swap3A_1307] {strides = array<i32>} : memref<8x128xf32, #tpu.memory_space<vmem>>, vector<1x16xf32>,
      %swap3A_1309 = vector.shape_cast %swap3A_1308 : vector<1x16xf32> to vector<16xf32>
      %swap3A_1310 = vector.shape_cast %scan3A_1303#0 : vector<16xf32> to vector<1x16xf32>
      tpu.vector_store %arg11[%swap3A_1306, %swap3A_1307], %swap3A_1310 {strides = array<i32>} : memref<8x128xf32, #tpu.memory_space<vmem>>, vector<1x16xf32>,
      %swap3A_1311 = arith.constant 5 : i32
      %swap3A_1312 = arith.index_cast %swap3A_1311 : i32 to index
      %swap3A_1313 = arith.constant 16 : index
      %swap3A_1314 = tpu.vector_load %arg11[%swap3A_1312, %swap3A_1313] {strides = array<i32>} : memref<8x128xf32, #tpu.memory_space<vmem>>, vector<1x16xf32>,
      %swap3A_1315 = vector.shape_cast %swap3A_1314 : vector<1x16xf32> to vector<16xf32>
      %swap3A_1316 = vector.shape_cast %scan3A_1303#1 : vector<16xf32> to vector<1x16xf32>
      tpu.vector_store %arg11[%swap3A_1312, %swap3A_1313], %swap3A_1316 {strides = array<i32>} : memref<8x128xf32, #tpu.memory_space<vmem>>, vector<1x16xf32>,
      %swap3A_1317 = arith.constant 5 : i32
      %swap3A_1318 = arith.index_cast %swap3A_1317 : i32 to index
      %swap3A_1319 = arith.constant 32 : index
      %swap3A_1320 = tpu.vector_load %arg11[%swap3A_1318, %swap3A_1319] {strides = array<i32>} : memref<8x128xf32, #tpu.memory_space<vmem>>, vector<1x16xf32>,
      %swap3A_1321 = vector.shape_cast %swap3A_1320 : vector<1x16xf32> to vector<16xf32>
      %swap3A_1322 = vector.shape_cast %scan3A_1303#2 : vector<16xf32> to vector<1x16xf32>
      tpu.vector_store %arg11[%swap3A_1318, %swap3A_1319], %swap3A_1322 {strides = array<i32>} : memref<8x128xf32, #tpu.memory_space<vmem>>, vector<1x16xf32>,
      %swap3A_1323 = arith.constant 5 : i32
      %swap3A_1324 = arith.index_cast %swap3A_1323 : i32 to index
      %swap3A_1325 = arith.constant 48 : index
      %swap3A_1326 = tpu.vector_load %arg11[%swap3A_1324, %swap3A_1325] {strides = array<i32>} : memref<8x128xf32, #tpu.memory_space<vmem>>, vector<1x16xf32>,
      %swap3A_1327 = vector.shape_cast %swap3A_1326 : vector<1x16xf32> to vector<16xf32>
      %swap3A_1328 = vector.shape_cast %scan3A_1303#3 : vector<16xf32> to vector<1x16xf32>
      tpu.vector_store %arg11[%swap3A_1324, %swap3A_1325], %swap3A_1328 {strides = array<i32>} : memref<8x128xf32, #tpu.memory_space<vmem>>, vector<1x16xf32>,
      %swap3A_1329 = arith.constant 5 : i32
      %swap3A_1330 = arith.index_cast %swap3A_1329 : i32 to index
      %swap3A_1331 = arith.constant 64 : index
      %swap3A_1332 = tpu.vector_load %arg11[%swap3A_1330, %swap3A_1331] {strides = array<i32>} : memref<8x128xf32, #tpu.memory_space<vmem>>, vector<1x16xf32>,
      %swap3A_1333 = vector.shape_cast %swap3A_1332 : vector<1x16xf32> to vector<16xf32>
      %swap3A_1334 = vector.shape_cast %scan3A_1303#4 : vector<16xf32> to vector<1x16xf32>
      tpu.vector_store %arg11[%swap3A_1330, %swap3A_1331], %swap3A_1334 {strides = array<i32>} : memref<8x128xf32, #tpu.memory_space<vmem>>, vector<1x16xf32>,
      %swap3A_1335 = arith.constant 5 : i32
      %swap3A_1336 = arith.index_cast %swap3A_1335 : i32 to index
      %swap3A_1337 = arith.constant 80 : index
      %swap3A_1338 = tpu.vector_load %arg11[%swap3A_1336, %swap3A_1337] {strides = array<i32>} : memref<8x128xf32, #tpu.memory_space<vmem>>, vector<1x16xf32>,
      %swap3A_1339 = vector.shape_cast %swap3A_1338 : vector<1x16xf32> to vector<16xf32>
      %swap3A_1340 = vector.shape_cast %scan3A_1303#5 : vector<16xf32> to vector<1x16xf32>
      tpu.vector_store %arg11[%swap3A_1336, %swap3A_1337], %swap3A_1340 {strides = array<i32>} : memref<8x128xf32, #tpu.memory_space<vmem>>, vector<1x16xf32>,
      %swap3A_1341 = arith.constant 5 : i32
      %swap3A_1342 = arith.index_cast %swap3A_1341 : i32 to index
      %swap3A_1343 = arith.constant 96 : index
      %swap3A_1344 = tpu.vector_load %arg11[%swap3A_1342, %swap3A_1343] {strides = array<i32>} : memref<8x128xf32, #tpu.memory_space<vmem>>, vector<1x16xf32>,
      %swap3A_1345 = vector.shape_cast %swap3A_1344 : vector<1x16xf32> to vector<16xf32>
      %swap3A_1346 = vector.shape_cast %scan3A_1303#6 : vector<16xf32> to vector<1x16xf32>
      tpu.vector_store %arg11[%swap3A_1342, %swap3A_1343], %swap3A_1346 {strides = array<i32>} : memref<8x128xf32, #tpu.memory_space<vmem>>, vector<1x16xf32>,
      %swap3A_1347 = arith.constant 5 : i32
      %swap3A_1348 = arith.index_cast %swap3A_1347 : i32 to index
      %swap3A_1349 = arith.constant 112 : index
      %swap3A_1350 = tpu.vector_load %arg11[%swap3A_1348, %swap3A_1349] {strides = array<i32>} : memref<8x128xf32, #tpu.memory_space<vmem>>, vector<1x16xf32>,
      %swap3A_1351 = vector.shape_cast %swap3A_1350 : vector<1x16xf32> to vector<16xf32>
      %swap3A_1352 = vector.shape_cast %scan3A_1303#7 : vector<16xf32> to vector<1x16xf32>
      tpu.vector_store %arg11[%swap3A_1348, %swap3A_1349], %swap3A_1352 {strides = array<i32>} : memref<8x128xf32, #tpu.memory_space<vmem>>, vector<1x16xf32>,
      %broadcast_in_dim3A_1353 = arith.constant 0.000000e+00 : f32
      %broadcast_in_dim3A_1354 = vector.broadcast %broadcast_in_dim3A_1353 : f32 to vector<16xf32>
      %broadcast_in_dim3A_1355 = arith.constant 0.000000e+00 : f32
      %broadcast_in_dim3A_1356 = vector.broadcast %broadcast_in_dim3A_1355 : f32 to vector<16xf32>
      %broadcast_in_dim3A_1357 = arith.constant 0.000000e+00 : f32
      %broadcast_in_dim3A_1358 = vector.broadcast %broadcast_in_dim3A_1357 : f32 to vector<16xf32>
      %broadcast_in_dim3A_1359 = arith.constant 0.000000e+00 : f32
      %broadcast_in_dim3A_1360 = vector.broadcast %broadcast_in_dim3A_1359 : f32 to vector<16xf32>
      %broadcast_in_dim3A_1361 = arith.constant 0.000000e+00 : f32
      %broadcast_in_dim3A_1362 = vector.broadcast %broadcast_in_dim3A_1361 : f32 to vector<16xf32>
      %broadcast_in_dim3A_1363 = arith.constant 0.000000e+00 : f32
      %broadcast_in_dim3A_1364 = vector.broadcast %broadcast_in_dim3A_1363 : f32 to vector<16xf32>
      %broadcast_in_dim3A_1365 = arith.constant 0.000000e+00 : f32
      %broadcast_in_dim3A_1366 = vector.broadcast %broadcast_in_dim3A_1365 : f32 to vector<16xf32>
      %broadcast_in_dim3A_1367 = arith.constant 0.000000e+00 : f32
      %broadcast_in_dim3A_1368 = vector.broadcast %broadcast_in_dim3A_1367 : f32 to vector<16xf32>
      %scan3A_1369 = arith.constant 0 : i32
      %scan3A_1370 = arith.constant 23 : i32
      %scan3A_1371 = arith.addi %scan3A_1369, %scan3A_1370 : i32
      %scan3A_1372 = arith.constant 1 : i32
      %scan3A_1373:8 = scf.for %scan3A_1501 = %scan3A_1369 to %scan3A_1371 step %scan3A_1372 iter_args(%scan3A_1502 = %broadcast_in_dim3A_1354, %scan3A_1503 = %broadcast_in_dim3A_1356, %scan3A_1504 = %broadcast_in_dim3A_1358, %scan3A_1505 = %broadcast_in_dim3A_1360, %scan3A_1506 = %broadcast_in_dim3A_1362, %scan3A_1507 = %broadcast_in_dim3A_1364, %scan3A_1508 = %broadcast_in_dim3A_1366, %scan3A_1509 = %broadcast_in_dim3A_1368) -> (vector<16xf32>, vector<16xf32>, vector<16xf32>, vector<16xf32>, vector<16xf32>, vector<16xf32>, vector<16xf32>, vector<16xf32>)  : i32 {
        %mul3A_1510 = arith.constant 2 : i32
        %mul3A_1511 = arith.muli %mul3A_1510, %scan3A_1501 : i32
        %add3A_1512 = arith.constant 276 : i32
        %add3A_1513 = arith.addi %add3A_1512, %mul3A_1511 : i32
        %get3A_1514 = arith.index_cast %add3A_1513 : i32 to index
        %get3A_1515 = arith.constant 0 : index
        %get3A_1516 = tpu.vector_load %arg9[%get3A_1514, %get3A_1515] {strides = array<i32>} : memref<368x128xf32, #tpu.memory_space<vmem>>, vector<1x16xf32>,
        %get3A_1517 = vector.shape_cast %get3A_1516 : vector<1x16xf32> to vector<16xf32>
        %add3A_1518 = arith.addf %scan3A_1502, %get3A_1517 : vector<16xf32>
        %get3A_1519 = arith.index_cast %add3A_1513 : i32 to index
        %get3A_1520 = arith.constant 16 : index
        %get3A_1521 = tpu.vector_load %arg9[%get3A_1519, %get3A_1520] {strides = array<i32>} : memref<368x128xf32, #tpu.memory_space<vmem>>, vector<1x16xf32>,
        %get3A_1522 = vector.shape_cast %get3A_1521 : vector<1x16xf32> to vector<16xf32>
        %add3A_1523 = arith.addf %scan3A_1503, %get3A_1522 : vector<16xf32>
        %get3A_1524 = arith.index_cast %add3A_1513 : i32 to index
        %get3A_1525 = arith.constant 32 : index
        %get3A_1526 = tpu.vector_load %arg9[%get3A_1524, %get3A_1525] {strides = array<i32>} : memref<368x128xf32, #tpu.memory_space<vmem>>, vector<1x16xf32>,
        %get3A_1527 = vector.shape_cast %get3A_1526 : vector<1x16xf32> to vector<16xf32>
        %add3A_1528 = arith.addf %scan3A_1504, %get3A_1527 : vector<16xf32>
        %get3A_1529 = arith.index_cast %add3A_1513 : i32 to index
        %get3A_1530 = arith.constant 48 : index
        %get3A_1531 = tpu.vector_load %arg9[%get3A_1529, %get3A_1530] {strides = array<i32>} : memref<368x128xf32, #tpu.memory_space<vmem>>, vector<1x16xf32>,
        %get3A_1532 = vector.shape_cast %get3A_1531 : vector<1x16xf32> to vector<16xf32>
        %add3A_1533 = arith.addf %scan3A_1505, %get3A_1532 : vector<16xf32>
        %get3A_1534 = arith.index_cast %add3A_1513 : i32 to index
        %get3A_1535 = arith.constant 64 : index
        %get3A_1536 = tpu.vector_load %arg9[%get3A_1534, %get3A_1535] {strides = array<i32>} : memref<368x128xf32, #tpu.memory_space<vmem>>, vector<1x16xf32>,
        %get3A_1537 = vector.shape_cast %get3A_1536 : vector<1x16xf32> to vector<16xf32>
        %add3A_1538 = arith.addf %scan3A_1506, %get3A_1537 : vector<16xf32>
        %get3A_1539 = arith.index_cast %add3A_1513 : i32 to index
        %get3A_1540 = arith.constant 80 : index
        %get3A_1541 = tpu.vector_load %arg9[%get3A_1539, %get3A_1540] {strides = array<i32>} : memref<368x128xf32, #tpu.memory_space<vmem>>, vector<1x16xf32>,
        %get3A_1542 = vector.shape_cast %get3A_1541 : vector<1x16xf32> to vector<16xf32>
        %add3A_1543 = arith.addf %scan3A_1507, %get3A_1542 : vector<16xf32>
        %get3A_1544 = arith.index_cast %add3A_1513 : i32 to index
        %get3A_1545 = arith.constant 96 : index
        %get3A_1546 = tpu.vector_load %arg9[%get3A_1544, %get3A_1545] {strides = array<i32>} : memref<368x128xf32, #tpu.memory_space<vmem>>, vector<1x16xf32>,
        %get3A_1547 = vector.shape_cast %get3A_1546 : vector<1x16xf32> to vector<16xf32>
        %add3A_1548 = arith.addf %scan3A_1508, %get3A_1547 : vector<16xf32>
        %get3A_1549 = arith.index_cast %add3A_1513 : i32 to index
        %get3A_1550 = arith.constant 112 : index
        %get3A_1551 = tpu.vector_load %arg9[%get3A_1549, %get3A_1550] {strides = array<i32>} : memref<368x128xf32, #tpu.memory_space<vmem>>, vector<1x16xf32>,
        %get3A_1552 = vector.shape_cast %get3A_1551 : vector<1x16xf32> to vector<16xf32>
        %add3A_1553 = arith.addf %scan3A_1509, %get3A_1552 : vector<16xf32>
        %add3A_1554 = arith.constant 1 : i32
        %add3A_1555 = arith.addi %add3A_1513, %add3A_1554 : i32
        %get3A_1556 = arith.index_cast %add3A_1555 : i32 to index
        %get3A_1557 = arith.constant 0 : index
        %get3A_1558 = tpu.vector_load %arg9[%get3A_1556, %get3A_1557] {strides = array<i32>} : memref<368x128xf32, #tpu.memory_space<vmem>>, vector<1x16xf32>,
        %get3A_1559 = vector.shape_cast %get3A_1558 : vector<1x16xf32> to vector<16xf32>
        %add3A_1560 = arith.addf %add3A_1518, %get3A_1559 : vector<16xf32>
        %add3A_1561 = arith.constant 1 : i32
        %add3A_1562 = arith.addi %add3A_1513, %add3A_1561 : i32
        %get3A_1563 = arith.index_cast %add3A_1562 : i32 to index
        %get3A_1564 = arith.constant 16 : index
        %get3A_1565 = tpu.vector_load %arg9[%get3A_1563, %get3A_1564] {strides = array<i32>} : memref<368x128xf32, #tpu.memory_space<vmem>>, vector<1x16xf32>,
        %get3A_1566 = vector.shape_cast %get3A_1565 : vector<1x16xf32> to vector<16xf32>
        %add3A_1567 = arith.addf %add3A_1523, %get3A_1566 : vector<16xf32>
        %add3A_1568 = arith.constant 1 : i32
        %add3A_1569 = arith.addi %add3A_1513, %add3A_1568 : i32
        %get3A_1570 = arith.index_cast %add3A_1569 : i32 to index
        %get3A_1571 = arith.constant 32 : index
        %get3A_1572 = tpu.vector_load %arg9[%get3A_1570, %get3A_1571] {strides = array<i32>} : memref<368x128xf32, #tpu.memory_space<vmem>>, vector<1x16xf32>,
        %get3A_1573 = vector.shape_cast %get3A_1572 : vector<1x16xf32> to vector<16xf32>
        %add3A_1574 = arith.addf %add3A_1528, %get3A_1573 : vector<16xf32>
        %add3A_1575 = arith.constant 1 : i32
        %add3A_1576 = arith.addi %add3A_1513, %add3A_1575 : i32
        %get3A_1577 = arith.index_cast %add3A_1576 : i32 to index
        %get3A_1578 = arith.constant 48 : index
        %get3A_1579 = tpu.vector_load %arg9[%get3A_1577, %get3A_1578] {strides = array<i32>} : memref<368x128xf32, #tpu.memory_space<vmem>>, vector<1x16xf32>,
        %get3A_1580 = vector.shape_cast %get3A_1579 : vector<1x16xf32> to vector<16xf32>
        %add3A_1581 = arith.addf %add3A_1533, %get3A_1580 : vector<16xf32>
        %add3A_1582 = arith.constant 1 : i32
        %add3A_1583 = arith.addi %add3A_1513, %add3A_1582 : i32
        %get3A_1584 = arith.index_cast %add3A_1583 : i32 to index
        %get3A_1585 = arith.constant 64 : index
        %get3A_1586 = tpu.vector_load %arg9[%get3A_1584, %get3A_1585] {strides = array<i32>} : memref<368x128xf32, #tpu.memory_space<vmem>>, vector<1x16xf32>,
        %get3A_1587 = vector.shape_cast %get3A_1586 : vector<1x16xf32> to vector<16xf32>
        %add3A_1588 = arith.addf %add3A_1538, %get3A_1587 : vector<16xf32>
        %add3A_1589 = arith.constant 1 : i32
        %add3A_1590 = arith.addi %add3A_1513, %add3A_1589 : i32
        %get3A_1591 = arith.index_cast %add3A_1590 : i32 to index
        %get3A_1592 = arith.constant 80 : index
        %get3A_1593 = tpu.vector_load %arg9[%get3A_1591, %get3A_1592] {strides = array<i32>} : memref<368x128xf32, #tpu.memory_space<vmem>>, vector<1x16xf32>,
        %get3A_1594 = vector.shape_cast %get3A_1593 : vector<1x16xf32> to vector<16xf32>
        %add3A_1595 = arith.addf %add3A_1543, %get3A_1594 : vector<16xf32>
        %add3A_1596 = arith.constant 1 : i32
        %add3A_1597 = arith.addi %add3A_1513, %add3A_1596 : i32
        %get3A_1598 = arith.index_cast %add3A_1597 : i32 to index
        %get3A_1599 = arith.constant 96 : index
        %get3A_1600 = tpu.vector_load %arg9[%get3A_1598, %get3A_1599] {strides = array<i32>} : memref<368x128xf32, #tpu.memory_space<vmem>>, vector<1x16xf32>,
        %get3A_1601 = vector.shape_cast %get3A_1600 : vector<1x16xf32> to vector<16xf32>
        %add3A_1602 = arith.addf %add3A_1548, %get3A_1601 : vector<16xf32>
        %add3A_1603 = arith.constant 1 : i32
        %add3A_1604 = arith.addi %add3A_1513, %add3A_1603 : i32
        %get3A_1605 = arith.index_cast %add3A_1604 : i32 to index
        %get3A_1606 = arith.constant 112 : index
        %get3A_1607 = tpu.vector_load %arg9[%get3A_1605, %get3A_1606] {strides = array<i32>} : memref<368x128xf32, #tpu.memory_space<vmem>>, vector<1x16xf32>,
        %get3A_1608 = vector.shape_cast %get3A_1607 : vector<1x16xf32> to vector<16xf32>
        %add3A_1609 = arith.addf %add3A_1553, %get3A_1608 : vector<16xf32>
        scf.yield %add3A_1560, %add3A_1567, %add3A_1574, %add3A_1581, %add3A_1588, %add3A_1595, %add3A_1602, %add3A_1609 : vector<16xf32>, vector<16xf32>, vector<16xf32>, vector<16xf32>, vector<16xf32>, vector<16xf32>, vector<16xf32>, vector<16xf32>
      }
      %scan3A_1374 = arith.constant 23 : i32
      %swap3A_1375 = arith.constant 6 : i32
      %swap3A_1376 = arith.index_cast %swap3A_1375 : i32 to index
      %swap3A_1377 = arith.constant 0 : index
      %swap3A_1378 = tpu.vector_load %arg11[%swap3A_1376, %swap3A_1377] {strides = array<i32>} : memref<8x128xf32, #tpu.memory_space<vmem>>, vector<1x16xf32>,
      %swap3A_1379 = vector.shape_cast %swap3A_1378 : vector<1x16xf32> to vector<16xf32>
      %swap3A_1380 = vector.shape_cast %scan3A_1373#0 : vector<16xf32> to vector<1x16xf32>
      tpu.vector_store %arg11[%swap3A_1376, %swap3A_1377], %swap3A_1380 {strides = array<i32>} : memref<8x128xf32, #tpu.memory_space<vmem>>, vector<1x16xf32>,
      %swap3A_1381 = arith.constant 6 : i32
      %swap3A_1382 = arith.index_cast %swap3A_1381 : i32 to index
      %swap3A_1383 = arith.constant 16 : index
      %swap3A_1384 = tpu.vector_load %arg11[%swap3A_1382, %swap3A_1383] {strides = array<i32>} : memref<8x128xf32, #tpu.memory_space<vmem>>, vector<1x16xf32>,
      %swap3A_1385 = vector.shape_cast %swap3A_1384 : vector<1x16xf32> to vector<16xf32>
      %swap3A_1386 = vector.shape_cast %scan3A_1373#1 : vector<16xf32> to vector<1x16xf32>
      tpu.vector_store %arg11[%swap3A_1382, %swap3A_1383], %swap3A_1386 {strides = array<i32>} : memref<8x128xf32, #tpu.memory_space<vmem>>, vector<1x16xf32>,
      %swap3A_1387 = arith.constant 6 : i32
      %swap3A_1388 = arith.index_cast %swap3A_1387 : i32 to index
      %swap3A_1389 = arith.constant 32 : index
      %swap3A_1390 = tpu.vector_load %arg11[%swap3A_1388, %swap3A_1389] {strides = array<i32>} : memref<8x128xf32, #tpu.memory_space<vmem>>, vector<1x16xf32>,
      %swap3A_1391 = vector.shape_cast %swap3A_1390 : vector<1x16xf32> to vector<16xf32>
      %swap3A_1392 = vector.shape_cast %scan3A_1373#2 : vector<16xf32> to vector<1x16xf32>
      tpu.vector_store %arg11[%swap3A_1388, %swap3A_1389], %swap3A_1392 {strides = array<i32>} : memref<8x128xf32, #tpu.memory_space<vmem>>, vector<1x16xf32>,
      %swap3A_1393 = arith.constant 6 : i32
      %swap3A_1394 = arith.index_cast %swap3A_1393 : i32 to index
      %swap3A_1395 = arith.constant 48 : index
      %swap3A_1396 = tpu.vector_load %arg11[%swap3A_1394, %swap3A_1395] {strides = array<i32>} : memref<8x128xf32, #tpu.memory_space<vmem>>, vector<1x16xf32>,
      %swap3A_1397 = vector.shape_cast %swap3A_1396 : vector<1x16xf32> to vector<16xf32>
      %swap3A_1398 = vector.shape_cast %scan3A_1373#3 : vector<16xf32> to vector<1x16xf32>
      tpu.vector_store %arg11[%swap3A_1394, %swap3A_1395], %swap3A_1398 {strides = array<i32>} : memref<8x128xf32, #tpu.memory_space<vmem>>, vector<1x16xf32>,
      %swap3A_1399 = arith.constant 6 : i32
      %swap3A_1400 = arith.index_cast %swap3A_1399 : i32 to index
      %swap3A_1401 = arith.constant 64 : index
      %swap3A_1402 = tpu.vector_load %arg11[%swap3A_1400, %swap3A_1401] {strides = array<i32>} : memref<8x128xf32, #tpu.memory_space<vmem>>, vector<1x16xf32>,
      %swap3A_1403 = vector.shape_cast %swap3A_1402 : vector<1x16xf32> to vector<16xf32>
      %swap3A_1404 = vector.shape_cast %scan3A_1373#4 : vector<16xf32> to vector<1x16xf32>
      tpu.vector_store %arg11[%swap3A_1400, %swap3A_1401], %swap3A_1404 {strides = array<i32>} : memref<8x128xf32, #tpu.memory_space<vmem>>, vector<1x16xf32>,
      %swap3A_1405 = arith.constant 6 : i32
      %swap3A_1406 = arith.index_cast %swap3A_1405 : i32 to index
      %swap3A_1407 = arith.constant 80 : index
      %swap3A_1408 = tpu.vector_load %arg11[%swap3A_1406, %swap3A_1407] {strides = array<i32>} : memref<8x128xf32, #tpu.memory_space<vmem>>, vector<1x16xf32>,
      %swap3A_1409 = vector.shape_cast %swap3A_1408 : vector<1x16xf32> to vector<16xf32>
      %swap3A_1410 = vector.shape_cast %scan3A_1373#5 : vector<16xf32> to vector<1x16xf32>
      tpu.vector_store %arg11[%swap3A_1406, %swap3A_1407], %swap3A_1410 {strides = array<i32>} : memref<8x128xf32, #tpu.memory_space<vmem>>, vector<1x16xf32>,
      %swap3A_1411 = arith.constant 6 : i32
      %swap3A_1412 = arith.index_cast %swap3A_1411 : i32 to index
      %swap3A_1413 = arith.constant 96 : index
      %swap3A_1414 = tpu.vector_load %arg11[%swap3A_1412, %swap3A_1413] {strides = array<i32>} : memref<8x128xf32, #tpu.memory_space<vmem>>, vector<1x16xf32>,
      %swap3A_1415 = vector.shape_cast %swap3A_1414 : vector<1x16xf32> to vector<16xf32>
      %swap3A_1416 = vector.shape_cast %scan3A_1373#6 : vector<16xf32> to vector<1x16xf32>
      tpu.vector_store %arg11[%swap3A_1412, %swap3A_1413], %swap3A_1416 {strides = array<i32>} : memref<8x128xf32, #tpu.memory_space<vmem>>, vector<1x16xf32>,
      %swap3A_1417 = arith.constant 6 : i32
      %swap3A_1418 = arith.index_cast %swap3A_1417 : i32 to index
      %swap3A_1419 = arith.constant 112 : index
      %swap3A_1420 = tpu.vector_load %arg11[%swap3A_1418, %swap3A_1419] {strides = array<i32>} : memref<8x128xf32, #tpu.memory_space<vmem>>, vector<1x16xf32>,
      %swap3A_1421 = vector.shape_cast %swap3A_1420 : vector<1x16xf32> to vector<16xf32>
      %swap3A_1422 = vector.shape_cast %scan3A_1373#7 : vector<16xf32> to vector<1x16xf32>
      tpu.vector_store %arg11[%swap3A_1418, %swap3A_1419], %swap3A_1422 {strides = array<i32>} : memref<8x128xf32, #tpu.memory_space<vmem>>, vector<1x16xf32>,
      %broadcast_in_dim3A_1423 = arith.constant 0.000000e+00 : f32
      %broadcast_in_dim3A_1424 = vector.broadcast %broadcast_in_dim3A_1423 : f32 to vector<16xf32>
      %broadcast_in_dim3A_1425 = arith.constant 0.000000e+00 : f32
      %broadcast_in_dim3A_1426 = vector.broadcast %broadcast_in_dim3A_1425 : f32 to vector<16xf32>
      %broadcast_in_dim3A_1427 = arith.constant 0.000000e+00 : f32
      %broadcast_in_dim3A_1428 = vector.broadcast %broadcast_in_dim3A_1427 : f32 to vector<16xf32>
      %broadcast_in_dim3A_1429 = arith.constant 0.000000e+00 : f32
      %broadcast_in_dim3A_1430 = vector.broadcast %broadcast_in_dim3A_1429 : f32 to vector<16xf32>
      %broadcast_in_dim3A_1431 = arith.constant 0.000000e+00 : f32
      %broadcast_in_dim3A_1432 = vector.broadcast %broadcast_in_dim3A_1431 : f32 to vector<16xf32>
      %broadcast_in_dim3A_1433 = arith.constant 0.000000e+00 : f32
      %broadcast_in_dim3A_1434 = vector.broadcast %broadcast_in_dim3A_1433 : f32 to vector<16xf32>
      %broadcast_in_dim3A_1435 = arith.constant 0.000000e+00 : f32
      %broadcast_in_dim3A_1436 = vector.broadcast %broadcast_in_dim3A_1435 : f32 to vector<16xf32>
      %broadcast_in_dim3A_1437 = arith.constant 0.000000e+00 : f32
      %broadcast_in_dim3A_1438 = vector.broadcast %broadcast_in_dim3A_1437 : f32 to vector<16xf32>
      %scan3A_1439 = arith.constant 0 : i32
      %scan3A_1440 = arith.constant 23 : i32
      %scan3A_1441 = arith.addi %scan3A_1439, %scan3A_1440 : i32
      %scan3A_1442 = arith.constant 1 : i32
      %scan3A_1443:8 = scf.for %scan3A_1501 = %scan3A_1439 to %scan3A_1441 step %scan3A_1442 iter_args(%scan3A_1502 = %broadcast_in_dim3A_1424, %scan3A_1503 = %broadcast_in_dim3A_1426, %scan3A_1504 = %broadcast_in_dim3A_1428, %scan3A_1505 = %broadcast_in_dim3A_1430, %scan3A_1506 = %broadcast_in_dim3A_1432, %scan3A_1507 = %broadcast_in_dim3A_1434, %scan3A_1508 = %broadcast_in_dim3A_1436, %scan3A_1509 = %broadcast_in_dim3A_1438) -> (vector<16xf32>, vector<16xf32>, vector<16xf32>, vector<16xf32>, vector<16xf32>, vector<16xf32>, vector<16xf32>, vector<16xf32>)  : i32 {
        %mul3A_1510 = arith.constant 2 : i32
        %mul3A_1511 = arith.muli %mul3A_1510, %scan3A_1501 : i32
        %add3A_1512 = arith.constant 322 : i32
        %add3A_1513 = arith.addi %add3A_1512, %mul3A_1511 : i32
        %get3A_1514 = arith.index_cast %add3A_1513 : i32 to index
        %get3A_1515 = arith.constant 0 : index
        %get3A_1516 = tpu.vector_load %arg9[%get3A_1514, %get3A_1515] {strides = array<i32>} : memref<368x128xf32, #tpu.memory_space<vmem>>, vector<1x16xf32>,
        %get3A_1517 = vector.shape_cast %get3A_1516 : vector<1x16xf32> to vector<16xf32>
        %add3A_1518 = arith.addf %scan3A_1502, %get3A_1517 : vector<16xf32>
        %get3A_1519 = arith.index_cast %add3A_1513 : i32 to index
        %get3A_1520 = arith.constant 16 : index
        %get3A_1521 = tpu.vector_load %arg9[%get3A_1519, %get3A_1520] {strides = array<i32>} : memref<368x128xf32, #tpu.memory_space<vmem>>, vector<1x16xf32>,
        %get3A_1522 = vector.shape_cast %get3A_1521 : vector<1x16xf32> to vector<16xf32>
        %add3A_1523 = arith.addf %scan3A_1503, %get3A_1522 : vector<16xf32>
        %get3A_1524 = arith.index_cast %add3A_1513 : i32 to index
        %get3A_1525 = arith.constant 32 : index
        %get3A_1526 = tpu.vector_load %arg9[%get3A_1524, %get3A_1525] {strides = array<i32>} : memref<368x128xf32, #tpu.memory_space<vmem>>, vector<1x16xf32>,
        %get3A_1527 = vector.shape_cast %get3A_1526 : vector<1x16xf32> to vector<16xf32>
        %add3A_1528 = arith.addf %scan3A_1504, %get3A_1527 : vector<16xf32>
        %get3A_1529 = arith.index_cast %add3A_1513 : i32 to index
        %get3A_1530 = arith.constant 48 : index
        %get3A_1531 = tpu.vector_load %arg9[%get3A_1529, %get3A_1530] {strides = array<i32>} : memref<368x128xf32, #tpu.memory_space<vmem>>, vector<1x16xf32>,
        %get3A_1532 = vector.shape_cast %get3A_1531 : vector<1x16xf32> to vector<16xf32>
        %add3A_1533 = arith.addf %scan3A_1505, %get3A_1532 : vector<16xf32>
        %get3A_1534 = arith.index_cast %add3A_1513 : i32 to index
        %get3A_1535 = arith.constant 64 : index
        %get3A_1536 = tpu.vector_load %arg9[%get3A_1534, %get3A_1535] {strides = array<i32>} : memref<368x128xf32, #tpu.memory_space<vmem>>, vector<1x16xf32>,
        %get3A_1537 = vector.shape_cast %get3A_1536 : vector<1x16xf32> to vector<16xf32>
        %add3A_1538 = arith.addf %scan3A_1506, %get3A_1537 : vector<16xf32>
        %get3A_1539 = arith.index_cast %add3A_1513 : i32 to index
        %get3A_1540 = arith.constant 80 : index
        %get3A_1541 = tpu.vector_load %arg9[%get3A_1539, %get3A_1540] {strides = array<i32>} : memref<368x128xf32, #tpu.memory_space<vmem>>, vector<1x16xf32>,
        %get3A_1542 = vector.shape_cast %get3A_1541 : vector<1x16xf32> to vector<16xf32>
        %add3A_1543 = arith.addf %scan3A_1507, %get3A_1542 : vector<16xf32>
        %get3A_1544 = arith.index_cast %add3A_1513 : i32 to index
        %get3A_1545 = arith.constant 96 : index
        %get3A_1546 = tpu.vector_load %arg9[%get3A_1544, %get3A_1545] {strides = array<i32>} : memref<368x128xf32, #tpu.memory_space<vmem>>, vector<1x16xf32>,
        %get3A_1547 = vector.shape_cast %get3A_1546 : vector<1x16xf32> to vector<16xf32>
        %add3A_1548 = arith.addf %scan3A_1508, %get3A_1547 : vector<16xf32>
        %get3A_1549 = arith.index_cast %add3A_1513 : i32 to index
        %get3A_1550 = arith.constant 112 : index
        %get3A_1551 = tpu.vector_load %arg9[%get3A_1549, %get3A_1550] {strides = array<i32>} : memref<368x128xf32, #tpu.memory_space<vmem>>, vector<1x16xf32>,
        %get3A_1552 = vector.shape_cast %get3A_1551 : vector<1x16xf32> to vector<16xf32>
        %add3A_1553 = arith.addf %scan3A_1509, %get3A_1552 : vector<16xf32>
        %add3A_1554 = arith.constant 1 : i32
        %add3A_1555 = arith.addi %add3A_1513, %add3A_1554 : i32
        %get3A_1556 = arith.index_cast %add3A_1555 : i32 to index
        %get3A_1557 = arith.constant 0 : index
        %get3A_1558 = tpu.vector_load %arg9[%get3A_1556, %get3A_1557] {strides = array<i32>} : memref<368x128xf32, #tpu.memory_space<vmem>>, vector<1x16xf32>,
        %get3A_1559 = vector.shape_cast %get3A_1558 : vector<1x16xf32> to vector<16xf32>
        %add3A_1560 = arith.addf %add3A_1518, %get3A_1559 : vector<16xf32>
        %add3A_1561 = arith.constant 1 : i32
        %add3A_1562 = arith.addi %add3A_1513, %add3A_1561 : i32
        %get3A_1563 = arith.index_cast %add3A_1562 : i32 to index
        %get3A_1564 = arith.constant 16 : index
        %get3A_1565 = tpu.vector_load %arg9[%get3A_1563, %get3A_1564] {strides = array<i32>} : memref<368x128xf32, #tpu.memory_space<vmem>>, vector<1x16xf32>,
        %get3A_1566 = vector.shape_cast %get3A_1565 : vector<1x16xf32> to vector<16xf32>
        %add3A_1567 = arith.addf %add3A_1523, %get3A_1566 : vector<16xf32>
        %add3A_1568 = arith.constant 1 : i32
        %add3A_1569 = arith.addi %add3A_1513, %add3A_1568 : i32
        %get3A_1570 = arith.index_cast %add3A_1569 : i32 to index
        %get3A_1571 = arith.constant 32 : index
        %get3A_1572 = tpu.vector_load %arg9[%get3A_1570, %get3A_1571] {strides = array<i32>} : memref<368x128xf32, #tpu.memory_space<vmem>>, vector<1x16xf32>,
        %get3A_1573 = vector.shape_cast %get3A_1572 : vector<1x16xf32> to vector<16xf32>
        %add3A_1574 = arith.addf %add3A_1528, %get3A_1573 : vector<16xf32>
        %add3A_1575 = arith.constant 1 : i32
        %add3A_1576 = arith.addi %add3A_1513, %add3A_1575 : i32
        %get3A_1577 = arith.index_cast %add3A_1576 : i32 to index
        %get3A_1578 = arith.constant 48 : index
        %get3A_1579 = tpu.vector_load %arg9[%get3A_1577, %get3A_1578] {strides = array<i32>} : memref<368x128xf32, #tpu.memory_space<vmem>>, vector<1x16xf32>,
        %get3A_1580 = vector.shape_cast %get3A_1579 : vector<1x16xf32> to vector<16xf32>
        %add3A_1581 = arith.addf %add3A_1533, %get3A_1580 : vector<16xf32>
        %add3A_1582 = arith.constant 1 : i32
        %add3A_1583 = arith.addi %add3A_1513, %add3A_1582 : i32
        %get3A_1584 = arith.index_cast %add3A_1583 : i32 to index
        %get3A_1585 = arith.constant 64 : index
        %get3A_1586 = tpu.vector_load %arg9[%get3A_1584, %get3A_1585] {strides = array<i32>} : memref<368x128xf32, #tpu.memory_space<vmem>>, vector<1x16xf32>,
        %get3A_1587 = vector.shape_cast %get3A_1586 : vector<1x16xf32> to vector<16xf32>
        %add3A_1588 = arith.addf %add3A_1538, %get3A_1587 : vector<16xf32>
        %add3A_1589 = arith.constant 1 : i32
        %add3A_1590 = arith.addi %add3A_1513, %add3A_1589 : i32
        %get3A_1591 = arith.index_cast %add3A_1590 : i32 to index
        %get3A_1592 = arith.constant 80 : index
        %get3A_1593 = tpu.vector_load %arg9[%get3A_1591, %get3A_1592] {strides = array<i32>} : memref<368x128xf32, #tpu.memory_space<vmem>>, vector<1x16xf32>,
        %get3A_1594 = vector.shape_cast %get3A_1593 : vector<1x16xf32> to vector<16xf32>
        %add3A_1595 = arith.addf %add3A_1543, %get3A_1594 : vector<16xf32>
        %add3A_1596 = arith.constant 1 : i32
        %add3A_1597 = arith.addi %add3A_1513, %add3A_1596 : i32
        %get3A_1598 = arith.index_cast %add3A_1597 : i32 to index
        %get3A_1599 = arith.constant 96 : index
        %get3A_1600 = tpu.vector_load %arg9[%get3A_1598, %get3A_1599] {strides = array<i32>} : memref<368x128xf32, #tpu.memory_space<vmem>>, vector<1x16xf32>,
        %get3A_1601 = vector.shape_cast %get3A_1600 : vector<1x16xf32> to vector<16xf32>
        %add3A_1602 = arith.addf %add3A_1548, %get3A_1601 : vector<16xf32>
        %add3A_1603 = arith.constant 1 : i32
        %add3A_1604 = arith.addi %add3A_1513, %add3A_1603 : i32
        %get3A_1605 = arith.index_cast %add3A_1604 : i32 to index
        %get3A_1606 = arith.constant 112 : index
        %get3A_1607 = tpu.vector_load %arg9[%get3A_1605, %get3A_1606] {strides = array<i32>} : memref<368x128xf32, #tpu.memory_space<vmem>>, vector<1x16xf32>,
        %get3A_1608 = vector.shape_cast %get3A_1607 : vector<1x16xf32> to vector<16xf32>
        %add3A_1609 = arith.addf %add3A_1553, %get3A_1608 : vector<16xf32>
        scf.yield %add3A_1560, %add3A_1567, %add3A_1574, %add3A_1581, %add3A_1588, %add3A_1595, %add3A_1602, %add3A_1609 : vector<16xf32>, vector<16xf32>, vector<16xf32>, vector<16xf32>, vector<16xf32>, vector<16xf32>, vector<16xf32>, vector<16xf32>
      }
      %scan3A_1444 = arith.constant 23 : i32
      %swap3A_1445 = arith.constant 7 : i32
      %swap3A_1446 = arith.index_cast %swap3A_1445 : i32 to index
      %swap3A_1447 = arith.constant 0 : index
      %swap3A_1448 = tpu.vector_load %arg11[%swap3A_1446, %swap3A_1447] {strides = array<i32>} : memref<8x128xf32, #tpu.memory_space<vmem>>, vector<1x16xf32>,
      %swap3A_1449 = vector.shape_cast %swap3A_1448 : vector<1x16xf32> to vector<16xf32>
      %swap3A_1450 = vector.shape_cast %scan3A_1443#0 : vector<16xf32> to vector<1x16xf32>
      tpu.vector_store %arg11[%swap3A_1446, %swap3A_1447], %swap3A_1450 {strides = array<i32>} : memref<8x128xf32, #tpu.memory_space<vmem>>, vector<1x16xf32>,
      %swap3A_1451 = arith.constant 7 : i32
      %swap3A_1452 = arith.index_cast %swap3A_1451 : i32 to index
      %swap3A_1453 = arith.constant 16 : index
      %swap3A_1454 = tpu.vector_load %arg11[%swap3A_1452, %swap3A_1453] {strides = array<i32>} : memref<8x128xf32, #tpu.memory_space<vmem>>, vector<1x16xf32>,
      %swap3A_1455 = vector.shape_cast %swap3A_1454 : vector<1x16xf32> to vector<16xf32>
      %swap3A_1456 = vector.shape_cast %scan3A_1443#1 : vector<16xf32> to vector<1x16xf32>
      tpu.vector_store %arg11[%swap3A_1452, %swap3A_1453], %swap3A_1456 {strides = array<i32>} : memref<8x128xf32, #tpu.memory_space<vmem>>, vector<1x16xf32>,
      %swap3A_1457 = arith.constant 7 : i32
      %swap3A_1458 = arith.index_cast %swap3A_1457 : i32 to index
      %swap3A_1459 = arith.constant 32 : index
      %swap3A_1460 = tpu.vector_load %arg11[%swap3A_1458, %swap3A_1459] {strides = array<i32>} : memref<8x128xf32, #tpu.memory_space<vmem>>, vector<1x16xf32>,
      %swap3A_1461 = vector.shape_cast %swap3A_1460 : vector<1x16xf32> to vector<16xf32>
      %swap3A_1462 = vector.shape_cast %scan3A_1443#2 : vector<16xf32> to vector<1x16xf32>
      tpu.vector_store %arg11[%swap3A_1458, %swap3A_1459], %swap3A_1462 {strides = array<i32>} : memref<8x128xf32, #tpu.memory_space<vmem>>, vector<1x16xf32>,
      %swap3A_1463 = arith.constant 7 : i32
      %swap3A_1464 = arith.index_cast %swap3A_1463 : i32 to index
      %swap3A_1465 = arith.constant 48 : index
      %swap3A_1466 = tpu.vector_load %arg11[%swap3A_1464, %swap3A_1465] {strides = array<i32>} : memref<8x128xf32, #tpu.memory_space<vmem>>, vector<1x16xf32>,
      %swap3A_1467 = vector.shape_cast %swap3A_1466 : vector<1x16xf32> to vector<16xf32>
      %swap3A_1468 = vector.shape_cast %scan3A_1443#3 : vector<16xf32> to vector<1x16xf32>
      tpu.vector_store %arg11[%swap3A_1464, %swap3A_1465], %swap3A_1468 {strides = array<i32>} : memref<8x128xf32, #tpu.memory_space<vmem>>, vector<1x16xf32>,
      %swap3A_1469 = arith.constant 7 : i32
      %swap3A_1470 = arith.index_cast %swap3A_1469 : i32 to index
      %swap3A_1471 = arith.constant 64 : index
      %swap3A_1472 = tpu.vector_load %arg11[%swap3A_1470, %swap3A_1471] {strides = array<i32>} : memref<8x128xf32, #tpu.memory_space<vmem>>, vector<1x16xf32>,
      %swap3A_1473 = vector.shape_cast %swap3A_1472 : vector<1x16xf32> to vector<16xf32>
      %swap3A_1474 = vector.shape_cast %scan3A_1443#4 : vector<16xf32> to vector<1x16xf32>
      tpu.vector_store %arg11[%swap3A_1470, %swap3A_1471], %swap3A_1474 {strides = array<i32>} : memref<8x128xf32, #tpu.memory_space<vmem>>, vector<1x16xf32>,
      %swap3A_1475 = arith.constant 7 : i32
      %swap3A_1476 = arith.index_cast %swap3A_1475 : i32 to index
      %swap3A_1477 = arith.constant 80 : index
      %swap3A_1478 = tpu.vector_load %arg11[%swap3A_1476, %swap3A_1477] {strides = array<i32>} : memref<8x128xf32, #tpu.memory_space<vmem>>, vector<1x16xf32>,
      %swap3A_1479 = vector.shape_cast %swap3A_1478 : vector<1x16xf32> to vector<16xf32>
      %swap3A_1480 = vector.shape_cast %scan3A_1443#5 : vector<16xf32> to vector<1x16xf32>
      tpu.vector_store %arg11[%swap3A_1476, %swap3A_1477], %swap3A_1480 {strides = array<i32>} : memref<8x128xf32, #tpu.memory_space<vmem>>, vector<1x16xf32>,
      %swap3A_1481 = arith.constant 7 : i32
      %swap3A_1482 = arith.index_cast %swap3A_1481 : i32 to index
      %swap3A_1483 = arith.constant 96 : index
      %swap3A_1484 = tpu.vector_load %arg11[%swap3A_1482, %swap3A_1483] {strides = array<i32>} : memref<8x128xf32, #tpu.memory_space<vmem>>, vector<1x16xf32>,
      %swap3A_1485 = vector.shape_cast %swap3A_1484 : vector<1x16xf32> to vector<16xf32>
      %swap3A_1486 = vector.shape_cast %scan3A_1443#6 : vector<16xf32> to vector<1x16xf32>
      tpu.vector_store %arg11[%swap3A_1482, %swap3A_1483], %swap3A_1486 {strides = array<i32>} : memref<8x128xf32, #tpu.memory_space<vmem>>, vector<1x16xf32>,
      %swap3A_1487 = arith.constant 7 : i32
      %swap3A_1488 = arith.index_cast %swap3A_1487 : i32 to index
      %swap3A_1489 = arith.constant 112 : index
      %swap3A_1490 = tpu.vector_load %arg11[%swap3A_1488, %swap3A_1489] {strides = array<i32>} : memref<8x128xf32, #tpu.memory_space<vmem>>, vector<1x16xf32>,
      %swap3A_1491 = vector.shape_cast %swap3A_1490 : vector<1x16xf32> to vector<16xf32>
      %swap3A_1492 = vector.shape_cast %scan3A_1443#7 : vector<16xf32> to vector<1x16xf32>
      tpu.vector_store %arg11[%swap3A_1488, %swap3A_1489], %swap3A_1492 {strides = array<i32>} : memref<8x128xf32, #tpu.memory_space<vmem>>, vector<1x16xf32>,
      %mul3A_1493 = arith.constant 8 : i32
      %mul3A_1494 = arith.muli %add3A_170, %mul3A_1493 : i32
      %add3A_1495 = arith.addi %mul3A_2, %mul3A_1494 : i32
      %dma_start3A_1496 = arith.constant 0 : i32
      %dma_start3A_1497 = tpu.memref_slice %arg5[%add3A_1495, %dma_start3A_1496] : memref<16384x128xf32, #tpu.memory_space<hbm>> -> memref<8x128xf32, #tpu.memory_space<hbm>>
      %dma_start3A_1498 = arith.constant 0 : i32
      %dma_start3A_1499 = tpu.memref_slice %arg5[%add3A_1495, %dma_start3A_1498] : memref<16384x128xf32, #tpu.memory_space<hbm>> -> memref<8x128xf32, #tpu.memory_space<hbm>>
      tpu.enqueue_dma source(%arg11 : memref<8x128xf32, #tpu.memory_space<vmem>>) target(%dma_start3A_1499 : memref<8x128xf32, #tpu.memory_space<hbm>>) target_semaphore(%arg18 : memref<!tpu.dma_semaphore, #tpu.memory_space<semaphore_mem>>)
      %scan3A_1500 = arith.constant 0 : i32
      scf.yield %scan3A_1500 : i32
    }
    %scan3A_152 = arith.constant 32 : i32
    %add3A_153 = arith.constant 496 : i32
    %add3A_154 = arith.addi %mul3A_2, %add3A_153 : i32
    %dma_wait3A_155 = arith.constant 0 : i32
    %dma_wait3A_156 = tpu.memref_slice %arg5[%add3A_154, %dma_wait3A_155] : memref<16384x128xf32, #tpu.memory_space<hbm>> -> memref<8x128xf32, #tpu.memory_space<hbm>>
    %dma_wait3A_157 = arith.constant 0 : i32
    %dma_wait3A_158 = tpu.memref_slice %arg5[%add3A_154, %dma_wait3A_157] : memref<16384x128xf32, #tpu.memory_space<hbm>> -> memref<8x128xf32, #tpu.memory_space<hbm>>
    tpu.wait_dma2 semaphore(%arg17 : memref<!tpu.dma_semaphore, #tpu.memory_space<semaphore_mem>>) src(%arg10 : memref<8x128xf32, #tpu.memory_space<vmem>>) dst(%dma_wait3A_158 : memref<8x128xf32, #tpu.memory_space<hbm>>)
    %add3A_159 = arith.constant 504 : i32
    %add3A_160 = arith.addi %mul3A_2, %add3A_159 : i32
    %dma_wait3A_161 = arith.constant 0 : i32
    %dma_wait3A_162 = tpu.memref_slice %arg5[%add3A_160, %dma_wait3A_161] : memref<16384x128xf32, #tpu.memory_space<hbm>> -> memref<8x128xf32, #tpu.memory_space<hbm>>
    %dma_wait3A_163 = arith.constant 0 : i32
    %dma_wait3A_164 = tpu.memref_slice %arg5[%add3A_160, %dma_wait3A_163] : memref<16384x128xf32, #tpu.memory_space<hbm>> -> memref<8x128xf32, #tpu.memory_space<hbm>>
    tpu.wait_dma2 semaphore(%arg18 : memref<!tpu.dma_semaphore, #tpu.memory_space<semaphore_mem>>) src(%arg11 : memref<8x128xf32, #tpu.memory_space<vmem>>) dst(%dma_wait3A_164 : memref<8x128xf32, #tpu.memory_space<hbm>>)
    return
  }
}

module attributes {stable_mosaic.version = 14 : i64} {
  func.func @_tc_head_body(%arg0: i32, %arg1: memref<1x1x4096xi32, #tpu.memory_space<vmem>>, %arg2: memref<4096x128xf32, #tpu.memory_space<vmem>>, %arg3: memref<8x128xf32, #tpu.memory_space<vmem>>, %arg4: memref<32x128xf32, #tpu.memory_space<vmem>>, %arg5: memref<1x32xf32, #tpu.memory_space<vmem>>, %arg6: memref<1x1x4096xf32, #tpu.memory_space<vmem>>) attributes {dimension_semantics = [#tpu.dimension_semantics<arbitrary>], iteration_bounds = array<i64: 4>, scalar_prefetch = 0 : i64, scratch_operands = 0 : i64, tpu.core_type = #tpu.core_type<tc>, window_params = [{transform_indices = @transform_0, window_bounds = array<i64: 1, 1, 4096>}, {transform_indices = @transform_1, window_bounds = array<i64: 4096, 128>}, {pipeline_mode = #tpu.pipeline_mode<synchronous>, transform_indices = @transform_2, window_bounds = array<i64: 8, 128>}, {pipeline_mode = #tpu.pipeline_mode<synchronous>, transform_indices = @transform_3, window_bounds = array<i64: 32, 128>}, {pipeline_mode = #tpu.pipeline_mode<synchronous>, transform_indices = @transform_4, window_bounds = array<i64: 1, 32>}, {transform_indices = @transform_5, window_bounds = array<i64: 1, 1, 4096>}]} {
    %get3A = arith.constant 0 : index
    %get3A_0 = arith.constant 0 : index
    %get3A_1 = vector.load %arg2[%get3A, %get3A_0] : memref<4096x128xf32, #tpu.memory_space<vmem>>, vector<4096x128xf32>
    %get3A_2 = arith.constant 0 : index
    %get3A_3 = arith.constant 0 : index
    %get3A_4 = arith.constant 0 : index
    %get3A_5 = vector.load %arg1[%get3A_2, %get3A_3, %get3A_4] : memref<1x1x4096xi32, #tpu.memory_space<vmem>>, vector<1x1x4096xi32>
    %get3A_6 = vector.shape_cast %get3A_5 : vector<1x1x4096xi32> to vector<4096xi32>
    %div3A = arith.constant 10 : i32
    %div3A_7 = vector.broadcast %div3A : i32 to vector<4096xi32>
    %div3A_8 = arith.divsi %get3A_6, %div3A_7 : vector<4096xi32>
    %broadcast_in_dim3A = vector.shape_cast %div3A_8 : vector<4096xi32> to vector<4096x1xi32>
    %iota3A = tpu.iota {dimensions = array<i32: 1>} : vector<4096x8xi32>
    %eq3A = vector.broadcast %broadcast_in_dim3A : vector<4096x1xi32> to vector<4096x8xi32>
    %eq3A_9 = arith.cmpi eq, %eq3A, %iota3A : vector<4096x8xi32>
    %convert_element_type3A = arith.extui %eq3A_9 : vector<4096x8xi1> to vector<4096x8xi32>
    %convert_element_type3A_10 = arith.sitofp %convert_element_type3A : vector<4096x8xi32> to vector<4096x8xf32>
    %get3A_11 = arith.constant 0 : index
    %get3A_12 = arith.constant 0 : index
    %get3A_13 = vector.load %arg3[%get3A_11, %get3A_12] : memref<8x128xf32, #tpu.memory_space<vmem>>, vector<8x128xf32>
    %dot_general3A = arith.constant dense<0.000000e+00> : vector<4096x128xf32>
    %dot_general3A_14 = tpu.matmul %convert_element_type3A_10, %get3A_13, %dot_general3A {dimension_numbers = #tpu.dot_dimension_numbers<[1], [0], [0], [1], [0, 0, 1, 1], [], []>, transpose_lhs_hint = false} : vector<4096x8xf32>, vector<8x128xf32>, vector<4096x128xf32> -> vector<4096x128xf32>
    %add3A = arith.addf %get3A_1, %dot_general3A_14 : vector<4096x128xf32>
    %jit3A = arith.constant 0.000000e+00 : f32
    %jit3A_15 = arith.constant 1.000000e+00 : f32
    %max3A = vector.broadcast %jit3A : f32 to vector<4096x128xf32>
    %max3A_16 = arith.maximumf %max3A, %add3A : vector<4096x128xf32>
    %min3A = vector.broadcast %jit3A_15 : f32 to vector<4096x128xf32>
    %min3A_17 = arith.minimumf %min3A, %max3A_16 : vector<4096x128xf32>
    %get3A_18 = arith.constant 0 : index
    %get3A_19 = arith.constant 0 : index
    %get3A_20 = vector.load %arg4[%get3A_18, %get3A_19] : memref<32x128xf32, #tpu.memory_space<vmem>>, vector<32x128xf32>
    %dot_general3A_21 = arith.constant dense<0.000000e+00> : vector<4096x32xf32>
    %dot_general3A_22 = tpu.matmul %min3A_17, %get3A_20, %dot_general3A_21 {dimension_numbers = #tpu.dot_dimension_numbers<[1], [1], [0], [0], [0, 0, 1, 0], [], []>, transpose_lhs_hint = false} : vector<4096x128xf32>, vector<32x128xf32>, vector<4096x32xf32> -> vector<4096x32xf32>
    %broadcast_in_dim3A_23 = vector.shape_cast %get3A_6 : vector<4096xi32> to vector<4096x1xi32>
    %iota3A_24 = tpu.iota {dimensions = array<i32: 1>} : vector<4096x32xi32>
    %eq3A_25 = vector.broadcast %broadcast_in_dim3A_23 : vector<4096x1xi32> to vector<4096x32xi32>
    %eq3A_26 = arith.cmpi eq, %eq3A_25, %iota3A_24 : vector<4096x32xi32>
    %convert_element_type3A_27 = arith.extui %eq3A_26 : vector<4096x32xi1> to vector<4096x32xi32>
    %convert_element_type3A_28 = arith.sitofp %convert_element_type3A_27 : vector<4096x32xi32> to vector<4096x32xf32>
    %get3A_29 = arith.constant 0 : index
    %get3A_30 = arith.constant 0 : index
    %get3A_31 = vector.load %arg5[%get3A_29, %get3A_30] : memref<1x32xf32, #tpu.memory_space<vmem>>, vector<1x32xf32>
    %add3A_32 = vector.broadcast %get3A_31 : vector<1x32xf32> to vector<4096x32xf32>
    %add3A_33 = arith.addf %dot_general3A_22, %add3A_32 : vector<4096x32xf32>
    %mul3A = arith.mulf %add3A_33, %convert_element_type3A_28 : vector<4096x32xf32>
    %reduce_sum3A = arith.constant dense<0.000000e+00> : vector<4096xf32>
    %reduce_sum3A_34 = vector.multi_reduction <add>, %mul3A, %reduce_sum3A [1] : vector<4096x32xf32> to vector<4096xf32>
    %swap3A = arith.constant 0 : index
    %swap3A_35 = arith.constant 0 : index
    %swap3A_36 = arith.constant 0 : index
    %swap3A_37 = vector.load %arg6[%swap3A, %swap3A_35, %swap3A_36] : memref<1x1x4096xf32, #tpu.memory_space<vmem>>, vector<1x1x4096xf32>
    %swap3A_38 = vector.shape_cast %swap3A_37 : vector<1x1x4096xf32> to vector<4096xf32>
    %swap3A_39 = vector.shape_cast %reduce_sum3A_34 : vector<4096xf32> to vector<1x1x4096xf32>
    tpu.vector_store %arg6[%swap3A, %swap3A_35, %swap3A_36], %swap3A_39 {strides = array<i32>} : memref<1x1x4096xf32, #tpu.memory_space<vmem>>, vector<1x1x4096xf32>,
    return
  }
  func.func @transform_0(%arg0: i32) -> (i32, i32, i32) {
    %c0_i32 = arith.constant 0 : i32
    %c0_i32_0 = arith.constant 0 : i32
    %c0_i32_1 = arith.constant 0 : i32
    return %arg0, %c0_i32, %c0_i32_0 : i32, i32, i32
  }
  func.func @transform_1(%arg0: i32) -> (i32, i32) {
    %c0_i32 = arith.constant 0 : i32
    %c0_i32_0 = arith.constant 0 : i32
    return %arg0, %c0_i32 : i32, i32
  }
  func.func @transform_2(%arg0: i32) -> (i32, i32) {
    %c0_i32 = arith.constant 0 : i32
    %c0_i32_0 = arith.constant 0 : i32
    %c0_i32_1 = arith.constant 0 : i32
    return %c0_i32, %c0_i32_0 : i32, i32
  }
  func.func @transform_3(%arg0: i32) -> (i32, i32) {
    %c0_i32 = arith.constant 0 : i32
    %c0_i32_0 = arith.constant 0 : i32
    %c0_i32_1 = arith.constant 0 : i32
    return %c0_i32, %c0_i32_0 : i32, i32
  }
  func.func @transform_4(%arg0: i32) -> (i32, i32) {
    %c0_i32 = arith.constant 0 : i32
    %c0_i32_0 = arith.constant 0 : i32
    %c0_i32_1 = arith.constant 0 : i32
    return %c0_i32, %c0_i32_0 : i32, i32
  }
  func.func @transform_5(%arg0: i32) -> (i32, i32, i32) {
    %c0_i32 = arith.constant 0 : i32
    %c0_i32_0 = arith.constant 0 : i32
    %c0_i32_1 = arith.constant 0 : i32
    return %arg0, %c0_i32, %c0_i32_0 : i32, i32, i32
  }
}

</mosaic_0001>

<sc_bundles>
// kernel: kernel.4.cloned.1.call-start
scs
__scs_entry_jumppad:
0x0: {  	(pc) =	sbr.rel $0x88, $3  }
0x1: {  	(tag) =	ssettag $0x0;
	lr =	simm.s32 $0x1  }
0x2: {  	[smem:$0x3F9A] =	sst lr;
	_ =	strace $0xD0000000  }
0x3: {  	_ = 	snop  }
0x4: {  	_ = 	snop  }
0x5: {  	_ = 	snop  }
0x6: {  	_ = 	snop  }
0x7: {  	_ = 	snop  }
__scs_overlays_trampoline_lowered:
0x8: {  	[smem:$0x3FA9] =	sst s0  }
0x9: {  	[smem:$0x3FAA] =	sst s1  }
0xa: {  	[smem:$0x3FAB] =	sst s2  }
0xb: {  	[smem:$0x3FAC] =	sst s3  }
0xc: {  	[smem:$0x3FAD] =	sst s4  }
0xd: {  	[smem:$0x3FAE] =	sst s5  }
0xe: {  	[smem:$0x3FAF] =	sst s6  }
0xf: {  	[smem:$0x3FB0] =	sst s7  }
0x10: {  	[smem:$0x3FB1] =	sst s8  }
0x11: {  	[smem:$0x3FB2] =	sst s9;
	s0 =	simm.s32 @!p0 $0x0  }
0x12: {  	s1 =	sld [smem:$0x3F98];
	s0 =	simm.s32 @p0 $0x1  }
0x13: {  	[smem:$0x3FB3] =	sst s0;
	s0 =	simm.s32 @!p1 $0x0  }
0x14: {  	s2 =	sld [smem:$0x3F97];
	s0 =	simm.s32 @p1 $0x1  }
0x15: {  	[smem:$0x3FB4] =	sst s0;
	s0 =	simm.s32 @!p2 $0x0  }
0x16: {  	s3 =	sld [smem:$0x3FDB];
	s0 =	simm.s32 @p2 $0x1  }
0x17: {  	s4 =	simm.s32 $0x1BF5;
	[smem:$0x3FB6] =	sst s0  }
0x18: {  	s0 =	sld [smem:$0x3F99];
	_ =	swait.ge [sflag:s4], $0x0  }
0x19: {  	s7 =	sld [smem:$0x3F9A]  }
0x1a: {  	s8 =	sadd.s32 $0xFFFFE003, lr  }
0x1b: {  	s9 =	sadd.s32 $0xFFFFFEF7, lr;
	s5 =	simm.s32 $0xFFFFFFFF;
	p2 =	slt.u32 s8, $0xFFFFF086  }
0x1c: {  	p1 =	slt.u32 s9, $0xF7A;
	s5 =	simm.s32 @!p2 $0x0  }
0x1d: {  	s5 =	simm.s32 @p1 $0x1;
	p0 =	seq.s32 s7, s2  }
0x1e: {  	s7 =	smul.u32 @!p0 $0xF7A, s2;
	p2 =	seq.s32 @!p0 s5, $0x0  }
0x1f: {  	s9 =	smul.u32 $0xF7A, s1;
	s8 =	simm.s32 @!p0 $0x1BF5;
	p2 =	por !p2, p0  }
0x20: {  	[sflag:s8] =	ssyncset.s32 @!p0 $0xFFFFF086;
	s6 =	sadd.s32 @!p0 s3, s7;
	s7 =	simm.s32 @!p0 $0x108  }
0x21: {  	s3 =	sadd.s32 s3, s9;
	s6 =	sadd.s32 @!p0 $0x88, s6;
	s7 =	simm.s32 @p2 $0x1082  }
0x22: {  	[simem:s7], [sflag:s8] =	dma.local @!p0 [hbm:s6], $0xF7A  }
0x23: {  	s9 =	sor.u32 $0xD0000000, s2;
	s6 =	simm.s32 $0x108;
	_ =	swait.ge @!p0 [sflag:s8], $0x0  }
0x24: {  	s3 =	sadd.s32 $0x88, s3;
	s6 =	simm.s32 @!p1 $0x1082;
	[sflag:s4] =	ssyncset.s32 $0xFFFFF086  }
0x25: {  	[simem:s6], [sflag:s4] =	dma.local [hbm:s3], $0xF7A  }
0x26: {  	[smem:$0x3F9A] =	sst s1;
	(tag) =	ssettag s2;
	_ =	strace s9  }
0x27: {  	s1 =	sld [smem:$0x3FAA]  }
0x28: {  	s2 =	sld [smem:$0x3FAB]  }
0x29: {  	s4 =	sld [smem:$0x3FAD]  }
0x2a: {  	p0 =	seq.s32 s5, $0x0;
	s5 =	sld [smem:$0x3FAE]  }
0x2b: {  	s6 =	sld [smem:$0x3FAF]  }
0x2c: {  	s7 =	sld [smem:$0x3FB0]  }
0x2d: {  	s3 =	simm.s32 $0x108;
	s8 =	sld [smem:$0x3FB1]  }
0x2e: {  	s3 =	simm.s32 @!p0 $0x1082;
	s9 =	sld [smem:$0x3FB2]  }
0x2f: {  	lr =	sadd.s32 s0, s3;
	s0 =	sld [smem:$0x3FA9]  }
0x30: {  	s3 =	sld [smem:$0x3FAC]  }
0x31: {  	[smem:$0x3FB5] =	sst s10  }
0x32: {  	s10 =	sld [smem:$0x3FB3];
	_ =	sdelay $0x3  }
0x33: {  	p0 =	seq.s32 s10, $0x1;
	s10 =	sld [smem:$0x3FB5];
	_ =	sdelay $0x3  }
0x34: {  	[smem:$0x3FB5] =	sst s10  }
0x35: {  	s10 =	sld [smem:$0x3FB4];
	_ =	sdelay $0x3  }
0x36: {  	p1 =	seq.s32 s10, $0x1;
	s10 =	sld [smem:$0x3FB5];
	_ =	sdelay $0x3  }
0x37: {  	[smem:$0x3FB5] =	sst s10  }
0x38: {  	s10 =	sld [smem:$0x3FB6]  }
0x39: {  	_ = 	snop;
	(pc) =	sbr.ind lr, $3  }
0x3a: {  	_ = 	snop  }
0x3b: {  	_ = 	snop  }
0x3c: {  	p2 =	seq.s32 s10, $0x1;
	s10 =	sld [smem:$0x3FB5]  }
0x3d: {  	_ =	shalt  }
0x3e: {  	_ =	shalt  }
0x3f: {  	_ =	shalt  }
0x40: {  	_ =	shalt  }
0x41: {  	_ =	shalt  }
0x42: {  	_ =	shalt  }
0x43: {  	_ =	shalt  }
0x44: {  	_ =	shalt  }
0x45: {  	_ =	shalt  }
0x46: {  	_ =	shalt  }
0x47: {  	_ =	shalt  }
0x48: {  	_ =	shalt  }
0x49: {  	_ =	shalt  }
0x4a: {  	_ =	shalt  }
0x4b: {  	_ =	shalt  }
0x4c: {  	_ =	shalt  }
0x4d: {  	_ =	shalt  }
0x4e: {  	_ =	shalt  }
0x4f: {  	_ =	shalt  }
0x50: {  	_ =	shalt  }
0x51: {  	_ =	shalt  }
0x52: {  	_ =	shalt  }
0x53: {  	_ =	shalt  }
0x54: {  	_ =	shalt  }
0x55: {  	_ =	shalt  }
0x56: {  	_ =	shalt  }
0x57: {  	_ =	shalt  }
0x58: {  	_ =	shalt  }
0x59: {  	_ =	shalt  }
0x5a: {  	_ =	shalt  }
0x5b: {  	_ =	shalt  }
0x5c: {  	_ =	shalt  }
0x5d: {  	_ =	shalt  }
0x5e: {  	_ =	shalt  }
0x5f: {  	_ =	shalt  }
0x60: {  	_ =	shalt  }
0x61: {  	_ =	shalt  }
0x62: {  	_ =	shalt  }
0x63: {  	_ =	shalt  }
0x64: {  	_ =	shalt  }
0x65: {  	_ =	shalt  }
0x66: {  	_ =	shalt  }
0x67: {  	_ =	shalt  }
0x68: {  	_ =	shalt  }
0x69: {  	_ =	shalt  }
0x6a: {  	_ =	shalt  }
0x6b: {  	_ =	shalt  }
0x6c: {  	_ =	shalt  }
0x6d: {  	_ =	shalt  }
0x6e: {  	_ =	shalt  }
0x6f: {  	_ =	shalt  }
0x70: {  	_ =	shalt  }
0x71: {  	_ =	shalt  }
0x72: {  	_ =	shalt  }
0x73: {  	_ =	shalt  }
0x74: {  	_ =	shalt  }
0x75: {  	_ =	shalt  }
0x76: {  	_ =	shalt  }
0x77: {  	_ =	shalt  }
0x78: {  	_ =	shalt  }
0x79: {  	_ =	shalt  }
0x7a: {  	_ =	shalt  }
0x7b: {  	_ =	shalt  }
0x7c: {  	_ =	shalt  }
0x7d: {  	_ =	shalt  }
0x7e: {  	_ =	shalt  }
0x7f: {  	_ =	shalt  }
0x80: {  	_ =	shalt  }
0x81: {  	_ =	shalt  }
0x82: {  	_ =	shalt  }
0x83: {  	_ =	shalt  }
0x84: {  	_ =	shalt  }
0x85: {  	_ =	shalt  }
0x86: {  	_ =	shalt  }
0x87: {  	_ =	shalt  }
.Lfunc_end0:
.L_simem_size_0:
called_computation_lowered:
.L_overlay_start_0:
0x88: {  	s2 =	sld [smem:$0x3FD9]  }
0x89: {  	s3 =	sld [smem:$0x3FFE];
	_ =	sdelay $0x1  }
0x8a: {  	s1 =	srdreg.scid  }
0x8b: {  	s0 =	sand.u32 $0x1, s1  }
0x8c: {  	s17 =	sshll.u32 s0, $0xA;
	s2 =	sadd.s32 s3, s2  }
0x8d: {  	s2 =	sadd.s32 s2, s17  }
0x8e: {  	[smem:$0x3FC1] =	sst s2  }
0x8f: {  	_ = 	snop  }
0x90: {  	s2 =	sld [smem:$0x3FC7]  }
0x91: {  	s18 =	sld [smem:$0x3FD0];
	(tm) =	ssettm $0x1  }
0x92: {  	s4 =	sld [smem:$0x3FFB];
	_ =	sdelay $0x3  }
0x93: {  	_ =	strace s4  }
0x94: {  	s4 =	sld [smem:$0x3FFC];
	_ =	sdelay $0x3  }
0x95: {  	_ =	strace s4  }
0x96: {  	s4 =	sld [smem:$0x3FFD];
	_ =	sdelay $0x3  }
0x97: {  	_ =	strace s4  }
0x98: {  	_ =	strace $0x8FFFFFFF  }
0x99: {  	s19 =	sld [smem:$0x3FDB];
	_ =	sdelay $0x1  }
0x9a: {  	s5 =	simm.s32 $_scs_section_size  }
0x9b: {  	s6 =	simm.s32 $_size__tile_overlayer_lowered;
	s7 =	simm.s32 $_tile_overlayer_lowered  }
0x9c: {  	s22 =	simm.s32 $0x1BFF;
	s21 =	sshll.u32 s7, $0x1;
	s4 =	sadd.s32 s5, s19  }
0x9d: {  	s8 =	simm.s32 $0x0;
	s20 =	sshll.u32 s6, $0x1;
	s6 =	sadd.s32 s21, s4  }
0x9e: {  	[timem:s8], [sflag:s22] =	dma.local [hbm:s6], s20  }
0x9f: {  	_ =	swait.ge [sflag:s22], s20  }
0xa0: {  	s5 =	ssub.s32 $0x0, s20;
	[sflag:s22] =	ssyncset.done $0x0  }
0xa1: {  	[sflag:s22] =	ssyncadd.s32 s5;
	_ =	sdelay $0x1  }
0xa2: {  	s23 =	simm.s32 $0x1B8B  }
0xa3: {  	_ =	swait.ge [sflag:s23], $0x1  }
0xa4: {  	[sflag:s23] =	ssyncset.done $0x0  }
0xa5: {  	s25 =	simm.s32 $0x1B8E;
	s24 =	sld [smem:$0x3FFE];
	[sflag:s23] =	ssyncadd.s32 $0xFFFFFFFF  }
0xa6: {  	s26 =	simm.s32 $execute0_lowered;
	[smem:$0x3FD2] =	sst s25  }
0xa7: {  	s6 =	sshll.u32 s26, $0x1;
	_ =	strace $0x80000046;
	[dreg:$0x1] =	wrdreg $0xFFFFFFFF  }
0xa8: {  	s28 =	simm.s32 $_size_execute0_lowered;
	s4 =	sadd.s32 s4, s6;
	[dreg:$0x0] =	wrdreg $0x0  }
0xa9: {  	s6 =	sshll.u32 s28, $0x1;
	[dreg:$0x2] =	wrdreg s4  }
0xaa: {  	[dreg:$0x3] =	wrdreg s6  }
0xab: {  	[dreg:$0x4] =	wrdreg $0xC0  }
0xac: {  	_ =	task [dreg:s8], $0x5FFFF  }
0xad: {  	[dreg:$0x1] =	wrdreg $0xFFFFFFFF  }
0xae: {  	[dreg:$0x0] =	wrdreg $0x60  }
0xaf: {  	[dreg:$0x2] =	wrdreg s24  }
0xb0: {  	[dreg:$0x3] =	wrdreg s18  }
0xb1: {  	[dreg:$0x4] =	wrdreg s2  }
0xb2: {  	[dreg:$0x5] =	wrdreg $0x9  }
0xb3: {  	_ =	task.clear_ibuf [dreg:s8], $0x6FFFF;
	_ =	strace $0x90000046  }
0xb4: {  	s29 =	simm.s32 $0x9;
	_ =	strace $0x80000048  }
0xb5: {  	_ =	swait.ge [sflag:s29], $0x1  }
0xb6: {  	[sflag:s29] =	ssyncadd.s32 $0xFFFFFFFF  }
0xb7: {  	_ =	strace $0x90000048  }
0xb8: {  	_ =	sfence  }
0xb9: {  	s30 =	sld [smem:$0x0];
	_ =	sdelay $0x2  }
0xba: {  	s31 =	sshll.u32 s1, $0xD;
	s1 =	sshrl.u32 s1, $0x2  }
0xbb: {  	s3 =	sand.u32 $0x4000, s31;
	s1 =	sadd.s32 s1, s30  }
0xbc: {  	s0 =	sor.u32 s3, s0;
	s1 =	sshll.u32 s1, $0x11  }
0xbd: {  	s0 =	sor.u32 s1, s0  }
0xbe: {  	s0 =	sadd.s32 $0x8F2B, s0  }
0xbf: {  	[sflag:s0] =	ssyncadd.remote.s32 $0x1  }
0xc0: {  	_ =	sfence.sel $0xFFFF  }
0xc1: {  	[dreg:$0x0] =	wrdreg $0xFFFFFFFF;
	(pc) =	sbr.abs _section_cstart, $3  }
0xc2: {  	[dreg:$0x1] =	wrdreg $0xFFFFFFFF  }
0xc3: {  	_ =	task.clear_ibuf [dreg:s8], $0x2FFFF;
	_ =	strace $0x9FFFFFFF  }
0xc4: {  	(tm) =	ssettm $0x7FFFFFFF  }
0xc5: {  	_ =	shalt  }
tec
execute0_lowered:
.L_overlay_start_1:
0x0: {  	(tag) =	ssettag $0x1  }
0x1: {  	s0 =	rddreg [dreg:$0x0]  }
0x2: {  	s2 =	rddreg [dreg:$0x1]  }
0x3: {  	s1 =	rddreg [dreg:$0x2];
	s3 =	simm.s32 $0x0  }
0x4: {  	s4 =	srdreg.scid;
	s6 =	stileid.u32;
	s17 =	simm.s32 $0x2E  }
0x5: {  	s14 =	simm.s32 $0x400;
	s18 =	simm.s32 $0x4;
	s28 =	simm.s32 $0x11C00  }
0x6: {  	s29 =	simm.s32 $0x680;
	s30 =	simm.s32 $0x13300;
	s31 =	simm.s32 $0x700  }
0x7: {  	s13 =	simm.s32 $0x17800;
	s15 =	simm.s32 $0x5;
	s20 =	simm.s32 $0x0  }
0x8: {  	[smem:$0x7FF] =	sst s3;
	s5 =	sand.u32 $0x1, s4;
	s6 =	sshll.u32 s6, $0xA  }
0x9: {  	s4 =	sadd.s32 $0x1200, s0;
	s7 =	sshll.u32 s5, $0x9;
	s8 =	ssub.s32 $0x2, s5  }
0xa: {  	_ =	strace $0x80000047;
	s5 =	sor.u32 s7, s6;
	s24 =	sshrl.u32 s8, $0x1  }
0xb: {  	s6 =	sadd.s32 $0x41200, s0;
	s7 =	sshll.u32 s5, $0x4;
	s0 =	ssub.s32 s8, s24  }
0xc: {  	s25 =	sshrl.u32 s5, $0x3;
	s10 =	sor.u32 $0x10, s5;
	s12 =	sor.u32 $0x18, s5  }
0xd: {  	s8 =	simm.s32 $0x16100;
	s9 =	sadd.s32 s4, s7;
	s2 =	sadd.s32 s2, s25  }
0xe: {  	s11 =	sadd.s32 s6, s7;
	s0 =	smax.u32 s0, $0x1;
	[dreg:$0x5] =	wrdreg s2  }
0xf: {  	s7 =	simm.s32 $0x17C00;
	[dreg:$0x4] =	wrdreg s9;
	s26 =	sadd.s32 $0x80, s9  }
0x10: {  	[dreg:$0x7] =	wrdreg s0;
	s0 =	simm.s32 $0x14A00;
	s2 =	simm.s32 $0x780  }
0x11: {  	s9 =	simm.s32 $0x1;
	[dreg:$0x6] =	wrdreg s26;
	s26 =	simm.s32 $0x600  }
.LBB2_1:
0x12: {  	[dreg:$0x8] =	wrdreg s20  }
0x13: {  	s16 =	rddreg [dreg:$0x5];
	s19 =	simm.s32 $0x18000;
	s25 =	simm.s32 $0x7  }
0x14: {  	[tilespmem:s19], [sflag:$0x7] =	stream.linear.gather [hbm4b:s16+s3], $0x200, $0x38;
	[tilespmem:$0x18280] =	vst v63  }
0x15: {  	_ =	swait.ge [sflag:s25], $0x200  }
0x16: {  	[sflag:s25] =	ssyncset.done $0x0  }
0x17: {  	s20 =	simm.s32 $0x3;
	s19 =	rddreg [dreg:$0x4];
	[sflag:s25] =	ssyncadd.s32 $0xFFFFFE00  }
0x18: {  	[tilespmem:s3], [sflag:$0x3] =	stream.linear.gather [hbm4b:s19+s3], $0x400, $0x38;
	[tilespmem:$0x18280] =	vst v63  }
0x19: {  	_ =	swait.ge [sflag:s20], $0x400  }
0x1a: {  	[sflag:s20] =	ssyncset.done $0x0  }
0x1b: {  	[sflag:s20] =	ssyncadd.s32 $0xFFFFFC00  }
0x1c: {  	v0 =	vld [tilespmem:$0x18000];
	_ =	sdelay $0x4  }
0x1d: {  	v0 =	vmul.u32 $0xC48000, v0;
	_ =	sdelay $0x1  }
0x1e: {  	v0 =	vshrl.u32 v0, $0x3  }
0x1f: {  	v0 =	vadd.s32 s1, v0  }
0x20: {  	(v2sf) =	vpush v0, $0x0;
	_ =	sdelay $0x1  }
0x21: {  	(v2sf) =	vpush v0, $0x1;
	_ =	sdelay $0x1  }
0x22: {  	(v2sf) =	vpush v0, $0x2;
	_ =	sdelay $0x1  }
0x23: {  	(v2sf) =	vpush v0, $0x3;
	_ =	sdelay $0x1  }
0x24: {  	(v2sf) =	vpush v0, $0x4;
	_ =	sdelay $0x1  }
0x25: {  	(v2sf) =	vpush v0, $0x5;
	_ =	sdelay $0x1  }
0x26: {  	(v2sf) =	vpush v0, $0x6;
	_ =	sdelay $0x1  }
0x27: {  	(v2sf) =	vpush v0, $0x7  }
0x28: {  	s22 =	simm.s32 $0x800;
	s21 =	spop (v2sf)  }
0x29: {  	[tilespmem:s22], [sflag:$0x1] =	stream.indirect.gather [hbm4b:s21+s17], $0x80, s3, s17, $0xb8;
	[tilespmem:$0x18280] =	vst v63  }
0x2a: {  	s24 =	simm.s32 $0x80;
	s25 =	simm.s32 $0x1F00;
	s23 =	spop (v2sf)  }
0x2b: {  	[tilespmem:s25], [sflag:$0x1] =	stream.indirect.gather [hbm4b:s23+s17], $0x80, s24, s17, $0xb8;
	[tilespmem:$0x18280] =	vst v63  }
0x2c: {  	s21 =	simm.s32 $0x100;
	s22 =	simm.s32 $0x3600;
	s20 =	spop (v2sf)  }
0x2d: {  	[tilespmem:s22], [sflag:$0x1] =	stream.indirect.gather [hbm4b:s20+s17], $0x80, s21, s17, $0xb8;
	[tilespmem:$0x18280] =	vst v63  }
0x2e: {  	s23 =	spop (v2sf);
	s24 =	simm.s32 $0x180;
	s25 =	simm.s32 $0x4D00  }
0x2f: {  	[tilespmem:s25], [sflag:$0x1] =	stream.indirect.gather [hbm4b:s23+s17], $0x80, s24, s17, $0xb8;
	[tilespmem:$0x18280] =	vst v63  }
0x30: {  	s20 =	spop (v2sf);
	s21 =	simm.s32 $0x200;
	s22 =	simm.s32 $0x6400  }
0x31: {  	[tilespmem:s22], [sflag:$0x1] =	stream.indirect.gather [hbm4b:s20+s17], $0x80, s21, s17, $0xb8;
	[tilespmem:$0x18280] =	vst v63  }
0x32: {  	s23 =	spop (v2sf);
	s24 =	simm.s32 $0x280;
	s25 =	simm.s32 $0x7B00  }
0x33: {  	[tilespmem:s25], [sflag:$0x1] =	stream.indirect.gather [hbm4b:s23+s17], $0x80, s24, s17, $0xb8;
	[tilespmem:$0x18280] =	vst v63  }
0x34: {  	s19 =	spop (v2sf);
	s20 =	simm.s32 $0x300;
	s21 =	simm.s32 $0x9200  }
0x35: {  	[tilespmem:s21], [sflag:$0x1] =	stream.indirect.gather [hbm4b:s19+s17], $0x80, s20, s17, $0xb8;
	[tilespmem:$0x18280] =	vst v63  }
0x36: {  	s22 =	spop (v2sf);
	s23 =	simm.s32 $0x380;
	s24 =	simm.s32 $0xA900  }
0x37: {  	[tilespmem:s24], [sflag:$0x1] =	stream.indirect.gather [hbm4b:s22+s17], $0x80, s23, s17, $0xb8;
	[tilespmem:$0x18280] =	vst v63  }
0x38: {  	s16 =	simm.s32 $0x0;
	s25 =	rddreg [dreg:$0x6]  }
0x39: {  	[tilespmem:s14], [sflag:$0x4] =	stream.linear.gather [hbm4b:s25+s3], $0x400, $0x38;
	[tilespmem:$0x18280] =	vst v63  }
.LBB2_2:
0x3a: {  	_ =	swait.ge [sflag:s18], $0x400  }
0x3b: {  	[sflag:s18] =	ssyncset.done $0x0  }
0x3c: {  	s20 =	sshll.u32 s16, $0x4;
	[sflag:s18] =	ssyncadd.s32 $0xFFFFFC00  }
0x3d: {  	v0 =	vld [tilespmem:s20+$0x18008];
	_ =	sdelay $0x4  }
0x3e: {  	v0 =	vmul.u32 $0xC48000, v0;
	_ =	sdelay $0x1  }
0x3f: {  	v0 =	vshrl.u32 v0, $0x3  }
0x40: {  	v0 =	vadd.s32 s1, v0  }
0x41: {  	(v2sf) =	vpush v0, $0x0;
	_ =	sdelay $0x1  }
0x42: {  	(v2sf) =	vpush v0, $0x1;
	_ =	sdelay $0x1  }
0x43: {  	(v2sf) =	vpush v0, $0x2;
	_ =	sdelay $0x1  }
0x44: {  	(v2sf) =	vpush v0, $0x3;
	_ =	sdelay $0x1  }
0x45: {  	(v2sf) =	vpush v0, $0x4;
	_ =	sdelay $0x1  }
0x46: {  	(v2sf) =	vpush v0, $0x5;
	_ =	sdelay $0x1  }
0x47: {  	(v2sf) =	vpush v0, $0x6;
	_ =	sdelay $0x1  }
0x48: {  	(v2sf) =	vpush v0, $0x7  }
0x49: {  	s21 =	simm.s32 $0xC000;
	s19 =	spop (v2sf)  }
0x4a: {  	[tilespmem:s21], [sflag:$0x2] =	stream.indirect.gather [hbm4b:s19+s17], $0x80, s14, s17, $0xb8;
	[tilespmem:$0x18280] =	vst v63  }
0x4b: {  	s25 =	simm.s32 $0x480;
	s22 =	simm.s32 $0xD700;
	s24 =	spop (v2sf)  }
0x4c: {  	[tilespmem:s22], [sflag:$0x2] =	stream.indirect.gather [hbm4b:s24+s17], $0x80, s25, s17, $0xb8;
	[tilespmem:$0x18280] =	vst v63  }
0x4d: {  	s23 =	spop (v2sf);
	s24 =	simm.s32 $0x500;
	s25 =	simm.s32 $0xEE00  }
0x4e: {  	[tilespmem:s25], [sflag:$0x2] =	stream.indirect.gather [hbm4b:s23+s17], $0x80, s24, s17, $0xb8;
	[tilespmem:$0x18280] =	vst v63  }
0x4f: {  	s23 =	spop (v2sf);
	s24 =	simm.s32 $0x580;
	s25 =	simm.s32 $0x10500  }
0x50: {  	[tilespmem:s25], [sflag:$0x2] =	stream.indirect.gather [hbm4b:s23+s17], $0x80, s24, s17, $0xb8;
	[tilespmem:$0x18280] =	vst v63  }
0x51: {  	s22 =	spop (v2sf)  }
0x52: {  	[tilespmem:s28], [sflag:$0x2] =	stream.indirect.gather [hbm4b:s22+s17], $0x80, s26, s17, $0xb8;
	[tilespmem:$0x18280] =	vst v63  }
0x53: {  	p0 =	seq.s32 s16, $0x1F;
	s23 =	spop (v2sf)  }
0x54: {  	[tilespmem:s30], [sflag:$0x2] =	stream.indirect.gather [hbm4b:s23+s17], $0x80, s29, s17, $0xb8;
	[tilespmem:$0x18280] =	vst v63  }
0x55: {  	p1 =	seq.s32 @!p0 s16, $0x0;
	s24 =	spop (v2sf)  }
0x56: {  	[tilespmem:s0], [sflag:$0x2] =	stream.indirect.gather [hbm4b:s24+s17], $0x80, s31, s17, $0xb8;
	[tilespmem:$0x18280] =	vst v63  }
0x57: {  	p1 =	por p0, !p1;
	s25 =	spop (v2sf)  }
0x58: {  	[tilespmem:s8], [sflag:$0x2] =	stream.indirect.gather [hbm4b:s25+s17], $0x80, s2, s17, $0xb8;
	[tilespmem:$0x18280] =	vst v63  }
.Ltmp0:
0x59: {  	_ = 	snop;
	(pc) =	sbr.rel @!p1 .LBB2_3-.Ltmp0, $4  }
0x5a: {  	s19 =	sadd.s32 @!p0 s20, s10;
	_ =	swait.ge [sflag:s9], $0xB800  }
0x5b: {  	s19 =	sshll.u32 @!p0 s19, $0x4;
	[sflag:s9] =	ssyncset.done $0x0  }
0x5c: {  	s21 =	simm.s32 @!p0 $0x0;
	s19 =	sadd.s32 @!p0 s4, s19;
	[sflag:s9] =	ssyncadd.s32 $0xFFFF4800  }
0x5d: {  	[tilespmem:s21], [sflag:$0x3] =	stream.linear.gather @!p0 [hbm4b:s19+s21], $0x400, $0x38;
	[tilespmem:$0x18280] =	vst v63  }
.Ltmp1:
0x5e: {  	(pc) =	sbr.rel .LBB2_5-.Ltmp1, $4  }
0x5f: {  	_ = 	snop  }
0x60: {  	_ =	swait.ge [sflag:s15], $0x400  }
0x61: {  	[sflag:s15] =	ssyncset.done $0x0  }
0x62: {  	p1 =	por $0x0, $0x0;
	[sflag:s15] =	ssyncadd.s32 $0xFFFFFC00  }
.LBB2_3:
0x63: {  	p1 =	por @!p0 $0x1, $0x1  }
.LBB2_5:
0x64: {  	s22 =	simm.s32 $0x0  }
0x65: {  	v2 =	vld [tilespmem:s22+$0x880]  }
0x66: {  	v5 =	vld [tilespmem:s22+$0x890]  }
0x67: {  	v3 =	vld [tilespmem:s22+$0x8A0]  }
0x68: {  	v4 =	vld [tilespmem:s22+$0x8B0]  }
0x69: {  	v0 =	vld [tilespmem:s22+$0x8C0]  }
0x6a: {  	v1 =	vld [tilespmem:s22+$0x8D0]  }
0x6b: {  	v19 =	vld [tilespmem:s22+$0x800]  }
0x6c: {  	v20 =	vld [tilespmem:s22+$0x810]  }
0x6d: {  	v18 =	vld [tilespmem:s22+$0x820]  }
0x6e: {  	v17 =	vld [tilespmem:s22+$0x830]  }
0x6f: {  	v10 =	vimm.f32 $0.0e+00;
	v11 =	vimm.f32 $0.0e+00;
	v14 =	vld [tilespmem:s22+$0x840]  }
0x70: {  	s19 =	sadd.s32 s20, s5;
	v13 =	vimm.f32 $0.0e+00;
	v12 =	vimm.f32 $0.0e+00;
	v7 =	vimm.f32 $0.0e+00;
	v15 =	vld [tilespmem:s22+$0x850]  }
0x71: {  	s21 =	sadd.s32 $0x1, s16;
	s23 =	simm.s32 $0x400;
	v9 =	vimm.f32 $0.0e+00;
	v8 =	vimm.f32 $0.0e+00;
	v6 =	vimm.f32 $0.0e+00;
	s19 =	sadd.s32 $0x8, s19;
	v16 =	vld [tilespmem:s22+$0x860]  }
.LBB2_6:
0x72: {  	p2 =	sne.s32 s23, $0x5800;
	v10 =	vadd.f32 v19, v10;
	v11 =	vadd.f32 v20, v11;
	v19 =	vld [tilespmem:s22+$0x870]  }
0x73: {  	v13 =	vadd.f32 v18, v13;
	v12 =	vadd.f32 v17, v12;
	v17 =	vld [tilespmem:s22+$0x8E0]  }
0x74: {  	v10 =	vadd.f32 v2, v10;
	v11 =	vadd.f32 v5, v11;
	v18 =	vld [tilespmem:s22+$0x8F0];
	s22 =	sshra.s32 s23, $0x2  }
0x75: {  	v13 =	vadd.f32 v3, v13;
	v2 =	vld [tilespmem:s22+$0x880];
	v12 =	vadd.f32 v4, v12  }
0x76: {  	v7 =	vadd.f32 v14, v7;
	v9 =	vadd.f32 v15, v9;
	v5 =	vld [tilespmem:s22+$0x890]  }
0x77: {  	v8 =	vadd.f32 v16, v8;
	v3 =	vld [tilespmem:s22+$0x8A0];
	v6 =	vadd.f32 v19, v6  }
0x78: {  	v7 =	vadd.f32 v0, v7;
	v9 =	vadd.f32 v1, v9;
	v4 =	vld [tilespmem:s22+$0x8B0]  }
0x79: {  	v8 =	vadd.f32 v17, v8;
	v0 =	vld [tilespmem:s22+$0x8C0];
	v6 =	vadd.f32 v18, v6  }
0x7a: {  	v1 =	vld [tilespmem:s22+$0x8D0]  }
0x7b: {  	v19 =	vld [tilespmem:s22+$0x800]  }
0x7c: {  	v20 =	vld [tilespmem:s22+$0x810]  }
.Ltmp2:
0x7d: {  	v18 =	vld [tilespmem:s22+$0x820];
	(pc) =	sbr.rel @p2 .LBB2_6-.Ltmp2, $4  }
0x7e: {  	v17 =	vld [tilespmem:s22+$0x830]  }
0x7f: {  	v14 =	vld [tilespmem:s22+$0x840]  }
0x80: {  	v15 =	vld [tilespmem:s22+$0x850]  }
0x81: {  	s23 =	sadd.s32 $0x400, s23;
	v16 =	vld [tilespmem:s22+$0x860]  }
0x82: {  	v10 =	vadd.f32 v19, v10  }
0x83: {  	v11 =	vadd.f32 v20, v11  }
0x84: {  	v19 =	vld [tilespmem:s22+$0x870];
	v13 =	vadd.f32 v18, v13;
	v2 =	vadd.f32 v2, v10  }
0x85: {  	v18 =	vld [tilespmem:s22+$0x8E0];
	v10 =	vadd.f32 v17, v12;
	v5 =	vadd.f32 v5, v11  }
0x86: {  	v11 =	vld [tilespmem:s22+$0x8F0];
	v3 =	vadd.f32 v3, v13;
	v7 =	vadd.f32 v14, v7;
	[tilespmem:$0x17800] =	vst v2  }
0x87: {  	v2 =	vadd.f32 v4, v10;
	v4 =	vadd.f32 v15, v9;
	[tilespmem:$0x17810] =	vst v5  }
0x88: {  	v5 =	vadd.f32 v16, v8;
	v0 =	vadd.f32 v0, v7;
	[tilespmem:$0x17820] =	vst v3  }
0x89: {  	v3 =	vadd.f32 v19, v6;
	v1 =	vadd.f32 v1, v4;
	[tilespmem:$0x17830] =	vst v2  }
0x8a: {  	v2 =	vadd.f32 v18, v5;
	[tilespmem:$0x17840] =	vst v0  }
0x8b: {  	v0 =	vadd.f32 v11, v3;
	[tilespmem:$0x17850] =	vst v1  }
0x8c: {  	[tilespmem:$0x17860] =	vst v2  }
0x8d: {  	s22 =	simm.s32 $0x0;
	[tilespmem:$0x17870] =	vst v0  }
0x8e: {  	v2 =	vld [tilespmem:s22+$0x1F80]  }
0x8f: {  	v5 =	vld [tilespmem:s22+$0x1F90]  }
0x90: {  	v3 =	vld [tilespmem:s22+$0x1FA0]  }
0x91: {  	v4 =	vld [tilespmem:s22+$0x1FB0]  }
0x92: {  	v0 =	vld [tilespmem:s22+$0x1FC0]  }
0x93: {  	v1 =	vld [tilespmem:s22+$0x1FD0]  }
0x94: {  	v19 =	vld [tilespmem:s22+$0x1F00]  }
0x95: {  	v20 =	vld [tilespmem:s22+$0x1F10]  }
0x96: {  	v18 =	vld [tilespmem:s22+$0x1F20]  }
0x97: {  	v17 =	vld [tilespmem:s22+$0x1F30]  }
0x98: {  	v13 =	vimm.f32 $0.0e+00;
	v12 =	vimm.f32 $0.0e+00;
	v14 =	vld [tilespmem:s22+$0x1F40]  }
0x99: {  	v10 =	vimm.f32 $0.0e+00;
	v8 =	vimm.f32 $0.0e+00;
	v9 =	vimm.f32 $0.0e+00;
	v15 =	vld [tilespmem:s22+$0x1F50]  }
0x9a: {  	s23 =	simm.s32 $0x400;
	v7 =	vimm.f32 $0.0e+00;
	v6 =	vimm.f32 $0.0e+00;
	v11 =	vimm.f32 $0.0e+00;
	v16 =	vld [tilespmem:s22+$0x1F60]  }
.LBB2_8:
0x9b: {  	p2 =	sne.s32 s23, $0x5800;
	v10 =	vadd.f32 v19, v10;
	v11 =	vadd.f32 v20, v11;
	v19 =	vld [tilespmem:s22+$0x1F70]  }
0x9c: {  	v13 =	vadd.f32 v18, v13;
	v12 =	vadd.f32 v17, v12;
	v17 =	vld [tilespmem:s22+$0x1FE0]  }
0x9d: {  	v10 =	vadd.f32 v2, v10;
	v11 =	vadd.f32 v5, v11;
	v18 =	vld [tilespmem:s22+$0x1FF0];
	s22 =	sshra.s32 s23, $0x2  }
0x9e: {  	v13 =	vadd.f32 v3, v13;
	v2 =	vld [tilespmem:s22+$0x1F80];
	v12 =	vadd.f32 v4, v12  }
0x9f: {  	v8 =	vadd.f32 v14, v8;
	v9 =	vadd.f32 v15, v9;
	v5 =	vld [tilespmem:s22+$0x1F90]  }
0xa0: {  	v7 =	vadd.f32 v16, v7;
	v3 =	vld [tilespmem:s22+$0x1FA0];
	v6 =	vadd.f32 v19, v6  }
0xa1: {  	v8 =	vadd.f32 v0, v8;
	v9 =	vadd.f32 v1, v9;
	v4 =	vld [tilespmem:s22+$0x1FB0]  }
0xa2: {  	v7 =	vadd.f32 v17, v7;
	v0 =	vld [tilespmem:s22+$0x1FC0];
	v6 =	vadd.f32 v18, v6  }
0xa3: {  	v1 =	vld [tilespmem:s22+$0x1FD0]  }
0xa4: {  	v19 =	vld [tilespmem:s22+$0x1F00]  }
0xa5: {  	v20 =	vld [tilespmem:s22+$0x1F10]  }
.Ltmp3:
0xa6: {  	v18 =	vld [tilespmem:s22+$0x1F20];
	(pc) =	sbr.rel @p2 .LBB2_8-.Ltmp3, $4  }
0xa7: {  	v17 =	vld [tilespmem:s22+$0x1F30]  }
0xa8: {  	v14 =	vld [tilespmem:s22+$0x1F40]  }
0xa9: {  	v15 =	vld [tilespmem:s22+$0x1F50]  }
0xaa: {  	s23 =	sadd.s32 $0x400, s23;
	v16 =	vld [tilespmem:s22+$0x1F60]  }
0xab: {  	v10 =	vadd.f32 v19, v10  }
0xac: {  	v11 =	vadd.f32 v20, v11  }
0xad: {  	v19 =	vld [tilespmem:s22+$0x1F70];
	v13 =	vadd.f32 v18, v13;
	v2 =	vadd.f32 v2, v10  }
0xae: {  	v18 =	vld [tilespmem:s22+$0x1FE0];
	v10 =	vadd.f32 v17, v12;
	v5 =	vadd.f32 v5, v11  }
0xaf: {  	v11 =	vld [tilespmem:s22+$0x1FF0];
	v3 =	vadd.f32 v3, v13;
	v8 =	vadd.f32 v14, v8;
	[tilespmem:$0x17880] =	vst v2  }
0xb0: {  	v2 =	vadd.f32 v4, v10;
	v4 =	vadd.f32 v15, v9;
	[tilespmem:$0x17890] =	vst v5  }
0xb1: {  	v5 =	vadd.f32 v16, v7;
	v0 =	vadd.f32 v0, v8;
	[tilespmem:$0x178A0] =	vst v3  }
0xb2: {  	v3 =	vadd.f32 v19, v6;
	v1 =	vadd.f32 v1, v4;
	[tilespmem:$0x178B0] =	vst v2  }
0xb3: {  	v2 =	vadd.f32 v18, v5;
	[tilespmem:$0x178C0] =	vst v0  }
0xb4: {  	v0 =	vadd.f32 v11, v3;
	[tilespmem:$0x178D0] =	vst v1  }
0xb5: {  	[tilespmem:$0x178E0] =	vst v2  }
0xb6: {  	s22 =	simm.s32 $0x0;
	[tilespmem:$0x178F0] =	vst v0  }
0xb7: {  	v2 =	vld [tilespmem:s22+$0x3680]  }
0xb8: {  	v5 =	vld [tilespmem:s22+$0x3690]  }
0xb9: {  	v3 =	vld [tilespmem:s22+$0x36A0]  }
0xba: {  	v4 =	vld [tilespmem:s22+$0x36B0]  }
0xbb: {  	v0 =	vld [tilespmem:s22+$0x36C0]  }
0xbc: {  	v1 =	vld [tilespmem:s22+$0x36D0]  }
0xbd: {  	v19 =	vld [tilespmem:s22+$0x3600]  }
0xbe: {  	v20 =	vld [tilespmem:s22+$0x3610]  }
0xbf: {  	v18 =	vld [tilespmem:s22+$0x3620]  }
0xc0: {  	v17 =	vld [tilespmem:s22+$0x3630]  }
0xc1: {  	v13 =	vimm.f32 $0.0e+00;
	v12 =	vimm.f32 $0.0e+00;
	v14 =	vld [tilespmem:s22+$0x3640]  }
0xc2: {  	v10 =	vimm.f32 $0.0e+00;
	v8 =	vimm.f32 $0.0e+00;
	v9 =	vimm.f32 $0.0e+00;
	v15 =	vld [tilespmem:s22+$0x3650]  }
0xc3: {  	s23 =	simm.s32 $0x400;
	v7 =	vimm.f32 $0.0e+00;
	v6 =	vimm.f32 $0.0e+00;
	v11 =	vimm.f32 $0.0e+00;
	v16 =	vld [tilespmem:s22+$0x3660]  }
.LBB2_10:
0xc4: {  	p2 =	sne.s32 s23, $0x5800;
	v10 =	vadd.f32 v19, v10;
	v11 =	vadd.f32 v20, v11;
	v19 =	vld [tilespmem:s22+$0x3670]  }
0xc5: {  	v13 =	vadd.f32 v18, v13;
	v12 =	vadd.f32 v17, v12;
	v17 =	vld [tilespmem:s22+$0x36E0]  }
0xc6: {  	v10 =	vadd.f32 v2, v10;
	v11 =	vadd.f32 v5, v11;
	v18 =	vld [tilespmem:s22+$0x36F0];
	s22 =	sshra.s32 s23, $0x2  }
0xc7: {  	v13 =	vadd.f32 v3, v13;
	v2 =	vld [tilespmem:s22+$0x3680];
	v12 =	vadd.f32 v4, v12  }
0xc8: {  	v8 =	vadd.f32 v14, v8;
	v9 =	vadd.f32 v15, v9;
	v5 =	vld [tilespmem:s22+$0x3690]  }
0xc9: {  	v7 =	vadd.f32 v16, v7;
	v3 =	vld [tilespmem:s22+$0x36A0];
	v6 =	vadd.f32 v19, v6  }
0xca: {  	v8 =	vadd.f32 v0, v8;
	v9 =	vadd.f32 v1, v9;
	v4 =	vld [tilespmem:s22+$0x36B0]  }
0xcb: {  	v7 =	vadd.f32 v17, v7;
	v0 =	vld [tilespmem:s22+$0x36C0];
	v6 =	vadd.f32 v18, v6  }
0xcc: {  	v1 =	vld [tilespmem:s22+$0x36D0]  }
0xcd: {  	v19 =	vld [tilespmem:s22+$0x3600]  }
0xce: {  	v20 =	vld [tilespmem:s22+$0x3610]  }
.Ltmp4:
0xcf: {  	v18 =	vld [tilespmem:s22+$0x3620];
	(pc) =	sbr.rel @p2 .LBB2_10-.Ltmp4, $4  }
0xd0: {  	v17 =	vld [tilespmem:s22+$0x3630]  }
0xd1: {  	v14 =	vld [tilespmem:s22+$0x3640]  }
0xd2: {  	v15 =	vld [tilespmem:s22+$0x3650]  }
0xd3: {  	s23 =	sadd.s32 $0x400, s23;
	v16 =	vld [tilespmem:s22+$0x3660]  }
0xd4: {  	v10 =	vadd.f32 v19, v10  }
0xd5: {  	v11 =	vadd.f32 v20, v11  }
0xd6: {  	v19 =	vld [tilespmem:s22+$0x3670];
	v13 =	vadd.f32 v18, v13;
	v2 =	vadd.f32 v2, v10  }
0xd7: {  	v18 =	vld [tilespmem:s22+$0x36E0];
	v10 =	vadd.f32 v17, v12;
	v5 =	vadd.f32 v5, v11  }
0xd8: {  	v11 =	vld [tilespmem:s22+$0x36F0];
	v3 =	vadd.f32 v3, v13;
	v8 =	vadd.f32 v14, v8;
	[tilespmem:$0x17900] =	vst v2  }
0xd9: {  	v2 =	vadd.f32 v4, v10;
	v4 =	vadd.f32 v15, v9;
	[tilespmem:$0x17910] =	vst v5  }
0xda: {  	v5 =	vadd.f32 v16, v7;
	v0 =	vadd.f32 v0, v8;
	[tilespmem:$0x17920] =	vst v3  }
0xdb: {  	v3 =	vadd.f32 v19, v6;
	v1 =	vadd.f32 v1, v4;
	[tilespmem:$0x17930] =	vst v2  }
0xdc: {  	v2 =	vadd.f32 v18, v5;
	[tilespmem:$0x17940] =	vst v0  }
0xdd: {  	v0 =	vadd.f32 v11, v3;
	[tilespmem:$0x17950] =	vst v1  }
0xde: {  	[tilespmem:$0x17960] =	vst v2  }
0xdf: {  	s22 =	simm.s32 $0x0;
	[tilespmem:$0x17970] =	vst v0  }
0xe0: {  	v2 =	vld [tilespmem:s22+$0x4D80]  }
0xe1: {  	v5 =	vld [tilespmem:s22+$0x4D90]  }
0xe2: {  	v3 =	vld [tilespmem:s22+$0x4DA0]  }
0xe3: {  	v4 =	vld [tilespmem:s22+$0x4DB0]  }
0xe4: {  	v0 =	vld [tilespmem:s22+$0x4DC0]  }
0xe5: {  	v1 =	vld [tilespmem:s22+$0x4DD0]  }
0xe6: {  	v19 =	vld [tilespmem:s22+$0x4D00]  }
0xe7: {  	v20 =	vld [tilespmem:s22+$0x4D10]  }
0xe8: {  	v18 =	vld [tilespmem:s22+$0x4D20]  }
0xe9: {  	v17 =	vld [tilespmem:s22+$0x4D30]  }
0xea: {  	v13 =	vimm.f32 $0.0e+00;
	v12 =	vimm.f32 $0.0e+00;
	v14 =	vld [tilespmem:s22+$0x4D40]  }
0xeb: {  	v10 =	vimm.f32 $0.0e+00;
	v8 =	vimm.f32 $0.0e+00;
	v9 =	vimm.f32 $0.0e+00;
	v15 =	vld [tilespmem:s22+$0x4D50]  }
0xec: {  	s23 =	simm.s32 $0x400;
	v7 =	vimm.f32 $0.0e+00;
	v6 =	vimm.f32 $0.0e+00;
	v11 =	vimm.f32 $0.0e+00;
	v16 =	vld [tilespmem:s22+$0x4D60]  }
.LBB2_12:
0xed: {  	p2 =	sne.s32 s23, $0x5800;
	v10 =	vadd.f32 v19, v10;
	v11 =	vadd.f32 v20, v11;
	v19 =	vld [tilespmem:s22+$0x4D70]  }
0xee: {  	v13 =	vadd.f32 v18, v13;
	v12 =	vadd.f32 v17, v12;
	v17 =	vld [tilespmem:s22+$0x4DE0]  }
0xef: {  	v10 =	vadd.f32 v2, v10;
	v11 =	vadd.f32 v5, v11;
	v18 =	vld [tilespmem:s22+$0x4DF0];
	s22 =	sshra.s32 s23, $0x2  }
0xf0: {  	v13 =	vadd.f32 v3, v13;
	v2 =	vld [tilespmem:s22+$0x4D80];
	v12 =	vadd.f32 v4, v12  }
0xf1: {  	v8 =	vadd.f32 v14, v8;
	v9 =	vadd.f32 v15, v9;
	v5 =	vld [tilespmem:s22+$0x4D90]  }
0xf2: {  	v7 =	vadd.f32 v16, v7;
	v3 =	vld [tilespmem:s22+$0x4DA0];
	v6 =	vadd.f32 v19, v6  }
0xf3: {  	v8 =	vadd.f32 v0, v8;
	v9 =	vadd.f32 v1, v9;
	v4 =	vld [tilespmem:s22+$0x4DB0]  }
0xf4: {  	v7 =	vadd.f32 v17, v7;
	v0 =	vld [tilespmem:s22+$0x4DC0];
	v6 =	vadd.f32 v18, v6  }
0xf5: {  	v1 =	vld [tilespmem:s22+$0x4DD0]  }
0xf6: {  	v19 =	vld [tilespmem:s22+$0x4D00]  }
0xf7: {  	v20 =	vld [tilespmem:s22+$0x4D10]  }
.Ltmp5:
0xf8: {  	v18 =	vld [tilespmem:s22+$0x4D20];
	(pc) =	sbr.rel @p2 .LBB2_12-.Ltmp5, $4  }
0xf9: {  	v17 =	vld [tilespmem:s22+$0x4D30]  }
0xfa: {  	v14 =	vld [tilespmem:s22+$0x4D40]  }
0xfb: {  	v15 =	vld [tilespmem:s22+$0x4D50]  }
0xfc: {  	s23 =	sadd.s32 $0x400, s23;
	v16 =	vld [tilespmem:s22+$0x4D60]  }
0xfd: {  	v10 =	vadd.f32 v19, v10  }
0xfe: {  	v11 =	vadd.f32 v20, v11  }
0xff: {  	v19 =	vld [tilespmem:s22+$0x4D70];
	v13 =	vadd.f32 v18, v13;
	v2 =	vadd.f32 v2, v10  }
0x100: {  	v18 =	vld [tilespmem:s22+$0x4DE0];
	v10 =	vadd.f32 v17, v12;
	v5 =	vadd.f32 v5, v11  }
0x101: {  	v11 =	vld [tilespmem:s22+$0x4DF0];
	v3 =	vadd.f32 v3, v13;
	v8 =	vadd.f32 v14, v8;
	[tilespmem:$0x17980] =	vst v2  }
0x102: {  	v2 =	vadd.f32 v4, v10;
	v4 =	vadd.f32 v15, v9;
	[tilespmem:$0x17990] =	vst v5  }
0x103: {  	v5 =	vadd.f32 v16, v7;
	v0 =	vadd.f32 v0, v8;
	[tilespmem:$0x179A0] =	vst v3  }
0x104: {  	v3 =	vadd.f32 v19, v6;
	v1 =	vadd.f32 v1, v4;
	[tilespmem:$0x179B0] =	vst v2  }
0x105: {  	v2 =	vadd.f32 v18, v5;
	[tilespmem:$0x179C0] =	vst v0  }
0x106: {  	v0 =	vadd.f32 v11, v3;
	[tilespmem:$0x179D0] =	vst v1  }
0x107: {  	[tilespmem:$0x179E0] =	vst v2  }
0x108: {  	s22 =	simm.s32 $0x0;
	[tilespmem:$0x179F0] =	vst v0  }
0x109: {  	v2 =	vld [tilespmem:s22+$0x6480]  }
0x10a: {  	v5 =	vld [tilespmem:s22+$0x6490]  }
0x10b: {  	v3 =	vld [tilespmem:s22+$0x64A0]  }
0x10c: {  	v4 =	vld [tilespmem:s22+$0x64B0]  }
0x10d: {  	v0 =	vld [tilespmem:s22+$0x64C0]  }
0x10e: {  	v1 =	vld [tilespmem:s22+$0x64D0]  }
0x10f: {  	v19 =	vld [tilespmem:s22+$0x6400]  }
0x110: {  	v20 =	vld [tilespmem:s22+$0x6410]  }
0x111: {  	v18 =	vld [tilespmem:s22+$0x6420]  }
0x112: {  	v17 =	vld [tilespmem:s22+$0x6430]  }
0x113: {  	v13 =	vimm.f32 $0.0e+00;
	v12 =	vimm.f32 $0.0e+00;
	v14 =	vld [tilespmem:s22+$0x6440]  }
0x114: {  	v10 =	vimm.f32 $0.0e+00;
	v8 =	vimm.f32 $0.0e+00;
	v9 =	vimm.f32 $0.0e+00;
	v15 =	vld [tilespmem:s22+$0x6450]  }
0x115: {  	s23 =	simm.s32 $0x400;
	v7 =	vimm.f32 $0.0e+00;
	v6 =	vimm.f32 $0.0e+00;
	v11 =	vimm.f32 $0.0e+00;
	v16 =	vld [tilespmem:s22+$0x6460]  }
.LBB2_14:
0x116: {  	p2 =	sne.s32 s23, $0x5800;
	v10 =	vadd.f32 v19, v10;
	v11 =	vadd.f32 v20, v11;
	v19 =	vld [tilespmem:s22+$0x6470]  }
0x117: {  	v13 =	vadd.f32 v18, v13;
	v12 =	vadd.f32 v17, v12;
	v17 =	vld [tilespmem:s22+$0x64E0]  }
0x118: {  	v10 =	vadd.f32 v2, v10;
	v11 =	vadd.f32 v5, v11;
	v18 =	vld [tilespmem:s22+$0x64F0];
	s22 =	sshra.s32 s23, $0x2  }
0x119: {  	v13 =	vadd.f32 v3, v13;
	v2 =	vld [tilespmem:s22+$0x6480];
	v12 =	vadd.f32 v4, v12  }
0x11a: {  	v8 =	vadd.f32 v14, v8;
	v9 =	vadd.f32 v15, v9;
	v5 =	vld [tilespmem:s22+$0x6490]  }
0x11b: {  	v7 =	vadd.f32 v16, v7;
	v3 =	vld [tilespmem:s22+$0x64A0];
	v6 =	vadd.f32 v19, v6  }
0x11c: {  	v8 =	vadd.f32 v0, v8;
	v9 =	vadd.f32 v1, v9;
	v4 =	vld [tilespmem:s22+$0x64B0]  }
0x11d: {  	v7 =	vadd.f32 v17, v7;
	v0 =	vld [tilespmem:s22+$0x64C0];
	v6 =	vadd.f32 v18, v6  }
0x11e: {  	v1 =	vld [tilespmem:s22+$0x64D0]  }
0x11f: {  	v19 =	vld [tilespmem:s22+$0x6400]  }
0x120: {  	v20 =	vld [tilespmem:s22+$0x6410]  }
.Ltmp6:
0x121: {  	v18 =	vld [tilespmem:s22+$0x6420];
	(pc) =	sbr.rel @p2 .LBB2_14-.Ltmp6, $4  }
0x122: {  	v17 =	vld [tilespmem:s22+$0x6430]  }
0x123: {  	v14 =	vld [tilespmem:s22+$0x6440]  }
0x124: {  	v15 =	vld [tilespmem:s22+$0x6450]  }
0x125: {  	s23 =	sadd.s32 $0x400, s23;
	v16 =	vld [tilespmem:s22+$0x6460]  }
0x126: {  	v10 =	vadd.f32 v19, v10  }
0x127: {  	v11 =	vadd.f32 v20, v11  }
0x128: {  	v19 =	vld [tilespmem:s22+$0x6470];
	v13 =	vadd.f32 v18, v13;
	v2 =	vadd.f32 v2, v10  }
0x129: {  	v18 =	vld [tilespmem:s22+$0x64E0];
	v10 =	vadd.f32 v17, v12;
	v5 =	vadd.f32 v5, v11  }
0x12a: {  	v11 =	vld [tilespmem:s22+$0x64F0];
	v3 =	vadd.f32 v3, v13;
	v8 =	vadd.f32 v14, v8;
	[tilespmem:$0x17A00] =	vst v2  }
0x12b: {  	v2 =	vadd.f32 v4, v10;
	v4 =	vadd.f32 v15, v9;
	[tilespmem:$0x17A10] =	vst v5  }
0x12c: {  	v5 =	vadd.f32 v16, v7;
	v0 =	vadd.f32 v0, v8;
	[tilespmem:$0x17A20] =	vst v3  }
0x12d: {  	v3 =	vadd.f32 v19, v6;
	v1 =	vadd.f32 v1, v4;
	[tilespmem:$0x17A30] =	vst v2  }
0x12e: {  	v2 =	vadd.f32 v18, v5;
	[tilespmem:$0x17A40] =	vst v0  }
0x12f: {  	v0 =	vadd.f32 v11, v3;
	[tilespmem:$0x17A50] =	vst v1  }
0x130: {  	[tilespmem:$0x17A60] =	vst v2  }
0x131: {  	s22 =	simm.s32 $0x0;
	[tilespmem:$0x17A70] =	vst v0  }
0x132: {  	v2 =	vld [tilespmem:s22+$0x7B80]  }
0x133: {  	v5 =	vld [tilespmem:s22+$0x7B90]  }
0x134: {  	v3 =	vld [tilespmem:s22+$0x7BA0]  }
0x135: {  	v4 =	vld [tilespmem:s22+$0x7BB0]  }
0x136: {  	v0 =	vld [tilespmem:s22+$0x7BC0]  }
0x137: {  	v1 =	vld [tilespmem:s22+$0x7BD0]  }
0x138: {  	v19 =	vld [tilespmem:s22+$0x7B00]  }
0x139: {  	v20 =	vld [tilespmem:s22+$0x7B10]  }
0x13a: {  	v18 =	vld [tilespmem:s22+$0x7B20]  }
0x13b: {  	v17 =	vld [tilespmem:s22+$0x7B30]  }
0x13c: {  	v13 =	vimm.f32 $0.0e+00;
	v12 =	vimm.f32 $0.0e+00;
	v14 =	vld [tilespmem:s22+$0x7B40]  }
0x13d: {  	v10 =	vimm.f32 $0.0e+00;
	v8 =	vimm.f32 $0.0e+00;
	v9 =	vimm.f32 $0.0e+00;
	v15 =	vld [tilespmem:s22+$0x7B50]  }
0x13e: {  	s23 =	simm.s32 $0x400;
	v7 =	vimm.f32 $0.0e+00;
	v6 =	vimm.f32 $0.0e+00;
	v11 =	vimm.f32 $0.0e+00;
	v16 =	vld [tilespmem:s22+$0x7B60]  }
.LBB2_16:
0x13f: {  	p2 =	sne.s32 s23, $0x5800;
	v10 =	vadd.f32 v19, v10;
	v11 =	vadd.f32 v20, v11;
	v19 =	vld [tilespmem:s22+$0x7B70]  }
0x140: {  	v13 =	vadd.f32 v18, v13;
	v12 =	vadd.f32 v17, v12;
	v17 =	vld [tilespmem:s22+$0x7BE0]  }
0x141: {  	v10 =	vadd.f32 v2, v10;
	v11 =	vadd.f32 v5, v11;
	v18 =	vld [tilespmem:s22+$0x7BF0];
	s22 =	sshra.s32 s23, $0x2  }
0x142: {  	v13 =	vadd.f32 v3, v13;
	v2 =	vld [tilespmem:s22+$0x7B80];
	v12 =	vadd.f32 v4, v12  }
0x143: {  	v8 =	vadd.f32 v14, v8;
	v9 =	vadd.f32 v15, v9;
	v5 =	vld [tilespmem:s22+$0x7B90]  }
0x144: {  	v7 =	vadd.f32 v16, v7;
	v3 =	vld [tilespmem:s22+$0x7BA0];
	v6 =	vadd.f32 v19, v6  }
0x145: {  	v8 =	vadd.f32 v0, v8;
	v9 =	vadd.f32 v1, v9;
	v4 =	vld [tilespmem:s22+$0x7BB0]  }
0x146: {  	v7 =	vadd.f32 v17, v7;
	v0 =	vld [tilespmem:s22+$0x7BC0];
	v6 =	vadd.f32 v18, v6  }
0x147: {  	v1 =	vld [tilespmem:s22+$0x7BD0]  }
0x148: {  	v19 =	vld [tilespmem:s22+$0x7B00]  }
0x149: {  	v20 =	vld [tilespmem:s22+$0x7B10]  }
.Ltmp7:
0x14a: {  	v18 =	vld [tilespmem:s22+$0x7B20];
	(pc) =	sbr.rel @p2 .LBB2_16-.Ltmp7, $4  }
0x14b: {  	v17 =	vld [tilespmem:s22+$0x7B30]  }
0x14c: {  	v14 =	vld [tilespmem:s22+$0x7B40]  }
0x14d: {  	v15 =	vld [tilespmem:s22+$0x7B50]  }
0x14e: {  	s23 =	sadd.s32 $0x400, s23;
	v16 =	vld [tilespmem:s22+$0x7B60]  }
0x14f: {  	v10 =	vadd.f32 v19, v10  }
0x150: {  	v11 =	vadd.f32 v20, v11  }
0x151: {  	v19 =	vld [tilespmem:s22+$0x7B70];
	v13 =	vadd.f32 v18, v13;
	v2 =	vadd.f32 v2, v10  }
0x152: {  	v18 =	vld [tilespmem:s22+$0x7BE0];
	v10 =	vadd.f32 v17, v12;
	v5 =	vadd.f32 v5, v11  }
0x153: {  	v11 =	vld [tilespmem:s22+$0x7BF0];
	v3 =	vadd.f32 v3, v13;
	v8 =	vadd.f32 v14, v8;
	[tilespmem:$0x17A80] =	vst v2  }
0x154: {  	v2 =	vadd.f32 v4, v10;
	v4 =	vadd.f32 v15, v9;
	[tilespmem:$0x17A90] =	vst v5  }
0x155: {  	v5 =	vadd.f32 v16, v7;
	v0 =	vadd.f32 v0, v8;
	[tilespmem:$0x17AA0] =	vst v3  }
0x156: {  	v3 =	vadd.f32 v19, v6;
	v1 =	vadd.f32 v1, v4;
	[tilespmem:$0x17AB0] =	vst v2  }
0x157: {  	v2 =	vadd.f32 v18, v5;
	[tilespmem:$0x17AC0] =	vst v0  }
0x158: {  	v0 =	vadd.f32 v11, v3;
	[tilespmem:$0x17AD0] =	vst v1  }
0x159: {  	[tilespmem:$0x17AE0] =	vst v2  }
0x15a: {  	s22 =	simm.s32 $0x0;
	[tilespmem:$0x17AF0] =	vst v0  }
0x15b: {  	v2 =	vld [tilespmem:s22+$0x9280]  }
0x15c: {  	v5 =	vld [tilespmem:s22+$0x9290]  }
0x15d: {  	v3 =	vld [tilespmem:s22+$0x92A0]  }
0x15e: {  	v4 =	vld [tilespmem:s22+$0x92B0]  }
0x15f: {  	v0 =	vld [tilespmem:s22+$0x92C0]  }
0x160: {  	v1 =	vld [tilespmem:s22+$0x92D0]  }
0x161: {  	v19 =	vld [tilespmem:s22+$0x9200]  }
0x162: {  	v20 =	vld [tilespmem:s22+$0x9210]  }
0x163: {  	v18 =	vld [tilespmem:s22+$0x9220]  }
0x164: {  	v17 =	vld [tilespmem:s22+$0x9230]  }
0x165: {  	v13 =	vimm.f32 $0.0e+00;
	v12 =	vimm.f32 $0.0e+00;
	v14 =	vld [tilespmem:s22+$0x9240]  }
0x166: {  	v10 =	vimm.f32 $0.0e+00;
	v8 =	vimm.f32 $0.0e+00;
	v9 =	vimm.f32 $0.0e+00;
	v15 =	vld [tilespmem:s22+$0x9250]  }
0x167: {  	s23 =	simm.s32 $0x400;
	v7 =	vimm.f32 $0.0e+00;
	v6 =	vimm.f32 $0.0e+00;
	v11 =	vimm.f32 $0.0e+00;
	v16 =	vld [tilespmem:s22+$0x9260]  }
.LBB2_18:
0x168: {  	p2 =	sne.s32 s23, $0x5800;
	v10 =	vadd.f32 v19, v10;
	v11 =	vadd.f32 v20, v11;
	v19 =	vld [tilespmem:s22+$0x9270]  }
0x169: {  	v13 =	vadd.f32 v18, v13;
	v12 =	vadd.f32 v17, v12;
	v17 =	vld [tilespmem:s22+$0x92E0]  }
0x16a: {  	v10 =	vadd.f32 v2, v10;
	v11 =	vadd.f32 v5, v11;
	v18 =	vld [tilespmem:s22+$0x92F0];
	s22 =	sshra.s32 s23, $0x2  }
0x16b: {  	v13 =	vadd.f32 v3, v13;
	v2 =	vld [tilespmem:s22+$0x9280];
	v12 =	vadd.f32 v4, v12  }
0x16c: {  	v8 =	vadd.f32 v14, v8;
	v9 =	vadd.f32 v15, v9;
	v5 =	vld [tilespmem:s22+$0x9290]  }
0x16d: {  	v7 =	vadd.f32 v16, v7;
	v3 =	vld [tilespmem:s22+$0x92A0];
	v6 =	vadd.f32 v19, v6  }
0x16e: {  	v8 =	vadd.f32 v0, v8;
	v9 =	vadd.f32 v1, v9;
	v4 =	vld [tilespmem:s22+$0x92B0]  }
0x16f: {  	v7 =	vadd.f32 v17, v7;
	v0 =	vld [tilespmem:s22+$0x92C0];
	v6 =	vadd.f32 v18, v6  }
0x170: {  	v1 =	vld [tilespmem:s22+$0x92D0]  }
0x171: {  	v19 =	vld [tilespmem:s22+$0x9200]  }
0x172: {  	v20 =	vld [tilespmem:s22+$0x9210]  }
.Ltmp8:
0x173: {  	v18 =	vld [tilespmem:s22+$0x9220];
	(pc) =	sbr.rel @p2 .LBB2_18-.Ltmp8, $4  }
0x174: {  	v17 =	vld [tilespmem:s22+$0x9230]  }
0x175: {  	v14 =	vld [tilespmem:s22+$0x9240]  }
0x176: {  	v15 =	vld [tilespmem:s22+$0x9250]  }
0x177: {  	s23 =	sadd.s32 $0x400, s23;
	v16 =	vld [tilespmem:s22+$0x9260]  }
0x178: {  	v10 =	vadd.f32 v19, v10  }
0x179: {  	v11 =	vadd.f32 v20, v11  }
0x17a: {  	v19 =	vld [tilespmem:s22+$0x9270];
	v13 =	vadd.f32 v18, v13;
	v2 =	vadd.f32 v2, v10  }
0x17b: {  	v18 =	vld [tilespmem:s22+$0x92E0];
	v10 =	vadd.f32 v17, v12;
	v5 =	vadd.f32 v5, v11  }
0x17c: {  	v11 =	vld [tilespmem:s22+$0x92F0];
	v3 =	vadd.f32 v3, v13;
	v8 =	vadd.f32 v14, v8;
	[tilespmem:$0x17B00] =	vst v2  }
0x17d: {  	v2 =	vadd.f32 v4, v10;
	v4 =	vadd.f32 v15, v9;
	[tilespmem:$0x17B10] =	vst v5  }
0x17e: {  	v5 =	vadd.f32 v16, v7;
	v0 =	vadd.f32 v0, v8;
	[tilespmem:$0x17B20] =	vst v3  }
0x17f: {  	v3 =	vadd.f32 v19, v6;
	v1 =	vadd.f32 v1, v4;
	[tilespmem:$0x17B30] =	vst v2  }
0x180: {  	v2 =	vadd.f32 v18, v5;
	[tilespmem:$0x17B40] =	vst v0  }
0x181: {  	v0 =	vadd.f32 v11, v3;
	[tilespmem:$0x17B50] =	vst v1  }
0x182: {  	[tilespmem:$0x17B60] =	vst v2  }
0x183: {  	s22 =	simm.s32 $0x0;
	[tilespmem:$0x17B70] =	vst v0  }
0x184: {  	v2 =	vld [tilespmem:s22+$0xA980]  }
0x185: {  	v5 =	vld [tilespmem:s22+$0xA990]  }
0x186: {  	v3 =	vld [tilespmem:s22+$0xA9A0]  }
0x187: {  	v4 =	vld [tilespmem:s22+$0xA9B0]  }
0x188: {  	v0 =	vld [tilespmem:s22+$0xA9C0]  }
0x189: {  	v1 =	vld [tilespmem:s22+$0xA9D0]  }
0x18a: {  	v19 =	vld [tilespmem:s22+$0xA900]  }
0x18b: {  	v20 =	vld [tilespmem:s22+$0xA910]  }
0x18c: {  	v18 =	vld [tilespmem:s22+$0xA920]  }
0x18d: {  	v17 =	vld [tilespmem:s22+$0xA930]  }
0x18e: {  	v13 =	vimm.f32 $0.0e+00;
	v12 =	vimm.f32 $0.0e+00;
	v14 =	vld [tilespmem:s22+$0xA940]  }
0x18f: {  	v10 =	vimm.f32 $0.0e+00;
	v8 =	vimm.f32 $0.0e+00;
	v9 =	vimm.f32 $0.0e+00;
	v15 =	vld [tilespmem:s22+$0xA950]  }
0x190: {  	s23 =	simm.s32 $0x400;
	v7 =	vimm.f32 $0.0e+00;
	v6 =	vimm.f32 $0.0e+00;
	v11 =	vimm.f32 $0.0e+00;
	v16 =	vld [tilespmem:s22+$0xA960]  }
.LBB2_20:
0x191: {  	p2 =	sne.s32 s23, $0x5800;
	v10 =	vadd.f32 v19, v10;
	v11 =	vadd.f32 v20, v11;
	v19 =	vld [tilespmem:s22+$0xA970]  }
0x192: {  	v13 =	vadd.f32 v18, v13;
	v12 =	vadd.f32 v17, v12;
	v17 =	vld [tilespmem:s22+$0xA9E0]  }
0x193: {  	v10 =	vadd.f32 v2, v10;
	v11 =	vadd.f32 v5, v11;
	v18 =	vld [tilespmem:s22+$0xA9F0];
	s22 =	sshra.s32 s23, $0x2  }
0x194: {  	v13 =	vadd.f32 v3, v13;
	v2 =	vld [tilespmem:s22+$0xA980];
	v12 =	vadd.f32 v4, v12  }
0x195: {  	v8 =	vadd.f32 v14, v8;
	v9 =	vadd.f32 v15, v9;
	v5 =	vld [tilespmem:s22+$0xA990]  }
0x196: {  	v7 =	vadd.f32 v16, v7;
	v3 =	vld [tilespmem:s22+$0xA9A0];
	v6 =	vadd.f32 v19, v6  }
0x197: {  	v8 =	vadd.f32 v0, v8;
	v9 =	vadd.f32 v1, v9;
	v4 =	vld [tilespmem:s22+$0xA9B0]  }
0x198: {  	v7 =	vadd.f32 v17, v7;
	v0 =	vld [tilespmem:s22+$0xA9C0];
	v6 =	vadd.f32 v18, v6  }
0x199: {  	v1 =	vld [tilespmem:s22+$0xA9D0]  }
0x19a: {  	v19 =	vld [tilespmem:s22+$0xA900]  }
0x19b: {  	v20 =	vld [tilespmem:s22+$0xA910]  }
.Ltmp9:
0x19c: {  	v18 =	vld [tilespmem:s22+$0xA920];
	(pc) =	sbr.rel @p2 .LBB2_20-.Ltmp9, $4  }
0x19d: {  	v17 =	vld [tilespmem:s22+$0xA930]  }
0x19e: {  	v14 =	vld [tilespmem:s22+$0xA940]  }
0x19f: {  	v15 =	vld [tilespmem:s22+$0xA950]  }
0x1a0: {  	s23 =	sadd.s32 $0x400, s23;
	v16 =	vld [tilespmem:s22+$0xA960]  }
0x1a1: {  	v10 =	vadd.f32 v19, v10  }
0x1a2: {  	v11 =	vadd.f32 v20, v11  }
0x1a3: {  	v19 =	vld [tilespmem:s22+$0xA970];
	v13 =	vadd.f32 v18, v13;
	v2 =	vadd.f32 v2, v10  }
0x1a4: {  	v18 =	vld [tilespmem:s22+$0xA9E0];
	v10 =	vadd.f32 v17, v12;
	v5 =	vadd.f32 v5, v11  }
0x1a5: {  	v11 =	vld [tilespmem:s22+$0xA9F0];
	v3 =	vadd.f32 v3, v13;
	v8 =	vadd.f32 v14, v8;
	[tilespmem:$0x17B80] =	vst v2  }
0x1a6: {  	v2 =	vadd.f32 v4, v10;
	v4 =	vadd.f32 v15, v9;
	[tilespmem:$0x17B90] =	vst v5  }
0x1a7: {  	v5 =	vadd.f32 v16, v7;
	v0 =	vadd.f32 v0, v8;
	[tilespmem:$0x17BA0] =	vst v3  }
0x1a8: {  	v3 =	vadd.f32 v19, v6;
	v1 =	vadd.f32 v1, v4;
	[tilespmem:$0x17BB0] =	vst v2  }
0x1a9: {  	v2 =	vadd.f32 v18, v5;
	[tilespmem:$0x17BC0] =	vst v0  }
0x1aa: {  	v0 =	vadd.f32 v11, v3;
	[tilespmem:$0x17BD0] =	vst v1  }
0x1ab: {  	s25 =	sshll.u32 s16, $0x8;
	[tilespmem:$0x17BE0] =	vst v2  }
0x1ac: {  	s22 =	sadd.s32 s25, s11;
	[tilespmem:$0x17BF0] =	vst v0  }
0x1ad: {  	[hbm4b:s22+s3] =	stream.linear.scatter [tilespmem:s13], [sflag:$0x5], $0x400, $0x38;
	[tilespmem:$0x18280] =	vst v63  }
0x1ae: {  	s22 =	simm.s32 @p0 $0x2  }
0x1af: {  	_ =	swait.ge @p0 [sflag:s22], $0xB800  }
0x1b0: {  	[sflag:s22] =	ssyncset.done @p0 $0x0  }
0x1b1: {  	[sflag:s22] =	ssyncadd.s32 @p0 $0xFFFF4800;
	s22 =	simm.s32 @!p0 $0x3  }
0x1b2: {  	_ =	swait.ge @!p0 [sflag:s22], $0x400  }
0x1b3: {  	s16 =	sshll.u32 @!p0 s16, $0x4;
	[sflag:s22] =	ssyncset.done @!p0 $0x0  }
0x1b4: {  	s16 =	sand.u32 @!p0 $0x3FFFFFF0, s16;
	[sflag:s22] =	ssyncadd.s32 @!p0 $0xFFFFFC00  }
0x1b5: {  	v0 =	vld @!p0 [tilespmem:s16+$0x18010];
	_ =	sdelay $0x4  }
0x1b6: {  	v0 =	vmul.u32 @!p0 $0xC48000, v0;
	_ =	sdelay $0x1  }
0x1b7: {  	v0 =	vshrl.u32 @!p0 v0, $0x3  }
0x1b8: {  	v0 =	vadd.s32 @!p0 s1, v0  }
0x1b9: {  	(v2sf) =	vpush @!p0 v0, $0x0;
	_ =	sdelay $0x2  }
0x1ba: {  	(v2sf) =	vpush @!p0 v0, $0x1;
	_ =	sdelay $0x1  }
0x1bb: {  	(v2sf) =	vpush @!p0 v0, $0x2;
	_ =	sdelay $0x1  }
0x1bc: {  	(v2sf) =	vpush @!p0 v0, $0x3;
	_ =	sdelay $0x1  }
0x1bd: {  	(v2sf) =	vpush @!p0 v0, $0x4;
	_ =	sdelay $0x1  }
0x1be: {  	(v2sf) =	vpush @!p0 v0, $0x5;
	_ =	sdelay $0x1  }
0x1bf: {  	(v2sf) =	vpush @!p0 v0, $0x6;
	_ =	sdelay $0x1  }
0x1c0: {  	s16 =	spop @!p0 (v2sf);
	(v2sf) =	vpush @!p0 v0, $0x7  }
0x1c1: {  	s23 =	simm.s32 @!p0 $0x0;
	s24 =	simm.s32 @!p0 $0x800;
	s22 =	simm.s32 @!p0 $0x2E  }
0x1c2: {  	[tilespmem:s24], [sflag:$0x1] =	stream.indirect.gather @!p0 [hbm4b:s16+s22], $0x80, s23, s22, $0xb8;
	[tilespmem:$0x18280] =	vst v63  }
0x1c3: {  	s25 =	simm.s32 @!p0 $0x1F00;
	s16 =	spop @!p0 (v2sf);
	s24 =	simm.s32 @!p0 $0x80  }
0x1c4: {  	[tilespmem:s25], [sflag:$0x1] =	stream.indirect.gather @!p0 [hbm4b:s16+s22], $0x80, s24, s22, $0xb8;
	[tilespmem:$0x18280] =	vst v63  }
0x1c5: {  	s16 =	spop @!p0 (v2sf);
	s24 =	simm.s32 @!p0 $0x100;
	s25 =	simm.s32 @!p0 $0x3600  }
0x1c6: {  	[tilespmem:s25], [sflag:$0x1] =	stream.indirect.gather @!p0 [hbm4b:s16+s22], $0x80, s24, s22, $0xb8;
	[tilespmem:$0x18280] =	vst v63  }
0x1c7: {  	s16 =	spop @!p0 (v2sf);
	s24 =	simm.s32 @!p0 $0x180;
	s25 =	simm.s32 @!p0 $0x4D00  }
0x1c8: {  	[tilespmem:s25], [sflag:$0x1] =	stream.indirect.gather @!p0 [hbm4b:s16+s22], $0x80, s24, s22, $0xb8;
	[tilespmem:$0x18280] =	vst v63  }
0x1c9: {  	s16 =	spop @!p0 (v2sf);
	s24 =	simm.s32 @!p0 $0x200;
	s25 =	simm.s32 @!p0 $0x6400  }
0x1ca: {  	[tilespmem:s25], [sflag:$0x1] =	stream.indirect.gather @!p0 [hbm4b:s16+s22], $0x80, s24, s22, $0xb8;
	[tilespmem:$0x18280] =	vst v63  }
0x1cb: {  	s16 =	spop @!p0 (v2sf);
	s24 =	simm.s32 @!p0 $0x280;
	s25 =	simm.s32 @!p0 $0x7B00  }
0x1cc: {  	[tilespmem:s25], [sflag:$0x1] =	stream.indirect.gather @!p0 [hbm4b:s16+s22], $0x80, s24, s22, $0xb8;
	[tilespmem:$0x18280] =	vst v63  }
0x1cd: {  	s16 =	spop @!p0 (v2sf);
	s24 =	simm.s32 @!p0 $0x300;
	s25 =	simm.s32 @!p0 $0x9200  }
0x1ce: {  	[tilespmem:s25], [sflag:$0x1] =	stream.indirect.gather @!p0 [hbm4b:s16+s22], $0x80, s24, s22, $0xb8;
	[tilespmem:$0x18280] =	vst v63  }
0x1cf: {  	s24 =	simm.s32 @!p0 $0x380;
	s25 =	simm.s32 @!p0 $0xA900;
	s16 =	spop @!p0 (v2sf)  }
0x1d0: {  	[tilespmem:s25], [sflag:$0x1] =	stream.indirect.gather @!p0 [hbm4b:s16+s22], $0x80, s24, s22, $0xb8;
	[tilespmem:$0x18280] =	vst v63  }
0x1d1: {  	s16 =	simm.s32 @!p0 $0x2  }
0x1d2: {  	s20 =	sadd.s32 @!p0 s20, s12;
	_ =	swait.ge @!p0 [sflag:s16], $0xB800  }
0x1d3: {  	s20 =	sshll.u32 @!p0 s20, $0x4;
	[sflag:s16] =	ssyncset.done @!p0 $0x0  }
0x1d4: {  	[sflag:s16] =	ssyncadd.s32 @!p0 $0xFFFF4800;
	s16 =	sadd.s32 @!p0 s4, s20;
	s20 =	simm.s32 @!p0 $0x400  }
0x1d5: {  	[tilespmem:s20], [sflag:$0x4] =	stream.linear.gather @!p0 [hbm4b:s16+s23], $0x400, $0x38;
	[tilespmem:$0x18280] =	vst v63  }
0x1d6: {  	s16 =	simm.s32 @!p1 $0x6  }
0x1d7: {  	_ =	swait.ge @!p1 [sflag:s16], $0x400  }
0x1d8: {  	[sflag:s16] =	ssyncset.done @!p1 $0x0  }
0x1d9: {  	[sflag:s16] =	ssyncadd.s32 @!p1 $0xFFFFFC00;
	s16 =	simm.s32 $0x0  }
0x1da: {  	v2 =	vld [tilespmem:s16+$0xC080]  }
0x1db: {  	v5 =	vld [tilespmem:s16+$0xC090]  }
0x1dc: {  	v3 =	vld [tilespmem:s16+$0xC0A0]  }
0x1dd: {  	v4 =	vld [tilespmem:s16+$0xC0B0]  }
0x1de: {  	v0 =	vld [tilespmem:s16+$0xC0C0]  }
0x1df: {  	v1 =	vld [tilespmem:s16+$0xC0D0]  }
0x1e0: {  	v19 =	vld [tilespmem:s16+$0xC000]  }
0x1e1: {  	v20 =	vld [tilespmem:s16+$0xC010]  }
0x1e2: {  	v18 =	vld [tilespmem:s16+$0xC020]  }
0x1e3: {  	v17 =	vld [tilespmem:s16+$0xC030]  }
0x1e4: {  	v13 =	vimm.f32 $0.0e+00;
	v12 =	vimm.f32 $0.0e+00;
	v14 =	vld [tilespmem:s16+$0xC040]  }
0x1e5: {  	v10 =	vimm.f32 $0.0e+00;
	v8 =	vimm.f32 $0.0e+00;
	v9 =	vimm.f32 $0.0e+00;
	v15 =	vld [tilespmem:s16+$0xC050]  }
0x1e6: {  	v7 =	vimm.f32 $0.0e+00;
	v6 =	vimm.f32 $0.0e+00;
	v11 =	vimm.f32 $0.0e+00;
	s20 =	simm.s32 $0x400;
	v16 =	vld [tilespmem:s16+$0xC060]  }
.LBB2_22:
0x1e7: {  	p0 =	sne.s32 s20, $0x5800;
	v10 =	vadd.f32 v19, v10;
	v11 =	vadd.f32 v20, v11;
	v19 =	vld [tilespmem:s16+$0xC070]  }
0x1e8: {  	v13 =	vadd.f32 v18, v13;
	v12 =	vadd.f32 v17, v12;
	v17 =	vld [tilespmem:s16+$0xC0E0]  }
0x1e9: {  	v10 =	vadd.f32 v2, v10;
	v11 =	vadd.f32 v5, v11;
	v18 =	vld [tilespmem:s16+$0xC0F0];
	s16 =	sshra.s32 s20, $0x2  }
0x1ea: {  	v13 =	vadd.f32 v3, v13;
	v2 =	vld [tilespmem:s16+$0xC080];
	v12 =	vadd.f32 v4, v12  }
0x1eb: {  	v8 =	vadd.f32 v14, v8;
	v9 =	vadd.f32 v15, v9;
	v5 =	vld [tilespmem:s16+$0xC090]  }
0x1ec: {  	v7 =	vadd.f32 v16, v7;
	v3 =	vld [tilespmem:s16+$0xC0A0];
	v6 =	vadd.f32 v19, v6  }
0x1ed: {  	v8 =	vadd.f32 v0, v8;
	v9 =	vadd.f32 v1, v9;
	v4 =	vld [tilespmem:s16+$0xC0B0]  }
0x1ee: {  	v7 =	vadd.f32 v17, v7;
	v0 =	vld [tilespmem:s16+$0xC0C0];
	v6 =	vadd.f32 v18, v6  }
0x1ef: {  	v1 =	vld [tilespmem:s16+$0xC0D0]  }
0x1f0: {  	v19 =	vld [tilespmem:s16+$0xC000]  }
0x1f1: {  	v20 =	vld [tilespmem:s16+$0xC010]  }
.Ltmp10:
0x1f2: {  	v18 =	vld [tilespmem:s16+$0xC020];
	(pc) =	sbr.rel @p0 .LBB2_22-.Ltmp10, $4  }
0x1f3: {  	v17 =	vld [tilespmem:s16+$0xC030]  }
0x1f4: {  	v14 =	vld [tilespmem:s16+$0xC040]  }
0x1f5: {  	v15 =	vld [tilespmem:s16+$0xC050]  }
0x1f6: {  	s20 =	sadd.s32 $0x400, s20;
	v16 =	vld [tilespmem:s16+$0xC060]  }
0x1f7: {  	v10 =	vadd.f32 v19, v10  }
0x1f8: {  	v11 =	vadd.f32 v20, v11  }
0x1f9: {  	v19 =	vld [tilespmem:s16+$0xC070];
	v13 =	vadd.f32 v18, v13;
	v2 =	vadd.f32 v2, v10  }
0x1fa: {  	v18 =	vld [tilespmem:s16+$0xC0E0];
	v10 =	vadd.f32 v17, v12;
	v5 =	vadd.f32 v5, v11  }
0x1fb: {  	v11 =	vld [tilespmem:s16+$0xC0F0];
	v3 =	vadd.f32 v3, v13;
	v8 =	vadd.f32 v14, v8;
	[tilespmem:$0x17C00] =	vst v2  }
0x1fc: {  	v2 =	vadd.f32 v4, v10;
	v4 =	vadd.f32 v15, v9;
	[tilespmem:$0x17C10] =	vst v5  }
0x1fd: {  	v5 =	vadd.f32 v16, v7;
	v0 =	vadd.f32 v0, v8;
	[tilespmem:$0x17C20] =	vst v3  }
0x1fe: {  	v3 =	vadd.f32 v19, v6;
	v1 =	vadd.f32 v1, v4;
	[tilespmem:$0x17C30] =	vst v2  }
0x1ff: {  	v2 =	vadd.f32 v18, v5;
	[tilespmem:$0x17C40] =	vst v0  }
0x200: {  	v0 =	vadd.f32 v11, v3;
	[tilespmem:$0x17C50] =	vst v1  }
0x201: {  	[tilespmem:$0x17C60] =	vst v2  }
0x202: {  	s16 =	simm.s32 $0x0;
	[tilespmem:$0x17C70] =	vst v0  }
0x203: {  	v2 =	vld [tilespmem:s16+$0xD780]  }
0x204: {  	v5 =	vld [tilespmem:s16+$0xD790]  }
0x205: {  	v3 =	vld [tilespmem:s16+$0xD7A0]  }
0x206: {  	v4 =	vld [tilespmem:s16+$0xD7B0]  }
0x207: {  	v0 =	vld [tilespmem:s16+$0xD7C0]  }
0x208: {  	v1 =	vld [tilespmem:s16+$0xD7D0]  }
0x209: {  	v19 =	vld [tilespmem:s16+$0xD700]  }
0x20a: {  	v20 =	vld [tilespmem:s16+$0xD710]  }
0x20b: {  	v18 =	vld [tilespmem:s16+$0xD720]  }
0x20c: {  	v17 =	vld [tilespmem:s16+$0xD730]  }
0x20d: {  	v13 =	vimm.f32 $0.0e+00;
	v12 =	vimm.f32 $0.0e+00;
	v14 =	vld [tilespmem:s16+$0xD740]  }
0x20e: {  	v10 =	vimm.f32 $0.0e+00;
	v8 =	vimm.f32 $0.0e+00;
	v9 =	vimm.f32 $0.0e+00;
	v15 =	vld [tilespmem:s16+$0xD750]  }
0x20f: {  	s20 =	simm.s32 $0x400;
	v7 =	vimm.f32 $0.0e+00;
	v6 =	vimm.f32 $0.0e+00;
	v11 =	vimm.f32 $0.0e+00;
	v16 =	vld [tilespmem:s16+$0xD760]  }
.LBB2_24:
0x210: {  	p0 =	sne.s32 s20, $0x5800;
	v10 =	vadd.f32 v19, v10;
	v11 =	vadd.f32 v20, v11;
	v19 =	vld [tilespmem:s16+$0xD770]  }
0x211: {  	v13 =	vadd.f32 v18, v13;
	v12 =	vadd.f32 v17, v12;
	v17 =	vld [tilespmem:s16+$0xD7E0]  }
0x212: {  	v10 =	vadd.f32 v2, v10;
	v11 =	vadd.f32 v5, v11;
	v18 =	vld [tilespmem:s16+$0xD7F0];
	s16 =	sshra.s32 s20, $0x2  }
0x213: {  	v13 =	vadd.f32 v3, v13;
	v2 =	vld [tilespmem:s16+$0xD780];
	v12 =	vadd.f32 v4, v12  }
0x214: {  	v8 =	vadd.f32 v14, v8;
	v9 =	vadd.f32 v15, v9;
	v5 =	vld [tilespmem:s16+$0xD790]  }
0x215: {  	v7 =	vadd.f32 v16, v7;
	v3 =	vld [tilespmem:s16+$0xD7A0];
	v6 =	vadd.f32 v19, v6  }
0x216: {  	v8 =	vadd.f32 v0, v8;
	v9 =	vadd.f32 v1, v9;
	v4 =	vld [tilespmem:s16+$0xD7B0]  }
0x217: {  	v7 =	vadd.f32 v17, v7;
	v0 =	vld [tilespmem:s16+$0xD7C0];
	v6 =	vadd.f32 v18, v6  }
0x218: {  	v1 =	vld [tilespmem:s16+$0xD7D0]  }
0x219: {  	v19 =	vld [tilespmem:s16+$0xD700]  }
0x21a: {  	v20 =	vld [tilespmem:s16+$0xD710]  }
.Ltmp11:
0x21b: {  	v18 =	vld [tilespmem:s16+$0xD720];
	(pc) =	sbr.rel @p0 .LBB2_24-.Ltmp11, $4  }
0x21c: {  	v17 =	vld [tilespmem:s16+$0xD730]  }
0x21d: {  	v14 =	vld [tilespmem:s16+$0xD740]  }
0x21e: {  	v15 =	vld [tilespmem:s16+$0xD750]  }
0x21f: {  	s20 =	sadd.s32 $0x400, s20;
	v16 =	vld [tilespmem:s16+$0xD760]  }
0x220: {  	v10 =	vadd.f32 v19, v10  }
0x221: {  	v11 =	vadd.f32 v20, v11  }
0x222: {  	v19 =	vld [tilespmem:s16+$0xD770];
	v13 =	vadd.f32 v18, v13;
	v2 =	vadd.f32 v2, v10  }
0x223: {  	v18 =	vld [tilespmem:s16+$0xD7E0];
	v10 =	vadd.f32 v17, v12;
	v5 =	vadd.f32 v5, v11  }
0x224: {  	v11 =	vld [tilespmem:s16+$0xD7F0];
	v3 =	vadd.f32 v3, v13;
	v8 =	vadd.f32 v14, v8;
	[tilespmem:$0x17C80] =	vst v2  }
0x225: {  	v2 =	vadd.f32 v4, v10;
	v4 =	vadd.f32 v15, v9;
	[tilespmem:$0x17C90] =	vst v5  }
0x226: {  	v5 =	vadd.f32 v16, v7;
	v0 =	vadd.f32 v0, v8;
	[tilespmem:$0x17CA0] =	vst v3  }
0x227: {  	v3 =	vadd.f32 v19, v6;
	v1 =	vadd.f32 v1, v4;
	[tilespmem:$0x17CB0] =	vst v2  }
0x228: {  	v2 =	vadd.f32 v18, v5;
	[tilespmem:$0x17CC0] =	vst v0  }
0x229: {  	v0 =	vadd.f32 v11, v3;
	[tilespmem:$0x17CD0] =	vst v1  }
0x22a: {  	[tilespmem:$0x17CE0] =	vst v2  }
0x22b: {  	s16 =	simm.s32 $0x0;
	[tilespmem:$0x17CF0] =	vst v0  }
0x22c: {  	v2 =	vld [tilespmem:s16+$0xEE80]  }
0x22d: {  	v5 =	vld [tilespmem:s16+$0xEE90]  }
0x22e: {  	v3 =	vld [tilespmem:s16+$0xEEA0]  }
0x22f: {  	v4 =	vld [tilespmem:s16+$0xEEB0]  }
0x230: {  	v0 =	vld [tilespmem:s16+$0xEEC0]  }
0x231: {  	v1 =	vld [tilespmem:s16+$0xEED0]  }
0x232: {  	v19 =	vld [tilespmem:s16+$0xEE00]  }
0x233: {  	v20 =	vld [tilespmem:s16+$0xEE10]  }
0x234: {  	v18 =	vld [tilespmem:s16+$0xEE20]  }
0x235: {  	v17 =	vld [tilespmem:s16+$0xEE30]  }
0x236: {  	v13 =	vimm.f32 $0.0e+00;
	v12 =	vimm.f32 $0.0e+00;
	v14 =	vld [tilespmem:s16+$0xEE40]  }
0x237: {  	v10 =	vimm.f32 $0.0e+00;
	v8 =	vimm.f32 $0.0e+00;
	v9 =	vimm.f32 $0.0e+00;
	v15 =	vld [tilespmem:s16+$0xEE50]  }
0x238: {  	s20 =	simm.s32 $0x400;
	v7 =	vimm.f32 $0.0e+00;
	v6 =	vimm.f32 $0.0e+00;
	v11 =	vimm.f32 $0.0e+00;
	v16 =	vld [tilespmem:s16+$0xEE60]  }
.LBB2_26:
0x239: {  	p0 =	sne.s32 s20, $0x5800;
	v10 =	vadd.f32 v19, v10;
	v11 =	vadd.f32 v20, v11;
	v19 =	vld [tilespmem:s16+$0xEE70]  }
0x23a: {  	v13 =	vadd.f32 v18, v13;
	v12 =	vadd.f32 v17, v12;
	v17 =	vld [tilespmem:s16+$0xEEE0]  }
0x23b: {  	v10 =	vadd.f32 v2, v10;
	v11 =	vadd.f32 v5, v11;
	v18 =	vld [tilespmem:s16+$0xEEF0];
	s16 =	sshra.s32 s20, $0x2  }
0x23c: {  	v13 =	vadd.f32 v3, v13;
	v2 =	vld [tilespmem:s16+$0xEE80];
	v12 =	vadd.f32 v4, v12  }
0x23d: {  	v8 =	vadd.f32 v14, v8;
	v9 =	vadd.f32 v15, v9;
	v5 =	vld [tilespmem:s16+$0xEE90]  }
0x23e: {  	v7 =	vadd.f32 v16, v7;
	v3 =	vld [tilespmem:s16+$0xEEA0];
	v6 =	vadd.f32 v19, v6  }
0x23f: {  	v8 =	vadd.f32 v0, v8;
	v9 =	vadd.f32 v1, v9;
	v4 =	vld [tilespmem:s16+$0xEEB0]  }
0x240: {  	v7 =	vadd.f32 v17, v7;
	v0 =	vld [tilespmem:s16+$0xEEC0];
	v6 =	vadd.f32 v18, v6  }
0x241: {  	v1 =	vld [tilespmem:s16+$0xEED0]  }
0x242: {  	v19 =	vld [tilespmem:s16+$0xEE00]  }
0x243: {  	v20 =	vld [tilespmem:s16+$0xEE10]  }
.Ltmp12:
0x244: {  	v18 =	vld [tilespmem:s16+$0xEE20];
	(pc) =	sbr.rel @p0 .LBB2_26-.Ltmp12, $4  }
0x245: {  	v17 =	vld [tilespmem:s16+$0xEE30]  }
0x246: {  	v14 =	vld [tilespmem:s16+$0xEE40]  }
0x247: {  	v15 =	vld [tilespmem:s16+$0xEE50]  }
0x248: {  	s20 =	sadd.s32 $0x400, s20;
	v16 =	vld [tilespmem:s16+$0xEE60]  }
0x249: {  	v10 =	vadd.f32 v19, v10  }
0x24a: {  	v11 =	vadd.f32 v20, v11  }
0x24b: {  	v19 =	vld [tilespmem:s16+$0xEE70];
	v13 =	vadd.f32 v18, v13;
	v2 =	vadd.f32 v2, v10  }
0x24c: {  	v18 =	vld [tilespmem:s16+$0xEEE0];
	v10 =	vadd.f32 v17, v12;
	v5 =	vadd.f32 v5, v11  }
0x24d: {  	v11 =	vld [tilespmem:s16+$0xEEF0];
	v3 =	vadd.f32 v3, v13;
	v8 =	vadd.f32 v14, v8;
	[tilespmem:$0x17D00] =	vst v2  }
0x24e: {  	v2 =	vadd.f32 v4, v10;
	v4 =	vadd.f32 v15, v9;
	[tilespmem:$0x17D10] =	vst v5  }
0x24f: {  	v5 =	vadd.f32 v16, v7;
	v0 =	vadd.f32 v0, v8;
	[tilespmem:$0x17D20] =	vst v3  }
0x250: {  	v3 =	vadd.f32 v19, v6;
	v1 =	vadd.f32 v1, v4;
	[tilespmem:$0x17D30] =	vst v2  }
0x251: {  	v2 =	vadd.f32 v18, v5;
	[tilespmem:$0x17D40] =	vst v0  }
0x252: {  	v0 =	vadd.f32 v11, v3;
	[tilespmem:$0x17D50] =	vst v1  }
0x253: {  	[tilespmem:$0x17D60] =	vst v2  }
0x254: {  	s16 =	simm.s32 $0x0;
	[tilespmem:$0x17D70] =	vst v0  }
0x255: {  	v2 =	vld [tilespmem:s16+$0x10580]  }
0x256: {  	v5 =	vld [tilespmem:s16+$0x10590]  }
0x257: {  	v3 =	vld [tilespmem:s16+$0x105A0]  }
0x258: {  	v4 =	vld [tilespmem:s16+$0x105B0]  }
0x259: {  	v0 =	vld [tilespmem:s16+$0x105C0]  }
0x25a: {  	v1 =	vld [tilespmem:s16+$0x105D0]  }
0x25b: {  	v19 =	vld [tilespmem:s16+$0x10500]  }
0x25c: {  	v20 =	vld [tilespmem:s16+$0x10510]  }
0x25d: {  	v18 =	vld [tilespmem:s16+$0x10520]  }
0x25e: {  	v17 =	vld [tilespmem:s16+$0x10530]  }
0x25f: {  	v13 =	vimm.f32 $0.0e+00;
	v12 =	vimm.f32 $0.0e+00;
	v14 =	vld [tilespmem:s16+$0x10540]  }
0x260: {  	v10 =	vimm.f32 $0.0e+00;
	v8 =	vimm.f32 $0.0e+00;
	v9 =	vimm.f32 $0.0e+00;
	v15 =	vld [tilespmem:s16+$0x10550]  }
0x261: {  	s20 =	simm.s32 $0x400;
	v7 =	vimm.f32 $0.0e+00;
	v6 =	vimm.f32 $0.0e+00;
	v11 =	vimm.f32 $0.0e+00;
	v16 =	vld [tilespmem:s16+$0x10560]  }
.LBB2_28:
0x262: {  	p0 =	sne.s32 s20, $0x5800;
	v10 =	vadd.f32 v19, v10;
	v11 =	vadd.f32 v20, v11;
	v19 =	vld [tilespmem:s16+$0x10570]  }
0x263: {  	v13 =	vadd.f32 v18, v13;
	v12 =	vadd.f32 v17, v12;
	v17 =	vld [tilespmem:s16+$0x105E0]  }
0x264: {  	v10 =	vadd.f32 v2, v10;
	v11 =	vadd.f32 v5, v11;
	v18 =	vld [tilespmem:s16+$0x105F0];
	s16 =	sshra.s32 s20, $0x2  }
0x265: {  	v13 =	vadd.f32 v3, v13;
	v2 =	vld [tilespmem:s16+$0x10580];
	v12 =	vadd.f32 v4, v12  }
0x266: {  	v8 =	vadd.f32 v14, v8;
	v9 =	vadd.f32 v15, v9;
	v5 =	vld [tilespmem:s16+$0x10590]  }
0x267: {  	v7 =	vadd.f32 v16, v7;
	v3 =	vld [tilespmem:s16+$0x105A0];
	v6 =	vadd.f32 v19, v6  }
0x268: {  	v8 =	vadd.f32 v0, v8;
	v9 =	vadd.f32 v1, v9;
	v4 =	vld [tilespmem:s16+$0x105B0]  }
0x269: {  	v7 =	vadd.f32 v17, v7;
	v0 =	vld [tilespmem:s16+$0x105C0];
	v6 =	vadd.f32 v18, v6  }
0x26a: {  	v1 =	vld [tilespmem:s16+$0x105D0]  }
0x26b: {  	v19 =	vld [tilespmem:s16+$0x10500]  }
0x26c: {  	v20 =	vld [tilespmem:s16+$0x10510]  }
.Ltmp13:
0x26d: {  	v18 =	vld [tilespmem:s16+$0x10520];
	(pc) =	sbr.rel @p0 .LBB2_28-.Ltmp13, $4  }
0x26e: {  	v17 =	vld [tilespmem:s16+$0x10530]  }
0x26f: {  	v14 =	vld [tilespmem:s16+$0x10540]  }
0x270: {  	v15 =	vld [tilespmem:s16+$0x10550]  }
0x271: {  	s20 =	sadd.s32 $0x400, s20;
	v16 =	vld [tilespmem:s16+$0x10560]  }
0x272: {  	v10 =	vadd.f32 v19, v10  }
0x273: {  	v11 =	vadd.f32 v20, v11  }
0x274: {  	v19 =	vld [tilespmem:s16+$0x10570];
	v13 =	vadd.f32 v18, v13;
	v2 =	vadd.f32 v2, v10  }
0x275: {  	v18 =	vld [tilespmem:s16+$0x105E0];
	v10 =	vadd.f32 v17, v12;
	v5 =	vadd.f32 v5, v11  }
0x276: {  	v11 =	vld [tilespmem:s16+$0x105F0];
	v3 =	vadd.f32 v3, v13;
	v8 =	vadd.f32 v14, v8;
	[tilespmem:$0x17D80] =	vst v2  }
0x277: {  	v2 =	vadd.f32 v4, v10;
	v4 =	vadd.f32 v15, v9;
	[tilespmem:$0x17D90] =	vst v5  }
0x278: {  	v5 =	vadd.f32 v16, v7;
	v0 =	vadd.f32 v0, v8;
	[tilespmem:$0x17DA0] =	vst v3  }
0x279: {  	v3 =	vadd.f32 v19, v6;
	v1 =	vadd.f32 v1, v4;
	[tilespmem:$0x17DB0] =	vst v2  }
0x27a: {  	v2 =	vadd.f32 v18, v5;
	[tilespmem:$0x17DC0] =	vst v0  }
0x27b: {  	v0 =	vadd.f32 v11, v3;
	[tilespmem:$0x17DD0] =	vst v1  }
0x27c: {  	[tilespmem:$0x17DE0] =	vst v2  }
0x27d: {  	s16 =	simm.s32 $0x0;
	[tilespmem:$0x17DF0] =	vst v0  }
0x27e: {  	v2 =	vld [tilespmem:s16+$0x11C80]  }
0x27f: {  	v5 =	vld [tilespmem:s16+$0x11C90]  }
0x280: {  	v3 =	vld [tilespmem:s16+$0x11CA0]  }
0x281: {  	v4 =	vld [tilespmem:s16+$0x11CB0]  }
0x282: {  	v0 =	vld [tilespmem:s16+$0x11CC0]  }
0x283: {  	v1 =	vld [tilespmem:s16+$0x11CD0]  }
0x284: {  	v19 =	vld [tilespmem:s16+$0x11C00]  }
0x285: {  	v20 =	vld [tilespmem:s16+$0x11C10]  }
0x286: {  	v18 =	vld [tilespmem:s16+$0x11C20]  }
0x287: {  	v17 =	vld [tilespmem:s16+$0x11C30]  }
0x288: {  	v13 =	vimm.f32 $0.0e+00;
	v12 =	vimm.f32 $0.0e+00;
	v14 =	vld [tilespmem:s16+$0x11C40]  }
0x289: {  	v10 =	vimm.f32 $0.0e+00;
	v8 =	vimm.f32 $0.0e+00;
	v9 =	vimm.f32 $0.0e+00;
	v15 =	vld [tilespmem:s16+$0x11C50]  }
0x28a: {  	s20 =	simm.s32 $0x400;
	v7 =	vimm.f32 $0.0e+00;
	v6 =	vimm.f32 $0.0e+00;
	v11 =	vimm.f32 $0.0e+00;
	v16 =	vld [tilespmem:s16+$0x11C60]  }
.LBB2_30:
0x28b: {  	p0 =	sne.s32 s20, $0x5800;
	v10 =	vadd.f32 v19, v10;
	v11 =	vadd.f32 v20, v11;
	v19 =	vld [tilespmem:s16+$0x11C70]  }
0x28c: {  	v13 =	vadd.f32 v18, v13;
	v12 =	vadd.f32 v17, v12;
	v17 =	vld [tilespmem:s16+$0x11CE0]  }
0x28d: {  	v10 =	vadd.f32 v2, v10;
	v11 =	vadd.f32 v5, v11;
	v18 =	vld [tilespmem:s16+$0x11CF0];
	s16 =	sshra.s32 s20, $0x2  }
0x28e: {  	v13 =	vadd.f32 v3, v13;
	v2 =	vld [tilespmem:s16+$0x11C80];
	v12 =	vadd.f32 v4, v12  }
0x28f: {  	v8 =	vadd.f32 v14, v8;
	v9 =	vadd.f32 v15, v9;
	v5 =	vld [tilespmem:s16+$0x11C90]  }
0x290: {  	v7 =	vadd.f32 v16, v7;
	v3 =	vld [tilespmem:s16+$0x11CA0];
	v6 =	vadd.f32 v19, v6  }
0x291: {  	v8 =	vadd.f32 v0, v8;
	v9 =	vadd.f32 v1, v9;
	v4 =	vld [tilespmem:s16+$0x11CB0]  }
0x292: {  	v7 =	vadd.f32 v17, v7;
	v0 =	vld [tilespmem:s16+$0x11CC0];
	v6 =	vadd.f32 v18, v6  }
0x293: {  	v1 =	vld [tilespmem:s16+$0x11CD0]  }
0x294: {  	v19 =	vld [tilespmem:s16+$0x11C00]  }
0x295: {  	v20 =	vld [tilespmem:s16+$0x11C10]  }
.Ltmp14:
0x296: {  	v18 =	vld [tilespmem:s16+$0x11C20];
	(pc) =	sbr.rel @p0 .LBB2_30-.Ltmp14, $4  }
0x297: {  	v17 =	vld [tilespmem:s16+$0x11C30]  }
0x298: {  	v14 =	vld [tilespmem:s16+$0x11C40]  }
0x299: {  	v15 =	vld [tilespmem:s16+$0x11C50]  }
0x29a: {  	s20 =	sadd.s32 $0x400, s20;
	v16 =	vld [tilespmem:s16+$0x11C60]  }
0x29b: {  	v10 =	vadd.f32 v19, v10  }
0x29c: {  	v11 =	vadd.f32 v20, v11  }
0x29d: {  	v19 =	vld [tilespmem:s16+$0x11C70];
	v13 =	vadd.f32 v18, v13;
	v2 =	vadd.f32 v2, v10  }
0x29e: {  	v18 =	vld [tilespmem:s16+$0x11CE0];
	v10 =	vadd.f32 v17, v12;
	v5 =	vadd.f32 v5, v11  }
0x29f: {  	v11 =	vld [tilespmem:s16+$0x11CF0];
	v3 =	vadd.f32 v3, v13;
	v8 =	vadd.f32 v14, v8;
	[tilespmem:$0x17E00] =	vst v2  }
0x2a0: {  	v2 =	vadd.f32 v4, v10;
	v4 =	vadd.f32 v15, v9;
	[tilespmem:$0x17E10] =	vst v5  }
0x2a1: {  	v5 =	vadd.f32 v16, v7;
	v0 =	vadd.f32 v0, v8;
	[tilespmem:$0x17E20] =	vst v3  }
0x2a2: {  	v3 =	vadd.f32 v19, v6;
	v1 =	vadd.f32 v1, v4;
	[tilespmem:$0x17E30] =	vst v2  }
0x2a3: {  	v2 =	vadd.f32 v18, v5;
	[tilespmem:$0x17E40] =	vst v0  }
0x2a4: {  	v0 =	vadd.f32 v11, v3;
	[tilespmem:$0x17E50] =	vst v1  }
0x2a5: {  	[tilespmem:$0x17E60] =	vst v2  }
0x2a6: {  	s16 =	simm.s32 $0x0;
	[tilespmem:$0x17E70] =	vst v0  }
0x2a7: {  	v2 =	vld [tilespmem:s16+$0x13380]  }
0x2a8: {  	v5 =	vld [tilespmem:s16+$0x13390]  }
0x2a9: {  	v3 =	vld [tilespmem:s16+$0x133A0]  }
0x2aa: {  	v4 =	vld [tilespmem:s16+$0x133B0]  }
0x2ab: {  	v0 =	vld [tilespmem:s16+$0x133C0]  }
0x2ac: {  	v1 =	vld [tilespmem:s16+$0x133D0]  }
0x2ad: {  	v19 =	vld [tilespmem:s16+$0x13300]  }
0x2ae: {  	v20 =	vld [tilespmem:s16+$0x13310]  }
0x2af: {  	v18 =	vld [tilespmem:s16+$0x13320]  }
0x2b0: {  	v17 =	vld [tilespmem:s16+$0x13330]  }
0x2b1: {  	v13 =	vimm.f32 $0.0e+00;
	v12 =	vimm.f32 $0.0e+00;
	v14 =	vld [tilespmem:s16+$0x13340]  }
0x2b2: {  	v10 =	vimm.f32 $0.0e+00;
	v8 =	vimm.f32 $0.0e+00;
	v9 =	vimm.f32 $0.0e+00;
	v15 =	vld [tilespmem:s16+$0x13350]  }
0x2b3: {  	s20 =	simm.s32 $0x400;
	v7 =	vimm.f32 $0.0e+00;
	v6 =	vimm.f32 $0.0e+00;
	v11 =	vimm.f32 $0.0e+00;
	v16 =	vld [tilespmem:s16+$0x13360]  }
.LBB2_32:
0x2b4: {  	p0 =	sne.s32 s20, $0x5800;
	v10 =	vadd.f32 v19, v10;
	v11 =	vadd.f32 v20, v11;
	v19 =	vld [tilespmem:s16+$0x13370]  }
0x2b5: {  	v13 =	vadd.f32 v18, v13;
	v12 =	vadd.f32 v17, v12;
	v17 =	vld [tilespmem:s16+$0x133E0]  }
0x2b6: {  	v10 =	vadd.f32 v2, v10;
	v11 =	vadd.f32 v5, v11;
	v18 =	vld [tilespmem:s16+$0x133F0];
	s16 =	sshra.s32 s20, $0x2  }
0x2b7: {  	v13 =	vadd.f32 v3, v13;
	v2 =	vld [tilespmem:s16+$0x13380];
	v12 =	vadd.f32 v4, v12  }
0x2b8: {  	v8 =	vadd.f32 v14, v8;
	v9 =	vadd.f32 v15, v9;
	v5 =	vld [tilespmem:s16+$0x13390]  }
0x2b9: {  	v7 =	vadd.f32 v16, v7;
	v3 =	vld [tilespmem:s16+$0x133A0];
	v6 =	vadd.f32 v19, v6  }
0x2ba: {  	v8 =	vadd.f32 v0, v8;
	v9 =	vadd.f32 v1, v9;
	v4 =	vld [tilespmem:s16+$0x133B0]  }
0x2bb: {  	v7 =	vadd.f32 v17, v7;
	v0 =	vld [tilespmem:s16+$0x133C0];
	v6 =	vadd.f32 v18, v6  }
0x2bc: {  	v1 =	vld [tilespmem:s16+$0x133D0]  }
0x2bd: {  	v19 =	vld [tilespmem:s16+$0x13300]  }
0x2be: {  	v20 =	vld [tilespmem:s16+$0x13310]  }
.Ltmp15:
0x2bf: {  	v18 =	vld [tilespmem:s16+$0x13320];
	(pc) =	sbr.rel @p0 .LBB2_32-.Ltmp15, $4  }
0x2c0: {  	v17 =	vld [tilespmem:s16+$0x13330]  }
0x2c1: {  	v14 =	vld [tilespmem:s16+$0x13340]  }
0x2c2: {  	v15 =	vld [tilespmem:s16+$0x13350]  }
0x2c3: {  	s20 =	sadd.s32 $0x400, s20;
	v16 =	vld [tilespmem:s16+$0x13360]  }
0x2c4: {  	v10 =	vadd.f32 v19, v10  }
0x2c5: {  	v11 =	vadd.f32 v20, v11  }
0x2c6: {  	v19 =	vld [tilespmem:s16+$0x13370];
	v13 =	vadd.f32 v18, v13;
	v2 =	vadd.f32 v2, v10  }
0x2c7: {  	v18 =	vld [tilespmem:s16+$0x133E0];
	v10 =	vadd.f32 v17, v12;
	v5 =	vadd.f32 v5, v11  }
0x2c8: {  	v11 =	vld [tilespmem:s16+$0x133F0];
	v3 =	vadd.f32 v3, v13;
	v8 =	vadd.f32 v14, v8;
	[tilespmem:$0x17E80] =	vst v2  }
0x2c9: {  	v2 =	vadd.f32 v4, v10;
	v4 =	vadd.f32 v15, v9;
	[tilespmem:$0x17E90] =	vst v5  }
0x2ca: {  	v5 =	vadd.f32 v16, v7;
	v0 =	vadd.f32 v0, v8;
	[tilespmem:$0x17EA0] =	vst v3  }
0x2cb: {  	v3 =	vadd.f32 v19, v6;
	v1 =	vadd.f32 v1, v4;
	[tilespmem:$0x17EB0] =	vst v2  }
0x2cc: {  	v2 =	vadd.f32 v18, v5;
	[tilespmem:$0x17EC0] =	vst v0  }
0x2cd: {  	v0 =	vadd.f32 v11, v3;
	[tilespmem:$0x17ED0] =	vst v1  }
0x2ce: {  	[tilespmem:$0x17EE0] =	vst v2  }
0x2cf: {  	s16 =	simm.s32 $0x0;
	[tilespmem:$0x17EF0] =	vst v0  }
0x2d0: {  	v2 =	vld [tilespmem:s16+$0x14A80]  }
0x2d1: {  	v5 =	vld [tilespmem:s16+$0x14A90]  }
0x2d2: {  	v3 =	vld [tilespmem:s16+$0x14AA0]  }
0x2d3: {  	v4 =	vld [tilespmem:s16+$0x14AB0]  }
0x2d4: {  	v0 =	vld [tilespmem:s16+$0x14AC0]  }
0x2d5: {  	v1 =	vld [tilespmem:s16+$0x14AD0]  }
0x2d6: {  	v19 =	vld [tilespmem:s16+$0x14A00]  }
0x2d7: {  	v20 =	vld [tilespmem:s16+$0x14A10]  }
0x2d8: {  	v18 =	vld [tilespmem:s16+$0x14A20]  }
0x2d9: {  	v17 =	vld [tilespmem:s16+$0x14A30]  }
0x2da: {  	v13 =	vimm.f32 $0.0e+00;
	v12 =	vimm.f32 $0.0e+00;
	v14 =	vld [tilespmem:s16+$0x14A40]  }
0x2db: {  	v10 =	vimm.f32 $0.0e+00;
	v8 =	vimm.f32 $0.0e+00;
	v9 =	vimm.f32 $0.0e+00;
	v15 =	vld [tilespmem:s16+$0x14A50]  }
0x2dc: {  	s20 =	simm.s32 $0x400;
	v7 =	vimm.f32 $0.0e+00;
	v6 =	vimm.f32 $0.0e+00;
	v11 =	vimm.f32 $0.0e+00;
	v16 =	vld [tilespmem:s16+$0x14A60]  }
.LBB2_34:
0x2dd: {  	p0 =	sne.s32 s20, $0x5800;
	v10 =	vadd.f32 v19, v10;
	v11 =	vadd.f32 v20, v11;
	v19 =	vld [tilespmem:s16+$0x14A70]  }
0x2de: {  	v13 =	vadd.f32 v18, v13;
	v12 =	vadd.f32 v17, v12;
	v17 =	vld [tilespmem:s16+$0x14AE0]  }
0x2df: {  	v10 =	vadd.f32 v2, v10;
	v11 =	vadd.f32 v5, v11;
	v18 =	vld [tilespmem:s16+$0x14AF0];
	s16 =	sshra.s32 s20, $0x2  }
0x2e0: {  	v13 =	vadd.f32 v3, v13;
	v2 =	vld [tilespmem:s16+$0x14A80];
	v12 =	vadd.f32 v4, v12  }
0x2e1: {  	v8 =	vadd.f32 v14, v8;
	v9 =	vadd.f32 v15, v9;
	v5 =	vld [tilespmem:s16+$0x14A90]  }
0x2e2: {  	v7 =	vadd.f32 v16, v7;
	v3 =	vld [tilespmem:s16+$0x14AA0];
	v6 =	vadd.f32 v19, v6  }
0x2e3: {  	v8 =	vadd.f32 v0, v8;
	v9 =	vadd.f32 v1, v9;
	v4 =	vld [tilespmem:s16+$0x14AB0]  }
0x2e4: {  	v7 =	vadd.f32 v17, v7;
	v0 =	vld [tilespmem:s16+$0x14AC0];
	v6 =	vadd.f32 v18, v6  }
0x2e5: {  	v1 =	vld [tilespmem:s16+$0x14AD0]  }
0x2e6: {  	v19 =	vld [tilespmem:s16+$0x14A00]  }
0x2e7: {  	v20 =	vld [tilespmem:s16+$0x14A10]  }
.Ltmp16:
0x2e8: {  	v18 =	vld [tilespmem:s16+$0x14A20];
	(pc) =	sbr.rel @p0 .LBB2_34-.Ltmp16, $4  }
0x2e9: {  	v17 =	vld [tilespmem:s16+$0x14A30]  }
0x2ea: {  	v14 =	vld [tilespmem:s16+$0x14A40]  }
0x2eb: {  	v15 =	vld [tilespmem:s16+$0x14A50]  }
0x2ec: {  	s20 =	sadd.s32 $0x400, s20;
	v16 =	vld [tilespmem:s16+$0x14A60]  }
0x2ed: {  	v10 =	vadd.f32 v19, v10  }
0x2ee: {  	v11 =	vadd.f32 v20, v11  }
0x2ef: {  	v19 =	vld [tilespmem:s16+$0x14A70];
	v13 =	vadd.f32 v18, v13;
	v2 =	vadd.f32 v2, v10  }
0x2f0: {  	v18 =	vld [tilespmem:s16+$0x14AE0];
	v10 =	vadd.f32 v17, v12;
	v5 =	vadd.f32 v5, v11  }
0x2f1: {  	v11 =	vld [tilespmem:s16+$0x14AF0];
	v3 =	vadd.f32 v3, v13;
	v8 =	vadd.f32 v14, v8;
	[tilespmem:$0x17F00] =	vst v2  }
0x2f2: {  	v2 =	vadd.f32 v4, v10;
	v4 =	vadd.f32 v15, v9;
	[tilespmem:$0x17F10] =	vst v5  }
0x2f3: {  	v5 =	vadd.f32 v16, v7;
	v0 =	vadd.f32 v0, v8;
	[tilespmem:$0x17F20] =	vst v3  }
0x2f4: {  	v3 =	vadd.f32 v19, v6;
	v1 =	vadd.f32 v1, v4;
	[tilespmem:$0x17F30] =	vst v2  }
0x2f5: {  	v2 =	vadd.f32 v18, v5;
	[tilespmem:$0x17F40] =	vst v0  }
0x2f6: {  	v0 =	vadd.f32 v11, v3;
	[tilespmem:$0x17F50] =	vst v1  }
0x2f7: {  	[tilespmem:$0x17F60] =	vst v2  }
0x2f8: {  	s16 =	simm.s32 $0x0;
	[tilespmem:$0x17F70] =	vst v0  }
0x2f9: {  	v2 =	vld [tilespmem:s16+$0x16180]  }
0x2fa: {  	v5 =	vld [tilespmem:s16+$0x16190]  }
0x2fb: {  	v3 =	vld [tilespmem:s16+$0x161A0]  }
0x2fc: {  	v4 =	vld [tilespmem:s16+$0x161B0]  }
0x2fd: {  	v0 =	vld [tilespmem:s16+$0x161C0]  }
0x2fe: {  	v1 =	vld [tilespmem:s16+$0x161D0]  }
0x2ff: {  	v19 =	vld [tilespmem:s16+$0x16100]  }
0x300: {  	v20 =	vld [tilespmem:s16+$0x16110]  }
0x301: {  	v18 =	vld [tilespmem:s16+$0x16120]  }
0x302: {  	v17 =	vld [tilespmem:s16+$0x16130]  }
0x303: {  	v13 =	vimm.f32 $0.0e+00;
	v12 =	vimm.f32 $0.0e+00;
	v14 =	vld [tilespmem:s16+$0x16140]  }
0x304: {  	v10 =	vimm.f32 $0.0e+00;
	v8 =	vimm.f32 $0.0e+00;
	v9 =	vimm.f32 $0.0e+00;
	v15 =	vld [tilespmem:s16+$0x16150]  }
0x305: {  	s20 =	simm.s32 $0x400;
	v7 =	vimm.f32 $0.0e+00;
	v6 =	vimm.f32 $0.0e+00;
	v11 =	vimm.f32 $0.0e+00;
	v16 =	vld [tilespmem:s16+$0x16160]  }
.LBB2_36:
0x306: {  	p0 =	sne.s32 s20, $0x5800;
	v10 =	vadd.f32 v19, v10;
	v11 =	vadd.f32 v20, v11;
	v19 =	vld [tilespmem:s16+$0x16170]  }
0x307: {  	v13 =	vadd.f32 v18, v13;
	v12 =	vadd.f32 v17, v12;
	v17 =	vld [tilespmem:s16+$0x161E0]  }
0x308: {  	v10 =	vadd.f32 v2, v10;
	v11 =	vadd.f32 v5, v11;
	v18 =	vld [tilespmem:s16+$0x161F0];
	s16 =	sshra.s32 s20, $0x2  }
0x309: {  	v13 =	vadd.f32 v3, v13;
	v2 =	vld [tilespmem:s16+$0x16180];
	v12 =	vadd.f32 v4, v12  }
0x30a: {  	v8 =	vadd.f32 v14, v8;
	v9 =	vadd.f32 v15, v9;
	v5 =	vld [tilespmem:s16+$0x16190]  }
0x30b: {  	v7 =	vadd.f32 v16, v7;
	v3 =	vld [tilespmem:s16+$0x161A0];
	v6 =	vadd.f32 v19, v6  }
0x30c: {  	v8 =	vadd.f32 v0, v8;
	v9 =	vadd.f32 v1, v9;
	v4 =	vld [tilespmem:s16+$0x161B0]  }
0x30d: {  	v7 =	vadd.f32 v17, v7;
	v0 =	vld [tilespmem:s16+$0x161C0];
	v6 =	vadd.f32 v18, v6  }
0x30e: {  	v1 =	vld [tilespmem:s16+$0x161D0]  }
0x30f: {  	v19 =	vld [tilespmem:s16+$0x16100]  }
0x310: {  	v20 =	vld [tilespmem:s16+$0x16110]  }
.Ltmp17:
0x311: {  	v18 =	vld [tilespmem:s16+$0x16120];
	(pc) =	sbr.rel @p0 .LBB2_36-.Ltmp17, $4  }
0x312: {  	v17 =	vld [tilespmem:s16+$0x16130]  }
0x313: {  	v14 =	vld [tilespmem:s16+$0x16140]  }
0x314: {  	v15 =	vld [tilespmem:s16+$0x16150]  }
0x315: {  	s20 =	sadd.s32 $0x400, s20;
	v16 =	vld [tilespmem:s16+$0x16160]  }
0x316: {  	v10 =	vadd.f32 v19, v10  }
0x317: {  	v11 =	vadd.f32 v20, v11  }
0x318: {  	v54 =	vld [tilespmem:s16+$0x16170];
	v13 =	vadd.f32 v18, v13;
	v2 =	vadd.f32 v2, v10  }
0x319: {  	v55 =	vld [tilespmem:s16+$0x161E0];
	v56 =	vadd.f32 v17, v12;
	v5 =	vadd.f32 v5, v11  }
0x31a: {  	v57 =	vld [tilespmem:s16+$0x161F0];
	v3 =	vadd.f32 v3, v13;
	v8 =	vadd.f32 v14, v8;
	[tilespmem:$0x17F80] =	vst v2  }
0x31b: {  	v58 =	vadd.f32 v4, v56;
	v59 =	vadd.f32 v15, v9;
	[tilespmem:$0x17F90] =	vst v5  }
0x31c: {  	v60 =	vadd.f32 v16, v7;
	v0 =	vadd.f32 v0, v8;
	[tilespmem:$0x17FA0] =	vst v3  }
0x31d: {  	v61 =	vadd.f32 v54, v6;
	v1 =	vadd.f32 v1, v59;
	[tilespmem:$0x17FB0] =	vst v58  }
0x31e: {  	p0 =	sne.s32 s21, $0x20;
	v62 =	vadd.f32 v55, v60;
	[tilespmem:$0x17FC0] =	vst v0  }
.Ltmp18:
0x31f: {  	v63 =	vadd.f32 v57, v61;
	[tilespmem:$0x17FD0] =	vst v1;
	(pc) =	sbr.rel @p0 .LBB2_2-.Ltmp18, $4  }
0x320: {  	s25 =	sshll.u32 s19, $0x4;
	[tilespmem:$0x17FE0] =	vst v62  }
0x321: {  	s16 =	sadd.s32 s6, s25;
	[tilespmem:$0x17FF0] =	vst v63  }
0x322: {  	[hbm4b:s16+s3] =	stream.linear.scatter [tilespmem:s7], [sflag:$0x6], $0x400, $0x38;
	[tilespmem:$0x18280] =	vst v63  }
0x323: {  	s16 =	smov.u32 s21  }
0x324: {  	_ =	swait.ge [sflag:s15], $0x400  }
0x325: {  	[sflag:s15] =	ssyncset.done $0x0  }
0x326: {  	s19 =	simm.s32 $0x6;
	[sflag:s15] =	ssyncadd.s32 $0xFFFFFC00  }
0x327: {  	_ =	swait.ge [sflag:s19], $0x400  }
0x328: {  	s20 =	rddreg [dreg:$0x8]  }
0x329: {  	s16 =	rddreg [dreg:$0x7];
	s20 =	sadd.s32 $0x1, s20  }
0x32a: {  	p0 =	sne.s32 s20, s16  }
.Ltmp19:
0x32b: {  	_ = 	snop;
	(pc) =	sbr.rel @p0 .LBB2_1-.Ltmp19, $3  }
0x32c: {  	_ =	sdelay $0x1  }
0x32d: {  	[sflag:s19] =	ssyncset.done $0x0  }
0x32e: {  	[sflag:s19] =	ssyncadd.s32 $0xFFFFFC00  }
0x32f: {  	_ =	sfence.sel $0x180000  }
0x330: {  	[bflag:$0x0] =	sbarrier.arrive $0xFFFF  }
0x331: {  	_ =	strace $0x90000047  }
0x332: {  	s0 =	stileid.u32;
	[bflag:$0x2] =	sbarrier.arrive $0xFFFF  }
0x333: {  	p0 =	sne.s32 s0, $0x0;
	s0 =	rddreg [dreg:$0x3]  }
0x334: {  	s0 =	sadd.s32 @!p0 $0x100000, s0  }
0x335: {  	[sflag:s0] =	ssyncadd.tile.s32 @!p0 $0x1;
	_ =	shalt  }
.Lfunc_end2:
_tile_overlayer_lowered:
.L_overlay_start_2:
0x336: {  	(tag) =	ssettag $0x2  }
0x337: {  	s0 =	rddreg [dreg:$0x0];
	s2 =	stileid.u32  }
0x338: {  	s1 =	rddreg [dreg:$0x1];
	p0 =	sne.s32 s2, $0x0  }
0x339: {  	s3 =	rddreg [dreg:$0x2];
	[bflag:$0x3] =	sbarrier.arrive $0xFFFF;
	s2 =	simm.s32 @!p0 $0x1C07  }
0x33a: {  	[timem:s3], [sflag:s2] =	dma.local @!p0 [hbm:s0], s1  }
0x33b: {  	s0 =	simm.s32 @!p0 $0x7  }
0x33c: {  	_ =	swait.ge @!p0 [sflag:s0], s1  }
0x33d: {  	s1 =	ssub.s32 @!p0 $0x0, s1;
	[sflag:s0] =	ssyncset.done @!p0 $0x0  }
0x33e: {  	[sflag:s0] =	ssyncadd.s32 @!p0 s1  }
0x33f: {  	[bflag:$0x3] =	sbarrier.arrive $0xFFFF  }
0x340: {  	_ =	shalt  }

</sc_bundles>
